<compile_context>
chip_gen: v7x
topology: tpu7x:2x2x1
jax: 0.10.2.dev20260603
libtpu: 0.0.44.dev20260713+nightly
codegen_flags: <defaults>
</compile_context>

<pallas_src>
import jax
import jax.numpy as jnp
from jax import lax
from jax.experimental import pallas as pl
from jax.experimental.pallas import tpu as pltpu
from jax.experimental.pallas import tpu_sc as plsc

N = 10000
E = 320000
G = 64
DE = 16
HID = 128

NC = 2
NS = 16
NW = NC * NS
EPW = E // NW
K = 40
NCHUNK = EPW // K
NBUF = 3
NGRP = (NCHUNK + NBUF - 1) // NBUF
AR = K
NAC = N // AR

f32 = jnp.float32


def _mp_body(h_hbm, e_hbm, src_hbm, dst_hbm, out0_hbm, out1_hbm,
             s0, s1, s2, d0, d1, d2, hb0, hb1, hb2, eb0, eb1, eb2,
             l0, l1, l2, g0, g1, g2, x0, x1, x2, acc_sh):
    srcs, dsts = (s0, s1, s2), (d0, d1, d2)
    hrows, erows = (hb0, hb1, hb2), (eb0, eb1, eb2)
    lsem, gsem, ssem = (l0, l1, l2), (g0, g1, g2), (x0, x1, x2)

    cid = lax.axis_index("c")
    sid = lax.axis_index("s")
    wid = sid * NC + cid
    base0 = wid * EPW

    def _zrow(r, carry):
        for j in range(8):
            hb0[r, pl.ds(j * 16, 16)] = jnp.zeros((16,), f32)
        return carry
    lax.fori_loop(0, AR, _zrow, 0)

    def _zacc(j, carry):
        idx = sid + NS * j
        @pl.when(idx < NAC)
        def _():
            pltpu.sync_copy(hb0, acc_sh.at[pl.ds(idx * AR, AR)])
        return carry
    lax.fori_loop(0, (NAC + NS - 1) // NS, _zacc, 0)
    plsc.subcore_barrier()

    def issue_loads(c, b):
        base = base0 + c * K
        pltpu.async_copy(src_hbm.at[pl.ds(base, K)], srcs[b], lsem[b])
        pltpu.async_copy(dst_hbm.at[pl.ds(base, K)], dsts[b], lsem[b])
        pltpu.async_copy(e_hbm.at[pl.ds(base, K)], erows[b], gsem[b])

    def wait_idx(b):
        pltpu.make_async_copy(src_hbm.at[pl.ds(0, K)], srcs[b], lsem[b]).wait()
        pltpu.make_async_copy(src_hbm.at[pl.ds(0, K)], dsts[b], lsem[b]).wait()

    def issue_gather(b):
        pltpu.async_copy(h_hbm.at[srcs[b]], hrows[b], gsem[b])

    def wait_gather_e(b):
        pltpu.make_async_copy(e_hbm.at[pl.ds(0, K)], erows[b], gsem[b]).wait()
        pltpu.make_async_copy(e_hbm.at[pl.ds(0, K)], hrows[b], gsem[b]).wait()

    def compute(b):
        er, hr = erows[b], hrows[b]
        def _row(r, rc):
            for j in range(8):
                s = pl.ds(j * 16, 16)
                er[r, s] = jnp.maximum(er[r, s] + hr[r, s], 0.0)
            return rc
        lax.fori_loop(0, K, _row, 0)

    def issue_scatter(b):
        pltpu.async_copy(erows[b], acc_sh.at[dsts[b]], ssem[b], add=True)

    def wait_scatter(b):
        pltpu.make_async_copy(erows[b], acc_sh.at[pl.ds(0, K)], ssem[b]).wait()

    issue_loads(0, 0)
    issue_loads(1, 1)
    wait_idx(0)
    issue_gather(0)

    def _grp(p, carry):
        c0 = NBUF * p
        for b in range(NBUF):
            c = c0 + b
            @pl.when(c < NCHUNK)
            def _(c=c, b=b):
                wait_gather_e(b)
                compute(b)
                issue_scatter(b)
                @pl.when(c + 1 < NCHUNK)
                def _(c=c, b=b):
                    wait_idx((b + 1) % NBUF)
                    issue_gather((b + 1) % NBUF)
                @pl.when(c + 2 < NCHUNK)
                def _(c=c, b=b):
                    @pl.when(c >= 1)
                    def _(b=b):
                        wait_scatter((b + 2) % NBUF)
                    issue_loads(c + 2, (b + 2) % NBUF)
        return carry
    lax.fori_loop(0, NGRP, _grp, 0)

    for b in range(NBUF):
        wait_scatter(b)

    plsc.subcore_barrier()

    def _wout(j, carry):
        idx = sid + NS * j
        @pl.when(idx < NAC)
        def _():
            sl = pl.ds(idx * AR, AR)
            @pl.when(cid == 0)
            def _():
                pltpu.sync_copy(acc_sh.at[sl], out0_hbm.at[sl])
            @pl.when(cid == 1)
            def _():
                pltpu.sync_copy(acc_sh.at[sl], out1_hbm.at[sl])
        return carry
    lax.fori_loop(0, (NAC + NS - 1) // NS, _wout, 0)


_mp_scratch = (
    [pltpu.VMEM((K,), jnp.int32)] * 6
    + [pltpu.VMEM((K, HID), f32)] * 6
    + [pltpu.SemaphoreType.DMA] * 9
    + [pltpu.VMEM_SHARED((N, HID), f32)]
)

_mp_call = pl.kernel(
    _mp_body,
    out_type=(jax.ShapeDtypeStruct((N, HID), f32),
              jax.ShapeDtypeStruct((N, HID), f32)),
    mesh=plsc.VectorSubcoreMesh(core_axis_name="c", subcore_axis_name="s"),
    scratch_types=_mp_scratch,
)



EB = 2000


def _edge_body(ea_ref, w_ref, b_ref, e0_ref, e1_ref, e2_ref):
    out = jnp.dot(ea_ref[...], w_ref[...], preferred_element_type=f32) + b_ref[...]
    e0_ref[...] = out[:, 0:HID]
    e1_ref[...] = out[:, HID:2 * HID]
    e2_ref[...] = out[:, 2 * HID:3 * HID]


_edge_call = pl.pallas_call(
    _edge_body,
    grid=(E // EB,),
    in_specs=[
        pl.BlockSpec((EB, DE), lambda i: (i, 0)),
        pl.BlockSpec((DE, 3 * HID), lambda i: (0, 0)),
        pl.BlockSpec((1, 3 * HID), lambda i: (0, 0)),
    ],
    out_specs=[pl.BlockSpec((EB, HID), lambda i: (i, 0))] * 3,
    out_shape=[jax.ShapeDtypeStruct((E, HID), f32)] * 3,
)

NB = 2000


def _mlp_body(h_ref, a0_ref, a1_ref, w1_ref, b1_ref, w2_ref, b2_ref,
              g_ref, bt_ref, rm_ref, rv_ref, o_ref):
    h2 = h_ref[...] + a0_ref[...] + a1_ref[...]
    a = jnp.maximum(jnp.dot(h2, w1_ref[...], preferred_element_type=f32) + b1_ref[...], 0.0)
    o = jnp.dot(a, w2_ref[...], preferred_element_type=f32) + b2_ref[...]
    sc = g_ref[...] * lax.rsqrt(rv_ref[...] + 1e-5)
    o_ref[...] = jnp.maximum((o - rm_ref[...]) * sc + bt_ref[...], 0.0)


_mlp_call = pl.pallas_call(
    _mlp_body,
    grid=(N // NB,),
    in_specs=[pl.BlockSpec((NB, HID), lambda i: (i, 0))] * 3
    + [
        pl.BlockSpec((HID, HID), lambda i: (0, 0)),
        pl.BlockSpec((1, HID), lambda i: (0, 0)),
        pl.BlockSpec((HID, HID), lambda i: (0, 0)),
        pl.BlockSpec((1, HID), lambda i: (0, 0)),
        pl.BlockSpec((1, HID), lambda i: (0, 0)),
        pl.BlockSpec((1, HID), lambda i: (0, 0)),
        pl.BlockSpec((1, HID), lambda i: (0, 0)),
        pl.BlockSpec((1, HID), lambda i: (0, 0)),
    ],
    out_specs=pl.BlockSpec((NB, HID), lambda i: (i, 0)),
    out_shape=jax.ShapeDtypeStruct((N, HID), f32),
)

PB = 2000


def _pool_body(h_ref, b_ref, gf_ref, wp1_ref, bp1_ref, wp2_ref, bp2_ref,
               wfa_ref, wfb_ref, bf_ref, wm_ref, bm_ref,
               mu_ref, z_ref, g_ref):
    i = pl.program_id(0)
    bat = b_ref[0]
    ids = lax.broadcasted_iota(jnp.int32, (G, PB), 0)
    mask = (bat == ids).astype(f32)
    part = jnp.dot(mask, h_ref[...], preferred_element_type=f32)

    @pl.when(i == 0)
    def _():
        g_ref[...] = part

    @pl.when(i > 0)
    def _():
        g_ref[...] = g_ref[...] + part

    @pl.when(i == pl.num_programs(0) - 1)
    def _():
        g = g_ref[...]
        p1 = jnp.maximum(jnp.dot(g, wp1_ref[...], preferred_element_type=f32) + bp1_ref[...], 0.0)
        z_ref[...] = jax.nn.sigmoid(jnp.dot(p1, wp2_ref[...], preferred_element_type=f32) + bp2_ref[...])
        gfin = jnp.maximum(
            jnp.dot(g, wfa_ref[...], preferred_element_type=f32)
            + jnp.dot(gf_ref[...], wfb_ref[...], preferred_element_type=f32)
            + bf_ref[...], 0.0)
        mu_ref[...] = jnp.sum(gfin * wm_ref[...], axis=1, keepdims=True) + bm_ref[...]


_pool_call = pl.pallas_call(
    _pool_body,
    grid=(N // PB,),
    in_specs=[
        pl.BlockSpec((PB, HID), lambda i: (i, 0)),
        pl.BlockSpec((1, 1, PB), lambda i: (i, 0, 0)),
        pl.BlockSpec((G, 2), lambda i: (0, 0)),
        pl.BlockSpec((HID, G), lambda i: (0, 0)),
        pl.BlockSpec((1, G), lambda i: (0, 0)),
        pl.BlockSpec((G, HID), lambda i: (0, 0)),
        pl.BlockSpec((1, HID), lambda i: (0, 0)),
        pl.BlockSpec((HID, HID), lambda i: (0, 0)),
        pl.BlockSpec((2, HID), lambda i: (0, 0)),
        pl.BlockSpec((1, HID), lambda i: (0, 0)),
        pl.BlockSpec((1, HID), lambda i: (0, 0)),
        pl.BlockSpec((1, 1), lambda i: (0, 0)),
    ],
    out_specs=[
        pl.BlockSpec((G, 1), lambda i: (0, 0)),
        pl.BlockSpec((G, HID), lambda i: (0, 0)),
        pl.BlockSpec((G, HID), lambda i: (0, 0)),
    ],
    out_shape=[
        jax.ShapeDtypeStruct((G, 1), f32),
        jax.ShapeDtypeStruct((G, HID), f32),
        jax.ShapeDtypeStruct((G, HID), f32),
    ],
)


def kernel(x, edge_index, edge_attr, batch, global_feat, params):
    src = edge_index[0]
    dst_r = edge_index[1]
    lps = params["layers"]

    wcat = jnp.concatenate([lp["eW"].T for lp in lps], axis=1)
    bcat = jnp.concatenate([lp["eb"] for lp in lps]).reshape(1, 3 * HID)
    es = _edge_call(edge_attr, wcat, bcat)

    h = x
    for l, lp in enumerate(lps):
        a0, a1 = _mp_call(h, es[l], src, dst_r)
        h = _mlp_call(
            h, a0, a1,
            lp["W1"].T, lp["b1"].reshape(1, HID),
            lp["W2"].T, lp["b2"].reshape(1, HID),
            lp["g"].reshape(1, HID), lp["bt"].reshape(1, HID),
            lp["rm"].reshape(1, HID), lp["rv"].reshape(1, HID),
        )

    batr = batch.reshape(N // PB, 1, PB)
    mu, z, g = _pool_call(
        h, batr, global_feat,
        params["Wp1"].T, params["bp1"].reshape(1, G),
        params["Wp2"].T, params["bp2"].reshape(1, HID),
        params["Wf"][:, :HID].T, params["Wf"][:, HID:].T,
        params["bf"].reshape(1, HID),
        params["Wm"].reshape(1, HID), params["bm"].reshape(1, 1),
    )
    return (mu.reshape(-1), z, g)

# --- scband reference (transcript-rebuilt; emitter-appended) ---
"""Pipeline reference for scband-gnnregressor-70454643523882 (READ-ONLY COPY).

The authoritative reference and input builder live on the scoring server;
editing this copy changes nothing except your own understanding.
"""

import jax, jax.numpy as jnp
import numpy as np

N = 10000
E = 320000
G = 64
DF = 128
DE = 16
HID = 128
NL = 3

def _lin(x, W, b):
    return x @ W.T + b

def setup_inputs(seed: int = 0) -> dict:
    key = jax.random.key(seed)
    c = [0]
    def nxt():
        c[0] += 1
        return jax.random.fold_in(key, c[0])
    def nrm(shape, s=0.05):
        return jax.random.normal(nxt(), shape, dtype=jnp.float32) * s

    x = jax.random.normal(nxt(), (N, DF), dtype=jnp.float32)
    edge_index = jax.random.randint(nxt(), (2, E), 0, N, dtype=jnp.int32)
    edge_attr = jax.random.normal(nxt(), (E, DE), dtype=jnp.float32)
    batch = jnp.sort(jax.random.randint(nxt(), (N,), 0, G, dtype=jnp.int32))
    global_feat = jax.random.normal(nxt(), (G, 2), dtype=jnp.float32)

    layers = []
    for i in range(NL):
        in_dim = DF if i == 0 else HID
        layers.append({
            "eW": nrm((in_dim, DE)), "eb": jnp.zeros((in_dim,), jnp.float32),
            "W1": nrm((HID, in_dim)), "b1": jnp.zeros((HID,), jnp.float32),
            "W2": nrm((HID, HID)), "b2": jnp.zeros((HID,), jnp.float32),
            "g": jnp.ones((HID,), jnp.float32), "bt": jnp.zeros((HID,), jnp.float32),
            "rm": jnp.zeros((HID,), jnp.float32), "rv": jnp.ones((HID,), jnp.float32),
        })
    params = {
        "layers": layers,
        "Wp1": nrm((HID // 2, HID)), "bp1": jnp.zeros((HID // 2,), jnp.float32),
        "Wp2": nrm((128, HID // 2)), "bp2": jnp.zeros((128,), jnp.float32),
        "Wf": nrm((HID, HID + 2)), "bf": jnp.zeros((HID,), jnp.float32),
        "Wm": nrm((1, HID)), "bm": jnp.zeros((1,), jnp.float32),
    }
    return {"x": x, "edge_index": edge_index, "edge_attr": edge_attr,
            "batch": batch, "global_feat": global_feat, "params": params}

def reference(x, edge_index, edge_attr, batch, global_feat, params):
    # GINEConv (eps=0): out = nn((1+eps)*x + sum_{j->i} ReLU(x_j + lin_edge(e_ji)))
    h = x
    src = edge_index[0]
    dst = edge_index[1]
    for lp in params["layers"]:
        e = _lin(edge_attr, lp["eW"], lp["eb"])
        m = jax.nn.relu(h[src] + e)
        agg = jax.ops.segment_sum(m, dst, num_segments=h.shape[0])
        h2 = h + agg
        h2 = _lin(jax.nn.relu(_lin(h2, lp["W1"], lp["b1"])), lp["W2"], lp["b2"])
        # BatchNorm1d in eval mode (running stats)
        h2 = (h2 - lp["rm"]) / jnp.sqrt(lp["rv"] + 1e-5) * lp["g"] + lp["bt"]
        h = jax.nn.relu(h2)  # dropout is identity in eval
    g = jax.ops.segment_sum(h, batch, num_segments=G)  # global_add_pool
    z = jax.nn.sigmoid(_lin(jax.nn.relu(_lin(g, params["Wp1"], params["bp1"])), params["Wp2"], params["bp2"]))
    g_concat = jnp.concatenate([g, global_feat.reshape(g.shape[0], -1)], axis=1)
    g_final = jax.nn.relu(_lin(g_concat, params["Wf"], params["bf"]))
    mu = _lin(g_final, params["Wm"], params["bm"]).reshape(-1)
    return (mu, z, g)

if __name__ == "__main__":
    import jax
    _d = setup_inputs()
    print(jax.jit(kernel)(*tuple(_d.values())))

</pallas_src>

<mosaic_0001>
#map = affine_map<(d0, d1) -> (0, 0)>
#map1 = affine_map<(d0, d1) -> (0)>
module attributes {stable_mosaic.version = 14 : i64} {
  func.func @_mp_body(%arg0: i32, %arg1: i32, %arg2: memref<10000x128xf32, #tpu.memory_space<hbm>>, %arg3: memref<320000x128xf32, #tpu.memory_space<hbm>>, %arg4: memref<320000xi32, #tpu.memory_space<hbm>>, %arg5: memref<320000xi32, #tpu.memory_space<hbm>>, %arg6: memref<10000x128xf32, #tpu.memory_space<hbm>>, %arg7: memref<10000x128xf32, #tpu.memory_space<hbm>>, %arg8: memref<40xi32, #tpu.memory_space<vmem>>, %arg9: memref<40xi32, #tpu.memory_space<vmem>>, %arg10: memref<40xi32, #tpu.memory_space<vmem>>, %arg11: memref<40xi32, #tpu.memory_space<vmem>>, %arg12: memref<40xi32, #tpu.memory_space<vmem>>, %arg13: memref<40xi32, #tpu.memory_space<vmem>>, %arg14: memref<40x128xf32, #tpu.memory_space<vmem>>, %arg15: memref<40x128xf32, #tpu.memory_space<vmem>>, %arg16: memref<40x128xf32, #tpu.memory_space<vmem>>, %arg17: memref<40x128xf32, #tpu.memory_space<vmem>>, %arg18: memref<40x128xf32, #tpu.memory_space<vmem>>, %arg19: memref<40x128xf32, #tpu.memory_space<vmem>>, %arg20: memref<!tpu.dma_semaphore, #tpu.memory_space<semaphore_mem>>, %arg21: memref<!tpu.dma_semaphore, #tpu.memory_space<semaphore_mem>>, %arg22: memref<!tpu.dma_semaphore, #tpu.memory_space<semaphore_mem>>, %arg23: memref<!tpu.dma_semaphore, #tpu.memory_space<semaphore_mem>>, %arg24: memref<!tpu.dma_semaphore, #tpu.memory_space<semaphore_mem>>, %arg25: memref<!tpu.dma_semaphore, #tpu.memory_space<semaphore_mem>>, %arg26: memref<!tpu.dma_semaphore, #tpu.memory_space<semaphore_mem>>, %arg27: memref<!tpu.dma_semaphore, #tpu.memory_space<semaphore_mem>>, %arg28: memref<!tpu.dma_semaphore, #tpu.memory_space<semaphore_mem>>, %arg29: memref<10000x128xf32, #tpu.memory_space<vmem_shared>>) attributes {dimension_semantics = [#tpu.dimension_semantics<core_parallel>, #tpu.dimension_semantics<subcore_parallel>], iteration_bounds = array<i64: 2, 16>, scalar_prefetch = 0 : i64, scratch_operands = 22 : i64, tpu.core_type = #tpu.core_type<sc_vector_subcore>, window_params = [{transform_indices = #map}, {transform_indices = #map}, {transform_indices = #map1}, {transform_indices = #map1}, {transform_indices = #map}, {transform_indices = #map}]} {
    %mul3A = arith.constant 2 : i32
    %mul3A_0 = arith.muli %arg1, %mul3A : i32
    %add3A = arith.addi %mul3A_0, %arg0 : i32
    %mul3A_1 = arith.constant 10000 : i32
    %mul3A_2 = arith.muli %add3A, %mul3A_1 : i32
    %scan3A = arith.constant 0 : i32
    %scan3A_3 = arith.constant 0 : i32
    %scan3A_4 = arith.constant 40 : i32
    %scan3A_5 = arith.addi %scan3A_3, %scan3A_4 : i32
    %scan3A_6 = arith.constant 1 : i32
    scf.for %scan3A_74 = %scan3A_3 to %scan3A_5 step %scan3A_6  : i32 {
      %broadcast_in_dim3A = arith.constant 0.000000e+00 : f32
      %broadcast_in_dim3A_75 = vector.broadcast %broadcast_in_dim3A : f32 to vector<16xf32>
      %swap3A = arith.index_cast %scan3A_74 : i32 to index
      %swap3A_76 = arith.constant 0 : index
      %swap3A_77 = tpu.vector_load %arg14[%swap3A, %swap3A_76] {strides = array<i32>} : memref<40x128xf32, #tpu.memory_space<vmem>>, vector<1x16xf32>,
      %swap3A_78 = vector.shape_cast %swap3A_77 : vector<1x16xf32> to vector<16xf32>
      %swap3A_79 = vector.shape_cast %broadcast_in_dim3A_75 : vector<16xf32> to vector<1x16xf32>
      tpu.vector_store %arg14[%swap3A, %swap3A_76], %swap3A_79 {strides = array<i32>} : memref<40x128xf32, #tpu.memory_space<vmem>>, vector<1x16xf32>,
      %broadcast_in_dim3A_80 = arith.constant 0.000000e+00 : f32
      %broadcast_in_dim3A_81 = vector.broadcast %broadcast_in_dim3A_80 : f32 to vector<16xf32>
      %swap3A_82 = arith.index_cast %scan3A_74 : i32 to index
      %swap3A_83 = arith.constant 16 : index
      %swap3A_84 = tpu.vector_load %arg14[%swap3A_82, %swap3A_83] {strides = array<i32>} : memref<40x128xf32, #tpu.memory_space<vmem>>, vector<1x16xf32>,
      %swap3A_85 = vector.shape_cast %swap3A_84 : vector<1x16xf32> to vector<16xf32>
      %swap3A_86 = vector.shape_cast %broadcast_in_dim3A_81 : vector<16xf32> to vector<1x16xf32>
      tpu.vector_store %arg14[%swap3A_82, %swap3A_83], %swap3A_86 {strides = array<i32>} : memref<40x128xf32, #tpu.memory_space<vmem>>, vector<1x16xf32>,
      %broadcast_in_dim3A_87 = arith.constant 0.000000e+00 : f32
      %broadcast_in_dim3A_88 = vector.broadcast %broadcast_in_dim3A_87 : f32 to vector<16xf32>
      %swap3A_89 = arith.index_cast %scan3A_74 : i32 to index
      %swap3A_90 = arith.constant 32 : index
      %swap3A_91 = tpu.vector_load %arg14[%swap3A_89, %swap3A_90] {strides = array<i32>} : memref<40x128xf32, #tpu.memory_space<vmem>>, vector<1x16xf32>,
      %swap3A_92 = vector.shape_cast %swap3A_91 : vector<1x16xf32> to vector<16xf32>
      %swap3A_93 = vector.shape_cast %broadcast_in_dim3A_88 : vector<16xf32> to vector<1x16xf32>
      tpu.vector_store %arg14[%swap3A_89, %swap3A_90], %swap3A_93 {strides = array<i32>} : memref<40x128xf32, #tpu.memory_space<vmem>>, vector<1x16xf32>,
      %broadcast_in_dim3A_94 = arith.constant 0.000000e+00 : f32
      %broadcast_in_dim3A_95 = vector.broadcast %broadcast_in_dim3A_94 : f32 to vector<16xf32>
      %swap3A_96 = arith.index_cast %scan3A_74 : i32 to index
      %swap3A_97 = arith.constant 48 : index
      %swap3A_98 = tpu.vector_load %arg14[%swap3A_96, %swap3A_97] {strides = array<i32>} : memref<40x128xf32, #tpu.memory_space<vmem>>, vector<1x16xf32>,
      %swap3A_99 = vector.shape_cast %swap3A_98 : vector<1x16xf32> to vector<16xf32>
      %swap3A_100 = vector.shape_cast %broadcast_in_dim3A_95 : vector<16xf32> to vector<1x16xf32>
      tpu.vector_store %arg14[%swap3A_96, %swap3A_97], %swap3A_100 {strides = array<i32>} : memref<40x128xf32, #tpu.memory_space<vmem>>, vector<1x16xf32>,
      %broadcast_in_dim3A_101 = arith.constant 0.000000e+00 : f32
      %broadcast_in_dim3A_102 = vector.broadcast %broadcast_in_dim3A_101 : f32 to vector<16xf32>
      %swap3A_103 = arith.index_cast %scan3A_74 : i32 to index
      %swap3A_104 = arith.constant 64 : index
      %swap3A_105 = tpu.vector_load %arg14[%swap3A_103, %swap3A_104] {strides = array<i32>} : memref<40x128xf32, #tpu.memory_space<vmem>>, vector<1x16xf32>,
      %swap3A_106 = vector.shape_cast %swap3A_105 : vector<1x16xf32> to vector<16xf32>
      %swap3A_107 = vector.shape_cast %broadcast_in_dim3A_102 : vector<16xf32> to vector<1x16xf32>
      tpu.vector_store %arg14[%swap3A_103, %swap3A_104], %swap3A_107 {strides = array<i32>} : memref<40x128xf32, #tpu.memory_space<vmem>>, vector<1x16xf32>,
      %broadcast_in_dim3A_108 = arith.constant 0.000000e+00 : f32
      %broadcast_in_dim3A_109 = vector.broadcast %broadcast_in_dim3A_108 : f32 to vector<16xf32>
      %swap3A_110 = arith.index_cast %scan3A_74 : i32 to index
      %swap3A_111 = arith.constant 80 : index
      %swap3A_112 = tpu.vector_load %arg14[%swap3A_110, %swap3A_111] {strides = array<i32>} : memref<40x128xf32, #tpu.memory_space<vmem>>, vector<1x16xf32>,
      %swap3A_113 = vector.shape_cast %swap3A_112 : vector<1x16xf32> to vector<16xf32>
      %swap3A_114 = vector.shape_cast %broadcast_in_dim3A_109 : vector<16xf32> to vector<1x16xf32>
      tpu.vector_store %arg14[%swap3A_110, %swap3A_111], %swap3A_114 {strides = array<i32>} : memref<40x128xf32, #tpu.memory_space<vmem>>, vector<1x16xf32>,
      %broadcast_in_dim3A_115 = arith.constant 0.000000e+00 : f32
      %broadcast_in_dim3A_116 = vector.broadcast %broadcast_in_dim3A_115 : f32 to vector<16xf32>
      %swap3A_117 = arith.index_cast %scan3A_74 : i32 to index
      %swap3A_118 = arith.constant 96 : index
      %swap3A_119 = tpu.vector_load %arg14[%swap3A_117, %swap3A_118] {strides = array<i32>} : memref<40x128xf32, #tpu.memory_space<vmem>>, vector<1x16xf32>,
      %swap3A_120 = vector.shape_cast %swap3A_119 : vector<1x16xf32> to vector<16xf32>
      %swap3A_121 = vector.shape_cast %broadcast_in_dim3A_116 : vector<16xf32> to vector<1x16xf32>
      tpu.vector_store %arg14[%swap3A_117, %swap3A_118], %swap3A_121 {strides = array<i32>} : memref<40x128xf32, #tpu.memory_space<vmem>>, vector<1x16xf32>,
      %broadcast_in_dim3A_122 = arith.constant 0.000000e+00 : f32
      %broadcast_in_dim3A_123 = vector.broadcast %broadcast_in_dim3A_122 : f32 to vector<16xf32>
      %swap3A_124 = arith.index_cast %scan3A_74 : i32 to index
      %swap3A_125 = arith.constant 112 : index
      %swap3A_126 = tpu.vector_load %arg14[%swap3A_124, %swap3A_125] {strides = array<i32>} : memref<40x128xf32, #tpu.memory_space<vmem>>, vector<1x16xf32>,
      %swap3A_127 = vector.shape_cast %swap3A_126 : vector<1x16xf32> to vector<16xf32>
      %swap3A_128 = vector.shape_cast %broadcast_in_dim3A_123 : vector<16xf32> to vector<1x16xf32>
      tpu.vector_store %arg14[%swap3A_124, %swap3A_125], %swap3A_128 {strides = array<i32>} : memref<40x128xf32, #tpu.memory_space<vmem>>, vector<1x16xf32>,
    }
    %scan3A_7 = arith.constant 40 : i32
    %scan3A_8 = arith.constant 0 : i32
    %scan3A_9 = arith.constant 0 : i32
    %scan3A_10 = arith.constant 16 : i32
    %scan3A_11 = arith.addi %scan3A_9, %scan3A_10 : i32
    %scan3A_12 = arith.constant 1 : i32
    scf.for %scan3A_74 = %scan3A_9 to %scan3A_11 step %scan3A_12  : i32 {
      %mul3A_75 = arith.constant 16 : i32
      %mul3A_76 = arith.muli %mul3A_75, %scan3A_74 : i32
      %add3A_77 = arith.addi %arg1, %mul3A_76 : i32
      %lt3A = arith.constant 250 : i32
      %lt3A_78 = arith.cmpi slt, %add3A_77, %lt3A : i32
      %convert_element_type3A = arith.extui %lt3A_78 : i1 to i32
      %cond3A = arith.constant 0 : i32
      %cond3A_79 = arith.cmpi ne, %convert_element_type3A, %cond3A : i32
      scf.if %cond3A_79 {
        %mul3A_80 = arith.constant 40 : i32
        %mul3A_81 = arith.muli %add3A_77, %mul3A_80 : i32
        "tpu.region"() ({
          %run_scoped3A = tpu.sem_alloc : memref<!tpu.dma_semaphore, #tpu.memory_space<semaphore_mem>>
          %dma_start3A_82 = arith.constant 0 : i32
          %dma_start3A_83 = tpu.memref_slice %arg29[%mul3A_81, %dma_start3A_82] : memref<10000x128xf32, #tpu.memory_space<vmem_shared>> -> memref<40x128xf32, #tpu.memory_space<vmem_shared>>
          %dma_start3A_84 = arith.constant 0 : i32
          %dma_start3A_85 = tpu.memref_slice %arg29[%mul3A_81, %dma_start3A_84] : memref<10000x128xf32, #tpu.memory_space<vmem_shared>> -> memref<40x128xf32, #tpu.memory_space<vmem_shared>>
          tpu.enqueue_dma source(%arg14 : memref<40x128xf32, #tpu.memory_space<vmem>>) target(%dma_start3A_85 : memref<40x128xf32, #tpu.memory_space<vmem_shared>>) target_semaphore(%run_scoped3A : memref<!tpu.dma_semaphore, #tpu.memory_space<semaphore_mem>>)
          %dma_wait3A_86 = arith.constant 0 : i32
          %dma_wait3A_87 = tpu.memref_slice %arg29[%mul3A_81, %dma_wait3A_86] : memref<10000x128xf32, #tpu.memory_space<vmem_shared>> -> memref<40x128xf32, #tpu.memory_space<vmem_shared>>
          %dma_wait3A_88 = arith.constant 0 : i32
          %dma_wait3A_89 = tpu.memref_slice %arg29[%mul3A_81, %dma_wait3A_88] : memref<10000x128xf32, #tpu.memory_space<vmem_shared>> -> memref<40x128xf32, #tpu.memory_space<vmem_shared>>
          tpu.wait_dma2 semaphore(%run_scoped3A : memref<!tpu.dma_semaphore, #tpu.memory_space<semaphore_mem>>) src(%arg14 : memref<40x128xf32, #tpu.memory_space<vmem>>) dst(%dma_wait3A_89 : memref<40x128xf32, #tpu.memory_space<vmem_shared>>)
          tpu.yield
        }) : () -> ()
      } else {
      }
    }
    %scan3A_13 = arith.constant 16 : i32
    %barrier3A = arith.constant 0 : index
    tpu.barrier barrier_id(%barrier3A)
    %add3A_14 = arith.constant 0 : i32
    %add3A_15 = arith.addi %mul3A_2, %add3A_14 : i32
    %dma_start3A = tpu.memref_slice %arg4[%add3A_15] : memref<320000xi32, #tpu.memory_space<hbm>> -> memref<40xi32, #tpu.memory_space<hbm>>
    %dma_start3A_16 = tpu.memref_slice %arg4[%add3A_15] : memref<320000xi32, #tpu.memory_space<hbm>> -> memref<40xi32, #tpu.memory_space<hbm>>
    tpu.enqueue_dma source(%dma_start3A_16 : memref<40xi32, #tpu.memory_space<hbm>>) target(%arg8 : memref<40xi32, #tpu.memory_space<vmem>>) target_semaphore(%arg20 : memref<!tpu.dma_semaphore, #tpu.memory_space<semaphore_mem>>)
    %dma_start3A_17 = tpu.memref_slice %arg5[%add3A_15] : memref<320000xi32, #tpu.memory_space<hbm>> -> memref<40xi32, #tpu.memory_space<hbm>>
    %dma_start3A_18 = tpu.memref_slice %arg5[%add3A_15] : memref<320000xi32, #tpu.memory_space<hbm>> -> memref<40xi32, #tpu.memory_space<hbm>>
    tpu.enqueue_dma source(%dma_start3A_18 : memref<40xi32, #tpu.memory_space<hbm>>) target(%arg11 : memref<40xi32, #tpu.memory_space<vmem>>) target_semaphore(%arg20 : memref<!tpu.dma_semaphore, #tpu.memory_space<semaphore_mem>>)
    %dma_start3A_19 = arith.constant 0 : i32
    %dma_start3A_20 = tpu.memref_slice %arg3[%add3A_15, %dma_start3A_19] : memref<320000x128xf32, #tpu.memory_space<hbm>> -> memref<40x128xf32, #tpu.memory_space<hbm>>
    %dma_start3A_21 = arith.constant 0 : i32
    %dma_start3A_22 = tpu.memref_slice %arg3[%add3A_15, %dma_start3A_21] : memref<320000x128xf32, #tpu.memory_space<hbm>> -> memref<40x128xf32, #tpu.memory_space<hbm>>
    tpu.enqueue_dma source(%dma_start3A_22 : memref<40x128xf32, #tpu.memory_space<hbm>>) target(%arg17 : memref<40x128xf32, #tpu.memory_space<vmem>>) target_semaphore(%arg23 : memref<!tpu.dma_semaphore, #tpu.memory_space<semaphore_mem>>)
    %add3A_23 = arith.constant 40 : i32
    %add3A_24 = arith.addi %mul3A_2, %add3A_23 : i32
    %dma_start3A_25 = tpu.memref_slice %arg4[%add3A_24] : memref<320000xi32, #tpu.memory_space<hbm>> -> memref<40xi32, #tpu.memory_space<hbm>>
    %dma_start3A_26 = tpu.memref_slice %arg4[%add3A_24] : memref<320000xi32, #tpu.memory_space<hbm>> -> memref<40xi32, #tpu.memory_space<hbm>>
    tpu.enqueue_dma source(%dma_start3A_26 : memref<40xi32, #tpu.memory_space<hbm>>) target(%arg9 : memref<40xi32, #tpu.memory_space<vmem>>) target_semaphore(%arg21 : memref<!tpu.dma_semaphore, #tpu.memory_space<semaphore_mem>>)
    %dma_start3A_27 = tpu.memref_slice %arg5[%add3A_24] : memref<320000xi32, #tpu.memory_space<hbm>> -> memref<40xi32, #tpu.memory_space<hbm>>
    %dma_start3A_28 = tpu.memref_slice %arg5[%add3A_24] : memref<320000xi32, #tpu.memory_space<hbm>> -> memref<40xi32, #tpu.memory_space<hbm>>
    tpu.enqueue_dma source(%dma_start3A_28 : memref<40xi32, #tpu.memory_space<hbm>>) target(%arg12 : memref<40xi32, #tpu.memory_space<vmem>>) target_semaphore(%arg21 : memref<!tpu.dma_semaphore, #tpu.memory_space<semaphore_mem>>)
    %dma_start3A_29 = arith.constant 0 : i32
    %dma_start3A_30 = tpu.memref_slice %arg3[%add3A_24, %dma_start3A_29] : memref<320000x128xf32, #tpu.memory_space<hbm>> -> memref<40x128xf32, #tpu.memory_space<hbm>>
    %dma_start3A_31 = arith.constant 0 : i32
    %dma_start3A_32 = tpu.memref_slice %arg3[%add3A_24, %dma_start3A_31] : memref<320000x128xf32, #tpu.memory_space<hbm>> -> memref<40x128xf32, #tpu.memory_space<hbm>>
    tpu.enqueue_dma source(%dma_start3A_32 : memref<40x128xf32, #tpu.memory_space<hbm>>) target(%arg18 : memref<40x128xf32, #tpu.memory_space<vmem>>) target_semaphore(%arg24 : memref<!tpu.dma_semaphore, #tpu.memory_space<semaphore_mem>>)
    %dma_wait3A = arith.constant 0 : i32
    %dma_wait3A_33 = tpu.memref_slice %arg4[%dma_wait3A] : memref<320000xi32, #tpu.memory_space<hbm>> -> memref<40xi32, #tpu.memory_space<hbm>>
    %dma_wait3A_34 = arith.constant 0 : i32
    %dma_wait3A_35 = tpu.memref_slice %arg4[%dma_wait3A_34] : memref<320000xi32, #tpu.memory_space<hbm>> -> memref<40xi32, #tpu.memory_space<hbm>>
    tpu.wait_dma2 semaphore(%arg20 : memref<!tpu.dma_semaphore, #tpu.memory_space<semaphore_mem>>) src(%dma_wait3A_35 : memref<40xi32, #tpu.memory_space<hbm>>) dst(%arg8 : memref<40xi32, #tpu.memory_space<vmem>>)
    %dma_wait3A_36 = arith.constant 0 : i32
    %dma_wait3A_37 = tpu.memref_slice %arg4[%dma_wait3A_36] : memref<320000xi32, #tpu.memory_space<hbm>> -> memref<40xi32, #tpu.memory_space<hbm>>
    %dma_wait3A_38 = arith.constant 0 : i32
    %dma_wait3A_39 = tpu.memref_slice %arg4[%dma_wait3A_38] : memref<320000xi32, #tpu.memory_space<hbm>> -> memref<40xi32, #tpu.memory_space<hbm>>
    tpu.wait_dma2 semaphore(%arg20 : memref<!tpu.dma_semaphore, #tpu.memory_space<semaphore_mem>>) src(%dma_wait3A_39 : memref<40xi32, #tpu.memory_space<hbm>>) dst(%arg11 : memref<40xi32, #tpu.memory_space<vmem>>)
    %dma_start3A_40 = arith.constant 0 : i32
    %dma_start3A_41 = arith.constant 0 : i32
    %dma_start3A_42 = tpu.memref_slice %arg2[%dma_start3A_40, %dma_start3A_41] : memref<10000x128xf32, #tpu.memory_space<hbm>> -> memref<10000x128xf32, #tpu.memory_space<hbm>>
    tpu.enqueue_indirect_dma source(%dma_start3A_42 : memref<10000x128xf32, #tpu.memory_space<hbm>>) target(%arg14 : memref<40x128xf32, #tpu.memory_space<vmem>>) offsets(%arg8 : memref<40xi32, #tpu.memory_space<vmem>>) semaphore(%arg23 : memref<!tpu.dma_semaphore, #tpu.memory_space<semaphore_mem>>)
    %scan3A_43 = arith.constant 0 : i32
    %scan3A_44 = arith.constant 0 : i32
    %scan3A_45 = arith.constant 84 : i32
    %scan3A_46 = arith.addi %scan3A_44, %scan3A_45 : i32
    %scan3A_47 = arith.constant 1 : i32
    scf.for %scan3A_74 = %scan3A_44 to %scan3A_46 step %scan3A_47  : i32 {
      %mul3A_75 = arith.constant 3 : i32
      %mul3A_76 = arith.muli %mul3A_75, %scan3A_74 : i32
      %add3A_77 = arith.constant 0 : i32
      %add3A_78 = arith.addi %mul3A_76, %add3A_77 : i32
      %lt3A = arith.constant 250 : i32
      %lt3A_79 = arith.cmpi slt, %add3A_78, %lt3A : i32
      %convert_element_type3A = arith.extui %lt3A_79 : i1 to i32
      %cond3A = arith.constant 0 : i32
      %cond3A_80 = arith.cmpi ne, %convert_element_type3A, %cond3A : i32
      scf.if %cond3A_80 {
        %dma_wait3A_95 = arith.constant 0 : i32
        %dma_wait3A_96 = arith.constant 0 : i32
        %dma_wait3A_97 = tpu.memref_slice %arg3[%dma_wait3A_95, %dma_wait3A_96] : memref<320000x128xf32, #tpu.memory_space<hbm>> -> memref<40x128xf32, #tpu.memory_space<hbm>>
        %dma_wait3A_98 = arith.constant 0 : i32
        %dma_wait3A_99 = arith.constant 0 : i32
        %dma_wait3A_100 = tpu.memref_slice %arg3[%dma_wait3A_98, %dma_wait3A_99] : memref<320000x128xf32, #tpu.memory_space<hbm>> -> memref<40x128xf32, #tpu.memory_space<hbm>>
        tpu.wait_dma2 semaphore(%arg23 : memref<!tpu.dma_semaphore, #tpu.memory_space<semaphore_mem>>) src(%dma_wait3A_100 : memref<40x128xf32, #tpu.memory_space<hbm>>) dst(%arg17 : memref<40x128xf32, #tpu.memory_space<vmem>>)
        %dma_wait3A_101 = arith.constant 0 : i32
        %dma_wait3A_102 = arith.constant 0 : i32
        %dma_wait3A_103 = tpu.memref_slice %arg3[%dma_wait3A_101, %dma_wait3A_102] : memref<320000x128xf32, #tpu.memory_space<hbm>> -> memref<40x128xf32, #tpu.memory_space<hbm>>
        %dma_wait3A_104 = arith.constant 0 : i32
        %dma_wait3A_105 = arith.constant 0 : i32
        %dma_wait3A_106 = tpu.memref_slice %arg3[%dma_wait3A_104, %dma_wait3A_105] : memref<320000x128xf32, #tpu.memory_space<hbm>> -> memref<40x128xf32, #tpu.memory_space<hbm>>
        tpu.wait_dma2 semaphore(%arg23 : memref<!tpu.dma_semaphore, #tpu.memory_space<semaphore_mem>>) src(%dma_wait3A_106 : memref<40x128xf32, #tpu.memory_space<hbm>>) dst(%arg14 : memref<40x128xf32, #tpu.memory_space<vmem>>)
        %scan3A_107 = arith.constant 0 : i32
        %scan3A_108 = arith.constant 0 : i32
        %scan3A_109 = arith.constant 40 : i32
        %scan3A_110 = arith.addi %scan3A_108, %scan3A_109 : i32
        %scan3A_111 = arith.constant 1 : i32
        scf.for %scan3A_130 = %scan3A_108 to %scan3A_110 step %scan3A_111  : i32 {
          %get3A = arith.index_cast %scan3A_130 : i32 to index
          %get3A_131 = arith.constant 0 : index
          %get3A_132 = tpu.vector_load %arg17[%get3A, %get3A_131] {strides = array<i32>} : memref<40x128xf32, #tpu.memory_space<vmem>>, vector<1x16xf32>,
          %get3A_133 = vector.shape_cast %get3A_132 : vector<1x16xf32> to vector<16xf32>
          %get3A_134 = arith.index_cast %scan3A_130 : i32 to index
          %get3A_135 = arith.constant 0 : index
          %get3A_136 = tpu.vector_load %arg14[%get3A_134, %get3A_135] {strides = array<i32>} : memref<40x128xf32, #tpu.memory_space<vmem>>, vector<1x16xf32>,
          %get3A_137 = vector.shape_cast %get3A_136 : vector<1x16xf32> to vector<16xf32>
          %add3A_138 = arith.addf %get3A_133, %get3A_137 : vector<16xf32>
          %max3A = arith.constant 0.000000e+00 : f32
          %max3A_139 = vector.broadcast %max3A : f32 to vector<16xf32>
          %max3A_140 = arith.maximumf %add3A_138, %max3A_139 : vector<16xf32>
          %swap3A = arith.index_cast %scan3A_130 : i32 to index
          %swap3A_141 = arith.constant 0 : index
          %swap3A_142 = tpu.vector_load %arg17[%swap3A, %swap3A_141] {strides = array<i32>} : memref<40x128xf32, #tpu.memory_space<vmem>>, vector<1x16xf32>,
          %swap3A_143 = vector.shape_cast %swap3A_142 : vector<1x16xf32> to vector<16xf32>
          %swap3A_144 = vector.shape_cast %max3A_140 : vector<16xf32> to vector<1x16xf32>
          tpu.vector_store %arg17[%swap3A, %swap3A_141], %swap3A_144 {strides = array<i32>} : memref<40x128xf32, #tpu.memory_space<vmem>>, vector<1x16xf32>,
          %get3A_145 = arith.index_cast %scan3A_130 : i32 to index
          %get3A_146 = arith.constant 16 : index
          %get3A_147 = tpu.vector_load %arg17[%get3A_145, %get3A_146] {strides = array<i32>} : memref<40x128xf32, #tpu.memory_space<vmem>>, vector<1x16xf32>,
          %get3A_148 = vector.shape_cast %get3A_147 : vector<1x16xf32> to vector<16xf32>
          %get3A_149 = arith.index_cast %scan3A_130 : i32 to index
          %get3A_150 = arith.constant 16 : index
          %get3A_151 = tpu.vector_load %arg14[%get3A_149, %get3A_150] {strides = array<i32>} : memref<40x128xf32, #tpu.memory_space<vmem>>, vector<1x16xf32>,
          %get3A_152 = vector.shape_cast %get3A_151 : vector<1x16xf32> to vector<16xf32>
          %add3A_153 = arith.addf %get3A_148, %get3A_152 : vector<16xf32>
          %max3A_154 = arith.constant 0.000000e+00 : f32
          %max3A_155 = vector.broadcast %max3A_154 : f32 to vector<16xf32>
          %max3A_156 = arith.maximumf %add3A_153, %max3A_155 : vector<16xf32>
          %swap3A_157 = arith.index_cast %scan3A_130 : i32 to index
          %swap3A_158 = arith.constant 16 : index
          %swap3A_159 = tpu.vector_load %arg17[%swap3A_157, %swap3A_158] {strides = array<i32>} : memref<40x128xf32, #tpu.memory_space<vmem>>, vector<1x16xf32>,
          %swap3A_160 = vector.shape_cast %swap3A_159 : vector<1x16xf32> to vector<16xf32>
          %swap3A_161 = vector.shape_cast %max3A_156 : vector<16xf32> to vector<1x16xf32>
          tpu.vector_store %arg17[%swap3A_157, %swap3A_158], %swap3A_161 {strides = array<i32>} : memref<40x128xf32, #tpu.memory_space<vmem>>, vector<1x16xf32>,
          %get3A_162 = arith.index_cast %scan3A_130 : i32 to index
          %get3A_163 = arith.constant 32 : index
          %get3A_164 = tpu.vector_load %arg17[%get3A_162, %get3A_163] {strides = array<i32>} : memref<40x128xf32, #tpu.memory_space<vmem>>, vector<1x16xf32>,
          %get3A_165 = vector.shape_cast %get3A_164 : vector<1x16xf32> to vector<16xf32>
          %get3A_166 = arith.index_cast %scan3A_130 : i32 to index
          %get3A_167 = arith.constant 32 : index
          %get3A_168 = tpu.vector_load %arg14[%get3A_166, %get3A_167] {strides = array<i32>} : memref<40x128xf32, #tpu.memory_space<vmem>>, vector<1x16xf32>,
          %get3A_169 = vector.shape_cast %get3A_168 : vector<1x16xf32> to vector<16xf32>
          %add3A_170 = arith.addf %get3A_165, %get3A_169 : vector<16xf32>
          %max3A_171 = arith.constant 0.000000e+00 : f32
          %max3A_172 = vector.broadcast %max3A_171 : f32 to vector<16xf32>
          %max3A_173 = arith.maximumf %add3A_170, %max3A_172 : vector<16xf32>
          %swap3A_174 = arith.index_cast %scan3A_130 : i32 to index
          %swap3A_175 = arith.constant 32 : index
          %swap3A_176 = tpu.vector_load %arg17[%swap3A_174, %swap3A_175] {strides = array<i32>} : memref<40x128xf32, #tpu.memory_space<vmem>>, vector<1x16xf32>,
          %swap3A_177 = vector.shape_cast %swap3A_176 : vector<1x16xf32> to vector<16xf32>
          %swap3A_178 = vector.shape_cast %max3A_173 : vector<16xf32> to vector<1x16xf32>
          tpu.vector_store %arg17[%swap3A_174, %swap3A_175], %swap3A_178 {strides = array<i32>} : memref<40x128xf32, #tpu.memory_space<vmem>>, vector<1x16xf32>,
          %get3A_179 = arith.index_cast %scan3A_130 : i32 to index
          %get3A_180 = arith.constant 48 : index
          %get3A_181 = tpu.vector_load %arg17[%get3A_179, %get3A_180] {strides = array<i32>} : memref<40x128xf32, #tpu.memory_space<vmem>>, vector<1x16xf32>,
          %get3A_182 = vector.shape_cast %get3A_181 : vector<1x16xf32> to vector<16xf32>
          %get3A_183 = arith.index_cast %scan3A_130 : i32 to index
          %get3A_184 = arith.constant 48 : index
          %get3A_185 = tpu.vector_load %arg14[%get3A_183, %get3A_184] {strides = array<i32>} : memref<40x128xf32, #tpu.memory_space<vmem>>, vector<1x16xf32>,
          %get3A_186 = vector.shape_cast %get3A_185 : vector<1x16xf32> to vector<16xf32>
          %add3A_187 = arith.addf %get3A_182, %get3A_186 : vector<16xf32>
          %max3A_188 = arith.constant 0.000000e+00 : f32
          %max3A_189 = vector.broadcast %max3A_188 : f32 to vector<16xf32>
          %max3A_190 = arith.maximumf %add3A_187, %max3A_189 : vector<16xf32>
          %swap3A_191 = arith.index_cast %scan3A_130 : i32 to index
          %swap3A_192 = arith.constant 48 : index
          %swap3A_193 = tpu.vector_load %arg17[%swap3A_191, %swap3A_192] {strides = array<i32>} : memref<40x128xf32, #tpu.memory_space<vmem>>, vector<1x16xf32>,
          %swap3A_194 = vector.shape_cast %swap3A_193 : vector<1x16xf32> to vector<16xf32>
          %swap3A_195 = vector.shape_cast %max3A_190 : vector<16xf32> to vector<1x16xf32>
          tpu.vector_store %arg17[%swap3A_191, %swap3A_192], %swap3A_195 {strides = array<i32>} : memref<40x128xf32, #tpu.memory_space<vmem>>, vector<1x16xf32>,
          %get3A_196 = arith.index_cast %scan3A_130 : i32 to index
          %get3A_197 = arith.constant 64 : index
          %get3A_198 = tpu.vector_load %arg17[%get3A_196, %get3A_197] {strides = array<i32>} : memref<40x128xf32, #tpu.memory_space<vmem>>, vector<1x16xf32>,
          %get3A_199 = vector.shape_cast %get3A_198 : vector<1x16xf32> to vector<16xf32>
          %get3A_200 = arith.index_cast %scan3A_130 : i32 to index
          %get3A_201 = arith.constant 64 : index
          %get3A_202 = tpu.vector_load %arg14[%get3A_200, %get3A_201] {strides = array<i32>} : memref<40x128xf32, #tpu.memory_space<vmem>>, vector<1x16xf32>,
          %get3A_203 = vector.shape_cast %get3A_202 : vector<1x16xf32> to vector<16xf32>
          %add3A_204 = arith.addf %get3A_199, %get3A_203 : vector<16xf32>
          %max3A_205 = arith.constant 0.000000e+00 : f32
          %max3A_206 = vector.broadcast %max3A_205 : f32 to vector<16xf32>
          %max3A_207 = arith.maximumf %add3A_204, %max3A_206 : vector<16xf32>
          %swap3A_208 = arith.index_cast %scan3A_130 : i32 to index
          %swap3A_209 = arith.constant 64 : index
          %swap3A_210 = tpu.vector_load %arg17[%swap3A_208, %swap3A_209] {strides = array<i32>} : memref<40x128xf32, #tpu.memory_space<vmem>>, vector<1x16xf32>,
          %swap3A_211 = vector.shape_cast %swap3A_210 : vector<1x16xf32> to vector<16xf32>
          %swap3A_212 = vector.shape_cast %max3A_207 : vector<16xf32> to vector<1x16xf32>
          tpu.vector_store %arg17[%swap3A_208, %swap3A_209], %swap3A_212 {strides = array<i32>} : memref<40x128xf32, #tpu.memory_space<vmem>>, vector<1x16xf32>,
          %get3A_213 = arith.index_cast %scan3A_130 : i32 to index
          %get3A_214 = arith.constant 80 : index
          %get3A_215 = tpu.vector_load %arg17[%get3A_213, %get3A_214] {strides = array<i32>} : memref<40x128xf32, #tpu.memory_space<vmem>>, vector<1x16xf32>,
          %get3A_216 = vector.shape_cast %get3A_215 : vector<1x16xf32> to vector<16xf32>
          %get3A_217 = arith.index_cast %scan3A_130 : i32 to index
          %get3A_218 = arith.constant 80 : index
          %get3A_219 = tpu.vector_load %arg14[%get3A_217, %get3A_218] {strides = array<i32>} : memref<40x128xf32, #tpu.memory_space<vmem>>, vector<1x16xf32>,
          %get3A_220 = vector.shape_cast %get3A_219 : vector<1x16xf32> to vector<16xf32>
          %add3A_221 = arith.addf %get3A_216, %get3A_220 : vector<16xf32>
          %max3A_222 = arith.constant 0.000000e+00 : f32
          %max3A_223 = vector.broadcast %max3A_222 : f32 to vector<16xf32>
          %max3A_224 = arith.maximumf %add3A_221, %max3A_223 : vector<16xf32>
          %swap3A_225 = arith.index_cast %scan3A_130 : i32 to index
          %swap3A_226 = arith.constant 80 : index
          %swap3A_227 = tpu.vector_load %arg17[%swap3A_225, %swap3A_226] {strides = array<i32>} : memref<40x128xf32, #tpu.memory_space<vmem>>, vector<1x16xf32>,
          %swap3A_228 = vector.shape_cast %swap3A_227 : vector<1x16xf32> to vector<16xf32>
          %swap3A_229 = vector.shape_cast %max3A_224 : vector<16xf32> to vector<1x16xf32>
          tpu.vector_store %arg17[%swap3A_225, %swap3A_226], %swap3A_229 {strides = array<i32>} : memref<40x128xf32, #tpu.memory_space<vmem>>, vector<1x16xf32>,
          %get3A_230 = arith.index_cast %scan3A_130 : i32 to index
          %get3A_231 = arith.constant 96 : index
          %get3A_232 = tpu.vector_load %arg17[%get3A_230, %get3A_231] {strides = array<i32>} : memref<40x128xf32, #tpu.memory_space<vmem>>, vector<1x16xf32>,
          %get3A_233 = vector.shape_cast %get3A_232 : vector<1x16xf32> to vector<16xf32>
          %get3A_234 = arith.index_cast %scan3A_130 : i32 to index
          %get3A_235 = arith.constant 96 : index
          %get3A_236 = tpu.vector_load %arg14[%get3A_234, %get3A_235] {strides = array<i32>} : memref<40x128xf32, #tpu.memory_space<vmem>>, vector<1x16xf32>,
          %get3A_237 = vector.shape_cast %get3A_236 : vector<1x16xf32> to vector<16xf32>
          %add3A_238 = arith.addf %get3A_233, %get3A_237 : vector<16xf32>
          %max3A_239 = arith.constant 0.000000e+00 : f32
          %max3A_240 = vector.broadcast %max3A_239 : f32 to vector<16xf32>
          %max3A_241 = arith.maximumf %add3A_238, %max3A_240 : vector<16xf32>
          %swap3A_242 = arith.index_cast %scan3A_130 : i32 to index
          %swap3A_243 = arith.constant 96 : index
          %swap3A_244 = tpu.vector_load %arg17[%swap3A_242, %swap3A_243] {strides = array<i32>} : memref<40x128xf32, #tpu.memory_space<vmem>>, vector<1x16xf32>,
          %swap3A_245 = vector.shape_cast %swap3A_244 : vector<1x16xf32> to vector<16xf32>
          %swap3A_246 = vector.shape_cast %max3A_241 : vector<16xf32> to vector<1x16xf32>
          tpu.vector_store %arg17[%swap3A_242, %swap3A_243], %swap3A_246 {strides = array<i32>} : memref<40x128xf32, #tpu.memory_space<vmem>>, vector<1x16xf32>,
          %get3A_247 = arith.index_cast %scan3A_130 : i32 to index
          %get3A_248 = arith.constant 112 : index
          %get3A_249 = tpu.vector_load %arg17[%get3A_247, %get3A_248] {strides = array<i32>} : memref<40x128xf32, #tpu.memory_space<vmem>>, vector<1x16xf32>,
          %get3A_250 = vector.shape_cast %get3A_249 : vector<1x16xf32> to vector<16xf32>
          %get3A_251 = arith.index_cast %scan3A_130 : i32 to index
          %get3A_252 = arith.constant 112 : index
          %get3A_253 = tpu.vector_load %arg14[%get3A_251, %get3A_252] {strides = array<i32>} : memref<40x128xf32, #tpu.memory_space<vmem>>, vector<1x16xf32>,
          %get3A_254 = vector.shape_cast %get3A_253 : vector<1x16xf32> to vector<16xf32>
          %add3A_255 = arith.addf %get3A_250, %get3A_254 : vector<16xf32>
          %max3A_256 = arith.constant 0.000000e+00 : f32
          %max3A_257 = vector.broadcast %max3A_256 : f32 to vector<16xf32>
          %max3A_258 = arith.maximumf %add3A_255, %max3A_257 : vector<16xf32>
          %swap3A_259 = arith.index_cast %scan3A_130 : i32 to index
          %swap3A_260 = arith.constant 112 : index
          %swap3A_261 = tpu.vector_load %arg17[%swap3A_259, %swap3A_260] {strides = array<i32>} : memref<40x128xf32, #tpu.memory_space<vmem>>, vector<1x16xf32>,
          %swap3A_262 = vector.shape_cast %swap3A_261 : vector<1x16xf32> to vector<16xf32>
          %swap3A_263 = vector.shape_cast %max3A_258 : vector<16xf32> to vector<1x16xf32>
          tpu.vector_store %arg17[%swap3A_259, %swap3A_260], %swap3A_263 {strides = array<i32>} : memref<40x128xf32, #tpu.memory_space<vmem>>, vector<1x16xf32>,
        }
        %scan3A_112 = arith.constant 40 : i32
        %dma_start3A_113 = arith.constant 0 : i32
        %dma_start3A_114 = arith.constant 0 : i32
        %dma_start3A_115 = tpu.memref_slice %arg29[%dma_start3A_113, %dma_start3A_114] : memref<10000x128xf32, #tpu.memory_space<vmem_shared>> -> memref<10000x128xf32, #tpu.memory_space<vmem_shared>>
        tpu.enqueue_indirect_dma source(%arg17 : memref<40x128xf32, #tpu.memory_space<vmem>>) target(%dma_start3A_115 : memref<10000x128xf32, #tpu.memory_space<vmem_shared>>) offsets(%arg11 : memref<40xi32, #tpu.memory_space<vmem>>) semaphore(%arg26 : memref<!tpu.dma_semaphore, #tpu.memory_space<semaphore_mem>>) {add = true}
        %add3A_116 = arith.constant 1 : i32
        %add3A_117 = arith.addi %add3A_78, %add3A_116 : i32
        %lt3A_118 = arith.constant 250 : i32
        %lt3A_119 = arith.cmpi slt, %add3A_117, %lt3A_118 : i32
        %convert_element_type3A_120 = arith.extui %lt3A_119 : i1 to i32
        %cond3A_121 = arith.constant 0 : i32
        %cond3A_122 = arith.cmpi ne, %convert_element_type3A_120, %cond3A_121 : i32
        scf.if %cond3A_122 {
          %dma_wait3A_130 = arith.constant 0 : i32
          %dma_wait3A_131 = tpu.memref_slice %arg4[%dma_wait3A_130] : memref<320000xi32, #tpu.memory_space<hbm>> -> memref<40xi32, #tpu.memory_space<hbm>>
          %dma_wait3A_132 = arith.constant 0 : i32
          %dma_wait3A_133 = tpu.memref_slice %arg4[%dma_wait3A_132] : memref<320000xi32, #tpu.memory_space<hbm>> -> memref<40xi32, #tpu.memory_space<hbm>>
          tpu.wait_dma2 semaphore(%arg21 : memref<!tpu.dma_semaphore, #tpu.memory_space<semaphore_mem>>) src(%dma_wait3A_133 : memref<40xi32, #tpu.memory_space<hbm>>) dst(%arg9 : memref<40xi32, #tpu.memory_space<vmem>>)
          %dma_wait3A_134 = arith.constant 0 : i32
          %dma_wait3A_135 = tpu.memref_slice %arg4[%dma_wait3A_134] : memref<320000xi32, #tpu.memory_space<hbm>> -> memref<40xi32, #tpu.memory_space<hbm>>
          %dma_wait3A_136 = arith.constant 0 : i32
          %dma_wait3A_137 = tpu.memref_slice %arg4[%dma_wait3A_136] : memref<320000xi32, #tpu.memory_space<hbm>> -> memref<40xi32, #tpu.memory_space<hbm>>
          tpu.wait_dma2 semaphore(%arg21 : memref<!tpu.dma_semaphore, #tpu.memory_space<semaphore_mem>>) src(%dma_wait3A_137 : memref<40xi32, #tpu.memory_space<hbm>>) dst(%arg12 : memref<40xi32, #tpu.memory_space<vmem>>)
          %dma_start3A_138 = arith.constant 0 : i32
          %dma_start3A_139 = arith.constant 0 : i32
          %dma_start3A_140 = tpu.memref_slice %arg2[%dma_start3A_138, %dma_start3A_139] : memref<10000x128xf32, #tpu.memory_space<hbm>> -> memref<10000x128xf32, #tpu.memory_space<hbm>>
          tpu.enqueue_indirect_dma source(%dma_start3A_140 : memref<10000x128xf32, #tpu.memory_space<hbm>>) target(%arg15 : memref<40x128xf32, #tpu.memory_space<vmem>>) offsets(%arg9 : memref<40xi32, #tpu.memory_space<vmem>>) semaphore(%arg24 : memref<!tpu.dma_semaphore, #tpu.memory_space<semaphore_mem>>)
        } else {
        }
        %add3A_123 = arith.constant 2 : i32
        %add3A_124 = arith.addi %add3A_78, %add3A_123 : i32
        %lt3A_125 = arith.constant 250 : i32
        %lt3A_126 = arith.cmpi slt, %add3A_124, %lt3A_125 : i32
        %convert_element_type3A_127 = arith.extui %lt3A_126 : i1 to i32
        %cond3A_128 = arith.constant 0 : i32
        %cond3A_129 = arith.cmpi ne, %convert_element_type3A_127, %cond3A_128 : i32
        scf.if %cond3A_129 {
          %ge3A = arith.constant 1 : i32
          %ge3A_130 = arith.cmpi sge, %add3A_78, %ge3A : i32
          %convert_element_type3A_131 = arith.extui %ge3A_130 : i1 to i32
          %cond3A_132 = arith.constant 0 : i32
          %cond3A_133 = arith.cmpi ne, %convert_element_type3A_131, %cond3A_132 : i32
          scf.if %cond3A_133 {
            %dma_wait3A_147 = arith.constant 0 : i32
            %dma_wait3A_148 = arith.constant 0 : i32
            %dma_wait3A_149 = tpu.memref_slice %arg29[%dma_wait3A_147, %dma_wait3A_148] : memref<10000x128xf32, #tpu.memory_space<vmem_shared>> -> memref<40x128xf32, #tpu.memory_space<vmem_shared>>
            %dma_wait3A_150 = arith.constant 0 : i32
            %dma_wait3A_151 = arith.constant 0 : i32
            %dma_wait3A_152 = tpu.memref_slice %arg29[%dma_wait3A_150, %dma_wait3A_151] : memref<10000x128xf32, #tpu.memory_space<vmem_shared>> -> memref<40x128xf32, #tpu.memory_space<vmem_shared>>
            tpu.wait_dma2 semaphore(%arg28 : memref<!tpu.dma_semaphore, #tpu.memory_space<semaphore_mem>>) src(%arg19 : memref<40x128xf32, #tpu.memory_space<vmem>>) dst(%dma_wait3A_152 : memref<40x128xf32, #tpu.memory_space<vmem_shared>>)
          } else {
          }
          %add3A_134 = arith.constant 2 : i32
          %add3A_135 = arith.addi %add3A_78, %add3A_134 : i32
          %mul3A_136 = arith.constant 40 : i32
          %mul3A_137 = arith.muli %add3A_135, %mul3A_136 : i32
          %add3A_138 = arith.addi %mul3A_2, %mul3A_137 : i32
          %dma_start3A_139 = tpu.memref_slice %arg4[%add3A_138] : memref<320000xi32, #tpu.memory_space<hbm>> -> memref<40xi32, #tpu.memory_space<hbm>>
          %dma_start3A_140 = tpu.memref_slice %arg4[%add3A_138] : memref<320000xi32, #tpu.memory_space<hbm>> -> memref<40xi32, #tpu.memory_space<hbm>>
          tpu.enqueue_dma source(%dma_start3A_140 : memref<40xi32, #tpu.memory_space<hbm>>) target(%arg10 : memref<40xi32, #tpu.memory_space<vmem>>) target_semaphore(%arg22 : memref<!tpu.dma_semaphore, #tpu.memory_space<semaphore_mem>>)
          %dma_start3A_141 = tpu.memref_slice %arg5[%add3A_138] : memref<320000xi32, #tpu.memory_space<hbm>> -> memref<40xi32, #tpu.memory_space<hbm>>
          %dma_start3A_142 = tpu.memref_slice %arg5[%add3A_138] : memref<320000xi32, #tpu.memory_space<hbm>> -> memref<40xi32, #tpu.memory_space<hbm>>
          tpu.enqueue_dma source(%dma_start3A_142 : memref<40xi32, #tpu.memory_space<hbm>>) target(%arg13 : memref<40xi32, #tpu.memory_space<vmem>>) target_semaphore(%arg22 : memref<!tpu.dma_semaphore, #tpu.memory_space<semaphore_mem>>)
          %dma_start3A_143 = arith.constant 0 : i32
          %dma_start3A_144 = tpu.memref_slice %arg3[%add3A_138, %dma_start3A_143] : memref<320000x128xf32, #tpu.memory_space<hbm>> -> memref<40x128xf32, #tpu.memory_space<hbm>>
          %dma_start3A_145 = arith.constant 0 : i32
          %dma_start3A_146 = tpu.memref_slice %arg3[%add3A_138, %dma_start3A_145] : memref<320000x128xf32, #tpu.memory_space<hbm>> -> memref<40x128xf32, #tpu.memory_space<hbm>>
          tpu.enqueue_dma source(%dma_start3A_146 : memref<40x128xf32, #tpu.memory_space<hbm>>) target(%arg19 : memref<40x128xf32, #tpu.memory_space<vmem>>) target_semaphore(%arg25 : memref<!tpu.dma_semaphore, #tpu.memory_space<semaphore_mem>>)
        } else {
        }
      } else {
      }
      %add3A_81 = arith.constant 1 : i32
      %add3A_82 = arith.addi %mul3A_76, %add3A_81 : i32
      %lt3A_83 = arith.constant 250 : i32
      %lt3A_84 = arith.cmpi slt, %add3A_82, %lt3A_83 : i32
      %convert_element_type3A_85 = arith.extui %lt3A_84 : i1 to i32
      %cond3A_86 = arith.constant 0 : i32
      %cond3A_87 = arith.cmpi ne, %convert_element_type3A_85, %cond3A_86 : i32
      scf.if %cond3A_87 {
        %dma_wait3A_95 = arith.constant 0 : i32
        %dma_wait3A_96 = arith.constant 0 : i32
        %dma_wait3A_97 = tpu.memref_slice %arg3[%dma_wait3A_95, %dma_wait3A_96] : memref<320000x128xf32, #tpu.memory_space<hbm>> -> memref<40x128xf32, #tpu.memory_space<hbm>>
        %dma_wait3A_98 = arith.constant 0 : i32
        %dma_wait3A_99 = arith.constant 0 : i32
        %dma_wait3A_100 = tpu.memref_slice %arg3[%dma_wait3A_98, %dma_wait3A_99] : memref<320000x128xf32, #tpu.memory_space<hbm>> -> memref<40x128xf32, #tpu.memory_space<hbm>>
        tpu.wait_dma2 semaphore(%arg24 : memref<!tpu.dma_semaphore, #tpu.memory_space<semaphore_mem>>) src(%dma_wait3A_100 : memref<40x128xf32, #tpu.memory_space<hbm>>) dst(%arg18 : memref<40x128xf32, #tpu.memory_space<vmem>>)
        %dma_wait3A_101 = arith.constant 0 : i32
        %dma_wait3A_102 = arith.constant 0 : i32
        %dma_wait3A_103 = tpu.memref_slice %arg3[%dma_wait3A_101, %dma_wait3A_102] : memref<320000x128xf32, #tpu.memory_space<hbm>> -> memref<40x128xf32, #tpu.memory_space<hbm>>
        %dma_wait3A_104 = arith.constant 0 : i32
        %dma_wait3A_105 = arith.constant 0 : i32
        %dma_wait3A_106 = tpu.memref_slice %arg3[%dma_wait3A_104, %dma_wait3A_105] : memref<320000x128xf32, #tpu.memory_space<hbm>> -> memref<40x128xf32, #tpu.memory_space<hbm>>
        tpu.wait_dma2 semaphore(%arg24 : memref<!tpu.dma_semaphore, #tpu.memory_space<semaphore_mem>>) src(%dma_wait3A_106 : memref<40x128xf32, #tpu.memory_space<hbm>>) dst(%arg15 : memref<40x128xf32, #tpu.memory_space<vmem>>)
        %scan3A_107 = arith.constant 0 : i32
        %scan3A_108 = arith.constant 0 : i32
        %scan3A_109 = arith.constant 40 : i32
        %scan3A_110 = arith.addi %scan3A_108, %scan3A_109 : i32
        %scan3A_111 = arith.constant 1 : i32
        scf.for %scan3A_130 = %scan3A_108 to %scan3A_110 step %scan3A_111  : i32 {
          %get3A = arith.index_cast %scan3A_130 : i32 to index
          %get3A_131 = arith.constant 0 : index
          %get3A_132 = tpu.vector_load %arg18[%get3A, %get3A_131] {strides = array<i32>} : memref<40x128xf32, #tpu.memory_space<vmem>>, vector<1x16xf32>,
          %get3A_133 = vector.shape_cast %get3A_132 : vector<1x16xf32> to vector<16xf32>
          %get3A_134 = arith.index_cast %scan3A_130 : i32 to index
          %get3A_135 = arith.constant 0 : index
          %get3A_136 = tpu.vector_load %arg15[%get3A_134, %get3A_135] {strides = array<i32>} : memref<40x128xf32, #tpu.memory_space<vmem>>, vector<1x16xf32>,
          %get3A_137 = vector.shape_cast %get3A_136 : vector<1x16xf32> to vector<16xf32>
          %add3A_138 = arith.addf %get3A_133, %get3A_137 : vector<16xf32>
          %max3A = arith.constant 0.000000e+00 : f32
          %max3A_139 = vector.broadcast %max3A : f32 to vector<16xf32>
          %max3A_140 = arith.maximumf %add3A_138, %max3A_139 : vector<16xf32>
          %swap3A = arith.index_cast %scan3A_130 : i32 to index
          %swap3A_141 = arith.constant 0 : index
          %swap3A_142 = tpu.vector_load %arg18[%swap3A, %swap3A_141] {strides = array<i32>} : memref<40x128xf32, #tpu.memory_space<vmem>>, vector<1x16xf32>,
          %swap3A_143 = vector.shape_cast %swap3A_142 : vector<1x16xf32> to vector<16xf32>
          %swap3A_144 = vector.shape_cast %max3A_140 : vector<16xf32> to vector<1x16xf32>
          tpu.vector_store %arg18[%swap3A, %swap3A_141], %swap3A_144 {strides = array<i32>} : memref<40x128xf32, #tpu.memory_space<vmem>>, vector<1x16xf32>,
          %get3A_145 = arith.index_cast %scan3A_130 : i32 to index
          %get3A_146 = arith.constant 16 : index
          %get3A_147 = tpu.vector_load %arg18[%get3A_145, %get3A_146] {strides = array<i32>} : memref<40x128xf32, #tpu.memory_space<vmem>>, vector<1x16xf32>,
          %get3A_148 = vector.shape_cast %get3A_147 : vector<1x16xf32> to vector<16xf32>
          %get3A_149 = arith.index_cast %scan3A_130 : i32 to index
          %get3A_150 = arith.constant 16 : index
          %get3A_151 = tpu.vector_load %arg15[%get3A_149, %get3A_150] {strides = array<i32>} : memref<40x128xf32, #tpu.memory_space<vmem>>, vector<1x16xf32>,
          %get3A_152 = vector.shape_cast %get3A_151 : vector<1x16xf32> to vector<16xf32>
          %add3A_153 = arith.addf %get3A_148, %get3A_152 : vector<16xf32>
          %max3A_154 = arith.constant 0.000000e+00 : f32
          %max3A_155 = vector.broadcast %max3A_154 : f32 to vector<16xf32>
          %max3A_156 = arith.maximumf %add3A_153, %max3A_155 : vector<16xf32>
          %swap3A_157 = arith.index_cast %scan3A_130 : i32 to index
          %swap3A_158 = arith.constant 16 : index
          %swap3A_159 = tpu.vector_load %arg18[%swap3A_157, %swap3A_158] {strides = array<i32>} : memref<40x128xf32, #tpu.memory_space<vmem>>, vector<1x16xf32>,
          %swap3A_160 = vector.shape_cast %swap3A_159 : vector<1x16xf32> to vector<16xf32>
          %swap3A_161 = vector.shape_cast %max3A_156 : vector<16xf32> to vector<1x16xf32>
          tpu.vector_store %arg18[%swap3A_157, %swap3A_158], %swap3A_161 {strides = array<i32>} : memref<40x128xf32, #tpu.memory_space<vmem>>, vector<1x16xf32>,
          %get3A_162 = arith.index_cast %scan3A_130 : i32 to index
          %get3A_163 = arith.constant 32 : index
          %get3A_164 = tpu.vector_load %arg18[%get3A_162, %get3A_163] {strides = array<i32>} : memref<40x128xf32, #tpu.memory_space<vmem>>, vector<1x16xf32>,
          %get3A_165 = vector.shape_cast %get3A_164 : vector<1x16xf32> to vector<16xf32>
          %get3A_166 = arith.index_cast %scan3A_130 : i32 to index
          %get3A_167 = arith.constant 32 : index
          %get3A_168 = tpu.vector_load %arg15[%get3A_166, %get3A_167] {strides = array<i32>} : memref<40x128xf32, #tpu.memory_space<vmem>>, vector<1x16xf32>,
          %get3A_169 = vector.shape_cast %get3A_168 : vector<1x16xf32> to vector<16xf32>
          %add3A_170 = arith.addf %get3A_165, %get3A_169 : vector<16xf32>
          %max3A_171 = arith.constant 0.000000e+00 : f32
          %max3A_172 = vector.broadcast %max3A_171 : f32 to vector<16xf32>
          %max3A_173 = arith.maximumf %add3A_170, %max3A_172 : vector<16xf32>
          %swap3A_174 = arith.index_cast %scan3A_130 : i32 to index
          %swap3A_175 = arith.constant 32 : index
          %swap3A_176 = tpu.vector_load %arg18[%swap3A_174, %swap3A_175] {strides = array<i32>} : memref<40x128xf32, #tpu.memory_space<vmem>>, vector<1x16xf32>,
          %swap3A_177 = vector.shape_cast %swap3A_176 : vector<1x16xf32> to vector<16xf32>
          %swap3A_178 = vector.shape_cast %max3A_173 : vector<16xf32> to vector<1x16xf32>
          tpu.vector_store %arg18[%swap3A_174, %swap3A_175], %swap3A_178 {strides = array<i32>} : memref<40x128xf32, #tpu.memory_space<vmem>>, vector<1x16xf32>,
          %get3A_179 = arith.index_cast %scan3A_130 : i32 to index
          %get3A_180 = arith.constant 48 : index
          %get3A_181 = tpu.vector_load %arg18[%get3A_179, %get3A_180] {strides = array<i32>} : memref<40x128xf32, #tpu.memory_space<vmem>>, vector<1x16xf32>,
          %get3A_182 = vector.shape_cast %get3A_181 : vector<1x16xf32> to vector<16xf32>
          %get3A_183 = arith.index_cast %scan3A_130 : i32 to index
          %get3A_184 = arith.constant 48 : index
          %get3A_185 = tpu.vector_load %arg15[%get3A_183, %get3A_184] {strides = array<i32>} : memref<40x128xf32, #tpu.memory_space<vmem>>, vector<1x16xf32>,
          %get3A_186 = vector.shape_cast %get3A_185 : vector<1x16xf32> to vector<16xf32>
          %add3A_187 = arith.addf %get3A_182, %get3A_186 : vector<16xf32>
          %max3A_188 = arith.constant 0.000000e+00 : f32
          %max3A_189 = vector.broadcast %max3A_188 : f32 to vector<16xf32>
          %max3A_190 = arith.maximumf %add3A_187, %max3A_189 : vector<16xf32>
          %swap3A_191 = arith.index_cast %scan3A_130 : i32 to index
          %swap3A_192 = arith.constant 48 : index
          %swap3A_193 = tpu.vector_load %arg18[%swap3A_191, %swap3A_192] {strides = array<i32>} : memref<40x128xf32, #tpu.memory_space<vmem>>, vector<1x16xf32>,
          %swap3A_194 = vector.shape_cast %swap3A_193 : vector<1x16xf32> to vector<16xf32>
          %swap3A_195 = vector.shape_cast %max3A_190 : vector<16xf32> to vector<1x16xf32>
          tpu.vector_store %arg18[%swap3A_191, %swap3A_192], %swap3A_195 {strides = array<i32>} : memref<40x128xf32, #tpu.memory_space<vmem>>, vector<1x16xf32>,
          %get3A_196 = arith.index_cast %scan3A_130 : i32 to index
          %get3A_197 = arith.constant 64 : index
          %get3A_198 = tpu.vector_load %arg18[%get3A_196, %get3A_197] {strides = array<i32>} : memref<40x128xf32, #tpu.memory_space<vmem>>, vector<1x16xf32>,
          %get3A_199 = vector.shape_cast %get3A_198 : vector<1x16xf32> to vector<16xf32>
          %get3A_200 = arith.index_cast %scan3A_130 : i32 to index
          %get3A_201 = arith.constant 64 : index
          %get3A_202 = tpu.vector_load %arg15[%get3A_200, %get3A_201] {strides = array<i32>} : memref<40x128xf32, #tpu.memory_space<vmem>>, vector<1x16xf32>,
          %get3A_203 = vector.shape_cast %get3A_202 : vector<1x16xf32> to vector<16xf32>
          %add3A_204 = arith.addf %get3A_199, %get3A_203 : vector<16xf32>
          %max3A_205 = arith.constant 0.000000e+00 : f32
          %max3A_206 = vector.broadcast %max3A_205 : f32 to vector<16xf32>
          %max3A_207 = arith.maximumf %add3A_204, %max3A_206 : vector<16xf32>
          %swap3A_208 = arith.index_cast %scan3A_130 : i32 to index
          %swap3A_209 = arith.constant 64 : index
          %swap3A_210 = tpu.vector_load %arg18[%swap3A_208, %swap3A_209] {strides = array<i32>} : memref<40x128xf32, #tpu.memory_space<vmem>>, vector<1x16xf32>,
          %swap3A_211 = vector.shape_cast %swap3A_210 : vector<1x16xf32> to vector<16xf32>
          %swap3A_212 = vector.shape_cast %max3A_207 : vector<16xf32> to vector<1x16xf32>
          tpu.vector_store %arg18[%swap3A_208, %swap3A_209], %swap3A_212 {strides = array<i32>} : memref<40x128xf32, #tpu.memory_space<vmem>>, vector<1x16xf32>,
          %get3A_213 = arith.index_cast %scan3A_130 : i32 to index
          %get3A_214 = arith.constant 80 : index
          %get3A_215 = tpu.vector_load %arg18[%get3A_213, %get3A_214] {strides = array<i32>} : memref<40x128xf32, #tpu.memory_space<vmem>>, vector<1x16xf32>,
          %get3A_216 = vector.shape_cast %get3A_215 : vector<1x16xf32> to vector<16xf32>
          %get3A_217 = arith.index_cast %scan3A_130 : i32 to index
          %get3A_218 = arith.constant 80 : index
          %get3A_219 = tpu.vector_load %arg15[%get3A_217, %get3A_218] {strides = array<i32>} : memref<40x128xf32, #tpu.memory_space<vmem>>, vector<1x16xf32>,
          %get3A_220 = vector.shape_cast %get3A_219 : vector<1x16xf32> to vector<16xf32>
          %add3A_221 = arith.addf %get3A_216, %get3A_220 : vector<16xf32>
          %max3A_222 = arith.constant 0.000000e+00 : f32
          %max3A_223 = vector.broadcast %max3A_222 : f32 to vector<16xf32>
          %max3A_224 = arith.maximumf %add3A_221, %max3A_223 : vector<16xf32>
          %swap3A_225 = arith.index_cast %scan3A_130 : i32 to index
          %swap3A_226 = arith.constant 80 : index
          %swap3A_227 = tpu.vector_load %arg18[%swap3A_225, %swap3A_226] {strides = array<i32>} : memref<40x128xf32, #tpu.memory_space<vmem>>, vector<1x16xf32>,
          %swap3A_228 = vector.shape_cast %swap3A_227 : vector<1x16xf32> to vector<16xf32>
          %swap3A_229 = vector.shape_cast %max3A_224 : vector<16xf32> to vector<1x16xf32>
          tpu.vector_store %arg18[%swap3A_225, %swap3A_226], %swap3A_229 {strides = array<i32>} : memref<40x128xf32, #tpu.memory_space<vmem>>, vector<1x16xf32>,
          %get3A_230 = arith.index_cast %scan3A_130 : i32 to index
          %get3A_231 = arith.constant 96 : index
          %get3A_232 = tpu.vector_load %arg18[%get3A_230, %get3A_231] {strides = array<i32>} : memref<40x128xf32, #tpu.memory_space<vmem>>, vector<1x16xf32>,
          %get3A_233 = vector.shape_cast %get3A_232 : vector<1x16xf32> to vector<16xf32>
          %get3A_234 = arith.index_cast %scan3A_130 : i32 to index
          %get3A_235 = arith.constant 96 : index
          %get3A_236 = tpu.vector_load %arg15[%get3A_234, %get3A_235] {strides = array<i32>} : memref<40x128xf32, #tpu.memory_space<vmem>>, vector<1x16xf32>,
          %get3A_237 = vector.shape_cast %get3A_236 : vector<1x16xf32> to vector<16xf32>
          %add3A_238 = arith.addf %get3A_233, %get3A_237 : vector<16xf32>
          %max3A_239 = arith.constant 0.000000e+00 : f32
          %max3A_240 = vector.broadcast %max3A_239 : f32 to vector<16xf32>
          %max3A_241 = arith.maximumf %add3A_238, %max3A_240 : vector<16xf32>
          %swap3A_242 = arith.index_cast %scan3A_130 : i32 to index
          %swap3A_243 = arith.constant 96 : index
          %swap3A_244 = tpu.vector_load %arg18[%swap3A_242, %swap3A_243] {strides = array<i32>} : memref<40x128xf32, #tpu.memory_space<vmem>>, vector<1x16xf32>,
          %swap3A_245 = vector.shape_cast %swap3A_244 : vector<1x16xf32> to vector<16xf32>
          %swap3A_246 = vector.shape_cast %max3A_241 : vector<16xf32> to vector<1x16xf32>
          tpu.vector_store %arg18[%swap3A_242, %swap3A_243], %swap3A_246 {strides = array<i32>} : memref<40x128xf32, #tpu.memory_space<vmem>>, vector<1x16xf32>,
          %get3A_247 = arith.index_cast %scan3A_130 : i32 to index
          %get3A_248 = arith.constant 112 : index
          %get3A_249 = tpu.vector_load %arg18[%get3A_247, %get3A_248] {strides = array<i32>} : memref<40x128xf32, #tpu.memory_space<vmem>>, vector<1x16xf32>,
          %get3A_250 = vector.shape_cast %get3A_249 : vector<1x16xf32> to vector<16xf32>
          %get3A_251 = arith.index_cast %scan3A_130 : i32 to index
          %get3A_252 = arith.constant 112 : index
          %get3A_253 = tpu.vector_load %arg15[%get3A_251, %get3A_252] {strides = array<i32>} : memref<40x128xf32, #tpu.memory_space<vmem>>, vector<1x16xf32>,
          %get3A_254 = vector.shape_cast %get3A_253 : vector<1x16xf32> to vector<16xf32>
          %add3A_255 = arith.addf %get3A_250, %get3A_254 : vector<16xf32>
          %max3A_256 = arith.constant 0.000000e+00 : f32
          %max3A_257 = vector.broadcast %max3A_256 : f32 to vector<16xf32>
          %max3A_258 = arith.maximumf %add3A_255, %max3A_257 : vector<16xf32>
          %swap3A_259 = arith.index_cast %scan3A_130 : i32 to index
          %swap3A_260 = arith.constant 112 : index
          %swap3A_261 = tpu.vector_load %arg18[%swap3A_259, %swap3A_260] {strides = array<i32>} : memref<40x128xf32, #tpu.memory_space<vmem>>, vector<1x16xf32>,
          %swap3A_262 = vector.shape_cast %swap3A_261 : vector<1x16xf32> to vector<16xf32>
          %swap3A_263 = vector.shape_cast %max3A_258 : vector<16xf32> to vector<1x16xf32>
          tpu.vector_store %arg18[%swap3A_259, %swap3A_260], %swap3A_263 {strides = array<i32>} : memref<40x128xf32, #tpu.memory_space<vmem>>, vector<1x16xf32>,
        }
        %scan3A_112 = arith.constant 40 : i32
        %dma_start3A_113 = arith.constant 0 : i32
        %dma_start3A_114 = arith.constant 0 : i32
        %dma_start3A_115 = tpu.memref_slice %arg29[%dma_start3A_113, %dma_start3A_114] : memref<10000x128xf32, #tpu.memory_space<vmem_shared>> -> memref<10000x128xf32, #tpu.memory_space<vmem_shared>>
        tpu.enqueue_indirect_dma source(%arg18 : memref<40x128xf32, #tpu.memory_space<vmem>>) target(%dma_start3A_115 : memref<10000x128xf32, #tpu.memory_space<vmem_shared>>) offsets(%arg12 : memref<40xi32, #tpu.memory_space<vmem>>) semaphore(%arg27 : memref<!tpu.dma_semaphore, #tpu.memory_space<semaphore_mem>>) {add = true}
        %add3A_116 = arith.constant 1 : i32
        %add3A_117 = arith.addi %add3A_82, %add3A_116 : i32
        %lt3A_118 = arith.constant 250 : i32
        %lt3A_119 = arith.cmpi slt, %add3A_117, %lt3A_118 : i32
        %convert_element_type3A_120 = arith.extui %lt3A_119 : i1 to i32
        %cond3A_121 = arith.constant 0 : i32
        %cond3A_122 = arith.cmpi ne, %convert_element_type3A_120, %cond3A_121 : i32
        scf.if %cond3A_122 {
          %dma_wait3A_130 = arith.constant 0 : i32
          %dma_wait3A_131 = tpu.memref_slice %arg4[%dma_wait3A_130] : memref<320000xi32, #tpu.memory_space<hbm>> -> memref<40xi32, #tpu.memory_space<hbm>>
          %dma_wait3A_132 = arith.constant 0 : i32
          %dma_wait3A_133 = tpu.memref_slice %arg4[%dma_wait3A_132] : memref<320000xi32, #tpu.memory_space<hbm>> -> memref<40xi32, #tpu.memory_space<hbm>>
          tpu.wait_dma2 semaphore(%arg22 : memref<!tpu.dma_semaphore, #tpu.memory_space<semaphore_mem>>) src(%dma_wait3A_133 : memref<40xi32, #tpu.memory_space<hbm>>) dst(%arg10 : memref<40xi32, #tpu.memory_space<vmem>>)
          %dma_wait3A_134 = arith.constant 0 : i32
          %dma_wait3A_135 = tpu.memref_slice %arg4[%dma_wait3A_134] : memref<320000xi32, #tpu.memory_space<hbm>> -> memref<40xi32, #tpu.memory_space<hbm>>
          %dma_wait3A_136 = arith.constant 0 : i32
          %dma_wait3A_137 = tpu.memref_slice %arg4[%dma_wait3A_136] : memref<320000xi32, #tpu.memory_space<hbm>> -> memref<40xi32, #tpu.memory_space<hbm>>
          tpu.wait_dma2 semaphore(%arg22 : memref<!tpu.dma_semaphore, #tpu.memory_space<semaphore_mem>>) src(%dma_wait3A_137 : memref<40xi32, #tpu.memory_space<hbm>>) dst(%arg13 : memref<40xi32, #tpu.memory_space<vmem>>)
          %dma_start3A_138 = arith.constant 0 : i32
          %dma_start3A_139 = arith.constant 0 : i32
          %dma_start3A_140 = tpu.memref_slice %arg2[%dma_start3A_138, %dma_start3A_139] : memref<10000x128xf32, #tpu.memory_space<hbm>> -> memref<10000x128xf32, #tpu.memory_space<hbm>>
          tpu.enqueue_indirect_dma source(%dma_start3A_140 : memref<10000x128xf32, #tpu.memory_space<hbm>>) target(%arg16 : memref<40x128xf32, #tpu.memory_space<vmem>>) offsets(%arg10 : memref<40xi32, #tpu.memory_space<vmem>>) semaphore(%arg25 : memref<!tpu.dma_semaphore, #tpu.memory_space<semaphore_mem>>)
        } else {
        }
        %add3A_123 = arith.constant 2 : i32
        %add3A_124 = arith.addi %add3A_82, %add3A_123 : i32
        %lt3A_125 = arith.constant 250 : i32
        %lt3A_126 = arith.cmpi slt, %add3A_124, %lt3A_125 : i32
        %convert_element_type3A_127 = arith.extui %lt3A_126 : i1 to i32
        %cond3A_128 = arith.constant 0 : i32
        %cond3A_129 = arith.cmpi ne, %convert_element_type3A_127, %cond3A_128 : i32
        scf.if %cond3A_129 {
          %ge3A = arith.constant 1 : i32
          %ge3A_130 = arith.cmpi sge, %add3A_82, %ge3A : i32
          %convert_element_type3A_131 = arith.extui %ge3A_130 : i1 to i32
          %cond3A_132 = arith.constant 0 : i32
          %cond3A_133 = arith.cmpi ne, %convert_element_type3A_131, %cond3A_132 : i32
          scf.if %cond3A_133 {
            %dma_wait3A_147 = arith.constant 0 : i32
            %dma_wait3A_148 = arith.constant 0 : i32
            %dma_wait3A_149 = tpu.memref_slice %arg29[%dma_wait3A_147, %dma_wait3A_148] : memref<10000x128xf32, #tpu.memory_space<vmem_shared>> -> memref<40x128xf32, #tpu.memory_space<vmem_shared>>
            %dma_wait3A_150 = arith.constant 0 : i32
            %dma_wait3A_151 = arith.constant 0 : i32
            %dma_wait3A_152 = tpu.memref_slice %arg29[%dma_wait3A_150, %dma_wait3A_151] : memref<10000x128xf32, #tpu.memory_space<vmem_shared>> -> memref<40x128xf32, #tpu.memory_space<vmem_shared>>
            tpu.wait_dma2 semaphore(%arg26 : memref<!tpu.dma_semaphore, #tpu.memory_space<semaphore_mem>>) src(%arg17 : memref<40x128xf32, #tpu.memory_space<vmem>>) dst(%dma_wait3A_152 : memref<40x128xf32, #tpu.memory_space<vmem_shared>>)
          } else {
          }
          %add3A_134 = arith.constant 2 : i32
          %add3A_135 = arith.addi %add3A_82, %add3A_134 : i32
          %mul3A_136 = arith.constant 40 : i32
          %mul3A_137 = arith.muli %add3A_135, %mul3A_136 : i32
          %add3A_138 = arith.addi %mul3A_2, %mul3A_137 : i32
          %dma_start3A_139 = tpu.memref_slice %arg4[%add3A_138] : memref<320000xi32, #tpu.memory_space<hbm>> -> memref<40xi32, #tpu.memory_space<hbm>>
          %dma_start3A_140 = tpu.memref_slice %arg4[%add3A_138] : memref<320000xi32, #tpu.memory_space<hbm>> -> memref<40xi32, #tpu.memory_space<hbm>>
          tpu.enqueue_dma source(%dma_start3A_140 : memref<40xi32, #tpu.memory_space<hbm>>) target(%arg8 : memref<40xi32, #tpu.memory_space<vmem>>) target_semaphore(%arg20 : memref<!tpu.dma_semaphore, #tpu.memory_space<semaphore_mem>>)
          %dma_start3A_141 = tpu.memref_slice %arg5[%add3A_138] : memref<320000xi32, #tpu.memory_space<hbm>> -> memref<40xi32, #tpu.memory_space<hbm>>
          %dma_start3A_142 = tpu.memref_slice %arg5[%add3A_138] : memref<320000xi32, #tpu.memory_space<hbm>> -> memref<40xi32, #tpu.memory_space<hbm>>
          tpu.enqueue_dma source(%dma_start3A_142 : memref<40xi32, #tpu.memory_space<hbm>>) target(%arg11 : memref<40xi32, #tpu.memory_space<vmem>>) target_semaphore(%arg20 : memref<!tpu.dma_semaphore, #tpu.memory_space<semaphore_mem>>)
          %dma_start3A_143 = arith.constant 0 : i32
          %dma_start3A_144 = tpu.memref_slice %arg3[%add3A_138, %dma_start3A_143] : memref<320000x128xf32, #tpu.memory_space<hbm>> -> memref<40x128xf32, #tpu.memory_space<hbm>>
          %dma_start3A_145 = arith.constant 0 : i32
          %dma_start3A_146 = tpu.memref_slice %arg3[%add3A_138, %dma_start3A_145] : memref<320000x128xf32, #tpu.memory_space<hbm>> -> memref<40x128xf32, #tpu.memory_space<hbm>>
          tpu.enqueue_dma source(%dma_start3A_146 : memref<40x128xf32, #tpu.memory_space<hbm>>) target(%arg17 : memref<40x128xf32, #tpu.memory_space<vmem>>) target_semaphore(%arg23 : memref<!tpu.dma_semaphore, #tpu.memory_space<semaphore_mem>>)
        } else {
        }
      } else {
      }
      %add3A_88 = arith.constant 2 : i32
      %add3A_89 = arith.addi %mul3A_76, %add3A_88 : i32
      %lt3A_90 = arith.constant 250 : i32
      %lt3A_91 = arith.cmpi slt, %add3A_89, %lt3A_90 : i32
      %convert_element_type3A_92 = arith.extui %lt3A_91 : i1 to i32
      %cond3A_93 = arith.constant 0 : i32
      %cond3A_94 = arith.cmpi ne, %convert_element_type3A_92, %cond3A_93 : i32
      scf.if %cond3A_94 {
        %dma_wait3A_95 = arith.constant 0 : i32
        %dma_wait3A_96 = arith.constant 0 : i32
        %dma_wait3A_97 = tpu.memref_slice %arg3[%dma_wait3A_95, %dma_wait3A_96] : memref<320000x128xf32, #tpu.memory_space<hbm>> -> memref<40x128xf32, #tpu.memory_space<hbm>>
        %dma_wait3A_98 = arith.constant 0 : i32
        %dma_wait3A_99 = arith.constant 0 : i32
        %dma_wait3A_100 = tpu.memref_slice %arg3[%dma_wait3A_98, %dma_wait3A_99] : memref<320000x128xf32, #tpu.memory_space<hbm>> -> memref<40x128xf32, #tpu.memory_space<hbm>>
        tpu.wait_dma2 semaphore(%arg25 : memref<!tpu.dma_semaphore, #tpu.memory_space<semaphore_mem>>) src(%dma_wait3A_100 : memref<40x128xf32, #tpu.memory_space<hbm>>) dst(%arg19 : memref<40x128xf32, #tpu.memory_space<vmem>>)
        %dma_wait3A_101 = arith.constant 0 : i32
        %dma_wait3A_102 = arith.constant 0 : i32
        %dma_wait3A_103 = tpu.memref_slice %arg3[%dma_wait3A_101, %dma_wait3A_102] : memref<320000x128xf32, #tpu.memory_space<hbm>> -> memref<40x128xf32, #tpu.memory_space<hbm>>
        %dma_wait3A_104 = arith.constant 0 : i32
        %dma_wait3A_105 = arith.constant 0 : i32
        %dma_wait3A_106 = tpu.memref_slice %arg3[%dma_wait3A_104, %dma_wait3A_105] : memref<320000x128xf32, #tpu.memory_space<hbm>> -> memref<40x128xf32, #tpu.memory_space<hbm>>
        tpu.wait_dma2 semaphore(%arg25 : memref<!tpu.dma_semaphore, #tpu.memory_space<semaphore_mem>>) src(%dma_wait3A_106 : memref<40x128xf32, #tpu.memory_space<hbm>>) dst(%arg16 : memref<40x128xf32, #tpu.memory_space<vmem>>)
        %scan3A_107 = arith.constant 0 : i32
        %scan3A_108 = arith.constant 0 : i32
        %scan3A_109 = arith.constant 40 : i32
        %scan3A_110 = arith.addi %scan3A_108, %scan3A_109 : i32
        %scan3A_111 = arith.constant 1 : i32
        scf.for %scan3A_130 = %scan3A_108 to %scan3A_110 step %scan3A_111  : i32 {
          %get3A = arith.index_cast %scan3A_130 : i32 to index
          %get3A_131 = arith.constant 0 : index
          %get3A_132 = tpu.vector_load %arg19[%get3A, %get3A_131] {strides = array<i32>} : memref<40x128xf32, #tpu.memory_space<vmem>>, vector<1x16xf32>,
          %get3A_133 = vector.shape_cast %get3A_132 : vector<1x16xf32> to vector<16xf32>
          %get3A_134 = arith.index_cast %scan3A_130 : i32 to index
          %get3A_135 = arith.constant 0 : index
          %get3A_136 = tpu.vector_load %arg16[%get3A_134, %get3A_135] {strides = array<i32>} : memref<40x128xf32, #tpu.memory_space<vmem>>, vector<1x16xf32>,
          %get3A_137 = vector.shape_cast %get3A_136 : vector<1x16xf32> to vector<16xf32>
          %add3A_138 = arith.addf %get3A_133, %get3A_137 : vector<16xf32>
          %max3A = arith.constant 0.000000e+00 : f32
          %max3A_139 = vector.broadcast %max3A : f32 to vector<16xf32>
          %max3A_140 = arith.maximumf %add3A_138, %max3A_139 : vector<16xf32>
          %swap3A = arith.index_cast %scan3A_130 : i32 to index
          %swap3A_141 = arith.constant 0 : index
          %swap3A_142 = tpu.vector_load %arg19[%swap3A, %swap3A_141] {strides = array<i32>} : memref<40x128xf32, #tpu.memory_space<vmem>>, vector<1x16xf32>,
          %swap3A_143 = vector.shape_cast %swap3A_142 : vector<1x16xf32> to vector<16xf32>
          %swap3A_144 = vector.shape_cast %max3A_140 : vector<16xf32> to vector<1x16xf32>
          tpu.vector_store %arg19[%swap3A, %swap3A_141], %swap3A_144 {strides = array<i32>} : memref<40x128xf32, #tpu.memory_space<vmem>>, vector<1x16xf32>,
          %get3A_145 = arith.index_cast %scan3A_130 : i32 to index
          %get3A_146 = arith.constant 16 : index
          %get3A_147 = tpu.vector_load %arg19[%get3A_145, %get3A_146] {strides = array<i32>} : memref<40x128xf32, #tpu.memory_space<vmem>>, vector<1x16xf32>,
          %get3A_148 = vector.shape_cast %get3A_147 : vector<1x16xf32> to vector<16xf32>
          %get3A_149 = arith.index_cast %scan3A_130 : i32 to index
          %get3A_150 = arith.constant 16 : index
          %get3A_151 = tpu.vector_load %arg16[%get3A_149, %get3A_150] {strides = array<i32>} : memref<40x128xf32, #tpu.memory_space<vmem>>, vector<1x16xf32>,
          %get3A_152 = vector.shape_cast %get3A_151 : vector<1x16xf32> to vector<16xf32>
          %add3A_153 = arith.addf %get3A_148, %get3A_152 : vector<16xf32>
          %max3A_154 = arith.constant 0.000000e+00 : f32
          %max3A_155 = vector.broadcast %max3A_154 : f32 to vector<16xf32>
          %max3A_156 = arith.maximumf %add3A_153, %max3A_155 : vector<16xf32>
          %swap3A_157 = arith.index_cast %scan3A_130 : i32 to index
          %swap3A_158 = arith.constant 16 : index
          %swap3A_159 = tpu.vector_load %arg19[%swap3A_157, %swap3A_158] {strides = array<i32>} : memref<40x128xf32, #tpu.memory_space<vmem>>, vector<1x16xf32>,
          %swap3A_160 = vector.shape_cast %swap3A_159 : vector<1x16xf32> to vector<16xf32>
          %swap3A_161 = vector.shape_cast %max3A_156 : vector<16xf32> to vector<1x16xf32>
          tpu.vector_store %arg19[%swap3A_157, %swap3A_158], %swap3A_161 {strides = array<i32>} : memref<40x128xf32, #tpu.memory_space<vmem>>, vector<1x16xf32>,
          %get3A_162 = arith.index_cast %scan3A_130 : i32 to index
          %get3A_163 = arith.constant 32 : index
          %get3A_164 = tpu.vector_load %arg19[%get3A_162, %get3A_163] {strides = array<i32>} : memref<40x128xf32, #tpu.memory_space<vmem>>, vector<1x16xf32>,
          %get3A_165 = vector.shape_cast %get3A_164 : vector<1x16xf32> to vector<16xf32>
          %get3A_166 = arith.index_cast %scan3A_130 : i32 to index
          %get3A_167 = arith.constant 32 : index
          %get3A_168 = tpu.vector_load %arg16[%get3A_166, %get3A_167] {strides = array<i32>} : memref<40x128xf32, #tpu.memory_space<vmem>>, vector<1x16xf32>,
          %get3A_169 = vector.shape_cast %get3A_168 : vector<1x16xf32> to vector<16xf32>
          %add3A_170 = arith.addf %get3A_165, %get3A_169 : vector<16xf32>
          %max3A_171 = arith.constant 0.000000e+00 : f32
          %max3A_172 = vector.broadcast %max3A_171 : f32 to vector<16xf32>
          %max3A_173 = arith.maximumf %add3A_170, %max3A_172 : vector<16xf32>
          %swap3A_174 = arith.index_cast %scan3A_130 : i32 to index
          %swap3A_175 = arith.constant 32 : index
          %swap3A_176 = tpu.vector_load %arg19[%swap3A_174, %swap3A_175] {strides = array<i32>} : memref<40x128xf32, #tpu.memory_space<vmem>>, vector<1x16xf32>,
          %swap3A_177 = vector.shape_cast %swap3A_176 : vector<1x16xf32> to vector<16xf32>
          %swap3A_178 = vector.shape_cast %max3A_173 : vector<16xf32> to vector<1x16xf32>
          tpu.vector_store %arg19[%swap3A_174, %swap3A_175], %swap3A_178 {strides = array<i32>} : memref<40x128xf32, #tpu.memory_space<vmem>>, vector<1x16xf32>,
          %get3A_179 = arith.index_cast %scan3A_130 : i32 to index
          %get3A_180 = arith.constant 48 : index
          %get3A_181 = tpu.vector_load %arg19[%get3A_179, %get3A_180] {strides = array<i32>} : memref<40x128xf32, #tpu.memory_space<vmem>>, vector<1x16xf32>,
          %get3A_182 = vector.shape_cast %get3A_181 : vector<1x16xf32> to vector<16xf32>
          %get3A_183 = arith.index_cast %scan3A_130 : i32 to index
          %get3A_184 = arith.constant 48 : index
          %get3A_185 = tpu.vector_load %arg16[%get3A_183, %get3A_184] {strides = array<i32>} : memref<40x128xf32, #tpu.memory_space<vmem>>, vector<1x16xf32>,
          %get3A_186 = vector.shape_cast %get3A_185 : vector<1x16xf32> to vector<16xf32>
          %add3A_187 = arith.addf %get3A_182, %get3A_186 : vector<16xf32>
          %max3A_188 = arith.constant 0.000000e+00 : f32
          %max3A_189 = vector.broadcast %max3A_188 : f32 to vector<16xf32>
          %max3A_190 = arith.maximumf %add3A_187, %max3A_189 : vector<16xf32>
          %swap3A_191 = arith.index_cast %scan3A_130 : i32 to index
          %swap3A_192 = arith.constant 48 : index
          %swap3A_193 = tpu.vector_load %arg19[%swap3A_191, %swap3A_192] {strides = array<i32>} : memref<40x128xf32, #tpu.memory_space<vmem>>, vector<1x16xf32>,
          %swap3A_194 = vector.shape_cast %swap3A_193 : vector<1x16xf32> to vector<16xf32>
          %swap3A_195 = vector.shape_cast %max3A_190 : vector<16xf32> to vector<1x16xf32>
          tpu.vector_store %arg19[%swap3A_191, %swap3A_192], %swap3A_195 {strides = array<i32>} : memref<40x128xf32, #tpu.memory_space<vmem>>, vector<1x16xf32>,
          %get3A_196 = arith.index_cast %scan3A_130 : i32 to index
          %get3A_197 = arith.constant 64 : index
          %get3A_198 = tpu.vector_load %arg19[%get3A_196, %get3A_197] {strides = array<i32>} : memref<40x128xf32, #tpu.memory_space<vmem>>, vector<1x16xf32>,
          %get3A_199 = vector.shape_cast %get3A_198 : vector<1x16xf32> to vector<16xf32>
          %get3A_200 = arith.index_cast %scan3A_130 : i32 to index
          %get3A_201 = arith.constant 64 : index
          %get3A_202 = tpu.vector_load %arg16[%get3A_200, %get3A_201] {strides = array<i32>} : memref<40x128xf32, #tpu.memory_space<vmem>>, vector<1x16xf32>,
          %get3A_203 = vector.shape_cast %get3A_202 : vector<1x16xf32> to vector<16xf32>
          %add3A_204 = arith.addf %get3A_199, %get3A_203 : vector<16xf32>
          %max3A_205 = arith.constant 0.000000e+00 : f32
          %max3A_206 = vector.broadcast %max3A_205 : f32 to vector<16xf32>
          %max3A_207 = arith.maximumf %add3A_204, %max3A_206 : vector<16xf32>
          %swap3A_208 = arith.index_cast %scan3A_130 : i32 to index
          %swap3A_209 = arith.constant 64 : index
          %swap3A_210 = tpu.vector_load %arg19[%swap3A_208, %swap3A_209] {strides = array<i32>} : memref<40x128xf32, #tpu.memory_space<vmem>>, vector<1x16xf32>,
          %swap3A_211 = vector.shape_cast %swap3A_210 : vector<1x16xf32> to vector<16xf32>
          %swap3A_212 = vector.shape_cast %max3A_207 : vector<16xf32> to vector<1x16xf32>
          tpu.vector_store %arg19[%swap3A_208, %swap3A_209], %swap3A_212 {strides = array<i32>} : memref<40x128xf32, #tpu.memory_space<vmem>>, vector<1x16xf32>,
          %get3A_213 = arith.index_cast %scan3A_130 : i32 to index
          %get3A_214 = arith.constant 80 : index
          %get3A_215 = tpu.vector_load %arg19[%get3A_213, %get3A_214] {strides = array<i32>} : memref<40x128xf32, #tpu.memory_space<vmem>>, vector<1x16xf32>,
          %get3A_216 = vector.shape_cast %get3A_215 : vector<1x16xf32> to vector<16xf32>
          %get3A_217 = arith.index_cast %scan3A_130 : i32 to index
          %get3A_218 = arith.constant 80 : index
          %get3A_219 = tpu.vector_load %arg16[%get3A_217, %get3A_218] {strides = array<i32>} : memref<40x128xf32, #tpu.memory_space<vmem>>, vector<1x16xf32>,
          %get3A_220 = vector.shape_cast %get3A_219 : vector<1x16xf32> to vector<16xf32>
          %add3A_221 = arith.addf %get3A_216, %get3A_220 : vector<16xf32>
          %max3A_222 = arith.constant 0.000000e+00 : f32
          %max3A_223 = vector.broadcast %max3A_222 : f32 to vector<16xf32>
          %max3A_224 = arith.maximumf %add3A_221, %max3A_223 : vector<16xf32>
          %swap3A_225 = arith.index_cast %scan3A_130 : i32 to index
          %swap3A_226 = arith.constant 80 : index
          %swap3A_227 = tpu.vector_load %arg19[%swap3A_225, %swap3A_226] {strides = array<i32>} : memref<40x128xf32, #tpu.memory_space<vmem>>, vector<1x16xf32>,
          %swap3A_228 = vector.shape_cast %swap3A_227 : vector<1x16xf32> to vector<16xf32>
          %swap3A_229 = vector.shape_cast %max3A_224 : vector<16xf32> to vector<1x16xf32>
          tpu.vector_store %arg19[%swap3A_225, %swap3A_226], %swap3A_229 {strides = array<i32>} : memref<40x128xf32, #tpu.memory_space<vmem>>, vector<1x16xf32>,
          %get3A_230 = arith.index_cast %scan3A_130 : i32 to index
          %get3A_231 = arith.constant 96 : index
          %get3A_232 = tpu.vector_load %arg19[%get3A_230, %get3A_231] {strides = array<i32>} : memref<40x128xf32, #tpu.memory_space<vmem>>, vector<1x16xf32>,
          %get3A_233 = vector.shape_cast %get3A_232 : vector<1x16xf32> to vector<16xf32>
          %get3A_234 = arith.index_cast %scan3A_130 : i32 to index
          %get3A_235 = arith.constant 96 : index
          %get3A_236 = tpu.vector_load %arg16[%get3A_234, %get3A_235] {strides = array<i32>} : memref<40x128xf32, #tpu.memory_space<vmem>>, vector<1x16xf32>,
          %get3A_237 = vector.shape_cast %get3A_236 : vector<1x16xf32> to vector<16xf32>
          %add3A_238 = arith.addf %get3A_233, %get3A_237 : vector<16xf32>
          %max3A_239 = arith.constant 0.000000e+00 : f32
          %max3A_240 = vector.broadcast %max3A_239 : f32 to vector<16xf32>
          %max3A_241 = arith.maximumf %add3A_238, %max3A_240 : vector<16xf32>
          %swap3A_242 = arith.index_cast %scan3A_130 : i32 to index
          %swap3A_243 = arith.constant 96 : index
          %swap3A_244 = tpu.vector_load %arg19[%swap3A_242, %swap3A_243] {strides = array<i32>} : memref<40x128xf32, #tpu.memory_space<vmem>>, vector<1x16xf32>,
          %swap3A_245 = vector.shape_cast %swap3A_244 : vector<1x16xf32> to vector<16xf32>
          %swap3A_246 = vector.shape_cast %max3A_241 : vector<16xf32> to vector<1x16xf32>
          tpu.vector_store %arg19[%swap3A_242, %swap3A_243], %swap3A_246 {strides = array<i32>} : memref<40x128xf32, #tpu.memory_space<vmem>>, vector<1x16xf32>,
          %get3A_247 = arith.index_cast %scan3A_130 : i32 to index
          %get3A_248 = arith.constant 112 : index
          %get3A_249 = tpu.vector_load %arg19[%get3A_247, %get3A_248] {strides = array<i32>} : memref<40x128xf32, #tpu.memory_space<vmem>>, vector<1x16xf32>,
          %get3A_250 = vector.shape_cast %get3A_249 : vector<1x16xf32> to vector<16xf32>
          %get3A_251 = arith.index_cast %scan3A_130 : i32 to index
          %get3A_252 = arith.constant 112 : index
          %get3A_253 = tpu.vector_load %arg16[%get3A_251, %get3A_252] {strides = array<i32>} : memref<40x128xf32, #tpu.memory_space<vmem>>, vector<1x16xf32>,
          %get3A_254 = vector.shape_cast %get3A_253 : vector<1x16xf32> to vector<16xf32>
          %add3A_255 = arith.addf %get3A_250, %get3A_254 : vector<16xf32>
          %max3A_256 = arith.constant 0.000000e+00 : f32
          %max3A_257 = vector.broadcast %max3A_256 : f32 to vector<16xf32>
          %max3A_258 = arith.maximumf %add3A_255, %max3A_257 : vector<16xf32>
          %swap3A_259 = arith.index_cast %scan3A_130 : i32 to index
          %swap3A_260 = arith.constant 112 : index
          %swap3A_261 = tpu.vector_load %arg19[%swap3A_259, %swap3A_260] {strides = array<i32>} : memref<40x128xf32, #tpu.memory_space<vmem>>, vector<1x16xf32>,
          %swap3A_262 = vector.shape_cast %swap3A_261 : vector<1x16xf32> to vector<16xf32>
          %swap3A_263 = vector.shape_cast %max3A_258 : vector<16xf32> to vector<1x16xf32>
          tpu.vector_store %arg19[%swap3A_259, %swap3A_260], %swap3A_263 {strides = array<i32>} : memref<40x128xf32, #tpu.memory_space<vmem>>, vector<1x16xf32>,
        }
        %scan3A_112 = arith.constant 40 : i32
        %dma_start3A_113 = arith.constant 0 : i32
        %dma_start3A_114 = arith.constant 0 : i32
        %dma_start3A_115 = tpu.memref_slice %arg29[%dma_start3A_113, %dma_start3A_114] : memref<10000x128xf32, #tpu.memory_space<vmem_shared>> -> memref<10000x128xf32, #tpu.memory_space<vmem_shared>>
        tpu.enqueue_indirect_dma source(%arg19 : memref<40x128xf32, #tpu.memory_space<vmem>>) target(%dma_start3A_115 : memref<10000x128xf32, #tpu.memory_space<vmem_shared>>) offsets(%arg13 : memref<40xi32, #tpu.memory_space<vmem>>) semaphore(%arg28 : memref<!tpu.dma_semaphore, #tpu.memory_space<semaphore_mem>>) {add = true}
        %add3A_116 = arith.constant 1 : i32
        %add3A_117 = arith.addi %add3A_89, %add3A_116 : i32
        %lt3A_118 = arith.constant 250 : i32
        %lt3A_119 = arith.cmpi slt, %add3A_117, %lt3A_118 : i32
        %convert_element_type3A_120 = arith.extui %lt3A_119 : i1 to i32
        %cond3A_121 = arith.constant 0 : i32
        %cond3A_122 = arith.cmpi ne, %convert_element_type3A_120, %cond3A_121 : i32
        scf.if %cond3A_122 {
          %dma_wait3A_130 = arith.constant 0 : i32
          %dma_wait3A_131 = tpu.memref_slice %arg4[%dma_wait3A_130] : memref<320000xi32, #tpu.memory_space<hbm>> -> memref<40xi32, #tpu.memory_space<hbm>>
          %dma_wait3A_132 = arith.constant 0 : i32
          %dma_wait3A_133 = tpu.memref_slice %arg4[%dma_wait3A_132] : memref<320000xi32, #tpu.memory_space<hbm>> -> memref<40xi32, #tpu.memory_space<hbm>>
          tpu.wait_dma2 semaphore(%arg20 : memref<!tpu.dma_semaphore, #tpu.memory_space<semaphore_mem>>) src(%dma_wait3A_133 : memref<40xi32, #tpu.memory_space<hbm>>) dst(%arg8 : memref<40xi32, #tpu.memory_space<vmem>>)
          %dma_wait3A_134 = arith.constant 0 : i32
          %dma_wait3A_135 = tpu.memref_slice %arg4[%dma_wait3A_134] : memref<320000xi32, #tpu.memory_space<hbm>> -> memref<40xi32, #tpu.memory_space<hbm>>
          %dma_wait3A_136 = arith.constant 0 : i32
          %dma_wait3A_137 = tpu.memref_slice %arg4[%dma_wait3A_136] : memref<320000xi32, #tpu.memory_space<hbm>> -> memref<40xi32, #tpu.memory_space<hbm>>
          tpu.wait_dma2 semaphore(%arg20 : memref<!tpu.dma_semaphore, #tpu.memory_space<semaphore_mem>>) src(%dma_wait3A_137 : memref<40xi32, #tpu.memory_space<hbm>>) dst(%arg11 : memref<40xi32, #tpu.memory_space<vmem>>)
          %dma_start3A_138 = arith.constant 0 : i32
          %dma_start3A_139 = arith.constant 0 : i32
          %dma_start3A_140 = tpu.memref_slice %arg2[%dma_start3A_138, %dma_start3A_139] : memref<10000x128xf32, #tpu.memory_space<hbm>> -> memref<10000x128xf32, #tpu.memory_space<hbm>>
          tpu.enqueue_indirect_dma source(%dma_start3A_140 : memref<10000x128xf32, #tpu.memory_space<hbm>>) target(%arg14 : memref<40x128xf32, #tpu.memory_space<vmem>>) offsets(%arg8 : memref<40xi32, #tpu.memory_space<vmem>>) semaphore(%arg23 : memref<!tpu.dma_semaphore, #tpu.memory_space<semaphore_mem>>)
        } else {
        }
        %add3A_123 = arith.constant 2 : i32
        %add3A_124 = arith.addi %add3A_89, %add3A_123 : i32
        %lt3A_125 = arith.constant 250 : i32
        %lt3A_126 = arith.cmpi slt, %add3A_124, %lt3A_125 : i32
        %convert_element_type3A_127 = arith.extui %lt3A_126 : i1 to i32
        %cond3A_128 = arith.constant 0 : i32
        %cond3A_129 = arith.cmpi ne, %convert_element_type3A_127, %cond3A_128 : i32
        scf.if %cond3A_129 {
          %ge3A = arith.constant 1 : i32
          %ge3A_130 = arith.cmpi sge, %add3A_89, %ge3A : i32
          %convert_element_type3A_131 = arith.extui %ge3A_130 : i1 to i32
          %cond3A_132 = arith.constant 0 : i32
          %cond3A_133 = arith.cmpi ne, %convert_element_type3A_131, %cond3A_132 : i32
          scf.if %cond3A_133 {
            %dma_wait3A_147 = arith.constant 0 : i32
            %dma_wait3A_148 = arith.constant 0 : i32
            %dma_wait3A_149 = tpu.memref_slice %arg29[%dma_wait3A_147, %dma_wait3A_148] : memref<10000x128xf32, #tpu.memory_space<vmem_shared>> -> memref<40x128xf32, #tpu.memory_space<vmem_shared>>
            %dma_wait3A_150 = arith.constant 0 : i32
            %dma_wait3A_151 = arith.constant 0 : i32
            %dma_wait3A_152 = tpu.memref_slice %arg29[%dma_wait3A_150, %dma_wait3A_151] : memref<10000x128xf32, #tpu.memory_space<vmem_shared>> -> memref<40x128xf32, #tpu.memory_space<vmem_shared>>
            tpu.wait_dma2 semaphore(%arg27 : memref<!tpu.dma_semaphore, #tpu.memory_space<semaphore_mem>>) src(%arg18 : memref<40x128xf32, #tpu.memory_space<vmem>>) dst(%dma_wait3A_152 : memref<40x128xf32, #tpu.memory_space<vmem_shared>>)
          } else {
          }
          %add3A_134 = arith.constant 2 : i32
          %add3A_135 = arith.addi %add3A_89, %add3A_134 : i32
          %mul3A_136 = arith.constant 40 : i32
          %mul3A_137 = arith.muli %add3A_135, %mul3A_136 : i32
          %add3A_138 = arith.addi %mul3A_2, %mul3A_137 : i32
          %dma_start3A_139 = tpu.memref_slice %arg4[%add3A_138] : memref<320000xi32, #tpu.memory_space<hbm>> -> memref<40xi32, #tpu.memory_space<hbm>>
          %dma_start3A_140 = tpu.memref_slice %arg4[%add3A_138] : memref<320000xi32, #tpu.memory_space<hbm>> -> memref<40xi32, #tpu.memory_space<hbm>>
          tpu.enqueue_dma source(%dma_start3A_140 : memref<40xi32, #tpu.memory_space<hbm>>) target(%arg9 : memref<40xi32, #tpu.memory_space<vmem>>) target_semaphore(%arg21 : memref<!tpu.dma_semaphore, #tpu.memory_space<semaphore_mem>>)
          %dma_start3A_141 = tpu.memref_slice %arg5[%add3A_138] : memref<320000xi32, #tpu.memory_space<hbm>> -> memref<40xi32, #tpu.memory_space<hbm>>
          %dma_start3A_142 = tpu.memref_slice %arg5[%add3A_138] : memref<320000xi32, #tpu.memory_space<hbm>> -> memref<40xi32, #tpu.memory_space<hbm>>
          tpu.enqueue_dma source(%dma_start3A_142 : memref<40xi32, #tpu.memory_space<hbm>>) target(%arg12 : memref<40xi32, #tpu.memory_space<vmem>>) target_semaphore(%arg21 : memref<!tpu.dma_semaphore, #tpu.memory_space<semaphore_mem>>)
          %dma_start3A_143 = arith.constant 0 : i32
          %dma_start3A_144 = tpu.memref_slice %arg3[%add3A_138, %dma_start3A_143] : memref<320000x128xf32, #tpu.memory_space<hbm>> -> memref<40x128xf32, #tpu.memory_space<hbm>>
          %dma_start3A_145 = arith.constant 0 : i32
          %dma_start3A_146 = tpu.memref_slice %arg3[%add3A_138, %dma_start3A_145] : memref<320000x128xf32, #tpu.memory_space<hbm>> -> memref<40x128xf32, #tpu.memory_space<hbm>>
          tpu.enqueue_dma source(%dma_start3A_146 : memref<40x128xf32, #tpu.memory_space<hbm>>) target(%arg18 : memref<40x128xf32, #tpu.memory_space<vmem>>) target_semaphore(%arg24 : memref<!tpu.dma_semaphore, #tpu.memory_space<semaphore_mem>>)
        } else {
        }
      } else {
      }
    }
    %scan3A_48 = arith.constant 84 : i32
    %dma_wait3A_49 = arith.constant 0 : i32
    %dma_wait3A_50 = arith.constant 0 : i32
    %dma_wait3A_51 = tpu.memref_slice %arg29[%dma_wait3A_49, %dma_wait3A_50] : memref<10000x128xf32, #tpu.memory_space<vmem_shared>> -> memref<40x128xf32, #tpu.memory_space<vmem_shared>>
    %dma_wait3A_52 = arith.constant 0 : i32
    %dma_wait3A_53 = arith.constant 0 : i32
    %dma_wait3A_54 = tpu.memref_slice %arg29[%dma_wait3A_52, %dma_wait3A_53] : memref<10000x128xf32, #tpu.memory_space<vmem_shared>> -> memref<40x128xf32, #tpu.memory_space<vmem_shared>>
    tpu.wait_dma2 semaphore(%arg26 : memref<!tpu.dma_semaphore, #tpu.memory_space<semaphore_mem>>) src(%arg17 : memref<40x128xf32, #tpu.memory_space<vmem>>) dst(%dma_wait3A_54 : memref<40x128xf32, #tpu.memory_space<vmem_shared>>)
    %dma_wait3A_55 = arith.constant 0 : i32
    %dma_wait3A_56 = arith.constant 0 : i32
    %dma_wait3A_57 = tpu.memref_slice %arg29[%dma_wait3A_55, %dma_wait3A_56] : memref<10000x128xf32, #tpu.memory_space<vmem_shared>> -> memref<40x128xf32, #tpu.memory_space<vmem_shared>>
    %dma_wait3A_58 = arith.constant 0 : i32
    %dma_wait3A_59 = arith.constant 0 : i32
    %dma_wait3A_60 = tpu.memref_slice %arg29[%dma_wait3A_58, %dma_wait3A_59] : memref<10000x128xf32, #tpu.memory_space<vmem_shared>> -> memref<40x128xf32, #tpu.memory_space<vmem_shared>>
    tpu.wait_dma2 semaphore(%arg27 : memref<!tpu.dma_semaphore, #tpu.memory_space<semaphore_mem>>) src(%arg18 : memref<40x128xf32, #tpu.memory_space<vmem>>) dst(%dma_wait3A_60 : memref<40x128xf32, #tpu.memory_space<vmem_shared>>)
    %dma_wait3A_61 = arith.constant 0 : i32
    %dma_wait3A_62 = arith.constant 0 : i32
    %dma_wait3A_63 = tpu.memref_slice %arg29[%dma_wait3A_61, %dma_wait3A_62] : memref<10000x128xf32, #tpu.memory_space<vmem_shared>> -> memref<40x128xf32, #tpu.memory_space<vmem_shared>>
    %dma_wait3A_64 = arith.constant 0 : i32
    %dma_wait3A_65 = arith.constant 0 : i32
    %dma_wait3A_66 = tpu.memref_slice %arg29[%dma_wait3A_64, %dma_wait3A_65] : memref<10000x128xf32, #tpu.memory_space<vmem_shared>> -> memref<40x128xf32, #tpu.memory_space<vmem_shared>>
    tpu.wait_dma2 semaphore(%arg28 : memref<!tpu.dma_semaphore, #tpu.memory_space<semaphore_mem>>) src(%arg19 : memref<40x128xf32, #tpu.memory_space<vmem>>) dst(%dma_wait3A_66 : memref<40x128xf32, #tpu.memory_space<vmem_shared>>)
    %barrier3A_67 = arith.constant 0 : index
    tpu.barrier barrier_id(%barrier3A_67)
    %scan3A_68 = arith.constant 0 : i32
    %scan3A_69 = arith.constant 0 : i32
    %scan3A_70 = arith.constant 16 : i32
    %scan3A_71 = arith.addi %scan3A_69, %scan3A_70 : i32
    %scan3A_72 = arith.constant 1 : i32
    scf.for %scan3A_74 = %scan3A_69 to %scan3A_71 step %scan3A_72  : i32 {
      %mul3A_75 = arith.constant 16 : i32
      %mul3A_76 = arith.muli %mul3A_75, %scan3A_74 : i32
      %add3A_77 = arith.addi %arg1, %mul3A_76 : i32
      %lt3A = arith.constant 250 : i32
      %lt3A_78 = arith.cmpi slt, %add3A_77, %lt3A : i32
      %convert_element_type3A = arith.extui %lt3A_78 : i1 to i32
      %cond3A = arith.constant 0 : i32
      %cond3A_79 = arith.cmpi ne, %convert_element_type3A, %cond3A : i32
      scf.if %cond3A_79 {
        %mul3A_80 = arith.constant 40 : i32
        %mul3A_81 = arith.muli %add3A_77, %mul3A_80 : i32
        %eq3A = arith.constant 0 : i32
        %eq3A_82 = arith.cmpi eq, %arg0, %eq3A : i32
        %convert_element_type3A_83 = arith.extui %eq3A_82 : i1 to i32
        %cond3A_84 = arith.constant 0 : i32
        %cond3A_85 = arith.cmpi ne, %convert_element_type3A_83, %cond3A_84 : i32
        scf.if %cond3A_85 {
          "tpu.region"() ({
            %run_scoped3A = tpu.sem_alloc : memref<!tpu.dma_semaphore, #tpu.memory_space<semaphore_mem>>
            %dma_start3A_91 = arith.constant 0 : i32
            %dma_start3A_92 = tpu.memref_slice %arg6[%mul3A_81, %dma_start3A_91] : memref<10000x128xf32, #tpu.memory_space<hbm>> -> memref<40x128xf32, #tpu.memory_space<hbm>>
            %dma_start3A_93 = arith.constant 0 : i32
            %dma_start3A_94 = tpu.memref_slice %arg29[%mul3A_81, %dma_start3A_93] : memref<10000x128xf32, #tpu.memory_space<vmem_shared>> -> memref<40x128xf32, #tpu.memory_space<vmem_shared>>
            tpu.enqueue_dma source(%dma_start3A_94 : memref<40x128xf32, #tpu.memory_space<vmem_shared>>) target(%dma_start3A_92 : memref<40x128xf32, #tpu.memory_space<hbm>>) target_semaphore(%run_scoped3A : memref<!tpu.dma_semaphore, #tpu.memory_space<semaphore_mem>>)
            %dma_wait3A_95 = arith.constant 0 : i32
            %dma_wait3A_96 = tpu.memref_slice %arg6[%mul3A_81, %dma_wait3A_95] : memref<10000x128xf32, #tpu.memory_space<hbm>> -> memref<40x128xf32, #tpu.memory_space<hbm>>
            %dma_wait3A_97 = arith.constant 0 : i32
            %dma_wait3A_98 = tpu.memref_slice %arg29[%mul3A_81, %dma_wait3A_97] : memref<10000x128xf32, #tpu.memory_space<vmem_shared>> -> memref<40x128xf32, #tpu.memory_space<vmem_shared>>
            tpu.wait_dma2 semaphore(%run_scoped3A : memref<!tpu.dma_semaphore, #tpu.memory_space<semaphore_mem>>) src(%dma_wait3A_98 : memref<40x128xf32, #tpu.memory_space<vmem_shared>>) dst(%dma_wait3A_96 : memref<40x128xf32, #tpu.memory_space<hbm>>)
            tpu.yield
          }) : () -> ()
        } else {
        }
        %eq3A_86 = arith.constant 1 : i32
        %eq3A_87 = arith.cmpi eq, %arg0, %eq3A_86 : i32
        %convert_element_type3A_88 = arith.extui %eq3A_87 : i1 to i32
        %cond3A_89 = arith.constant 0 : i32
        %cond3A_90 = arith.cmpi ne, %convert_element_type3A_88, %cond3A_89 : i32
        scf.if %cond3A_90 {
          "tpu.region"() ({
            %run_scoped3A = tpu.sem_alloc : memref<!tpu.dma_semaphore, #tpu.memory_space<semaphore_mem>>
            %dma_start3A_91 = arith.constant 0 : i32
            %dma_start3A_92 = tpu.memref_slice %arg7[%mul3A_81, %dma_start3A_91] : memref<10000x128xf32, #tpu.memory_space<hbm>> -> memref<40x128xf32, #tpu.memory_space<hbm>>
            %dma_start3A_93 = arith.constant 0 : i32
            %dma_start3A_94 = tpu.memref_slice %arg29[%mul3A_81, %dma_start3A_93] : memref<10000x128xf32, #tpu.memory_space<vmem_shared>> -> memref<40x128xf32, #tpu.memory_space<vmem_shared>>
            tpu.enqueue_dma source(%dma_start3A_94 : memref<40x128xf32, #tpu.memory_space<vmem_shared>>) target(%dma_start3A_92 : memref<40x128xf32, #tpu.memory_space<hbm>>) target_semaphore(%run_scoped3A : memref<!tpu.dma_semaphore, #tpu.memory_space<semaphore_mem>>)
            %dma_wait3A_95 = arith.constant 0 : i32
            %dma_wait3A_96 = tpu.memref_slice %arg7[%mul3A_81, %dma_wait3A_95] : memref<10000x128xf32, #tpu.memory_space<hbm>> -> memref<40x128xf32, #tpu.memory_space<hbm>>
            %dma_wait3A_97 = arith.constant 0 : i32
            %dma_wait3A_98 = tpu.memref_slice %arg29[%mul3A_81, %dma_wait3A_97] : memref<10000x128xf32, #tpu.memory_space<vmem_shared>> -> memref<40x128xf32, #tpu.memory_space<vmem_shared>>
            tpu.wait_dma2 semaphore(%run_scoped3A : memref<!tpu.dma_semaphore, #tpu.memory_space<semaphore_mem>>) src(%dma_wait3A_98 : memref<40x128xf32, #tpu.memory_space<vmem_shared>>) dst(%dma_wait3A_96 : memref<40x128xf32, #tpu.memory_space<hbm>>)
            tpu.yield
          }) : () -> ()
        } else {
        }
      } else {
      }
    }
    %scan3A_73 = arith.constant 16 : i32
    return
  }
}

#map = affine_map<(d0, d1) -> (0, 0)>
#map1 = affine_map<(d0, d1) -> (0)>
module attributes {stable_mosaic.version = 14 : i64} {
  func.func @_mp_body(%arg0: i32, %arg1: i32, %arg2: memref<10000x128xf32, #tpu.memory_space<hbm>>, %arg3: memref<320000x128xf32, #tpu.memory_space<hbm>>, %arg4: memref<320000xi32, #tpu.memory_space<hbm>>, %arg5: memref<320000xi32, #tpu.memory_space<hbm>>, %arg6: memref<10000x128xf32, #tpu.memory_space<hbm>>, %arg7: memref<10000x128xf32, #tpu.memory_space<hbm>>, %arg8: memref<40xi32, #tpu.memory_space<vmem>>, %arg9: memref<40xi32, #tpu.memory_space<vmem>>, %arg10: memref<40xi32, #tpu.memory_space<vmem>>, %arg11: memref<40xi32, #tpu.memory_space<vmem>>, %arg12: memref<40xi32, #tpu.memory_space<vmem>>, %arg13: memref<40xi32, #tpu.memory_space<vmem>>, %arg14: memref<40x128xf32, #tpu.memory_space<vmem>>, %arg15: memref<40x128xf32, #tpu.memory_space<vmem>>, %arg16: memref<40x128xf32, #tpu.memory_space<vmem>>, %arg17: memref<40x128xf32, #tpu.memory_space<vmem>>, %arg18: memref<40x128xf32, #tpu.memory_space<vmem>>, %arg19: memref<40x128xf32, #tpu.memory_space<vmem>>, %arg20: memref<!tpu.dma_semaphore, #tpu.memory_space<semaphore_mem>>, %arg21: memref<!tpu.dma_semaphore, #tpu.memory_space<semaphore_mem>>, %arg22: memref<!tpu.dma_semaphore, #tpu.memory_space<semaphore_mem>>, %arg23: memref<!tpu.dma_semaphore, #tpu.memory_space<semaphore_mem>>, %arg24: memref<!tpu.dma_semaphore, #tpu.memory_space<semaphore_mem>>, %arg25: memref<!tpu.dma_semaphore, #tpu.memory_space<semaphore_mem>>, %arg26: memref<!tpu.dma_semaphore, #tpu.memory_space<semaphore_mem>>, %arg27: memref<!tpu.dma_semaphore, #tpu.memory_space<semaphore_mem>>, %arg28: memref<!tpu.dma_semaphore, #tpu.memory_space<semaphore_mem>>, %arg29: memref<10000x128xf32, #tpu.memory_space<vmem_shared>>) attributes {dimension_semantics = [#tpu.dimension_semantics<core_parallel>, #tpu.dimension_semantics<subcore_parallel>], iteration_bounds = array<i64: 2, 16>, scalar_prefetch = 0 : i64, scratch_operands = 22 : i64, tpu.core_type = #tpu.core_type<sc_vector_subcore>, window_params = [{transform_indices = #map}, {transform_indices = #map}, {transform_indices = #map1}, {transform_indices = #map1}, {transform_indices = #map}, {transform_indices = #map}]} {
    %mul3A = arith.constant 2 : i32
    %mul3A_0 = arith.muli %arg1, %mul3A : i32
    %add3A = arith.addi %mul3A_0, %arg0 : i32
    %mul3A_1 = arith.constant 10000 : i32
    %mul3A_2 = arith.muli %add3A, %mul3A_1 : i32
    %scan3A = arith.constant 0 : i32
    %scan3A_3 = arith.constant 0 : i32
    %scan3A_4 = arith.constant 40 : i32
    %scan3A_5 = arith.addi %scan3A_3, %scan3A_4 : i32
    %scan3A_6 = arith.constant 1 : i32
    scf.for %scan3A_74 = %scan3A_3 to %scan3A_5 step %scan3A_6  : i32 {
      %broadcast_in_dim3A = arith.constant 0.000000e+00 : f32
      %broadcast_in_dim3A_75 = vector.broadcast %broadcast_in_dim3A : f32 to vector<16xf32>
      %swap3A = arith.index_cast %scan3A_74 : i32 to index
      %swap3A_76 = arith.constant 0 : index
      %swap3A_77 = tpu.vector_load %arg14[%swap3A, %swap3A_76] {strides = array<i32>} : memref<40x128xf32, #tpu.memory_space<vmem>>, vector<1x16xf32>,
      %swap3A_78 = vector.shape_cast %swap3A_77 : vector<1x16xf32> to vector<16xf32>
      %swap3A_79 = vector.shape_cast %broadcast_in_dim3A_75 : vector<16xf32> to vector<1x16xf32>
      tpu.vector_store %arg14[%swap3A, %swap3A_76], %swap3A_79 {strides = array<i32>} : memref<40x128xf32, #tpu.memory_space<vmem>>, vector<1x16xf32>,
      %broadcast_in_dim3A_80 = arith.constant 0.000000e+00 : f32
      %broadcast_in_dim3A_81 = vector.broadcast %broadcast_in_dim3A_80 : f32 to vector<16xf32>
      %swap3A_82 = arith.index_cast %scan3A_74 : i32 to index
      %swap3A_83 = arith.constant 16 : index
      %swap3A_84 = tpu.vector_load %arg14[%swap3A_82, %swap3A_83] {strides = array<i32>} : memref<40x128xf32, #tpu.memory_space<vmem>>, vector<1x16xf32>,
      %swap3A_85 = vector.shape_cast %swap3A_84 : vector<1x16xf32> to vector<16xf32>
      %swap3A_86 = vector.shape_cast %broadcast_in_dim3A_81 : vector<16xf32> to vector<1x16xf32>
      tpu.vector_store %arg14[%swap3A_82, %swap3A_83], %swap3A_86 {strides = array<i32>} : memref<40x128xf32, #tpu.memory_space<vmem>>, vector<1x16xf32>,
      %broadcast_in_dim3A_87 = arith.constant 0.000000e+00 : f32
      %broadcast_in_dim3A_88 = vector.broadcast %broadcast_in_dim3A_87 : f32 to vector<16xf32>
      %swap3A_89 = arith.index_cast %scan3A_74 : i32 to index
      %swap3A_90 = arith.constant 32 : index
      %swap3A_91 = tpu.vector_load %arg14[%swap3A_89, %swap3A_90] {strides = array<i32>} : memref<40x128xf32, #tpu.memory_space<vmem>>, vector<1x16xf32>,
      %swap3A_92 = vector.shape_cast %swap3A_91 : vector<1x16xf32> to vector<16xf32>
      %swap3A_93 = vector.shape_cast %broadcast_in_dim3A_88 : vector<16xf32> to vector<1x16xf32>
      tpu.vector_store %arg14[%swap3A_89, %swap3A_90], %swap3A_93 {strides = array<i32>} : memref<40x128xf32, #tpu.memory_space<vmem>>, vector<1x16xf32>,
      %broadcast_in_dim3A_94 = arith.constant 0.000000e+00 : f32
      %broadcast_in_dim3A_95 = vector.broadcast %broadcast_in_dim3A_94 : f32 to vector<16xf32>
      %swap3A_96 = arith.index_cast %scan3A_74 : i32 to index
      %swap3A_97 = arith.constant 48 : index
      %swap3A_98 = tpu.vector_load %arg14[%swap3A_96, %swap3A_97] {strides = array<i32>} : memref<40x128xf32, #tpu.memory_space<vmem>>, vector<1x16xf32>,
      %swap3A_99 = vector.shape_cast %swap3A_98 : vector<1x16xf32> to vector<16xf32>
      %swap3A_100 = vector.shape_cast %broadcast_in_dim3A_95 : vector<16xf32> to vector<1x16xf32>
      tpu.vector_store %arg14[%swap3A_96, %swap3A_97], %swap3A_100 {strides = array<i32>} : memref<40x128xf32, #tpu.memory_space<vmem>>, vector<1x16xf32>,
      %broadcast_in_dim3A_101 = arith.constant 0.000000e+00 : f32
      %broadcast_in_dim3A_102 = vector.broadcast %broadcast_in_dim3A_101 : f32 to vector<16xf32>
      %swap3A_103 = arith.index_cast %scan3A_74 : i32 to index
      %swap3A_104 = arith.constant 64 : index
      %swap3A_105 = tpu.vector_load %arg14[%swap3A_103, %swap3A_104] {strides = array<i32>} : memref<40x128xf32, #tpu.memory_space<vmem>>, vector<1x16xf32>,
      %swap3A_106 = vector.shape_cast %swap3A_105 : vector<1x16xf32> to vector<16xf32>
      %swap3A_107 = vector.shape_cast %broadcast_in_dim3A_102 : vector<16xf32> to vector<1x16xf32>
      tpu.vector_store %arg14[%swap3A_103, %swap3A_104], %swap3A_107 {strides = array<i32>} : memref<40x128xf32, #tpu.memory_space<vmem>>, vector<1x16xf32>,
      %broadcast_in_dim3A_108 = arith.constant 0.000000e+00 : f32
      %broadcast_in_dim3A_109 = vector.broadcast %broadcast_in_dim3A_108 : f32 to vector<16xf32>
      %swap3A_110 = arith.index_cast %scan3A_74 : i32 to index
      %swap3A_111 = arith.constant 80 : index
      %swap3A_112 = tpu.vector_load %arg14[%swap3A_110, %swap3A_111] {strides = array<i32>} : memref<40x128xf32, #tpu.memory_space<vmem>>, vector<1x16xf32>,
      %swap3A_113 = vector.shape_cast %swap3A_112 : vector<1x16xf32> to vector<16xf32>
      %swap3A_114 = vector.shape_cast %broadcast_in_dim3A_109 : vector<16xf32> to vector<1x16xf32>
      tpu.vector_store %arg14[%swap3A_110, %swap3A_111], %swap3A_114 {strides = array<i32>} : memref<40x128xf32, #tpu.memory_space<vmem>>, vector<1x16xf32>,
      %broadcast_in_dim3A_115 = arith.constant 0.000000e+00 : f32
      %broadcast_in_dim3A_116 = vector.broadcast %broadcast_in_dim3A_115 : f32 to vector<16xf32>
      %swap3A_117 = arith.index_cast %scan3A_74 : i32 to index
      %swap3A_118 = arith.constant 96 : index
      %swap3A_119 = tpu.vector_load %arg14[%swap3A_117, %swap3A_118] {strides = array<i32>} : memref<40x128xf32, #tpu.memory_space<vmem>>, vector<1x16xf32>,
      %swap3A_120 = vector.shape_cast %swap3A_119 : vector<1x16xf32> to vector<16xf32>
      %swap3A_121 = vector.shape_cast %broadcast_in_dim3A_116 : vector<16xf32> to vector<1x16xf32>
      tpu.vector_store %arg14[%swap3A_117, %swap3A_118], %swap3A_121 {strides = array<i32>} : memref<40x128xf32, #tpu.memory_space<vmem>>, vector<1x16xf32>,
      %broadcast_in_dim3A_122 = arith.constant 0.000000e+00 : f32
      %broadcast_in_dim3A_123 = vector.broadcast %broadcast_in_dim3A_122 : f32 to vector<16xf32>
      %swap3A_124 = arith.index_cast %scan3A_74 : i32 to index
      %swap3A_125 = arith.constant 112 : index
      %swap3A_126 = tpu.vector_load %arg14[%swap3A_124, %swap3A_125] {strides = array<i32>} : memref<40x128xf32, #tpu.memory_space<vmem>>, vector<1x16xf32>,
      %swap3A_127 = vector.shape_cast %swap3A_126 : vector<1x16xf32> to vector<16xf32>
      %swap3A_128 = vector.shape_cast %broadcast_in_dim3A_123 : vector<16xf32> to vector<1x16xf32>
      tpu.vector_store %arg14[%swap3A_124, %swap3A_125], %swap3A_128 {strides = array<i32>} : memref<40x128xf32, #tpu.memory_space<vmem>>, vector<1x16xf32>,
    }
    %scan3A_7 = arith.constant 40 : i32
    %scan3A_8 = arith.constant 0 : i32
    %scan3A_9 = arith.constant 0 : i32
    %scan3A_10 = arith.constant 16 : i32
    %scan3A_11 = arith.addi %scan3A_9, %scan3A_10 : i32
    %scan3A_12 = arith.constant 1 : i32
    scf.for %scan3A_74 = %scan3A_9 to %scan3A_11 step %scan3A_12  : i32 {
      %mul3A_75 = arith.constant 16 : i32
      %mul3A_76 = arith.muli %mul3A_75, %scan3A_74 : i32
      %add3A_77 = arith.addi %arg1, %mul3A_76 : i32
      %lt3A = arith.constant 250 : i32
      %lt3A_78 = arith.cmpi slt, %add3A_77, %lt3A : i32
      %convert_element_type3A = arith.extui %lt3A_78 : i1 to i32
      %cond3A = arith.constant 0 : i32
      %cond3A_79 = arith.cmpi ne, %convert_element_type3A, %cond3A : i32
      scf.if %cond3A_79 {
        %mul3A_80 = arith.constant 40 : i32
        %mul3A_81 = arith.muli %add3A_77, %mul3A_80 : i32
        "tpu.region"() ({
          %run_scoped3A = tpu.sem_alloc : memref<!tpu.dma_semaphore, #tpu.memory_space<semaphore_mem>>
          %dma_start3A_82 = arith.constant 0 : i32
          %dma_start3A_83 = tpu.memref_slice %arg29[%mul3A_81, %dma_start3A_82] : memref<10000x128xf32, #tpu.memory_space<vmem_shared>> -> memref<40x128xf32, #tpu.memory_space<vmem_shared>>
          %dma_start3A_84 = arith.constant 0 : i32
          %dma_start3A_85 = tpu.memref_slice %arg29[%mul3A_81, %dma_start3A_84] : memref<10000x128xf32, #tpu.memory_space<vmem_shared>> -> memref<40x128xf32, #tpu.memory_space<vmem_shared>>
          tpu.enqueue_dma source(%arg14 : memref<40x128xf32, #tpu.memory_space<vmem>>) target(%dma_start3A_85 : memref<40x128xf32, #tpu.memory_space<vmem_shared>>) target_semaphore(%run_scoped3A : memref<!tpu.dma_semaphore, #tpu.memory_space<semaphore_mem>>)
          %dma_wait3A_86 = arith.constant 0 : i32
          %dma_wait3A_87 = tpu.memref_slice %arg29[%mul3A_81, %dma_wait3A_86] : memref<10000x128xf32, #tpu.memory_space<vmem_shared>> -> memref<40x128xf32, #tpu.memory_space<vmem_shared>>
          %dma_wait3A_88 = arith.constant 0 : i32
          %dma_wait3A_89 = tpu.memref_slice %arg29[%mul3A_81, %dma_wait3A_88] : memref<10000x128xf32, #tpu.memory_space<vmem_shared>> -> memref<40x128xf32, #tpu.memory_space<vmem_shared>>
          tpu.wait_dma2 semaphore(%run_scoped3A : memref<!tpu.dma_semaphore, #tpu.memory_space<semaphore_mem>>) src(%arg14 : memref<40x128xf32, #tpu.memory_space<vmem>>) dst(%dma_wait3A_89 : memref<40x128xf32, #tpu.memory_space<vmem_shared>>)
          tpu.yield
        }) : () -> ()
      } else {
      }
    }
    %scan3A_13 = arith.constant 16 : i32
    %barrier3A = arith.constant 0 : index
    tpu.barrier barrier_id(%barrier3A)
    %add3A_14 = arith.constant 0 : i32
    %add3A_15 = arith.addi %mul3A_2, %add3A_14 : i32
    %dma_start3A = tpu.memref_slice %arg4[%add3A_15] : memref<320000xi32, #tpu.memory_space<hbm>> -> memref<40xi32, #tpu.memory_space<hbm>>
    %dma_start3A_16 = tpu.memref_slice %arg4[%add3A_15] : memref<320000xi32, #tpu.memory_space<hbm>> -> memref<40xi32, #tpu.memory_space<hbm>>
    tpu.enqueue_dma source(%dma_start3A_16 : memref<40xi32, #tpu.memory_space<hbm>>) target(%arg8 : memref<40xi32, #tpu.memory_space<vmem>>) target_semaphore(%arg20 : memref<!tpu.dma_semaphore, #tpu.memory_space<semaphore_mem>>)
    %dma_start3A_17 = tpu.memref_slice %arg5[%add3A_15] : memref<320000xi32, #tpu.memory_space<hbm>> -> memref<40xi32, #tpu.memory_space<hbm>>
    %dma_start3A_18 = tpu.memref_slice %arg5[%add3A_15] : memref<320000xi32, #tpu.memory_space<hbm>> -> memref<40xi32, #tpu.memory_space<hbm>>
    tpu.enqueue_dma source(%dma_start3A_18 : memref<40xi32, #tpu.memory_space<hbm>>) target(%arg11 : memref<40xi32, #tpu.memory_space<vmem>>) target_semaphore(%arg20 : memref<!tpu.dma_semaphore, #tpu.memory_space<semaphore_mem>>)
    %dma_start3A_19 = arith.constant 0 : i32
    %dma_start3A_20 = tpu.memref_slice %arg3[%add3A_15, %dma_start3A_19] : memref<320000x128xf32, #tpu.memory_space<hbm>> -> memref<40x128xf32, #tpu.memory_space<hbm>>
    %dma_start3A_21 = arith.constant 0 : i32
    %dma_start3A_22 = tpu.memref_slice %arg3[%add3A_15, %dma_start3A_21] : memref<320000x128xf32, #tpu.memory_space<hbm>> -> memref<40x128xf32, #tpu.memory_space<hbm>>
    tpu.enqueue_dma source(%dma_start3A_22 : memref<40x128xf32, #tpu.memory_space<hbm>>) target(%arg17 : memref<40x128xf32, #tpu.memory_space<vmem>>) target_semaphore(%arg23 : memref<!tpu.dma_semaphore, #tpu.memory_space<semaphore_mem>>)
    %add3A_23 = arith.constant 40 : i32
    %add3A_24 = arith.addi %mul3A_2, %add3A_23 : i32
    %dma_start3A_25 = tpu.memref_slice %arg4[%add3A_24] : memref<320000xi32, #tpu.memory_space<hbm>> -> memref<40xi32, #tpu.memory_space<hbm>>
    %dma_start3A_26 = tpu.memref_slice %arg4[%add3A_24] : memref<320000xi32, #tpu.memory_space<hbm>> -> memref<40xi32, #tpu.memory_space<hbm>>
    tpu.enqueue_dma source(%dma_start3A_26 : memref<40xi32, #tpu.memory_space<hbm>>) target(%arg9 : memref<40xi32, #tpu.memory_space<vmem>>) target_semaphore(%arg21 : memref<!tpu.dma_semaphore, #tpu.memory_space<semaphore_mem>>)
    %dma_start3A_27 = tpu.memref_slice %arg5[%add3A_24] : memref<320000xi32, #tpu.memory_space<hbm>> -> memref<40xi32, #tpu.memory_space<hbm>>
    %dma_start3A_28 = tpu.memref_slice %arg5[%add3A_24] : memref<320000xi32, #tpu.memory_space<hbm>> -> memref<40xi32, #tpu.memory_space<hbm>>
    tpu.enqueue_dma source(%dma_start3A_28 : memref<40xi32, #tpu.memory_space<hbm>>) target(%arg12 : memref<40xi32, #tpu.memory_space<vmem>>) target_semaphore(%arg21 : memref<!tpu.dma_semaphore, #tpu.memory_space<semaphore_mem>>)
    %dma_start3A_29 = arith.constant 0 : i32
    %dma_start3A_30 = tpu.memref_slice %arg3[%add3A_24, %dma_start3A_29] : memref<320000x128xf32, #tpu.memory_space<hbm>> -> memref<40x128xf32, #tpu.memory_space<hbm>>
    %dma_start3A_31 = arith.constant 0 : i32
    %dma_start3A_32 = tpu.memref_slice %arg3[%add3A_24, %dma_start3A_31] : memref<320000x128xf32, #tpu.memory_space<hbm>> -> memref<40x128xf32, #tpu.memory_space<hbm>>
    tpu.enqueue_dma source(%dma_start3A_32 : memref<40x128xf32, #tpu.memory_space<hbm>>) target(%arg18 : memref<40x128xf32, #tpu.memory_space<vmem>>) target_semaphore(%arg24 : memref<!tpu.dma_semaphore, #tpu.memory_space<semaphore_mem>>)
    %dma_wait3A = arith.constant 0 : i32
    %dma_wait3A_33 = tpu.memref_slice %arg4[%dma_wait3A] : memref<320000xi32, #tpu.memory_space<hbm>> -> memref<40xi32, #tpu.memory_space<hbm>>
    %dma_wait3A_34 = arith.constant 0 : i32
    %dma_wait3A_35 = tpu.memref_slice %arg4[%dma_wait3A_34] : memref<320000xi32, #tpu.memory_space<hbm>> -> memref<40xi32, #tpu.memory_space<hbm>>
    tpu.wait_dma2 semaphore(%arg20 : memref<!tpu.dma_semaphore, #tpu.memory_space<semaphore_mem>>) src(%dma_wait3A_35 : memref<40xi32, #tpu.memory_space<hbm>>) dst(%arg8 : memref<40xi32, #tpu.memory_space<vmem>>)
    %dma_wait3A_36 = arith.constant 0 : i32
    %dma_wait3A_37 = tpu.memref_slice %arg4[%dma_wait3A_36] : memref<320000xi32, #tpu.memory_space<hbm>> -> memref<40xi32, #tpu.memory_space<hbm>>
    %dma_wait3A_38 = arith.constant 0 : i32
    %dma_wait3A_39 = tpu.memref_slice %arg4[%dma_wait3A_38] : memref<320000xi32, #tpu.memory_space<hbm>> -> memref<40xi32, #tpu.memory_space<hbm>>
    tpu.wait_dma2 semaphore(%arg20 : memref<!tpu.dma_semaphore, #tpu.memory_space<semaphore_mem>>) src(%dma_wait3A_39 : memref<40xi32, #tpu.memory_space<hbm>>) dst(%arg11 : memref<40xi32, #tpu.memory_space<vmem>>)
    %dma_start3A_40 = arith.constant 0 : i32
    %dma_start3A_41 = arith.constant 0 : i32
    %dma_start3A_42 = tpu.memref_slice %arg2[%dma_start3A_40, %dma_start3A_41] : memref<10000x128xf32, #tpu.memory_space<hbm>> -> memref<10000x128xf32, #tpu.memory_space<hbm>>
    tpu.enqueue_indirect_dma source(%dma_start3A_42 : memref<10000x128xf32, #tpu.memory_space<hbm>>) target(%arg14 : memref<40x128xf32, #tpu.memory_space<vmem>>) offsets(%arg8 : memref<40xi32, #tpu.memory_space<vmem>>) semaphore(%arg23 : memref<!tpu.dma_semaphore, #tpu.memory_space<semaphore_mem>>)
    %scan3A_43 = arith.constant 0 : i32
    %scan3A_44 = arith.constant 0 : i32
    %scan3A_45 = arith.constant 84 : i32
    %scan3A_46 = arith.addi %scan3A_44, %scan3A_45 : i32
    %scan3A_47 = arith.constant 1 : i32
    scf.for %scan3A_74 = %scan3A_44 to %scan3A_46 step %scan3A_47  : i32 {
      %mul3A_75 = arith.constant 3 : i32
      %mul3A_76 = arith.muli %mul3A_75, %scan3A_74 : i32
      %add3A_77 = arith.constant 0 : i32
      %add3A_78 = arith.addi %mul3A_76, %add3A_77 : i32
      %lt3A = arith.constant 250 : i32
      %lt3A_79 = arith.cmpi slt, %add3A_78, %lt3A : i32
      %convert_element_type3A = arith.extui %lt3A_79 : i1 to i32
      %cond3A = arith.constant 0 : i32
      %cond3A_80 = arith.cmpi ne, %convert_element_type3A, %cond3A : i32
      scf.if %cond3A_80 {
        %dma_wait3A_95 = arith.constant 0 : i32
        %dma_wait3A_96 = arith.constant 0 : i32
        %dma_wait3A_97 = tpu.memref_slice %arg3[%dma_wait3A_95, %dma_wait3A_96] : memref<320000x128xf32, #tpu.memory_space<hbm>> -> memref<40x128xf32, #tpu.memory_space<hbm>>
        %dma_wait3A_98 = arith.constant 0 : i32
        %dma_wait3A_99 = arith.constant 0 : i32
        %dma_wait3A_100 = tpu.memref_slice %arg3[%dma_wait3A_98, %dma_wait3A_99] : memref<320000x128xf32, #tpu.memory_space<hbm>> -> memref<40x128xf32, #tpu.memory_space<hbm>>
        tpu.wait_dma2 semaphore(%arg23 : memref<!tpu.dma_semaphore, #tpu.memory_space<semaphore_mem>>) src(%dma_wait3A_100 : memref<40x128xf32, #tpu.memory_space<hbm>>) dst(%arg17 : memref<40x128xf32, #tpu.memory_space<vmem>>)
        %dma_wait3A_101 = arith.constant 0 : i32
        %dma_wait3A_102 = arith.constant 0 : i32
        %dma_wait3A_103 = tpu.memref_slice %arg3[%dma_wait3A_101, %dma_wait3A_102] : memref<320000x128xf32, #tpu.memory_space<hbm>> -> memref<40x128xf32, #tpu.memory_space<hbm>>
        %dma_wait3A_104 = arith.constant 0 : i32
        %dma_wait3A_105 = arith.constant 0 : i32
        %dma_wait3A_106 = tpu.memref_slice %arg3[%dma_wait3A_104, %dma_wait3A_105] : memref<320000x128xf32, #tpu.memory_space<hbm>> -> memref<40x128xf32, #tpu.memory_space<hbm>>
        tpu.wait_dma2 semaphore(%arg23 : memref<!tpu.dma_semaphore, #tpu.memory_space<semaphore_mem>>) src(%dma_wait3A_106 : memref<40x128xf32, #tpu.memory_space<hbm>>) dst(%arg14 : memref<40x128xf32, #tpu.memory_space<vmem>>)
        %scan3A_107 = arith.constant 0 : i32
        %scan3A_108 = arith.constant 0 : i32
        %scan3A_109 = arith.constant 40 : i32
        %scan3A_110 = arith.addi %scan3A_108, %scan3A_109 : i32
        %scan3A_111 = arith.constant 1 : i32
        scf.for %scan3A_130 = %scan3A_108 to %scan3A_110 step %scan3A_111  : i32 {
          %get3A = arith.index_cast %scan3A_130 : i32 to index
          %get3A_131 = arith.constant 0 : index
          %get3A_132 = tpu.vector_load %arg17[%get3A, %get3A_131] {strides = array<i32>} : memref<40x128xf32, #tpu.memory_space<vmem>>, vector<1x16xf32>,
          %get3A_133 = vector.shape_cast %get3A_132 : vector<1x16xf32> to vector<16xf32>
          %get3A_134 = arith.index_cast %scan3A_130 : i32 to index
          %get3A_135 = arith.constant 0 : index
          %get3A_136 = tpu.vector_load %arg14[%get3A_134, %get3A_135] {strides = array<i32>} : memref<40x128xf32, #tpu.memory_space<vmem>>, vector<1x16xf32>,
          %get3A_137 = vector.shape_cast %get3A_136 : vector<1x16xf32> to vector<16xf32>
          %add3A_138 = arith.addf %get3A_133, %get3A_137 : vector<16xf32>
          %max3A = arith.constant 0.000000e+00 : f32
          %max3A_139 = vector.broadcast %max3A : f32 to vector<16xf32>
          %max3A_140 = arith.maximumf %add3A_138, %max3A_139 : vector<16xf32>
          %swap3A = arith.index_cast %scan3A_130 : i32 to index
          %swap3A_141 = arith.constant 0 : index
          %swap3A_142 = tpu.vector_load %arg17[%swap3A, %swap3A_141] {strides = array<i32>} : memref<40x128xf32, #tpu.memory_space<vmem>>, vector<1x16xf32>,
          %swap3A_143 = vector.shape_cast %swap3A_142 : vector<1x16xf32> to vector<16xf32>
          %swap3A_144 = vector.shape_cast %max3A_140 : vector<16xf32> to vector<1x16xf32>
          tpu.vector_store %arg17[%swap3A, %swap3A_141], %swap3A_144 {strides = array<i32>} : memref<40x128xf32, #tpu.memory_space<vmem>>, vector<1x16xf32>,
          %get3A_145 = arith.index_cast %scan3A_130 : i32 to index
          %get3A_146 = arith.constant 16 : index
          %get3A_147 = tpu.vector_load %arg17[%get3A_145, %get3A_146] {strides = array<i32>} : memref<40x128xf32, #tpu.memory_space<vmem>>, vector<1x16xf32>,
          %get3A_148 = vector.shape_cast %get3A_147 : vector<1x16xf32> to vector<16xf32>
          %get3A_149 = arith.index_cast %scan3A_130 : i32 to index
          %get3A_150 = arith.constant 16 : index
          %get3A_151 = tpu.vector_load %arg14[%get3A_149, %get3A_150] {strides = array<i32>} : memref<40x128xf32, #tpu.memory_space<vmem>>, vector<1x16xf32>,
          %get3A_152 = vector.shape_cast %get3A_151 : vector<1x16xf32> to vector<16xf32>
          %add3A_153 = arith.addf %get3A_148, %get3A_152 : vector<16xf32>
          %max3A_154 = arith.constant 0.000000e+00 : f32
          %max3A_155 = vector.broadcast %max3A_154 : f32 to vector<16xf32>
          %max3A_156 = arith.maximumf %add3A_153, %max3A_155 : vector<16xf32>
          %swap3A_157 = arith.index_cast %scan3A_130 : i32 to index
          %swap3A_158 = arith.constant 16 : index
          %swap3A_159 = tpu.vector_load %arg17[%swap3A_157, %swap3A_158] {strides = array<i32>} : memref<40x128xf32, #tpu.memory_space<vmem>>, vector<1x16xf32>,
          %swap3A_160 = vector.shape_cast %swap3A_159 : vector<1x16xf32> to vector<16xf32>
          %swap3A_161 = vector.shape_cast %max3A_156 : vector<16xf32> to vector<1x16xf32>
          tpu.vector_store %arg17[%swap3A_157, %swap3A_158], %swap3A_161 {strides = array<i32>} : memref<40x128xf32, #tpu.memory_space<vmem>>, vector<1x16xf32>,
          %get3A_162 = arith.index_cast %scan3A_130 : i32 to index
          %get3A_163 = arith.constant 32 : index
          %get3A_164 = tpu.vector_load %arg17[%get3A_162, %get3A_163] {strides = array<i32>} : memref<40x128xf32, #tpu.memory_space<vmem>>, vector<1x16xf32>,
          %get3A_165 = vector.shape_cast %get3A_164 : vector<1x16xf32> to vector<16xf32>
          %get3A_166 = arith.index_cast %scan3A_130 : i32 to index
          %get3A_167 = arith.constant 32 : index
          %get3A_168 = tpu.vector_load %arg14[%get3A_166, %get3A_167] {strides = array<i32>} : memref<40x128xf32, #tpu.memory_space<vmem>>, vector<1x16xf32>,
          %get3A_169 = vector.shape_cast %get3A_168 : vector<1x16xf32> to vector<16xf32>
          %add3A_170 = arith.addf %get3A_165, %get3A_169 : vector<16xf32>
          %max3A_171 = arith.constant 0.000000e+00 : f32
          %max3A_172 = vector.broadcast %max3A_171 : f32 to vector<16xf32>
          %max3A_173 = arith.maximumf %add3A_170, %max3A_172 : vector<16xf32>
          %swap3A_174 = arith.index_cast %scan3A_130 : i32 to index
          %swap3A_175 = arith.constant 32 : index
          %swap3A_176 = tpu.vector_load %arg17[%swap3A_174, %swap3A_175] {strides = array<i32>} : memref<40x128xf32, #tpu.memory_space<vmem>>, vector<1x16xf32>,
          %swap3A_177 = vector.shape_cast %swap3A_176 : vector<1x16xf32> to vector<16xf32>
          %swap3A_178 = vector.shape_cast %max3A_173 : vector<16xf32> to vector<1x16xf32>
          tpu.vector_store %arg17[%swap3A_174, %swap3A_175], %swap3A_178 {strides = array<i32>} : memref<40x128xf32, #tpu.memory_space<vmem>>, vector<1x16xf32>,
          %get3A_179 = arith.index_cast %scan3A_130 : i32 to index
          %get3A_180 = arith.constant 48 : index
          %get3A_181 = tpu.vector_load %arg17[%get3A_179, %get3A_180] {strides = array<i32>} : memref<40x128xf32, #tpu.memory_space<vmem>>, vector<1x16xf32>,
          %get3A_182 = vector.shape_cast %get3A_181 : vector<1x16xf32> to vector<16xf32>
          %get3A_183 = arith.index_cast %scan3A_130 : i32 to index
          %get3A_184 = arith.constant 48 : index
          %get3A_185 = tpu.vector_load %arg14[%get3A_183, %get3A_184] {strides = array<i32>} : memref<40x128xf32, #tpu.memory_space<vmem>>, vector<1x16xf32>,
          %get3A_186 = vector.shape_cast %get3A_185 : vector<1x16xf32> to vector<16xf32>
          %add3A_187 = arith.addf %get3A_182, %get3A_186 : vector<16xf32>
          %max3A_188 = arith.constant 0.000000e+00 : f32
          %max3A_189 = vector.broadcast %max3A_188 : f32 to vector<16xf32>
          %max3A_190 = arith.maximumf %add3A_187, %max3A_189 : vector<16xf32>
          %swap3A_191 = arith.index_cast %scan3A_130 : i32 to index
          %swap3A_192 = arith.constant 48 : index
          %swap3A_193 = tpu.vector_load %arg17[%swap3A_191, %swap3A_192] {strides = array<i32>} : memref<40x128xf32, #tpu.memory_space<vmem>>, vector<1x16xf32>,
          %swap3A_194 = vector.shape_cast %swap3A_193 : vector<1x16xf32> to vector<16xf32>
          %swap3A_195 = vector.shape_cast %max3A_190 : vector<16xf32> to vector<1x16xf32>
          tpu.vector_store %arg17[%swap3A_191, %swap3A_192], %swap3A_195 {strides = array<i32>} : memref<40x128xf32, #tpu.memory_space<vmem>>, vector<1x16xf32>,
          %get3A_196 = arith.index_cast %scan3A_130 : i32 to index
          %get3A_197 = arith.constant 64 : index
          %get3A_198 = tpu.vector_load %arg17[%get3A_196, %get3A_197] {strides = array<i32>} : memref<40x128xf32, #tpu.memory_space<vmem>>, vector<1x16xf32>,
          %get3A_199 = vector.shape_cast %get3A_198 : vector<1x16xf32> to vector<16xf32>
          %get3A_200 = arith.index_cast %scan3A_130 : i32 to index
          %get3A_201 = arith.constant 64 : index
          %get3A_202 = tpu.vector_load %arg14[%get3A_200, %get3A_201] {strides = array<i32>} : memref<40x128xf32, #tpu.memory_space<vmem>>, vector<1x16xf32>,
          %get3A_203 = vector.shape_cast %get3A_202 : vector<1x16xf32> to vector<16xf32>
          %add3A_204 = arith.addf %get3A_199, %get3A_203 : vector<16xf32>
          %max3A_205 = arith.constant 0.000000e+00 : f32
          %max3A_206 = vector.broadcast %max3A_205 : f32 to vector<16xf32>
          %max3A_207 = arith.maximumf %add3A_204, %max3A_206 : vector<16xf32>
          %swap3A_208 = arith.index_cast %scan3A_130 : i32 to index
          %swap3A_209 = arith.constant 64 : index
          %swap3A_210 = tpu.vector_load %arg17[%swap3A_208, %swap3A_209] {strides = array<i32>} : memref<40x128xf32, #tpu.memory_space<vmem>>, vector<1x16xf32>,
          %swap3A_211 = vector.shape_cast %swap3A_210 : vector<1x16xf32> to vector<16xf32>
          %swap3A_212 = vector.shape_cast %max3A_207 : vector<16xf32> to vector<1x16xf32>
          tpu.vector_store %arg17[%swap3A_208, %swap3A_209], %swap3A_212 {strides = array<i32>} : memref<40x128xf32, #tpu.memory_space<vmem>>, vector<1x16xf32>,
          %get3A_213 = arith.index_cast %scan3A_130 : i32 to index
          %get3A_214 = arith.constant 80 : index
          %get3A_215 = tpu.vector_load %arg17[%get3A_213, %get3A_214] {strides = array<i32>} : memref<40x128xf32, #tpu.memory_space<vmem>>, vector<1x16xf32>,
          %get3A_216 = vector.shape_cast %get3A_215 : vector<1x16xf32> to vector<16xf32>
          %get3A_217 = arith.index_cast %scan3A_130 : i32 to index
          %get3A_218 = arith.constant 80 : index
          %get3A_219 = tpu.vector_load %arg14[%get3A_217, %get3A_218] {strides = array<i32>} : memref<40x128xf32, #tpu.memory_space<vmem>>, vector<1x16xf32>,
          %get3A_220 = vector.shape_cast %get3A_219 : vector<1x16xf32> to vector<16xf32>
          %add3A_221 = arith.addf %get3A_216, %get3A_220 : vector<16xf32>
          %max3A_222 = arith.constant 0.000000e+00 : f32
          %max3A_223 = vector.broadcast %max3A_222 : f32 to vector<16xf32>
          %max3A_224 = arith.maximumf %add3A_221, %max3A_223 : vector<16xf32>
          %swap3A_225 = arith.index_cast %scan3A_130 : i32 to index
          %swap3A_226 = arith.constant 80 : index
          %swap3A_227 = tpu.vector_load %arg17[%swap3A_225, %swap3A_226] {strides = array<i32>} : memref<40x128xf32, #tpu.memory_space<vmem>>, vector<1x16xf32>,
          %swap3A_228 = vector.shape_cast %swap3A_227 : vector<1x16xf32> to vector<16xf32>
          %swap3A_229 = vector.shape_cast %max3A_224 : vector<16xf32> to vector<1x16xf32>
          tpu.vector_store %arg17[%swap3A_225, %swap3A_226], %swap3A_229 {strides = array<i32>} : memref<40x128xf32, #tpu.memory_space<vmem>>, vector<1x16xf32>,
          %get3A_230 = arith.index_cast %scan3A_130 : i32 to index
          %get3A_231 = arith.constant 96 : index
          %get3A_232 = tpu.vector_load %arg17[%get3A_230, %get3A_231] {strides = array<i32>} : memref<40x128xf32, #tpu.memory_space<vmem>>, vector<1x16xf32>,
          %get3A_233 = vector.shape_cast %get3A_232 : vector<1x16xf32> to vector<16xf32>
          %get3A_234 = arith.index_cast %scan3A_130 : i32 to index
          %get3A_235 = arith.constant 96 : index
          %get3A_236 = tpu.vector_load %arg14[%get3A_234, %get3A_235] {strides = array<i32>} : memref<40x128xf32, #tpu.memory_space<vmem>>, vector<1x16xf32>,
          %get3A_237 = vector.shape_cast %get3A_236 : vector<1x16xf32> to vector<16xf32>
          %add3A_238 = arith.addf %get3A_233, %get3A_237 : vector<16xf32>
          %max3A_239 = arith.constant 0.000000e+00 : f32
          %max3A_240 = vector.broadcast %max3A_239 : f32 to vector<16xf32>
          %max3A_241 = arith.maximumf %add3A_238, %max3A_240 : vector<16xf32>
          %swap3A_242 = arith.index_cast %scan3A_130 : i32 to index
          %swap3A_243 = arith.constant 96 : index
          %swap3A_244 = tpu.vector_load %arg17[%swap3A_242, %swap3A_243] {strides = array<i32>} : memref<40x128xf32, #tpu.memory_space<vmem>>, vector<1x16xf32>,
          %swap3A_245 = vector.shape_cast %swap3A_244 : vector<1x16xf32> to vector<16xf32>
          %swap3A_246 = vector.shape_cast %max3A_241 : vector<16xf32> to vector<1x16xf32>
          tpu.vector_store %arg17[%swap3A_242, %swap3A_243], %swap3A_246 {strides = array<i32>} : memref<40x128xf32, #tpu.memory_space<vmem>>, vector<1x16xf32>,
          %get3A_247 = arith.index_cast %scan3A_130 : i32 to index
          %get3A_248 = arith.constant 112 : index
          %get3A_249 = tpu.vector_load %arg17[%get3A_247, %get3A_248] {strides = array<i32>} : memref<40x128xf32, #tpu.memory_space<vmem>>, vector<1x16xf32>,
          %get3A_250 = vector.shape_cast %get3A_249 : vector<1x16xf32> to vector<16xf32>
          %get3A_251 = arith.index_cast %scan3A_130 : i32 to index
          %get3A_252 = arith.constant 112 : index
          %get3A_253 = tpu.vector_load %arg14[%get3A_251, %get3A_252] {strides = array<i32>} : memref<40x128xf32, #tpu.memory_space<vmem>>, vector<1x16xf32>,
          %get3A_254 = vector.shape_cast %get3A_253 : vector<1x16xf32> to vector<16xf32>
          %add3A_255 = arith.addf %get3A_250, %get3A_254 : vector<16xf32>
          %max3A_256 = arith.constant 0.000000e+00 : f32
          %max3A_257 = vector.broadcast %max3A_256 : f32 to vector<16xf32>
          %max3A_258 = arith.maximumf %add3A_255, %max3A_257 : vector<16xf32>
          %swap3A_259 = arith.index_cast %scan3A_130 : i32 to index
          %swap3A_260 = arith.constant 112 : index
          %swap3A_261 = tpu.vector_load %arg17[%swap3A_259, %swap3A_260] {strides = array<i32>} : memref<40x128xf32, #tpu.memory_space<vmem>>, vector<1x16xf32>,
          %swap3A_262 = vector.shape_cast %swap3A_261 : vector<1x16xf32> to vector<16xf32>
          %swap3A_263 = vector.shape_cast %max3A_258 : vector<16xf32> to vector<1x16xf32>
          tpu.vector_store %arg17[%swap3A_259, %swap3A_260], %swap3A_263 {strides = array<i32>} : memref<40x128xf32, #tpu.memory_space<vmem>>, vector<1x16xf32>,
        }
        %scan3A_112 = arith.constant 40 : i32
        %dma_start3A_113 = arith.constant 0 : i32
        %dma_start3A_114 = arith.constant 0 : i32
        %dma_start3A_115 = tpu.memref_slice %arg29[%dma_start3A_113, %dma_start3A_114] : memref<10000x128xf32, #tpu.memory_space<vmem_shared>> -> memref<10000x128xf32, #tpu.memory_space<vmem_shared>>
        tpu.enqueue_indirect_dma source(%arg17 : memref<40x128xf32, #tpu.memory_space<vmem>>) target(%dma_start3A_115 : memref<10000x128xf32, #tpu.memory_space<vmem_shared>>) offsets(%arg11 : memref<40xi32, #tpu.memory_space<vmem>>) semaphore(%arg26 : memref<!tpu.dma_semaphore, #tpu.memory_space<semaphore_mem>>) {add = true}
        %add3A_116 = arith.constant 1 : i32
        %add3A_117 = arith.addi %add3A_78, %add3A_116 : i32
        %lt3A_118 = arith.constant 250 : i32
        %lt3A_119 = arith.cmpi slt, %add3A_117, %lt3A_118 : i32
        %convert_element_type3A_120 = arith.extui %lt3A_119 : i1 to i32
        %cond3A_121 = arith.constant 0 : i32
        %cond3A_122 = arith.cmpi ne, %convert_element_type3A_120, %cond3A_121 : i32
        scf.if %cond3A_122 {
          %dma_wait3A_130 = arith.constant 0 : i32
          %dma_wait3A_131 = tpu.memref_slice %arg4[%dma_wait3A_130] : memref<320000xi32, #tpu.memory_space<hbm>> -> memref<40xi32, #tpu.memory_space<hbm>>
          %dma_wait3A_132 = arith.constant 0 : i32
          %dma_wait3A_133 = tpu.memref_slice %arg4[%dma_wait3A_132] : memref<320000xi32, #tpu.memory_space<hbm>> -> memref<40xi32, #tpu.memory_space<hbm>>
          tpu.wait_dma2 semaphore(%arg21 : memref<!tpu.dma_semaphore, #tpu.memory_space<semaphore_mem>>) src(%dma_wait3A_133 : memref<40xi32, #tpu.memory_space<hbm>>) dst(%arg9 : memref<40xi32, #tpu.memory_space<vmem>>)
          %dma_wait3A_134 = arith.constant 0 : i32
          %dma_wait3A_135 = tpu.memref_slice %arg4[%dma_wait3A_134] : memref<320000xi32, #tpu.memory_space<hbm>> -> memref<40xi32, #tpu.memory_space<hbm>>
          %dma_wait3A_136 = arith.constant 0 : i32
          %dma_wait3A_137 = tpu.memref_slice %arg4[%dma_wait3A_136] : memref<320000xi32, #tpu.memory_space<hbm>> -> memref<40xi32, #tpu.memory_space<hbm>>
          tpu.wait_dma2 semaphore(%arg21 : memref<!tpu.dma_semaphore, #tpu.memory_space<semaphore_mem>>) src(%dma_wait3A_137 : memref<40xi32, #tpu.memory_space<hbm>>) dst(%arg12 : memref<40xi32, #tpu.memory_space<vmem>>)
          %dma_start3A_138 = arith.constant 0 : i32
          %dma_start3A_139 = arith.constant 0 : i32
          %dma_start3A_140 = tpu.memref_slice %arg2[%dma_start3A_138, %dma_start3A_139] : memref<10000x128xf32, #tpu.memory_space<hbm>> -> memref<10000x128xf32, #tpu.memory_space<hbm>>
          tpu.enqueue_indirect_dma source(%dma_start3A_140 : memref<10000x128xf32, #tpu.memory_space<hbm>>) target(%arg15 : memref<40x128xf32, #tpu.memory_space<vmem>>) offsets(%arg9 : memref<40xi32, #tpu.memory_space<vmem>>) semaphore(%arg24 : memref<!tpu.dma_semaphore, #tpu.memory_space<semaphore_mem>>)
        } else {
        }
        %add3A_123 = arith.constant 2 : i32
        %add3A_124 = arith.addi %add3A_78, %add3A_123 : i32
        %lt3A_125 = arith.constant 250 : i32
        %lt3A_126 = arith.cmpi slt, %add3A_124, %lt3A_125 : i32
        %convert_element_type3A_127 = arith.extui %lt3A_126 : i1 to i32
        %cond3A_128 = arith.constant 0 : i32
        %cond3A_129 = arith.cmpi ne, %convert_element_type3A_127, %cond3A_128 : i32
        scf.if %cond3A_129 {
          %ge3A = arith.constant 1 : i32
          %ge3A_130 = arith.cmpi sge, %add3A_78, %ge3A : i32
          %convert_element_type3A_131 = arith.extui %ge3A_130 : i1 to i32
          %cond3A_132 = arith.constant 0 : i32
          %cond3A_133 = arith.cmpi ne, %convert_element_type3A_131, %cond3A_132 : i32
          scf.if %cond3A_133 {
            %dma_wait3A_147 = arith.constant 0 : i32
            %dma_wait3A_148 = arith.constant 0 : i32
            %dma_wait3A_149 = tpu.memref_slice %arg29[%dma_wait3A_147, %dma_wait3A_148] : memref<10000x128xf32, #tpu.memory_space<vmem_shared>> -> memref<40x128xf32, #tpu.memory_space<vmem_shared>>
            %dma_wait3A_150 = arith.constant 0 : i32
            %dma_wait3A_151 = arith.constant 0 : i32
            %dma_wait3A_152 = tpu.memref_slice %arg29[%dma_wait3A_150, %dma_wait3A_151] : memref<10000x128xf32, #tpu.memory_space<vmem_shared>> -> memref<40x128xf32, #tpu.memory_space<vmem_shared>>
            tpu.wait_dma2 semaphore(%arg28 : memref<!tpu.dma_semaphore, #tpu.memory_space<semaphore_mem>>) src(%arg19 : memref<40x128xf32, #tpu.memory_space<vmem>>) dst(%dma_wait3A_152 : memref<40x128xf32, #tpu.memory_space<vmem_shared>>)
          } else {
          }
          %add3A_134 = arith.constant 2 : i32
          %add3A_135 = arith.addi %add3A_78, %add3A_134 : i32
          %mul3A_136 = arith.constant 40 : i32
          %mul3A_137 = arith.muli %add3A_135, %mul3A_136 : i32
          %add3A_138 = arith.addi %mul3A_2, %mul3A_137 : i32
          %dma_start3A_139 = tpu.memref_slice %arg4[%add3A_138] : memref<320000xi32, #tpu.memory_space<hbm>> -> memref<40xi32, #tpu.memory_space<hbm>>
          %dma_start3A_140 = tpu.memref_slice %arg4[%add3A_138] : memref<320000xi32, #tpu.memory_space<hbm>> -> memref<40xi32, #tpu.memory_space<hbm>>
          tpu.enqueue_dma source(%dma_start3A_140 : memref<40xi32, #tpu.memory_space<hbm>>) target(%arg10 : memref<40xi32, #tpu.memory_space<vmem>>) target_semaphore(%arg22 : memref<!tpu.dma_semaphore, #tpu.memory_space<semaphore_mem>>)
          %dma_start3A_141 = tpu.memref_slice %arg5[%add3A_138] : memref<320000xi32, #tpu.memory_space<hbm>> -> memref<40xi32, #tpu.memory_space<hbm>>
          %dma_start3A_142 = tpu.memref_slice %arg5[%add3A_138] : memref<320000xi32, #tpu.memory_space<hbm>> -> memref<40xi32, #tpu.memory_space<hbm>>
          tpu.enqueue_dma source(%dma_start3A_142 : memref<40xi32, #tpu.memory_space<hbm>>) target(%arg13 : memref<40xi32, #tpu.memory_space<vmem>>) target_semaphore(%arg22 : memref<!tpu.dma_semaphore, #tpu.memory_space<semaphore_mem>>)
          %dma_start3A_143 = arith.constant 0 : i32
          %dma_start3A_144 = tpu.memref_slice %arg3[%add3A_138, %dma_start3A_143] : memref<320000x128xf32, #tpu.memory_space<hbm>> -> memref<40x128xf32, #tpu.memory_space<hbm>>
          %dma_start3A_145 = arith.constant 0 : i32
          %dma_start3A_146 = tpu.memref_slice %arg3[%add3A_138, %dma_start3A_145] : memref<320000x128xf32, #tpu.memory_space<hbm>> -> memref<40x128xf32, #tpu.memory_space<hbm>>
          tpu.enqueue_dma source(%dma_start3A_146 : memref<40x128xf32, #tpu.memory_space<hbm>>) target(%arg19 : memref<40x128xf32, #tpu.memory_space<vmem>>) target_semaphore(%arg25 : memref<!tpu.dma_semaphore, #tpu.memory_space<semaphore_mem>>)
        } else {
        }
      } else {
      }
      %add3A_81 = arith.constant 1 : i32
      %add3A_82 = arith.addi %mul3A_76, %add3A_81 : i32
      %lt3A_83 = arith.constant 250 : i32
      %lt3A_84 = arith.cmpi slt, %add3A_82, %lt3A_83 : i32
      %convert_element_type3A_85 = arith.extui %lt3A_84 : i1 to i32
      %cond3A_86 = arith.constant 0 : i32
      %cond3A_87 = arith.cmpi ne, %convert_element_type3A_85, %cond3A_86 : i32
      scf.if %cond3A_87 {
        %dma_wait3A_95 = arith.constant 0 : i32
        %dma_wait3A_96 = arith.constant 0 : i32
        %dma_wait3A_97 = tpu.memref_slice %arg3[%dma_wait3A_95, %dma_wait3A_96] : memref<320000x128xf32, #tpu.memory_space<hbm>> -> memref<40x128xf32, #tpu.memory_space<hbm>>
        %dma_wait3A_98 = arith.constant 0 : i32
        %dma_wait3A_99 = arith.constant 0 : i32
        %dma_wait3A_100 = tpu.memref_slice %arg3[%dma_wait3A_98, %dma_wait3A_99] : memref<320000x128xf32, #tpu.memory_space<hbm>> -> memref<40x128xf32, #tpu.memory_space<hbm>>
        tpu.wait_dma2 semaphore(%arg24 : memref<!tpu.dma_semaphore, #tpu.memory_space<semaphore_mem>>) src(%dma_wait3A_100 : memref<40x128xf32, #tpu.memory_space<hbm>>) dst(%arg18 : memref<40x128xf32, #tpu.memory_space<vmem>>)
        %dma_wait3A_101 = arith.constant 0 : i32
        %dma_wait3A_102 = arith.constant 0 : i32
        %dma_wait3A_103 = tpu.memref_slice %arg3[%dma_wait3A_101, %dma_wait3A_102] : memref<320000x128xf32, #tpu.memory_space<hbm>> -> memref<40x128xf32, #tpu.memory_space<hbm>>
        %dma_wait3A_104 = arith.constant 0 : i32
        %dma_wait3A_105 = arith.constant 0 : i32
        %dma_wait3A_106 = tpu.memref_slice %arg3[%dma_wait3A_104, %dma_wait3A_105] : memref<320000x128xf32, #tpu.memory_space<hbm>> -> memref<40x128xf32, #tpu.memory_space<hbm>>
        tpu.wait_dma2 semaphore(%arg24 : memref<!tpu.dma_semaphore, #tpu.memory_space<semaphore_mem>>) src(%dma_wait3A_106 : memref<40x128xf32, #tpu.memory_space<hbm>>) dst(%arg15 : memref<40x128xf32, #tpu.memory_space<vmem>>)
        %scan3A_107 = arith.constant 0 : i32
        %scan3A_108 = arith.constant 0 : i32
        %scan3A_109 = arith.constant 40 : i32
        %scan3A_110 = arith.addi %scan3A_108, %scan3A_109 : i32
        %scan3A_111 = arith.constant 1 : i32
        scf.for %scan3A_130 = %scan3A_108 to %scan3A_110 step %scan3A_111  : i32 {
          %get3A = arith.index_cast %scan3A_130 : i32 to index
          %get3A_131 = arith.constant 0 : index
          %get3A_132 = tpu.vector_load %arg18[%get3A, %get3A_131] {strides = array<i32>} : memref<40x128xf32, #tpu.memory_space<vmem>>, vector<1x16xf32>,
          %get3A_133 = vector.shape_cast %get3A_132 : vector<1x16xf32> to vector<16xf32>
          %get3A_134 = arith.index_cast %scan3A_130 : i32 to index
          %get3A_135 = arith.constant 0 : index
          %get3A_136 = tpu.vector_load %arg15[%get3A_134, %get3A_135] {strides = array<i32>} : memref<40x128xf32, #tpu.memory_space<vmem>>, vector<1x16xf32>,
          %get3A_137 = vector.shape_cast %get3A_136 : vector<1x16xf32> to vector<16xf32>
          %add3A_138 = arith.addf %get3A_133, %get3A_137 : vector<16xf32>
          %max3A = arith.constant 0.000000e+00 : f32
          %max3A_139 = vector.broadcast %max3A : f32 to vector<16xf32>
          %max3A_140 = arith.maximumf %add3A_138, %max3A_139 : vector<16xf32>
          %swap3A = arith.index_cast %scan3A_130 : i32 to index
          %swap3A_141 = arith.constant 0 : index
          %swap3A_142 = tpu.vector_load %arg18[%swap3A, %swap3A_141] {strides = array<i32>} : memref<40x128xf32, #tpu.memory_space<vmem>>, vector<1x16xf32>,
          %swap3A_143 = vector.shape_cast %swap3A_142 : vector<1x16xf32> to vector<16xf32>
          %swap3A_144 = vector.shape_cast %max3A_140 : vector<16xf32> to vector<1x16xf32>
          tpu.vector_store %arg18[%swap3A, %swap3A_141], %swap3A_144 {strides = array<i32>} : memref<40x128xf32, #tpu.memory_space<vmem>>, vector<1x16xf32>,
          %get3A_145 = arith.index_cast %scan3A_130 : i32 to index
          %get3A_146 = arith.constant 16 : index
          %get3A_147 = tpu.vector_load %arg18[%get3A_145, %get3A_146] {strides = array<i32>} : memref<40x128xf32, #tpu.memory_space<vmem>>, vector<1x16xf32>,
          %get3A_148 = vector.shape_cast %get3A_147 : vector<1x16xf32> to vector<16xf32>
          %get3A_149 = arith.index_cast %scan3A_130 : i32 to index
          %get3A_150 = arith.constant 16 : index
          %get3A_151 = tpu.vector_load %arg15[%get3A_149, %get3A_150] {strides = array<i32>} : memref<40x128xf32, #tpu.memory_space<vmem>>, vector<1x16xf32>,
          %get3A_152 = vector.shape_cast %get3A_151 : vector<1x16xf32> to vector<16xf32>
          %add3A_153 = arith.addf %get3A_148, %get3A_152 : vector<16xf32>
          %max3A_154 = arith.constant 0.000000e+00 : f32
          %max3A_155 = vector.broadcast %max3A_154 : f32 to vector<16xf32>
          %max3A_156 = arith.maximumf %add3A_153, %max3A_155 : vector<16xf32>
          %swap3A_157 = arith.index_cast %scan3A_130 : i32 to index
          %swap3A_158 = arith.constant 16 : index
          %swap3A_159 = tpu.vector_load %arg18[%swap3A_157, %swap3A_158] {strides = array<i32>} : memref<40x128xf32, #tpu.memory_space<vmem>>, vector<1x16xf32>,
          %swap3A_160 = vector.shape_cast %swap3A_159 : vector<1x16xf32> to vector<16xf32>
          %swap3A_161 = vector.shape_cast %max3A_156 : vector<16xf32> to vector<1x16xf32>
          tpu.vector_store %arg18[%swap3A_157, %swap3A_158], %swap3A_161 {strides = array<i32>} : memref<40x128xf32, #tpu.memory_space<vmem>>, vector<1x16xf32>,
          %get3A_162 = arith.index_cast %scan3A_130 : i32 to index
          %get3A_163 = arith.constant 32 : index
          %get3A_164 = tpu.vector_load %arg18[%get3A_162, %get3A_163] {strides = array<i32>} : memref<40x128xf32, #tpu.memory_space<vmem>>, vector<1x16xf32>,
          %get3A_165 = vector.shape_cast %get3A_164 : vector<1x16xf32> to vector<16xf32>
          %get3A_166 = arith.index_cast %scan3A_130 : i32 to index
          %get3A_167 = arith.constant 32 : index
          %get3A_168 = tpu.vector_load %arg15[%get3A_166, %get3A_167] {strides = array<i32>} : memref<40x128xf32, #tpu.memory_space<vmem>>, vector<1x16xf32>,
          %get3A_169 = vector.shape_cast %get3A_168 : vector<1x16xf32> to vector<16xf32>
          %add3A_170 = arith.addf %get3A_165, %get3A_169 : vector<16xf32>
          %max3A_171 = arith.constant 0.000000e+00 : f32
          %max3A_172 = vector.broadcast %max3A_171 : f32 to vector<16xf32>
          %max3A_173 = arith.maximumf %add3A_170, %max3A_172 : vector<16xf32>
          %swap3A_174 = arith.index_cast %scan3A_130 : i32 to index
          %swap3A_175 = arith.constant 32 : index
          %swap3A_176 = tpu.vector_load %arg18[%swap3A_174, %swap3A_175] {strides = array<i32>} : memref<40x128xf32, #tpu.memory_space<vmem>>, vector<1x16xf32>,
          %swap3A_177 = vector.shape_cast %swap3A_176 : vector<1x16xf32> to vector<16xf32>
          %swap3A_178 = vector.shape_cast %max3A_173 : vector<16xf32> to vector<1x16xf32>
          tpu.vector_store %arg18[%swap3A_174, %swap3A_175], %swap3A_178 {strides = array<i32>} : memref<40x128xf32, #tpu.memory_space<vmem>>, vector<1x16xf32>,
          %get3A_179 = arith.index_cast %scan3A_130 : i32 to index
          %get3A_180 = arith.constant 48 : index
          %get3A_181 = tpu.vector_load %arg18[%get3A_179, %get3A_180] {strides = array<i32>} : memref<40x128xf32, #tpu.memory_space<vmem>>, vector<1x16xf32>,
          %get3A_182 = vector.shape_cast %get3A_181 : vector<1x16xf32> to vector<16xf32>
          %get3A_183 = arith.index_cast %scan3A_130 : i32 to index
          %get3A_184 = arith.constant 48 : index
          %get3A_185 = tpu.vector_load %arg15[%get3A_183, %get3A_184] {strides = array<i32>} : memref<40x128xf32, #tpu.memory_space<vmem>>, vector<1x16xf32>,
          %get3A_186 = vector.shape_cast %get3A_185 : vector<1x16xf32> to vector<16xf32>
          %add3A_187 = arith.addf %get3A_182, %get3A_186 : vector<16xf32>
          %max3A_188 = arith.constant 0.000000e+00 : f32
          %max3A_189 = vector.broadcast %max3A_188 : f32 to vector<16xf32>
          %max3A_190 = arith.maximumf %add3A_187, %max3A_189 : vector<16xf32>
          %swap3A_191 = arith.index_cast %scan3A_130 : i32 to index
          %swap3A_192 = arith.constant 48 : index
          %swap3A_193 = tpu.vector_load %arg18[%swap3A_191, %swap3A_192] {strides = array<i32>} : memref<40x128xf32, #tpu.memory_space<vmem>>, vector<1x16xf32>,
          %swap3A_194 = vector.shape_cast %swap3A_193 : vector<1x16xf32> to vector<16xf32>
          %swap3A_195 = vector.shape_cast %max3A_190 : vector<16xf32> to vector<1x16xf32>
          tpu.vector_store %arg18[%swap3A_191, %swap3A_192], %swap3A_195 {strides = array<i32>} : memref<40x128xf32, #tpu.memory_space<vmem>>, vector<1x16xf32>,
          %get3A_196 = arith.index_cast %scan3A_130 : i32 to index
          %get3A_197 = arith.constant 64 : index
          %get3A_198 = tpu.vector_load %arg18[%get3A_196, %get3A_197] {strides = array<i32>} : memref<40x128xf32, #tpu.memory_space<vmem>>, vector<1x16xf32>,
          %get3A_199 = vector.shape_cast %get3A_198 : vector<1x16xf32> to vector<16xf32>
          %get3A_200 = arith.index_cast %scan3A_130 : i32 to index
          %get3A_201 = arith.constant 64 : index
          %get3A_202 = tpu.vector_load %arg15[%get3A_200, %get3A_201] {strides = array<i32>} : memref<40x128xf32, #tpu.memory_space<vmem>>, vector<1x16xf32>,
          %get3A_203 = vector.shape_cast %get3A_202 : vector<1x16xf32> to vector<16xf32>
          %add3A_204 = arith.addf %get3A_199, %get3A_203 : vector<16xf32>
          %max3A_205 = arith.constant 0.000000e+00 : f32
          %max3A_206 = vector.broadcast %max3A_205 : f32 to vector<16xf32>
          %max3A_207 = arith.maximumf %add3A_204, %max3A_206 : vector<16xf32>
          %swap3A_208 = arith.index_cast %scan3A_130 : i32 to index
          %swap3A_209 = arith.constant 64 : index
          %swap3A_210 = tpu.vector_load %arg18[%swap3A_208, %swap3A_209] {strides = array<i32>} : memref<40x128xf32, #tpu.memory_space<vmem>>, vector<1x16xf32>,
          %swap3A_211 = vector.shape_cast %swap3A_210 : vector<1x16xf32> to vector<16xf32>
          %swap3A_212 = vector.shape_cast %max3A_207 : vector<16xf32> to vector<1x16xf32>
          tpu.vector_store %arg18[%swap3A_208, %swap3A_209], %swap3A_212 {strides = array<i32>} : memref<40x128xf32, #tpu.memory_space<vmem>>, vector<1x16xf32>,
          %get3A_213 = arith.index_cast %scan3A_130 : i32 to index
          %get3A_214 = arith.constant 80 : index
          %get3A_215 = tpu.vector_load %arg18[%get3A_213, %get3A_214] {strides = array<i32>} : memref<40x128xf32, #tpu.memory_space<vmem>>, vector<1x16xf32>,
          %get3A_216 = vector.shape_cast %get3A_215 : vector<1x16xf32> to vector<16xf32>
          %get3A_217 = arith.index_cast %scan3A_130 : i32 to index
          %get3A_218 = arith.constant 80 : index
          %get3A_219 = tpu.vector_load %arg15[%get3A_217, %get3A_218] {strides = array<i32>} : memref<40x128xf32, #tpu.memory_space<vmem>>, vector<1x16xf32>,
          %get3A_220 = vector.shape_cast %get3A_219 : vector<1x16xf32> to vector<16xf32>
          %add3A_221 = arith.addf %get3A_216, %get3A_220 : vector<16xf32>
          %max3A_222 = arith.constant 0.000000e+00 : f32
          %max3A_223 = vector.broadcast %max3A_222 : f32 to vector<16xf32>
          %max3A_224 = arith.maximumf %add3A_221, %max3A_223 : vector<16xf32>
          %swap3A_225 = arith.index_cast %scan3A_130 : i32 to index
          %swap3A_226 = arith.constant 80 : index
          %swap3A_227 = tpu.vector_load %arg18[%swap3A_225, %swap3A_226] {strides = array<i32>} : memref<40x128xf32, #tpu.memory_space<vmem>>, vector<1x16xf32>,
          %swap3A_228 = vector.shape_cast %swap3A_227 : vector<1x16xf32> to vector<16xf32>
          %swap3A_229 = vector.shape_cast %max3A_224 : vector<16xf32> to vector<1x16xf32>
          tpu.vector_store %arg18[%swap3A_225, %swap3A_226], %swap3A_229 {strides = array<i32>} : memref<40x128xf32, #tpu.memory_space<vmem>>, vector<1x16xf32>,
          %get3A_230 = arith.index_cast %scan3A_130 : i32 to index
          %get3A_231 = arith.constant 96 : index
          %get3A_232 = tpu.vector_load %arg18[%get3A_230, %get3A_231] {strides = array<i32>} : memref<40x128xf32, #tpu.memory_space<vmem>>, vector<1x16xf32>,
          %get3A_233 = vector.shape_cast %get3A_232 : vector<1x16xf32> to vector<16xf32>
          %get3A_234 = arith.index_cast %scan3A_130 : i32 to index
          %get3A_235 = arith.constant 96 : index
          %get3A_236 = tpu.vector_load %arg15[%get3A_234, %get3A_235] {strides = array<i32>} : memref<40x128xf32, #tpu.memory_space<vmem>>, vector<1x16xf32>,
          %get3A_237 = vector.shape_cast %get3A_236 : vector<1x16xf32> to vector<16xf32>
          %add3A_238 = arith.addf %get3A_233, %get3A_237 : vector<16xf32>
          %max3A_239 = arith.constant 0.000000e+00 : f32
          %max3A_240 = vector.broadcast %max3A_239 : f32 to vector<16xf32>
          %max3A_241 = arith.maximumf %add3A_238, %max3A_240 : vector<16xf32>
          %swap3A_242 = arith.index_cast %scan3A_130 : i32 to index
          %swap3A_243 = arith.constant 96 : index
          %swap3A_244 = tpu.vector_load %arg18[%swap3A_242, %swap3A_243] {strides = array<i32>} : memref<40x128xf32, #tpu.memory_space<vmem>>, vector<1x16xf32>,
          %swap3A_245 = vector.shape_cast %swap3A_244 : vector<1x16xf32> to vector<16xf32>
          %swap3A_246 = vector.shape_cast %max3A_241 : vector<16xf32> to vector<1x16xf32>
          tpu.vector_store %arg18[%swap3A_242, %swap3A_243], %swap3A_246 {strides = array<i32>} : memref<40x128xf32, #tpu.memory_space<vmem>>, vector<1x16xf32>,
          %get3A_247 = arith.index_cast %scan3A_130 : i32 to index
          %get3A_248 = arith.constant 112 : index
          %get3A_249 = tpu.vector_load %arg18[%get3A_247, %get3A_248] {strides = array<i32>} : memref<40x128xf32, #tpu.memory_space<vmem>>, vector<1x16xf32>,
          %get3A_250 = vector.shape_cast %get3A_249 : vector<1x16xf32> to vector<16xf32>
          %get3A_251 = arith.index_cast %scan3A_130 : i32 to index
          %get3A_252 = arith.constant 112 : index
          %get3A_253 = tpu.vector_load %arg15[%get3A_251, %get3A_252] {strides = array<i32>} : memref<40x128xf32, #tpu.memory_space<vmem>>, vector<1x16xf32>,
          %get3A_254 = vector.shape_cast %get3A_253 : vector<1x16xf32> to vector<16xf32>
          %add3A_255 = arith.addf %get3A_250, %get3A_254 : vector<16xf32>
          %max3A_256 = arith.constant 0.000000e+00 : f32
          %max3A_257 = vector.broadcast %max3A_256 : f32 to vector<16xf32>
          %max3A_258 = arith.maximumf %add3A_255, %max3A_257 : vector<16xf32>
          %swap3A_259 = arith.index_cast %scan3A_130 : i32 to index
          %swap3A_260 = arith.constant 112 : index
          %swap3A_261 = tpu.vector_load %arg18[%swap3A_259, %swap3A_260] {strides = array<i32>} : memref<40x128xf32, #tpu.memory_space<vmem>>, vector<1x16xf32>,
          %swap3A_262 = vector.shape_cast %swap3A_261 : vector<1x16xf32> to vector<16xf32>
          %swap3A_263 = vector.shape_cast %max3A_258 : vector<16xf32> to vector<1x16xf32>
          tpu.vector_store %arg18[%swap3A_259, %swap3A_260], %swap3A_263 {strides = array<i32>} : memref<40x128xf32, #tpu.memory_space<vmem>>, vector<1x16xf32>,
        }
        %scan3A_112 = arith.constant 40 : i32
        %dma_start3A_113 = arith.constant 0 : i32
        %dma_start3A_114 = arith.constant 0 : i32
        %dma_start3A_115 = tpu.memref_slice %arg29[%dma_start3A_113, %dma_start3A_114] : memref<10000x128xf32, #tpu.memory_space<vmem_shared>> -> memref<10000x128xf32, #tpu.memory_space<vmem_shared>>
        tpu.enqueue_indirect_dma source(%arg18 : memref<40x128xf32, #tpu.memory_space<vmem>>) target(%dma_start3A_115 : memref<10000x128xf32, #tpu.memory_space<vmem_shared>>) offsets(%arg12 : memref<40xi32, #tpu.memory_space<vmem>>) semaphore(%arg27 : memref<!tpu.dma_semaphore, #tpu.memory_space<semaphore_mem>>) {add = true}
        %add3A_116 = arith.constant 1 : i32
        %add3A_117 = arith.addi %add3A_82, %add3A_116 : i32
        %lt3A_118 = arith.constant 250 : i32
        %lt3A_119 = arith.cmpi slt, %add3A_117, %lt3A_118 : i32
        %convert_element_type3A_120 = arith.extui %lt3A_119 : i1 to i32
        %cond3A_121 = arith.constant 0 : i32
        %cond3A_122 = arith.cmpi ne, %convert_element_type3A_120, %cond3A_121 : i32
        scf.if %cond3A_122 {
          %dma_wait3A_130 = arith.constant 0 : i32
          %dma_wait3A_131 = tpu.memref_slice %arg4[%dma_wait3A_130] : memref<320000xi32, #tpu.memory_space<hbm>> -> memref<40xi32, #tpu.memory_space<hbm>>
          %dma_wait3A_132 = arith.constant 0 : i32
          %dma_wait3A_133 = tpu.memref_slice %arg4[%dma_wait3A_132] : memref<320000xi32, #tpu.memory_space<hbm>> -> memref<40xi32, #tpu.memory_space<hbm>>
          tpu.wait_dma2 semaphore(%arg22 : memref<!tpu.dma_semaphore, #tpu.memory_space<semaphore_mem>>) src(%dma_wait3A_133 : memref<40xi32, #tpu.memory_space<hbm>>) dst(%arg10 : memref<40xi32, #tpu.memory_space<vmem>>)
          %dma_wait3A_134 = arith.constant 0 : i32
          %dma_wait3A_135 = tpu.memref_slice %arg4[%dma_wait3A_134] : memref<320000xi32, #tpu.memory_space<hbm>> -> memref<40xi32, #tpu.memory_space<hbm>>
          %dma_wait3A_136 = arith.constant 0 : i32
          %dma_wait3A_137 = tpu.memref_slice %arg4[%dma_wait3A_136] : memref<320000xi32, #tpu.memory_space<hbm>> -> memref<40xi32, #tpu.memory_space<hbm>>
          tpu.wait_dma2 semaphore(%arg22 : memref<!tpu.dma_semaphore, #tpu.memory_space<semaphore_mem>>) src(%dma_wait3A_137 : memref<40xi32, #tpu.memory_space<hbm>>) dst(%arg13 : memref<40xi32, #tpu.memory_space<vmem>>)
          %dma_start3A_138 = arith.constant 0 : i32
          %dma_start3A_139 = arith.constant 0 : i32
          %dma_start3A_140 = tpu.memref_slice %arg2[%dma_start3A_138, %dma_start3A_139] : memref<10000x128xf32, #tpu.memory_space<hbm>> -> memref<10000x128xf32, #tpu.memory_space<hbm>>
          tpu.enqueue_indirect_dma source(%dma_start3A_140 : memref<10000x128xf32, #tpu.memory_space<hbm>>) target(%arg16 : memref<40x128xf32, #tpu.memory_space<vmem>>) offsets(%arg10 : memref<40xi32, #tpu.memory_space<vmem>>) semaphore(%arg25 : memref<!tpu.dma_semaphore, #tpu.memory_space<semaphore_mem>>)
        } else {
        }
        %add3A_123 = arith.constant 2 : i32
        %add3A_124 = arith.addi %add3A_82, %add3A_123 : i32
        %lt3A_125 = arith.constant 250 : i32
        %lt3A_126 = arith.cmpi slt, %add3A_124, %lt3A_125 : i32
        %convert_element_type3A_127 = arith.extui %lt3A_126 : i1 to i32
        %cond3A_128 = arith.constant 0 : i32
        %cond3A_129 = arith.cmpi ne, %convert_element_type3A_127, %cond3A_128 : i32
        scf.if %cond3A_129 {
          %ge3A = arith.constant 1 : i32
          %ge3A_130 = arith.cmpi sge, %add3A_82, %ge3A : i32
          %convert_element_type3A_131 = arith.extui %ge3A_130 : i1 to i32
          %cond3A_132 = arith.constant 0 : i32
          %cond3A_133 = arith.cmpi ne, %convert_element_type3A_131, %cond3A_132 : i32
          scf.if %cond3A_133 {
            %dma_wait3A_147 = arith.constant 0 : i32
            %dma_wait3A_148 = arith.constant 0 : i32
            %dma_wait3A_149 = tpu.memref_slice %arg29[%dma_wait3A_147, %dma_wait3A_148] : memref<10000x128xf32, #tpu.memory_space<vmem_shared>> -> memref<40x128xf32, #tpu.memory_space<vmem_shared>>
            %dma_wait3A_150 = arith.constant 0 : i32
            %dma_wait3A_151 = arith.constant 0 : i32
            %dma_wait3A_152 = tpu.memref_slice %arg29[%dma_wait3A_150, %dma_wait3A_151] : memref<10000x128xf32, #tpu.memory_space<vmem_shared>> -> memref<40x128xf32, #tpu.memory_space<vmem_shared>>
            tpu.wait_dma2 semaphore(%arg26 : memref<!tpu.dma_semaphore, #tpu.memory_space<semaphore_mem>>) src(%arg17 : memref<40x128xf32, #tpu.memory_space<vmem>>) dst(%dma_wait3A_152 : memref<40x128xf32, #tpu.memory_space<vmem_shared>>)
          } else {
          }
          %add3A_134 = arith.constant 2 : i32
          %add3A_135 = arith.addi %add3A_82, %add3A_134 : i32
          %mul3A_136 = arith.constant 40 : i32
          %mul3A_137 = arith.muli %add3A_135, %mul3A_136 : i32
          %add3A_138 = arith.addi %mul3A_2, %mul3A_137 : i32
          %dma_start3A_139 = tpu.memref_slice %arg4[%add3A_138] : memref<320000xi32, #tpu.memory_space<hbm>> -> memref<40xi32, #tpu.memory_space<hbm>>
          %dma_start3A_140 = tpu.memref_slice %arg4[%add3A_138] : memref<320000xi32, #tpu.memory_space<hbm>> -> memref<40xi32, #tpu.memory_space<hbm>>
          tpu.enqueue_dma source(%dma_start3A_140 : memref<40xi32, #tpu.memory_space<hbm>>) target(%arg8 : memref<40xi32, #tpu.memory_space<vmem>>) target_semaphore(%arg20 : memref<!tpu.dma_semaphore, #tpu.memory_space<semaphore_mem>>)
          %dma_start3A_141 = tpu.memref_slice %arg5[%add3A_138] : memref<320000xi32, #tpu.memory_space<hbm>> -> memref<40xi32, #tpu.memory_space<hbm>>
          %dma_start3A_142 = tpu.memref_slice %arg5[%add3A_138] : memref<320000xi32, #tpu.memory_space<hbm>> -> memref<40xi32, #tpu.memory_space<hbm>>
          tpu.enqueue_dma source(%dma_start3A_142 : memref<40xi32, #tpu.memory_space<hbm>>) target(%arg11 : memref<40xi32, #tpu.memory_space<vmem>>) target_semaphore(%arg20 : memref<!tpu.dma_semaphore, #tpu.memory_space<semaphore_mem>>)
          %dma_start3A_143 = arith.constant 0 : i32
          %dma_start3A_144 = tpu.memref_slice %arg3[%add3A_138, %dma_start3A_143] : memref<320000x128xf32, #tpu.memory_space<hbm>> -> memref<40x128xf32, #tpu.memory_space<hbm>>
          %dma_start3A_145 = arith.constant 0 : i32
          %dma_start3A_146 = tpu.memref_slice %arg3[%add3A_138, %dma_start3A_145] : memref<320000x128xf32, #tpu.memory_space<hbm>> -> memref<40x128xf32, #tpu.memory_space<hbm>>
          tpu.enqueue_dma source(%dma_start3A_146 : memref<40x128xf32, #tpu.memory_space<hbm>>) target(%arg17 : memref<40x128xf32, #tpu.memory_space<vmem>>) target_semaphore(%arg23 : memref<!tpu.dma_semaphore, #tpu.memory_space<semaphore_mem>>)
        } else {
        }
      } else {
      }
      %add3A_88 = arith.constant 2 : i32
      %add3A_89 = arith.addi %mul3A_76, %add3A_88 : i32
      %lt3A_90 = arith.constant 250 : i32
      %lt3A_91 = arith.cmpi slt, %add3A_89, %lt3A_90 : i32
      %convert_element_type3A_92 = arith.extui %lt3A_91 : i1 to i32
      %cond3A_93 = arith.constant 0 : i32
      %cond3A_94 = arith.cmpi ne, %convert_element_type3A_92, %cond3A_93 : i32
      scf.if %cond3A_94 {
        %dma_wait3A_95 = arith.constant 0 : i32
        %dma_wait3A_96 = arith.constant 0 : i32
        %dma_wait3A_97 = tpu.memref_slice %arg3[%dma_wait3A_95, %dma_wait3A_96] : memref<320000x128xf32, #tpu.memory_space<hbm>> -> memref<40x128xf32, #tpu.memory_space<hbm>>
        %dma_wait3A_98 = arith.constant 0 : i32
        %dma_wait3A_99 = arith.constant 0 : i32
        %dma_wait3A_100 = tpu.memref_slice %arg3[%dma_wait3A_98, %dma_wait3A_99] : memref<320000x128xf32, #tpu.memory_space<hbm>> -> memref<40x128xf32, #tpu.memory_space<hbm>>
        tpu.wait_dma2 semaphore(%arg25 : memref<!tpu.dma_semaphore, #tpu.memory_space<semaphore_mem>>) src(%dma_wait3A_100 : memref<40x128xf32, #tpu.memory_space<hbm>>) dst(%arg19 : memref<40x128xf32, #tpu.memory_space<vmem>>)
        %dma_wait3A_101 = arith.constant 0 : i32
        %dma_wait3A_102 = arith.constant 0 : i32
        %dma_wait3A_103 = tpu.memref_slice %arg3[%dma_wait3A_101, %dma_wait3A_102] : memref<320000x128xf32, #tpu.memory_space<hbm>> -> memref<40x128xf32, #tpu.memory_space<hbm>>
        %dma_wait3A_104 = arith.constant 0 : i32
        %dma_wait3A_105 = arith.constant 0 : i32
        %dma_wait3A_106 = tpu.memref_slice %arg3[%dma_wait3A_104, %dma_wait3A_105] : memref<320000x128xf32, #tpu.memory_space<hbm>> -> memref<40x128xf32, #tpu.memory_space<hbm>>
        tpu.wait_dma2 semaphore(%arg25 : memref<!tpu.dma_semaphore, #tpu.memory_space<semaphore_mem>>) src(%dma_wait3A_106 : memref<40x128xf32, #tpu.memory_space<hbm>>) dst(%arg16 : memref<40x128xf32, #tpu.memory_space<vmem>>)
        %scan3A_107 = arith.constant 0 : i32
        %scan3A_108 = arith.constant 0 : i32
        %scan3A_109 = arith.constant 40 : i32
        %scan3A_110 = arith.addi %scan3A_108, %scan3A_109 : i32
        %scan3A_111 = arith.constant 1 : i32
        scf.for %scan3A_130 = %scan3A_108 to %scan3A_110 step %scan3A_111  : i32 {
          %get3A = arith.index_cast %scan3A_130 : i32 to index
          %get3A_131 = arith.constant 0 : index
          %get3A_132 = tpu.vector_load %arg19[%get3A, %get3A_131] {strides = array<i32>} : memref<40x128xf32, #tpu.memory_space<vmem>>, vector<1x16xf32>,
          %get3A_133 = vector.shape_cast %get3A_132 : vector<1x16xf32> to vector<16xf32>
          %get3A_134 = arith.index_cast %scan3A_130 : i32 to index
          %get3A_135 = arith.constant 0 : index
          %get3A_136 = tpu.vector_load %arg16[%get3A_134, %get3A_135] {strides = array<i32>} : memref<40x128xf32, #tpu.memory_space<vmem>>, vector<1x16xf32>,
          %get3A_137 = vector.shape_cast %get3A_136 : vector<1x16xf32> to vector<16xf32>
          %add3A_138 = arith.addf %get3A_133, %get3A_137 : vector<16xf32>
          %max3A = arith.constant 0.000000e+00 : f32
          %max3A_139 = vector.broadcast %max3A : f32 to vector<16xf32>
          %max3A_140 = arith.maximumf %add3A_138, %max3A_139 : vector<16xf32>
          %swap3A = arith.index_cast %scan3A_130 : i32 to index
          %swap3A_141 = arith.constant 0 : index
          %swap3A_142 = tpu.vector_load %arg19[%swap3A, %swap3A_141] {strides = array<i32>} : memref<40x128xf32, #tpu.memory_space<vmem>>, vector<1x16xf32>,
          %swap3A_143 = vector.shape_cast %swap3A_142 : vector<1x16xf32> to vector<16xf32>
          %swap3A_144 = vector.shape_cast %max3A_140 : vector<16xf32> to vector<1x16xf32>
          tpu.vector_store %arg19[%swap3A, %swap3A_141], %swap3A_144 {strides = array<i32>} : memref<40x128xf32, #tpu.memory_space<vmem>>, vector<1x16xf32>,
          %get3A_145 = arith.index_cast %scan3A_130 : i32 to index
          %get3A_146 = arith.constant 16 : index
          %get3A_147 = tpu.vector_load %arg19[%get3A_145, %get3A_146] {strides = array<i32>} : memref<40x128xf32, #tpu.memory_space<vmem>>, vector<1x16xf32>,
          %get3A_148 = vector.shape_cast %get3A_147 : vector<1x16xf32> to vector<16xf32>
          %get3A_149 = arith.index_cast %scan3A_130 : i32 to index
          %get3A_150 = arith.constant 16 : index
          %get3A_151 = tpu.vector_load %arg16[%get3A_149, %get3A_150] {strides = array<i32>} : memref<40x128xf32, #tpu.memory_space<vmem>>, vector<1x16xf32>,
          %get3A_152 = vector.shape_cast %get3A_151 : vector<1x16xf32> to vector<16xf32>
          %add3A_153 = arith.addf %get3A_148, %get3A_152 : vector<16xf32>
          %max3A_154 = arith.constant 0.000000e+00 : f32
          %max3A_155 = vector.broadcast %max3A_154 : f32 to vector<16xf32>
          %max3A_156 = arith.maximumf %add3A_153, %max3A_155 : vector<16xf32>
          %swap3A_157 = arith.index_cast %scan3A_130 : i32 to index
          %swap3A_158 = arith.constant 16 : index
          %swap3A_159 = tpu.vector_load %arg19[%swap3A_157, %swap3A_158] {strides = array<i32>} : memref<40x128xf32, #tpu.memory_space<vmem>>, vector<1x16xf32>,
          %swap3A_160 = vector.shape_cast %swap3A_159 : vector<1x16xf32> to vector<16xf32>
          %swap3A_161 = vector.shape_cast %max3A_156 : vector<16xf32> to vector<1x16xf32>
          tpu.vector_store %arg19[%swap3A_157, %swap3A_158], %swap3A_161 {strides = array<i32>} : memref<40x128xf32, #tpu.memory_space<vmem>>, vector<1x16xf32>,
          %get3A_162 = arith.index_cast %scan3A_130 : i32 to index
          %get3A_163 = arith.constant 32 : index
          %get3A_164 = tpu.vector_load %arg19[%get3A_162, %get3A_163] {strides = array<i32>} : memref<40x128xf32, #tpu.memory_space<vmem>>, vector<1x16xf32>,
          %get3A_165 = vector.shape_cast %get3A_164 : vector<1x16xf32> to vector<16xf32>
          %get3A_166 = arith.index_cast %scan3A_130 : i32 to index
          %get3A_167 = arith.constant 32 : index
          %get3A_168 = tpu.vector_load %arg16[%get3A_166, %get3A_167] {strides = array<i32>} : memref<40x128xf32, #tpu.memory_space<vmem>>, vector<1x16xf32>,
          %get3A_169 = vector.shape_cast %get3A_168 : vector<1x16xf32> to vector<16xf32>
          %add3A_170 = arith.addf %get3A_165, %get3A_169 : vector<16xf32>
          %max3A_171 = arith.constant 0.000000e+00 : f32
          %max3A_172 = vector.broadcast %max3A_171 : f32 to vector<16xf32>
          %max3A_173 = arith.maximumf %add3A_170, %max3A_172 : vector<16xf32>
          %swap3A_174 = arith.index_cast %scan3A_130 : i32 to index
          %swap3A_175 = arith.constant 32 : index
          %swap3A_176 = tpu.vector_load %arg19[%swap3A_174, %swap3A_175] {strides = array<i32>} : memref<40x128xf32, #tpu.memory_space<vmem>>, vector<1x16xf32>,
          %swap3A_177 = vector.shape_cast %swap3A_176 : vector<1x16xf32> to vector<16xf32>
          %swap3A_178 = vector.shape_cast %max3A_173 : vector<16xf32> to vector<1x16xf32>
          tpu.vector_store %arg19[%swap3A_174, %swap3A_175], %swap3A_178 {strides = array<i32>} : memref<40x128xf32, #tpu.memory_space<vmem>>, vector<1x16xf32>,
          %get3A_179 = arith.index_cast %scan3A_130 : i32 to index
          %get3A_180 = arith.constant 48 : index
          %get3A_181 = tpu.vector_load %arg19[%get3A_179, %get3A_180] {strides = array<i32>} : memref<40x128xf32, #tpu.memory_space<vmem>>, vector<1x16xf32>,
          %get3A_182 = vector.shape_cast %get3A_181 : vector<1x16xf32> to vector<16xf32>
          %get3A_183 = arith.index_cast %scan3A_130 : i32 to index
          %get3A_184 = arith.constant 48 : index
          %get3A_185 = tpu.vector_load %arg16[%get3A_183, %get3A_184] {strides = array<i32>} : memref<40x128xf32, #tpu.memory_space<vmem>>, vector<1x16xf32>,
          %get3A_186 = vector.shape_cast %get3A_185 : vector<1x16xf32> to vector<16xf32>
          %add3A_187 = arith.addf %get3A_182, %get3A_186 : vector<16xf32>
          %max3A_188 = arith.constant 0.000000e+00 : f32
          %max3A_189 = vector.broadcast %max3A_188 : f32 to vector<16xf32>
          %max3A_190 = arith.maximumf %add3A_187, %max3A_189 : vector<16xf32>
          %swap3A_191 = arith.index_cast %scan3A_130 : i32 to index
          %swap3A_192 = arith.constant 48 : index
          %swap3A_193 = tpu.vector_load %arg19[%swap3A_191, %swap3A_192] {strides = array<i32>} : memref<40x128xf32, #tpu.memory_space<vmem>>, vector<1x16xf32>,
          %swap3A_194 = vector.shape_cast %swap3A_193 : vector<1x16xf32> to vector<16xf32>
          %swap3A_195 = vector.shape_cast %max3A_190 : vector<16xf32> to vector<1x16xf32>
          tpu.vector_store %arg19[%swap3A_191, %swap3A_192], %swap3A_195 {strides = array<i32>} : memref<40x128xf32, #tpu.memory_space<vmem>>, vector<1x16xf32>,
          %get3A_196 = arith.index_cast %scan3A_130 : i32 to index
          %get3A_197 = arith.constant 64 : index
          %get3A_198 = tpu.vector_load %arg19[%get3A_196, %get3A_197] {strides = array<i32>} : memref<40x128xf32, #tpu.memory_space<vmem>>, vector<1x16xf32>,
          %get3A_199 = vector.shape_cast %get3A_198 : vector<1x16xf32> to vector<16xf32>
          %get3A_200 = arith.index_cast %scan3A_130 : i32 to index
          %get3A_201 = arith.constant 64 : index
          %get3A_202 = tpu.vector_load %arg16[%get3A_200, %get3A_201] {strides = array<i32>} : memref<40x128xf32, #tpu.memory_space<vmem>>, vector<1x16xf32>,
          %get3A_203 = vector.shape_cast %get3A_202 : vector<1x16xf32> to vector<16xf32>
          %add3A_204 = arith.addf %get3A_199, %get3A_203 : vector<16xf32>
          %max3A_205 = arith.constant 0.000000e+00 : f32
          %max3A_206 = vector.broadcast %max3A_205 : f32 to vector<16xf32>
          %max3A_207 = arith.maximumf %add3A_204, %max3A_206 : vector<16xf32>
          %swap3A_208 = arith.index_cast %scan3A_130 : i32 to index
          %swap3A_209 = arith.constant 64 : index
          %swap3A_210 = tpu.vector_load %arg19[%swap3A_208, %swap3A_209] {strides = array<i32>} : memref<40x128xf32, #tpu.memory_space<vmem>>, vector<1x16xf32>,
          %swap3A_211 = vector.shape_cast %swap3A_210 : vector<1x16xf32> to vector<16xf32>
          %swap3A_212 = vector.shape_cast %max3A_207 : vector<16xf32> to vector<1x16xf32>
          tpu.vector_store %arg19[%swap3A_208, %swap3A_209], %swap3A_212 {strides = array<i32>} : memref<40x128xf32, #tpu.memory_space<vmem>>, vector<1x16xf32>,
          %get3A_213 = arith.index_cast %scan3A_130 : i32 to index
          %get3A_214 = arith.constant 80 : index
          %get3A_215 = tpu.vector_load %arg19[%get3A_213, %get3A_214] {strides = array<i32>} : memref<40x128xf32, #tpu.memory_space<vmem>>, vector<1x16xf32>,
          %get3A_216 = vector.shape_cast %get3A_215 : vector<1x16xf32> to vector<16xf32>
          %get3A_217 = arith.index_cast %scan3A_130 : i32 to index
          %get3A_218 = arith.constant 80 : index
          %get3A_219 = tpu.vector_load %arg16[%get3A_217, %get3A_218] {strides = array<i32>} : memref<40x128xf32, #tpu.memory_space<vmem>>, vector<1x16xf32>,
          %get3A_220 = vector.shape_cast %get3A_219 : vector<1x16xf32> to vector<16xf32>
          %add3A_221 = arith.addf %get3A_216, %get3A_220 : vector<16xf32>
          %max3A_222 = arith.constant 0.000000e+00 : f32
          %max3A_223 = vector.broadcast %max3A_222 : f32 to vector<16xf32>
          %max3A_224 = arith.maximumf %add3A_221, %max3A_223 : vector<16xf32>
          %swap3A_225 = arith.index_cast %scan3A_130 : i32 to index
          %swap3A_226 = arith.constant 80 : index
          %swap3A_227 = tpu.vector_load %arg19[%swap3A_225, %swap3A_226] {strides = array<i32>} : memref<40x128xf32, #tpu.memory_space<vmem>>, vector<1x16xf32>,
          %swap3A_228 = vector.shape_cast %swap3A_227 : vector<1x16xf32> to vector<16xf32>
          %swap3A_229 = vector.shape_cast %max3A_224 : vector<16xf32> to vector<1x16xf32>
          tpu.vector_store %arg19[%swap3A_225, %swap3A_226], %swap3A_229 {strides = array<i32>} : memref<40x128xf32, #tpu.memory_space<vmem>>, vector<1x16xf32>,
          %get3A_230 = arith.index_cast %scan3A_130 : i32 to index
          %get3A_231 = arith.constant 96 : index
          %get3A_232 = tpu.vector_load %arg19[%get3A_230, %get3A_231] {strides = array<i32>} : memref<40x128xf32, #tpu.memory_space<vmem>>, vector<1x16xf32>,
          %get3A_233 = vector.shape_cast %get3A_232 : vector<1x16xf32> to vector<16xf32>
          %get3A_234 = arith.index_cast %scan3A_130 : i32 to index
          %get3A_235 = arith.constant 96 : index
          %get3A_236 = tpu.vector_load %arg16[%get3A_234, %get3A_235] {strides = array<i32>} : memref<40x128xf32, #tpu.memory_space<vmem>>, vector<1x16xf32>,
          %get3A_237 = vector.shape_cast %get3A_236 : vector<1x16xf32> to vector<16xf32>
          %add3A_238 = arith.addf %get3A_233, %get3A_237 : vector<16xf32>
          %max3A_239 = arith.constant 0.000000e+00 : f32
          %max3A_240 = vector.broadcast %max3A_239 : f32 to vector<16xf32>
          %max3A_241 = arith.maximumf %add3A_238, %max3A_240 : vector<16xf32>
          %swap3A_242 = arith.index_cast %scan3A_130 : i32 to index
          %swap3A_243 = arith.constant 96 : index
          %swap3A_244 = tpu.vector_load %arg19[%swap3A_242, %swap3A_243] {strides = array<i32>} : memref<40x128xf32, #tpu.memory_space<vmem>>, vector<1x16xf32>,
          %swap3A_245 = vector.shape_cast %swap3A_244 : vector<1x16xf32> to vector<16xf32>
          %swap3A_246 = vector.shape_cast %max3A_241 : vector<16xf32> to vector<1x16xf32>
          tpu.vector_store %arg19[%swap3A_242, %swap3A_243], %swap3A_246 {strides = array<i32>} : memref<40x128xf32, #tpu.memory_space<vmem>>, vector<1x16xf32>,
          %get3A_247 = arith.index_cast %scan3A_130 : i32 to index
          %get3A_248 = arith.constant 112 : index
          %get3A_249 = tpu.vector_load %arg19[%get3A_247, %get3A_248] {strides = array<i32>} : memref<40x128xf32, #tpu.memory_space<vmem>>, vector<1x16xf32>,
          %get3A_250 = vector.shape_cast %get3A_249 : vector<1x16xf32> to vector<16xf32>
          %get3A_251 = arith.index_cast %scan3A_130 : i32 to index
          %get3A_252 = arith.constant 112 : index
          %get3A_253 = tpu.vector_load %arg16[%get3A_251, %get3A_252] {strides = array<i32>} : memref<40x128xf32, #tpu.memory_space<vmem>>, vector<1x16xf32>,
          %get3A_254 = vector.shape_cast %get3A_253 : vector<1x16xf32> to vector<16xf32>
          %add3A_255 = arith.addf %get3A_250, %get3A_254 : vector<16xf32>
          %max3A_256 = arith.constant 0.000000e+00 : f32
          %max3A_257 = vector.broadcast %max3A_256 : f32 to vector<16xf32>
          %max3A_258 = arith.maximumf %add3A_255, %max3A_257 : vector<16xf32>
          %swap3A_259 = arith.index_cast %scan3A_130 : i32 to index
          %swap3A_260 = arith.constant 112 : index
          %swap3A_261 = tpu.vector_load %arg19[%swap3A_259, %swap3A_260] {strides = array<i32>} : memref<40x128xf32, #tpu.memory_space<vmem>>, vector<1x16xf32>,
          %swap3A_262 = vector.shape_cast %swap3A_261 : vector<1x16xf32> to vector<16xf32>
          %swap3A_263 = vector.shape_cast %max3A_258 : vector<16xf32> to vector<1x16xf32>
          tpu.vector_store %arg19[%swap3A_259, %swap3A_260], %swap3A_263 {strides = array<i32>} : memref<40x128xf32, #tpu.memory_space<vmem>>, vector<1x16xf32>,
        }
        %scan3A_112 = arith.constant 40 : i32
        %dma_start3A_113 = arith.constant 0 : i32
        %dma_start3A_114 = arith.constant 0 : i32
        %dma_start3A_115 = tpu.memref_slice %arg29[%dma_start3A_113, %dma_start3A_114] : memref<10000x128xf32, #tpu.memory_space<vmem_shared>> -> memref<10000x128xf32, #tpu.memory_space<vmem_shared>>
        tpu.enqueue_indirect_dma source(%arg19 : memref<40x128xf32, #tpu.memory_space<vmem>>) target(%dma_start3A_115 : memref<10000x128xf32, #tpu.memory_space<vmem_shared>>) offsets(%arg13 : memref<40xi32, #tpu.memory_space<vmem>>) semaphore(%arg28 : memref<!tpu.dma_semaphore, #tpu.memory_space<semaphore_mem>>) {add = true}
        %add3A_116 = arith.constant 1 : i32
        %add3A_117 = arith.addi %add3A_89, %add3A_116 : i32
        %lt3A_118 = arith.constant 250 : i32
        %lt3A_119 = arith.cmpi slt, %add3A_117, %lt3A_118 : i32
        %convert_element_type3A_120 = arith.extui %lt3A_119 : i1 to i32
        %cond3A_121 = arith.constant 0 : i32
        %cond3A_122 = arith.cmpi ne, %convert_element_type3A_120, %cond3A_121 : i32
        scf.if %cond3A_122 {
          %dma_wait3A_130 = arith.constant 0 : i32
          %dma_wait3A_131 = tpu.memref_slice %arg4[%dma_wait3A_130] : memref<320000xi32, #tpu.memory_space<hbm>> -> memref<40xi32, #tpu.memory_space<hbm>>
          %dma_wait3A_132 = arith.constant 0 : i32
          %dma_wait3A_133 = tpu.memref_slice %arg4[%dma_wait3A_132] : memref<320000xi32, #tpu.memory_space<hbm>> -> memref<40xi32, #tpu.memory_space<hbm>>
          tpu.wait_dma2 semaphore(%arg20 : memref<!tpu.dma_semaphore, #tpu.memory_space<semaphore_mem>>) src(%dma_wait3A_133 : memref<40xi32, #tpu.memory_space<hbm>>) dst(%arg8 : memref<40xi32, #tpu.memory_space<vmem>>)
          %dma_wait3A_134 = arith.constant 0 : i32
          %dma_wait3A_135 = tpu.memref_slice %arg4[%dma_wait3A_134] : memref<320000xi32, #tpu.memory_space<hbm>> -> memref<40xi32, #tpu.memory_space<hbm>>
          %dma_wait3A_136 = arith.constant 0 : i32
          %dma_wait3A_137 = tpu.memref_slice %arg4[%dma_wait3A_136] : memref<320000xi32, #tpu.memory_space<hbm>> -> memref<40xi32, #tpu.memory_space<hbm>>
          tpu.wait_dma2 semaphore(%arg20 : memref<!tpu.dma_semaphore, #tpu.memory_space<semaphore_mem>>) src(%dma_wait3A_137 : memref<40xi32, #tpu.memory_space<hbm>>) dst(%arg11 : memref<40xi32, #tpu.memory_space<vmem>>)
          %dma_start3A_138 = arith.constant 0 : i32
          %dma_start3A_139 = arith.constant 0 : i32
          %dma_start3A_140 = tpu.memref_slice %arg2[%dma_start3A_138, %dma_start3A_139] : memref<10000x128xf32, #tpu.memory_space<hbm>> -> memref<10000x128xf32, #tpu.memory_space<hbm>>
          tpu.enqueue_indirect_dma source(%dma_start3A_140 : memref<10000x128xf32, #tpu.memory_space<hbm>>) target(%arg14 : memref<40x128xf32, #tpu.memory_space<vmem>>) offsets(%arg8 : memref<40xi32, #tpu.memory_space<vmem>>) semaphore(%arg23 : memref<!tpu.dma_semaphore, #tpu.memory_space<semaphore_mem>>)
        } else {
        }
        %add3A_123 = arith.constant 2 : i32
        %add3A_124 = arith.addi %add3A_89, %add3A_123 : i32
        %lt3A_125 = arith.constant 250 : i32
        %lt3A_126 = arith.cmpi slt, %add3A_124, %lt3A_125 : i32
        %convert_element_type3A_127 = arith.extui %lt3A_126 : i1 to i32
        %cond3A_128 = arith.constant 0 : i32
        %cond3A_129 = arith.cmpi ne, %convert_element_type3A_127, %cond3A_128 : i32
        scf.if %cond3A_129 {
          %ge3A = arith.constant 1 : i32
          %ge3A_130 = arith.cmpi sge, %add3A_89, %ge3A : i32
          %convert_element_type3A_131 = arith.extui %ge3A_130 : i1 to i32
          %cond3A_132 = arith.constant 0 : i32
          %cond3A_133 = arith.cmpi ne, %convert_element_type3A_131, %cond3A_132 : i32
          scf.if %cond3A_133 {
            %dma_wait3A_147 = arith.constant 0 : i32
            %dma_wait3A_148 = arith.constant 0 : i32
            %dma_wait3A_149 = tpu.memref_slice %arg29[%dma_wait3A_147, %dma_wait3A_148] : memref<10000x128xf32, #tpu.memory_space<vmem_shared>> -> memref<40x128xf32, #tpu.memory_space<vmem_shared>>
            %dma_wait3A_150 = arith.constant 0 : i32
            %dma_wait3A_151 = arith.constant 0 : i32
            %dma_wait3A_152 = tpu.memref_slice %arg29[%dma_wait3A_150, %dma_wait3A_151] : memref<10000x128xf32, #tpu.memory_space<vmem_shared>> -> memref<40x128xf32, #tpu.memory_space<vmem_shared>>
            tpu.wait_dma2 semaphore(%arg27 : memref<!tpu.dma_semaphore, #tpu.memory_space<semaphore_mem>>) src(%arg18 : memref<40x128xf32, #tpu.memory_space<vmem>>) dst(%dma_wait3A_152 : memref<40x128xf32, #tpu.memory_space<vmem_shared>>)
          } else {
          }
          %add3A_134 = arith.constant 2 : i32
          %add3A_135 = arith.addi %add3A_89, %add3A_134 : i32
          %mul3A_136 = arith.constant 40 : i32
          %mul3A_137 = arith.muli %add3A_135, %mul3A_136 : i32
          %add3A_138 = arith.addi %mul3A_2, %mul3A_137 : i32
          %dma_start3A_139 = tpu.memref_slice %arg4[%add3A_138] : memref<320000xi32, #tpu.memory_space<hbm>> -> memref<40xi32, #tpu.memory_space<hbm>>
          %dma_start3A_140 = tpu.memref_slice %arg4[%add3A_138] : memref<320000xi32, #tpu.memory_space<hbm>> -> memref<40xi32, #tpu.memory_space<hbm>>
          tpu.enqueue_dma source(%dma_start3A_140 : memref<40xi32, #tpu.memory_space<hbm>>) target(%arg9 : memref<40xi32, #tpu.memory_space<vmem>>) target_semaphore(%arg21 : memref<!tpu.dma_semaphore, #tpu.memory_space<semaphore_mem>>)
          %dma_start3A_141 = tpu.memref_slice %arg5[%add3A_138] : memref<320000xi32, #tpu.memory_space<hbm>> -> memref<40xi32, #tpu.memory_space<hbm>>
          %dma_start3A_142 = tpu.memref_slice %arg5[%add3A_138] : memref<320000xi32, #tpu.memory_space<hbm>> -> memref<40xi32, #tpu.memory_space<hbm>>
          tpu.enqueue_dma source(%dma_start3A_142 : memref<40xi32, #tpu.memory_space<hbm>>) target(%arg12 : memref<40xi32, #tpu.memory_space<vmem>>) target_semaphore(%arg21 : memref<!tpu.dma_semaphore, #tpu.memory_space<semaphore_mem>>)
          %dma_start3A_143 = arith.constant 0 : i32
          %dma_start3A_144 = tpu.memref_slice %arg3[%add3A_138, %dma_start3A_143] : memref<320000x128xf32, #tpu.memory_space<hbm>> -> memref<40x128xf32, #tpu.memory_space<hbm>>
          %dma_start3A_145 = arith.constant 0 : i32
          %dma_start3A_146 = tpu.memref_slice %arg3[%add3A_138, %dma_start3A_145] : memref<320000x128xf32, #tpu.memory_space<hbm>> -> memref<40x128xf32, #tpu.memory_space<hbm>>
          tpu.enqueue_dma source(%dma_start3A_146 : memref<40x128xf32, #tpu.memory_space<hbm>>) target(%arg18 : memref<40x128xf32, #tpu.memory_space<vmem>>) target_semaphore(%arg24 : memref<!tpu.dma_semaphore, #tpu.memory_space<semaphore_mem>>)
        } else {
        }
      } else {
      }
    }
    %scan3A_48 = arith.constant 84 : i32
    %dma_wait3A_49 = arith.constant 0 : i32
    %dma_wait3A_50 = arith.constant 0 : i32
    %dma_wait3A_51 = tpu.memref_slice %arg29[%dma_wait3A_49, %dma_wait3A_50] : memref<10000x128xf32, #tpu.memory_space<vmem_shared>> -> memref<40x128xf32, #tpu.memory_space<vmem_shared>>
    %dma_wait3A_52 = arith.constant 0 : i32
    %dma_wait3A_53 = arith.constant 0 : i32
    %dma_wait3A_54 = tpu.memref_slice %arg29[%dma_wait3A_52, %dma_wait3A_53] : memref<10000x128xf32, #tpu.memory_space<vmem_shared>> -> memref<40x128xf32, #tpu.memory_space<vmem_shared>>
    tpu.wait_dma2 semaphore(%arg26 : memref<!tpu.dma_semaphore, #tpu.memory_space<semaphore_mem>>) src(%arg17 : memref<40x128xf32, #tpu.memory_space<vmem>>) dst(%dma_wait3A_54 : memref<40x128xf32, #tpu.memory_space<vmem_shared>>)
    %dma_wait3A_55 = arith.constant 0 : i32
    %dma_wait3A_56 = arith.constant 0 : i32
    %dma_wait3A_57 = tpu.memref_slice %arg29[%dma_wait3A_55, %dma_wait3A_56] : memref<10000x128xf32, #tpu.memory_space<vmem_shared>> -> memref<40x128xf32, #tpu.memory_space<vmem_shared>>
    %dma_wait3A_58 = arith.constant 0 : i32
    %dma_wait3A_59 = arith.constant 0 : i32
    %dma_wait3A_60 = tpu.memref_slice %arg29[%dma_wait3A_58, %dma_wait3A_59] : memref<10000x128xf32, #tpu.memory_space<vmem_shared>> -> memref<40x128xf32, #tpu.memory_space<vmem_shared>>
    tpu.wait_dma2 semaphore(%arg27 : memref<!tpu.dma_semaphore, #tpu.memory_space<semaphore_mem>>) src(%arg18 : memref<40x128xf32, #tpu.memory_space<vmem>>) dst(%dma_wait3A_60 : memref<40x128xf32, #tpu.memory_space<vmem_shared>>)
    %dma_wait3A_61 = arith.constant 0 : i32
    %dma_wait3A_62 = arith.constant 0 : i32
    %dma_wait3A_63 = tpu.memref_slice %arg29[%dma_wait3A_61, %dma_wait3A_62] : memref<10000x128xf32, #tpu.memory_space<vmem_shared>> -> memref<40x128xf32, #tpu.memory_space<vmem_shared>>
    %dma_wait3A_64 = arith.constant 0 : i32
    %dma_wait3A_65 = arith.constant 0 : i32
    %dma_wait3A_66 = tpu.memref_slice %arg29[%dma_wait3A_64, %dma_wait3A_65] : memref<10000x128xf32, #tpu.memory_space<vmem_shared>> -> memref<40x128xf32, #tpu.memory_space<vmem_shared>>
    tpu.wait_dma2 semaphore(%arg28 : memref<!tpu.dma_semaphore, #tpu.memory_space<semaphore_mem>>) src(%arg19 : memref<40x128xf32, #tpu.memory_space<vmem>>) dst(%dma_wait3A_66 : memref<40x128xf32, #tpu.memory_space<vmem_shared>>)
    %barrier3A_67 = arith.constant 0 : index
    tpu.barrier barrier_id(%barrier3A_67)
    %scan3A_68 = arith.constant 0 : i32
    %scan3A_69 = arith.constant 0 : i32
    %scan3A_70 = arith.constant 16 : i32
    %scan3A_71 = arith.addi %scan3A_69, %scan3A_70 : i32
    %scan3A_72 = arith.constant 1 : i32
    scf.for %scan3A_74 = %scan3A_69 to %scan3A_71 step %scan3A_72  : i32 {
      %mul3A_75 = arith.constant 16 : i32
      %mul3A_76 = arith.muli %mul3A_75, %scan3A_74 : i32
      %add3A_77 = arith.addi %arg1, %mul3A_76 : i32
      %lt3A = arith.constant 250 : i32
      %lt3A_78 = arith.cmpi slt, %add3A_77, %lt3A : i32
      %convert_element_type3A = arith.extui %lt3A_78 : i1 to i32
      %cond3A = arith.constant 0 : i32
      %cond3A_79 = arith.cmpi ne, %convert_element_type3A, %cond3A : i32
      scf.if %cond3A_79 {
        %mul3A_80 = arith.constant 40 : i32
        %mul3A_81 = arith.muli %add3A_77, %mul3A_80 : i32
        %eq3A = arith.constant 0 : i32
        %eq3A_82 = arith.cmpi eq, %arg0, %eq3A : i32
        %convert_element_type3A_83 = arith.extui %eq3A_82 : i1 to i32
        %cond3A_84 = arith.constant 0 : i32
        %cond3A_85 = arith.cmpi ne, %convert_element_type3A_83, %cond3A_84 : i32
        scf.if %cond3A_85 {
          "tpu.region"() ({
            %run_scoped3A = tpu.sem_alloc : memref<!tpu.dma_semaphore, #tpu.memory_space<semaphore_mem>>
            %dma_start3A_91 = arith.constant 0 : i32
            %dma_start3A_92 = tpu.memref_slice %arg6[%mul3A_81, %dma_start3A_91] : memref<10000x128xf32, #tpu.memory_space<hbm>> -> memref<40x128xf32, #tpu.memory_space<hbm>>
            %dma_start3A_93 = arith.constant 0 : i32
            %dma_start3A_94 = tpu.memref_slice %arg29[%mul3A_81, %dma_start3A_93] : memref<10000x128xf32, #tpu.memory_space<vmem_shared>> -> memref<40x128xf32, #tpu.memory_space<vmem_shared>>
            tpu.enqueue_dma source(%dma_start3A_94 : memref<40x128xf32, #tpu.memory_space<vmem_shared>>) target(%dma_start3A_92 : memref<40x128xf32, #tpu.memory_space<hbm>>) target_semaphore(%run_scoped3A : memref<!tpu.dma_semaphore, #tpu.memory_space<semaphore_mem>>)
            %dma_wait3A_95 = arith.constant 0 : i32
            %dma_wait3A_96 = tpu.memref_slice %arg6[%mul3A_81, %dma_wait3A_95] : memref<10000x128xf32, #tpu.memory_space<hbm>> -> memref<40x128xf32, #tpu.memory_space<hbm>>
            %dma_wait3A_97 = arith.constant 0 : i32
            %dma_wait3A_98 = tpu.memref_slice %arg29[%mul3A_81, %dma_wait3A_97] : memref<10000x128xf32, #tpu.memory_space<vmem_shared>> -> memref<40x128xf32, #tpu.memory_space<vmem_shared>>
            tpu.wait_dma2 semaphore(%run_scoped3A : memref<!tpu.dma_semaphore, #tpu.memory_space<semaphore_mem>>) src(%dma_wait3A_98 : memref<40x128xf32, #tpu.memory_space<vmem_shared>>) dst(%dma_wait3A_96 : memref<40x128xf32, #tpu.memory_space<hbm>>)
            tpu.yield
          }) : () -> ()
        } else {
        }
        %eq3A_86 = arith.constant 1 : i32
        %eq3A_87 = arith.cmpi eq, %arg0, %eq3A_86 : i32
        %convert_element_type3A_88 = arith.extui %eq3A_87 : i1 to i32
        %cond3A_89 = arith.constant 0 : i32
        %cond3A_90 = arith.cmpi ne, %convert_element_type3A_88, %cond3A_89 : i32
        scf.if %cond3A_90 {
          "tpu.region"() ({
            %run_scoped3A = tpu.sem_alloc : memref<!tpu.dma_semaphore, #tpu.memory_space<semaphore_mem>>
            %dma_start3A_91 = arith.constant 0 : i32
            %dma_start3A_92 = tpu.memref_slice %arg7[%mul3A_81, %dma_start3A_91] : memref<10000x128xf32, #tpu.memory_space<hbm>> -> memref<40x128xf32, #tpu.memory_space<hbm>>
            %dma_start3A_93 = arith.constant 0 : i32
            %dma_start3A_94 = tpu.memref_slice %arg29[%mul3A_81, %dma_start3A_93] : memref<10000x128xf32, #tpu.memory_space<vmem_shared>> -> memref<40x128xf32, #tpu.memory_space<vmem_shared>>
            tpu.enqueue_dma source(%dma_start3A_94 : memref<40x128xf32, #tpu.memory_space<vmem_shared>>) target(%dma_start3A_92 : memref<40x128xf32, #tpu.memory_space<hbm>>) target_semaphore(%run_scoped3A : memref<!tpu.dma_semaphore, #tpu.memory_space<semaphore_mem>>)
            %dma_wait3A_95 = arith.constant 0 : i32
            %dma_wait3A_96 = tpu.memref_slice %arg7[%mul3A_81, %dma_wait3A_95] : memref<10000x128xf32, #tpu.memory_space<hbm>> -> memref<40x128xf32, #tpu.memory_space<hbm>>
            %dma_wait3A_97 = arith.constant 0 : i32
            %dma_wait3A_98 = tpu.memref_slice %arg29[%mul3A_81, %dma_wait3A_97] : memref<10000x128xf32, #tpu.memory_space<vmem_shared>> -> memref<40x128xf32, #tpu.memory_space<vmem_shared>>
            tpu.wait_dma2 semaphore(%run_scoped3A : memref<!tpu.dma_semaphore, #tpu.memory_space<semaphore_mem>>) src(%dma_wait3A_98 : memref<40x128xf32, #tpu.memory_space<vmem_shared>>) dst(%dma_wait3A_96 : memref<40x128xf32, #tpu.memory_space<hbm>>)
            tpu.yield
          }) : () -> ()
        } else {
        }
      } else {
      }
    }
    %scan3A_73 = arith.constant 16 : i32
    return
  }
}

#map = affine_map<(d0, d1) -> (0, 0)>
#map1 = affine_map<(d0, d1) -> (0)>
module attributes {stable_mosaic.version = 14 : i64} {
  func.func @_mp_body(%arg0: i32, %arg1: i32, %arg2: memref<10000x128xf32, #tpu.memory_space<hbm>>, %arg3: memref<320000x128xf32, #tpu.memory_space<hbm>>, %arg4: memref<320000xi32, #tpu.memory_space<hbm>>, %arg5: memref<320000xi32, #tpu.memory_space<hbm>>, %arg6: memref<10000x128xf32, #tpu.memory_space<hbm>>, %arg7: memref<10000x128xf32, #tpu.memory_space<hbm>>, %arg8: memref<40xi32, #tpu.memory_space<vmem>>, %arg9: memref<40xi32, #tpu.memory_space<vmem>>, %arg10: memref<40xi32, #tpu.memory_space<vmem>>, %arg11: memref<40xi32, #tpu.memory_space<vmem>>, %arg12: memref<40xi32, #tpu.memory_space<vmem>>, %arg13: memref<40xi32, #tpu.memory_space<vmem>>, %arg14: memref<40x128xf32, #tpu.memory_space<vmem>>, %arg15: memref<40x128xf32, #tpu.memory_space<vmem>>, %arg16: memref<40x128xf32, #tpu.memory_space<vmem>>, %arg17: memref<40x128xf32, #tpu.memory_space<vmem>>, %arg18: memref<40x128xf32, #tpu.memory_space<vmem>>, %arg19: memref<40x128xf32, #tpu.memory_space<vmem>>, %arg20: memref<!tpu.dma_semaphore, #tpu.memory_space<semaphore_mem>>, %arg21: memref<!tpu.dma_semaphore, #tpu.memory_space<semaphore_mem>>, %arg22: memref<!tpu.dma_semaphore, #tpu.memory_space<semaphore_mem>>, %arg23: memref<!tpu.dma_semaphore, #tpu.memory_space<semaphore_mem>>, %arg24: memref<!tpu.dma_semaphore, #tpu.memory_space<semaphore_mem>>, %arg25: memref<!tpu.dma_semaphore, #tpu.memory_space<semaphore_mem>>, %arg26: memref<!tpu.dma_semaphore, #tpu.memory_space<semaphore_mem>>, %arg27: memref<!tpu.dma_semaphore, #tpu.memory_space<semaphore_mem>>, %arg28: memref<!tpu.dma_semaphore, #tpu.memory_space<semaphore_mem>>, %arg29: memref<10000x128xf32, #tpu.memory_space<vmem_shared>>) attributes {dimension_semantics = [#tpu.dimension_semantics<core_parallel>, #tpu.dimension_semantics<subcore_parallel>], iteration_bounds = array<i64: 2, 16>, scalar_prefetch = 0 : i64, scratch_operands = 22 : i64, tpu.core_type = #tpu.core_type<sc_vector_subcore>, window_params = [{transform_indices = #map}, {transform_indices = #map}, {transform_indices = #map1}, {transform_indices = #map1}, {transform_indices = #map}, {transform_indices = #map}]} {
    %mul3A = arith.constant 2 : i32
    %mul3A_0 = arith.muli %arg1, %mul3A : i32
    %add3A = arith.addi %mul3A_0, %arg0 : i32
    %mul3A_1 = arith.constant 10000 : i32
    %mul3A_2 = arith.muli %add3A, %mul3A_1 : i32
    %scan3A = arith.constant 0 : i32
    %scan3A_3 = arith.constant 0 : i32
    %scan3A_4 = arith.constant 40 : i32
    %scan3A_5 = arith.addi %scan3A_3, %scan3A_4 : i32
    %scan3A_6 = arith.constant 1 : i32
    scf.for %scan3A_74 = %scan3A_3 to %scan3A_5 step %scan3A_6  : i32 {
      %broadcast_in_dim3A = arith.constant 0.000000e+00 : f32
      %broadcast_in_dim3A_75 = vector.broadcast %broadcast_in_dim3A : f32 to vector<16xf32>
      %swap3A = arith.index_cast %scan3A_74 : i32 to index
      %swap3A_76 = arith.constant 0 : index
      %swap3A_77 = tpu.vector_load %arg14[%swap3A, %swap3A_76] {strides = array<i32>} : memref<40x128xf32, #tpu.memory_space<vmem>>, vector<1x16xf32>,
      %swap3A_78 = vector.shape_cast %swap3A_77 : vector<1x16xf32> to vector<16xf32>
      %swap3A_79 = vector.shape_cast %broadcast_in_dim3A_75 : vector<16xf32> to vector<1x16xf32>
      tpu.vector_store %arg14[%swap3A, %swap3A_76], %swap3A_79 {strides = array<i32>} : memref<40x128xf32, #tpu.memory_space<vmem>>, vector<1x16xf32>,
      %broadcast_in_dim3A_80 = arith.constant 0.000000e+00 : f32
      %broadcast_in_dim3A_81 = vector.broadcast %broadcast_in_dim3A_80 : f32 to vector<16xf32>
      %swap3A_82 = arith.index_cast %scan3A_74 : i32 to index
      %swap3A_83 = arith.constant 16 : index
      %swap3A_84 = tpu.vector_load %arg14[%swap3A_82, %swap3A_83] {strides = array<i32>} : memref<40x128xf32, #tpu.memory_space<vmem>>, vector<1x16xf32>,
      %swap3A_85 = vector.shape_cast %swap3A_84 : vector<1x16xf32> to vector<16xf32>
      %swap3A_86 = vector.shape_cast %broadcast_in_dim3A_81 : vector<16xf32> to vector<1x16xf32>
      tpu.vector_store %arg14[%swap3A_82, %swap3A_83], %swap3A_86 {strides = array<i32>} : memref<40x128xf32, #tpu.memory_space<vmem>>, vector<1x16xf32>,
      %broadcast_in_dim3A_87 = arith.constant 0.000000e+00 : f32
      %broadcast_in_dim3A_88 = vector.broadcast %broadcast_in_dim3A_87 : f32 to vector<16xf32>
      %swap3A_89 = arith.index_cast %scan3A_74 : i32 to index
      %swap3A_90 = arith.constant 32 : index
      %swap3A_91 = tpu.vector_load %arg14[%swap3A_89, %swap3A_90] {strides = array<i32>} : memref<40x128xf32, #tpu.memory_space<vmem>>, vector<1x16xf32>,
      %swap3A_92 = vector.shape_cast %swap3A_91 : vector<1x16xf32> to vector<16xf32>
      %swap3A_93 = vector.shape_cast %broadcast_in_dim3A_88 : vector<16xf32> to vector<1x16xf32>
      tpu.vector_store %arg14[%swap3A_89, %swap3A_90], %swap3A_93 {strides = array<i32>} : memref<40x128xf32, #tpu.memory_space<vmem>>, vector<1x16xf32>,
      %broadcast_in_dim3A_94 = arith.constant 0.000000e+00 : f32
      %broadcast_in_dim3A_95 = vector.broadcast %broadcast_in_dim3A_94 : f32 to vector<16xf32>
      %swap3A_96 = arith.index_cast %scan3A_74 : i32 to index
      %swap3A_97 = arith.constant 48 : index
      %swap3A_98 = tpu.vector_load %arg14[%swap3A_96, %swap3A_97] {strides = array<i32>} : memref<40x128xf32, #tpu.memory_space<vmem>>, vector<1x16xf32>,
      %swap3A_99 = vector.shape_cast %swap3A_98 : vector<1x16xf32> to vector<16xf32>
      %swap3A_100 = vector.shape_cast %broadcast_in_dim3A_95 : vector<16xf32> to vector<1x16xf32>
      tpu.vector_store %arg14[%swap3A_96, %swap3A_97], %swap3A_100 {strides = array<i32>} : memref<40x128xf32, #tpu.memory_space<vmem>>, vector<1x16xf32>,
      %broadcast_in_dim3A_101 = arith.constant 0.000000e+00 : f32
      %broadcast_in_dim3A_102 = vector.broadcast %broadcast_in_dim3A_101 : f32 to vector<16xf32>
      %swap3A_103 = arith.index_cast %scan3A_74 : i32 to index
      %swap3A_104 = arith.constant 64 : index
      %swap3A_105 = tpu.vector_load %arg14[%swap3A_103, %swap3A_104] {strides = array<i32>} : memref<40x128xf32, #tpu.memory_space<vmem>>, vector<1x16xf32>,
      %swap3A_106 = vector.shape_cast %swap3A_105 : vector<1x16xf32> to vector<16xf32>
      %swap3A_107 = vector.shape_cast %broadcast_in_dim3A_102 : vector<16xf32> to vector<1x16xf32>
      tpu.vector_store %arg14[%swap3A_103, %swap3A_104], %swap3A_107 {strides = array<i32>} : memref<40x128xf32, #tpu.memory_space<vmem>>, vector<1x16xf32>,
      %broadcast_in_dim3A_108 = arith.constant 0.000000e+00 : f32
      %broadcast_in_dim3A_109 = vector.broadcast %broadcast_in_dim3A_108 : f32 to vector<16xf32>
      %swap3A_110 = arith.index_cast %scan3A_74 : i32 to index
      %swap3A_111 = arith.constant 80 : index
      %swap3A_112 = tpu.vector_load %arg14[%swap3A_110, %swap3A_111] {strides = array<i32>} : memref<40x128xf32, #tpu.memory_space<vmem>>, vector<1x16xf32>,
      %swap3A_113 = vector.shape_cast %swap3A_112 : vector<1x16xf32> to vector<16xf32>
      %swap3A_114 = vector.shape_cast %broadcast_in_dim3A_109 : vector<16xf32> to vector<1x16xf32>
      tpu.vector_store %arg14[%swap3A_110, %swap3A_111], %swap3A_114 {strides = array<i32>} : memref<40x128xf32, #tpu.memory_space<vmem>>, vector<1x16xf32>,
      %broadcast_in_dim3A_115 = arith.constant 0.000000e+00 : f32
      %broadcast_in_dim3A_116 = vector.broadcast %broadcast_in_dim3A_115 : f32 to vector<16xf32>
      %swap3A_117 = arith.index_cast %scan3A_74 : i32 to index
      %swap3A_118 = arith.constant 96 : index
      %swap3A_119 = tpu.vector_load %arg14[%swap3A_117, %swap3A_118] {strides = array<i32>} : memref<40x128xf32, #tpu.memory_space<vmem>>, vector<1x16xf32>,
      %swap3A_120 = vector.shape_cast %swap3A_119 : vector<1x16xf32> to vector<16xf32>
      %swap3A_121 = vector.shape_cast %broadcast_in_dim3A_116 : vector<16xf32> to vector<1x16xf32>
      tpu.vector_store %arg14[%swap3A_117, %swap3A_118], %swap3A_121 {strides = array<i32>} : memref<40x128xf32, #tpu.memory_space<vmem>>, vector<1x16xf32>,
      %broadcast_in_dim3A_122 = arith.constant 0.000000e+00 : f32
      %broadcast_in_dim3A_123 = vector.broadcast %broadcast_in_dim3A_122 : f32 to vector<16xf32>
      %swap3A_124 = arith.index_cast %scan3A_74 : i32 to index
      %swap3A_125 = arith.constant 112 : index
      %swap3A_126 = tpu.vector_load %arg14[%swap3A_124, %swap3A_125] {strides = array<i32>} : memref<40x128xf32, #tpu.memory_space<vmem>>, vector<1x16xf32>,
      %swap3A_127 = vector.shape_cast %swap3A_126 : vector<1x16xf32> to vector<16xf32>
      %swap3A_128 = vector.shape_cast %broadcast_in_dim3A_123 : vector<16xf32> to vector<1x16xf32>
      tpu.vector_store %arg14[%swap3A_124, %swap3A_125], %swap3A_128 {strides = array<i32>} : memref<40x128xf32, #tpu.memory_space<vmem>>, vector<1x16xf32>,
    }
    %scan3A_7 = arith.constant 40 : i32
    %scan3A_8 = arith.constant 0 : i32
    %scan3A_9 = arith.constant 0 : i32
    %scan3A_10 = arith.constant 16 : i32
    %scan3A_11 = arith.addi %scan3A_9, %scan3A_10 : i32
    %scan3A_12 = arith.constant 1 : i32
    scf.for %scan3A_74 = %scan3A_9 to %scan3A_11 step %scan3A_12  : i32 {
      %mul3A_75 = arith.constant 16 : i32
      %mul3A_76 = arith.muli %mul3A_75, %scan3A_74 : i32
      %add3A_77 = arith.addi %arg1, %mul3A_76 : i32
      %lt3A = arith.constant 250 : i32
      %lt3A_78 = arith.cmpi slt, %add3A_77, %lt3A : i32
      %convert_element_type3A = arith.extui %lt3A_78 : i1 to i32
      %cond3A = arith.constant 0 : i32
      %cond3A_79 = arith.cmpi ne, %convert_element_type3A, %cond3A : i32
      scf.if %cond3A_79 {
        %mul3A_80 = arith.constant 40 : i32
        %mul3A_81 = arith.muli %add3A_77, %mul3A_80 : i32
        "tpu.region"() ({
          %run_scoped3A = tpu.sem_alloc : memref<!tpu.dma_semaphore, #tpu.memory_space<semaphore_mem>>
          %dma_start3A_82 = arith.constant 0 : i32
          %dma_start3A_83 = tpu.memref_slice %arg29[%mul3A_81, %dma_start3A_82] : memref<10000x128xf32, #tpu.memory_space<vmem_shared>> -> memref<40x128xf32, #tpu.memory_space<vmem_shared>>
          %dma_start3A_84 = arith.constant 0 : i32
          %dma_start3A_85 = tpu.memref_slice %arg29[%mul3A_81, %dma_start3A_84] : memref<10000x128xf32, #tpu.memory_space<vmem_shared>> -> memref<40x128xf32, #tpu.memory_space<vmem_shared>>
          tpu.enqueue_dma source(%arg14 : memref<40x128xf32, #tpu.memory_space<vmem>>) target(%dma_start3A_85 : memref<40x128xf32, #tpu.memory_space<vmem_shared>>) target_semaphore(%run_scoped3A : memref<!tpu.dma_semaphore, #tpu.memory_space<semaphore_mem>>)
          %dma_wait3A_86 = arith.constant 0 : i32
          %dma_wait3A_87 = tpu.memref_slice %arg29[%mul3A_81, %dma_wait3A_86] : memref<10000x128xf32, #tpu.memory_space<vmem_shared>> -> memref<40x128xf32, #tpu.memory_space<vmem_shared>>
          %dma_wait3A_88 = arith.constant 0 : i32
          %dma_wait3A_89 = tpu.memref_slice %arg29[%mul3A_81, %dma_wait3A_88] : memref<10000x128xf32, #tpu.memory_space<vmem_shared>> -> memref<40x128xf32, #tpu.memory_space<vmem_shared>>
          tpu.wait_dma2 semaphore(%run_scoped3A : memref<!tpu.dma_semaphore, #tpu.memory_space<semaphore_mem>>) src(%arg14 : memref<40x128xf32, #tpu.memory_space<vmem>>) dst(%dma_wait3A_89 : memref<40x128xf32, #tpu.memory_space<vmem_shared>>)
          tpu.yield
        }) : () -> ()
      } else {
      }
    }
    %scan3A_13 = arith.constant 16 : i32
    %barrier3A = arith.constant 0 : index
    tpu.barrier barrier_id(%barrier3A)
    %add3A_14 = arith.constant 0 : i32
    %add3A_15 = arith.addi %mul3A_2, %add3A_14 : i32
    %dma_start3A = tpu.memref_slice %arg4[%add3A_15] : memref<320000xi32, #tpu.memory_space<hbm>> -> memref<40xi32, #tpu.memory_space<hbm>>
    %dma_start3A_16 = tpu.memref_slice %arg4[%add3A_15] : memref<320000xi32, #tpu.memory_space<hbm>> -> memref<40xi32, #tpu.memory_space<hbm>>
    tpu.enqueue_dma source(%dma_start3A_16 : memref<40xi32, #tpu.memory_space<hbm>>) target(%arg8 : memref<40xi32, #tpu.memory_space<vmem>>) target_semaphore(%arg20 : memref<!tpu.dma_semaphore, #tpu.memory_space<semaphore_mem>>)
    %dma_start3A_17 = tpu.memref_slice %arg5[%add3A_15] : memref<320000xi32, #tpu.memory_space<hbm>> -> memref<40xi32, #tpu.memory_space<hbm>>
    %dma_start3A_18 = tpu.memref_slice %arg5[%add3A_15] : memref<320000xi32, #tpu.memory_space<hbm>> -> memref<40xi32, #tpu.memory_space<hbm>>
    tpu.enqueue_dma source(%dma_start3A_18 : memref<40xi32, #tpu.memory_space<hbm>>) target(%arg11 : memref<40xi32, #tpu.memory_space<vmem>>) target_semaphore(%arg20 : memref<!tpu.dma_semaphore, #tpu.memory_space<semaphore_mem>>)
    %dma_start3A_19 = arith.constant 0 : i32
    %dma_start3A_20 = tpu.memref_slice %arg3[%add3A_15, %dma_start3A_19] : memref<320000x128xf32, #tpu.memory_space<hbm>> -> memref<40x128xf32, #tpu.memory_space<hbm>>
    %dma_start3A_21 = arith.constant 0 : i32
    %dma_start3A_22 = tpu.memref_slice %arg3[%add3A_15, %dma_start3A_21] : memref<320000x128xf32, #tpu.memory_space<hbm>> -> memref<40x128xf32, #tpu.memory_space<hbm>>
    tpu.enqueue_dma source(%dma_start3A_22 : memref<40x128xf32, #tpu.memory_space<hbm>>) target(%arg17 : memref<40x128xf32, #tpu.memory_space<vmem>>) target_semaphore(%arg23 : memref<!tpu.dma_semaphore, #tpu.memory_space<semaphore_mem>>)
    %add3A_23 = arith.constant 40 : i32
    %add3A_24 = arith.addi %mul3A_2, %add3A_23 : i32
    %dma_start3A_25 = tpu.memref_slice %arg4[%add3A_24] : memref<320000xi32, #tpu.memory_space<hbm>> -> memref<40xi32, #tpu.memory_space<hbm>>
    %dma_start3A_26 = tpu.memref_slice %arg4[%add3A_24] : memref<320000xi32, #tpu.memory_space<hbm>> -> memref<40xi32, #tpu.memory_space<hbm>>
    tpu.enqueue_dma source(%dma_start3A_26 : memref<40xi32, #tpu.memory_space<hbm>>) target(%arg9 : memref<40xi32, #tpu.memory_space<vmem>>) target_semaphore(%arg21 : memref<!tpu.dma_semaphore, #tpu.memory_space<semaphore_mem>>)
    %dma_start3A_27 = tpu.memref_slice %arg5[%add3A_24] : memref<320000xi32, #tpu.memory_space<hbm>> -> memref<40xi32, #tpu.memory_space<hbm>>
    %dma_start3A_28 = tpu.memref_slice %arg5[%add3A_24] : memref<320000xi32, #tpu.memory_space<hbm>> -> memref<40xi32, #tpu.memory_space<hbm>>
    tpu.enqueue_dma source(%dma_start3A_28 : memref<40xi32, #tpu.memory_space<hbm>>) target(%arg12 : memref<40xi32, #tpu.memory_space<vmem>>) target_semaphore(%arg21 : memref<!tpu.dma_semaphore, #tpu.memory_space<semaphore_mem>>)
    %dma_start3A_29 = arith.constant 0 : i32
    %dma_start3A_30 = tpu.memref_slice %arg3[%add3A_24, %dma_start3A_29] : memref<320000x128xf32, #tpu.memory_space<hbm>> -> memref<40x128xf32, #tpu.memory_space<hbm>>
    %dma_start3A_31 = arith.constant 0 : i32
    %dma_start3A_32 = tpu.memref_slice %arg3[%add3A_24, %dma_start3A_31] : memref<320000x128xf32, #tpu.memory_space<hbm>> -> memref<40x128xf32, #tpu.memory_space<hbm>>
    tpu.enqueue_dma source(%dma_start3A_32 : memref<40x128xf32, #tpu.memory_space<hbm>>) target(%arg18 : memref<40x128xf32, #tpu.memory_space<vmem>>) target_semaphore(%arg24 : memref<!tpu.dma_semaphore, #tpu.memory_space<semaphore_mem>>)
    %dma_wait3A = arith.constant 0 : i32
    %dma_wait3A_33 = tpu.memref_slice %arg4[%dma_wait3A] : memref<320000xi32, #tpu.memory_space<hbm>> -> memref<40xi32, #tpu.memory_space<hbm>>
    %dma_wait3A_34 = arith.constant 0 : i32
    %dma_wait3A_35 = tpu.memref_slice %arg4[%dma_wait3A_34] : memref<320000xi32, #tpu.memory_space<hbm>> -> memref<40xi32, #tpu.memory_space<hbm>>
    tpu.wait_dma2 semaphore(%arg20 : memref<!tpu.dma_semaphore, #tpu.memory_space<semaphore_mem>>) src(%dma_wait3A_35 : memref<40xi32, #tpu.memory_space<hbm>>) dst(%arg8 : memref<40xi32, #tpu.memory_space<vmem>>)
    %dma_wait3A_36 = arith.constant 0 : i32
    %dma_wait3A_37 = tpu.memref_slice %arg4[%dma_wait3A_36] : memref<320000xi32, #tpu.memory_space<hbm>> -> memref<40xi32, #tpu.memory_space<hbm>>
    %dma_wait3A_38 = arith.constant 0 : i32
    %dma_wait3A_39 = tpu.memref_slice %arg4[%dma_wait3A_38] : memref<320000xi32, #tpu.memory_space<hbm>> -> memref<40xi32, #tpu.memory_space<hbm>>
    tpu.wait_dma2 semaphore(%arg20 : memref<!tpu.dma_semaphore, #tpu.memory_space<semaphore_mem>>) src(%dma_wait3A_39 : memref<40xi32, #tpu.memory_space<hbm>>) dst(%arg11 : memref<40xi32, #tpu.memory_space<vmem>>)
    %dma_start3A_40 = arith.constant 0 : i32
    %dma_start3A_41 = arith.constant 0 : i32
    %dma_start3A_42 = tpu.memref_slice %arg2[%dma_start3A_40, %dma_start3A_41] : memref<10000x128xf32, #tpu.memory_space<hbm>> -> memref<10000x128xf32, #tpu.memory_space<hbm>>
    tpu.enqueue_indirect_dma source(%dma_start3A_42 : memref<10000x128xf32, #tpu.memory_space<hbm>>) target(%arg14 : memref<40x128xf32, #tpu.memory_space<vmem>>) offsets(%arg8 : memref<40xi32, #tpu.memory_space<vmem>>) semaphore(%arg23 : memref<!tpu.dma_semaphore, #tpu.memory_space<semaphore_mem>>)
    %scan3A_43 = arith.constant 0 : i32
    %scan3A_44 = arith.constant 0 : i32
    %scan3A_45 = arith.constant 84 : i32
    %scan3A_46 = arith.addi %scan3A_44, %scan3A_45 : i32
    %scan3A_47 = arith.constant 1 : i32
    scf.for %scan3A_74 = %scan3A_44 to %scan3A_46 step %scan3A_47  : i32 {
      %mul3A_75 = arith.constant 3 : i32
      %mul3A_76 = arith.muli %mul3A_75, %scan3A_74 : i32
      %add3A_77 = arith.constant 0 : i32
      %add3A_78 = arith.addi %mul3A_76, %add3A_77 : i32
      %lt3A = arith.constant 250 : i32
      %lt3A_79 = arith.cmpi slt, %add3A_78, %lt3A : i32
      %convert_element_type3A = arith.extui %lt3A_79 : i1 to i32
      %cond3A = arith.constant 0 : i32
      %cond3A_80 = arith.cmpi ne, %convert_element_type3A, %cond3A : i32
      scf.if %cond3A_80 {
        %dma_wait3A_95 = arith.constant 0 : i32
        %dma_wait3A_96 = arith.constant 0 : i32
        %dma_wait3A_97 = tpu.memref_slice %arg3[%dma_wait3A_95, %dma_wait3A_96] : memref<320000x128xf32, #tpu.memory_space<hbm>> -> memref<40x128xf32, #tpu.memory_space<hbm>>
        %dma_wait3A_98 = arith.constant 0 : i32
        %dma_wait3A_99 = arith.constant 0 : i32
        %dma_wait3A_100 = tpu.memref_slice %arg3[%dma_wait3A_98, %dma_wait3A_99] : memref<320000x128xf32, #tpu.memory_space<hbm>> -> memref<40x128xf32, #tpu.memory_space<hbm>>
        tpu.wait_dma2 semaphore(%arg23 : memref<!tpu.dma_semaphore, #tpu.memory_space<semaphore_mem>>) src(%dma_wait3A_100 : memref<40x128xf32, #tpu.memory_space<hbm>>) dst(%arg17 : memref<40x128xf32, #tpu.memory_space<vmem>>)
        %dma_wait3A_101 = arith.constant 0 : i32
        %dma_wait3A_102 = arith.constant 0 : i32
        %dma_wait3A_103 = tpu.memref_slice %arg3[%dma_wait3A_101, %dma_wait3A_102] : memref<320000x128xf32, #tpu.memory_space<hbm>> -> memref<40x128xf32, #tpu.memory_space<hbm>>
        %dma_wait3A_104 = arith.constant 0 : i32
        %dma_wait3A_105 = arith.constant 0 : i32
        %dma_wait3A_106 = tpu.memref_slice %arg3[%dma_wait3A_104, %dma_wait3A_105] : memref<320000x128xf32, #tpu.memory_space<hbm>> -> memref<40x128xf32, #tpu.memory_space<hbm>>
        tpu.wait_dma2 semaphore(%arg23 : memref<!tpu.dma_semaphore, #tpu.memory_space<semaphore_mem>>) src(%dma_wait3A_106 : memref<40x128xf32, #tpu.memory_space<hbm>>) dst(%arg14 : memref<40x128xf32, #tpu.memory_space<vmem>>)
        %scan3A_107 = arith.constant 0 : i32
        %scan3A_108 = arith.constant 0 : i32
        %scan3A_109 = arith.constant 40 : i32
        %scan3A_110 = arith.addi %scan3A_108, %scan3A_109 : i32
        %scan3A_111 = arith.constant 1 : i32
        scf.for %scan3A_130 = %scan3A_108 to %scan3A_110 step %scan3A_111  : i32 {
          %get3A = arith.index_cast %scan3A_130 : i32 to index
          %get3A_131 = arith.constant 0 : index
          %get3A_132 = tpu.vector_load %arg17[%get3A, %get3A_131] {strides = array<i32>} : memref<40x128xf32, #tpu.memory_space<vmem>>, vector<1x16xf32>,
          %get3A_133 = vector.shape_cast %get3A_132 : vector<1x16xf32> to vector<16xf32>
          %get3A_134 = arith.index_cast %scan3A_130 : i32 to index
          %get3A_135 = arith.constant 0 : index
          %get3A_136 = tpu.vector_load %arg14[%get3A_134, %get3A_135] {strides = array<i32>} : memref<40x128xf32, #tpu.memory_space<vmem>>, vector<1x16xf32>,
          %get3A_137 = vector.shape_cast %get3A_136 : vector<1x16xf32> to vector<16xf32>
          %add3A_138 = arith.addf %get3A_133, %get3A_137 : vector<16xf32>
          %max3A = arith.constant 0.000000e+00 : f32
          %max3A_139 = vector.broadcast %max3A : f32 to vector<16xf32>
          %max3A_140 = arith.maximumf %add3A_138, %max3A_139 : vector<16xf32>
          %swap3A = arith.index_cast %scan3A_130 : i32 to index
          %swap3A_141 = arith.constant 0 : index
          %swap3A_142 = tpu.vector_load %arg17[%swap3A, %swap3A_141] {strides = array<i32>} : memref<40x128xf32, #tpu.memory_space<vmem>>, vector<1x16xf32>,
          %swap3A_143 = vector.shape_cast %swap3A_142 : vector<1x16xf32> to vector<16xf32>
          %swap3A_144 = vector.shape_cast %max3A_140 : vector<16xf32> to vector<1x16xf32>
          tpu.vector_store %arg17[%swap3A, %swap3A_141], %swap3A_144 {strides = array<i32>} : memref<40x128xf32, #tpu.memory_space<vmem>>, vector<1x16xf32>,
          %get3A_145 = arith.index_cast %scan3A_130 : i32 to index
          %get3A_146 = arith.constant 16 : index
          %get3A_147 = tpu.vector_load %arg17[%get3A_145, %get3A_146] {strides = array<i32>} : memref<40x128xf32, #tpu.memory_space<vmem>>, vector<1x16xf32>,
          %get3A_148 = vector.shape_cast %get3A_147 : vector<1x16xf32> to vector<16xf32>
          %get3A_149 = arith.index_cast %scan3A_130 : i32 to index
          %get3A_150 = arith.constant 16 : index
          %get3A_151 = tpu.vector_load %arg14[%get3A_149, %get3A_150] {strides = array<i32>} : memref<40x128xf32, #tpu.memory_space<vmem>>, vector<1x16xf32>,
          %get3A_152 = vector.shape_cast %get3A_151 : vector<1x16xf32> to vector<16xf32>
          %add3A_153 = arith.addf %get3A_148, %get3A_152 : vector<16xf32>
          %max3A_154 = arith.constant 0.000000e+00 : f32
          %max3A_155 = vector.broadcast %max3A_154 : f32 to vector<16xf32>
          %max3A_156 = arith.maximumf %add3A_153, %max3A_155 : vector<16xf32>
          %swap3A_157 = arith.index_cast %scan3A_130 : i32 to index
          %swap3A_158 = arith.constant 16 : index
          %swap3A_159 = tpu.vector_load %arg17[%swap3A_157, %swap3A_158] {strides = array<i32>} : memref<40x128xf32, #tpu.memory_space<vmem>>, vector<1x16xf32>,
          %swap3A_160 = vector.shape_cast %swap3A_159 : vector<1x16xf32> to vector<16xf32>
          %swap3A_161 = vector.shape_cast %max3A_156 : vector<16xf32> to vector<1x16xf32>
          tpu.vector_store %arg17[%swap3A_157, %swap3A_158], %swap3A_161 {strides = array<i32>} : memref<40x128xf32, #tpu.memory_space<vmem>>, vector<1x16xf32>,
          %get3A_162 = arith.index_cast %scan3A_130 : i32 to index
          %get3A_163 = arith.constant 32 : index
          %get3A_164 = tpu.vector_load %arg17[%get3A_162, %get3A_163] {strides = array<i32>} : memref<40x128xf32, #tpu.memory_space<vmem>>, vector<1x16xf32>,
          %get3A_165 = vector.shape_cast %get3A_164 : vector<1x16xf32> to vector<16xf32>
          %get3A_166 = arith.index_cast %scan3A_130 : i32 to index
          %get3A_167 = arith.constant 32 : index
          %get3A_168 = tpu.vector_load %arg14[%get3A_166, %get3A_167] {strides = array<i32>} : memref<40x128xf32, #tpu.memory_space<vmem>>, vector<1x16xf32>,
          %get3A_169 = vector.shape_cast %get3A_168 : vector<1x16xf32> to vector<16xf32>
          %add3A_170 = arith.addf %get3A_165, %get3A_169 : vector<16xf32>
          %max3A_171 = arith.constant 0.000000e+00 : f32
          %max3A_172 = vector.broadcast %max3A_171 : f32 to vector<16xf32>
          %max3A_173 = arith.maximumf %add3A_170, %max3A_172 : vector<16xf32>
          %swap3A_174 = arith.index_cast %scan3A_130 : i32 to index
          %swap3A_175 = arith.constant 32 : index
          %swap3A_176 = tpu.vector_load %arg17[%swap3A_174, %swap3A_175] {strides = array<i32>} : memref<40x128xf32, #tpu.memory_space<vmem>>, vector<1x16xf32>,
          %swap3A_177 = vector.shape_cast %swap3A_176 : vector<1x16xf32> to vector<16xf32>
          %swap3A_178 = vector.shape_cast %max3A_173 : vector<16xf32> to vector<1x16xf32>
          tpu.vector_store %arg17[%swap3A_174, %swap3A_175], %swap3A_178 {strides = array<i32>} : memref<40x128xf32, #tpu.memory_space<vmem>>, vector<1x16xf32>,
          %get3A_179 = arith.index_cast %scan3A_130 : i32 to index
          %get3A_180 = arith.constant 48 : index
          %get3A_181 = tpu.vector_load %arg17[%get3A_179, %get3A_180] {strides = array<i32>} : memref<40x128xf32, #tpu.memory_space<vmem>>, vector<1x16xf32>,
          %get3A_182 = vector.shape_cast %get3A_181 : vector<1x16xf32> to vector<16xf32>
          %get3A_183 = arith.index_cast %scan3A_130 : i32 to index
          %get3A_184 = arith.constant 48 : index
          %get3A_185 = tpu.vector_load %arg14[%get3A_183, %get3A_184] {strides = array<i32>} : memref<40x128xf32, #tpu.memory_space<vmem>>, vector<1x16xf32>,
          %get3A_186 = vector.shape_cast %get3A_185 : vector<1x16xf32> to vector<16xf32>
          %add3A_187 = arith.addf %get3A_182, %get3A_186 : vector<16xf32>
          %max3A_188 = arith.constant 0.000000e+00 : f32
          %max3A_189 = vector.broadcast %max3A_188 : f32 to vector<16xf32>
          %max3A_190 = arith.maximumf %add3A_187, %max3A_189 : vector<16xf32>
          %swap3A_191 = arith.index_cast %scan3A_130 : i32 to index
          %swap3A_192 = arith.constant 48 : index
          %swap3A_193 = tpu.vector_load %arg17[%swap3A_191, %swap3A_192] {strides = array<i32>} : memref<40x128xf32, #tpu.memory_space<vmem>>, vector<1x16xf32>,
          %swap3A_194 = vector.shape_cast %swap3A_193 : vector<1x16xf32> to vector<16xf32>
          %swap3A_195 = vector.shape_cast %max3A_190 : vector<16xf32> to vector<1x16xf32>
          tpu.vector_store %arg17[%swap3A_191, %swap3A_192], %swap3A_195 {strides = array<i32>} : memref<40x128xf32, #tpu.memory_space<vmem>>, vector<1x16xf32>,
          %get3A_196 = arith.index_cast %scan3A_130 : i32 to index
          %get3A_197 = arith.constant 64 : index
          %get3A_198 = tpu.vector_load %arg17[%get3A_196, %get3A_197] {strides = array<i32>} : memref<40x128xf32, #tpu.memory_space<vmem>>, vector<1x16xf32>,
          %get3A_199 = vector.shape_cast %get3A_198 : vector<1x16xf32> to vector<16xf32>
          %get3A_200 = arith.index_cast %scan3A_130 : i32 to index
          %get3A_201 = arith.constant 64 : index
          %get3A_202 = tpu.vector_load %arg14[%get3A_200, %get3A_201] {strides = array<i32>} : memref<40x128xf32, #tpu.memory_space<vmem>>, vector<1x16xf32>,
          %get3A_203 = vector.shape_cast %get3A_202 : vector<1x16xf32> to vector<16xf32>
          %add3A_204 = arith.addf %get3A_199, %get3A_203 : vector<16xf32>
          %max3A_205 = arith.constant 0.000000e+00 : f32
          %max3A_206 = vector.broadcast %max3A_205 : f32 to vector<16xf32>
          %max3A_207 = arith.maximumf %add3A_204, %max3A_206 : vector<16xf32>
          %swap3A_208 = arith.index_cast %scan3A_130 : i32 to index
          %swap3A_209 = arith.constant 64 : index
          %swap3A_210 = tpu.vector_load %arg17[%swap3A_208, %swap3A_209] {strides = array<i32>} : memref<40x128xf32, #tpu.memory_space<vmem>>, vector<1x16xf32>,
          %swap3A_211 = vector.shape_cast %swap3A_210 : vector<1x16xf32> to vector<16xf32>
          %swap3A_212 = vector.shape_cast %max3A_207 : vector<16xf32> to vector<1x16xf32>
          tpu.vector_store %arg17[%swap3A_208, %swap3A_209], %swap3A_212 {strides = array<i32>} : memref<40x128xf32, #tpu.memory_space<vmem>>, vector<1x16xf32>,
          %get3A_213 = arith.index_cast %scan3A_130 : i32 to index
          %get3A_214 = arith.constant 80 : index
          %get3A_215 = tpu.vector_load %arg17[%get3A_213, %get3A_214] {strides = array<i32>} : memref<40x128xf32, #tpu.memory_space<vmem>>, vector<1x16xf32>,
          %get3A_216 = vector.shape_cast %get3A_215 : vector<1x16xf32> to vector<16xf32>
          %get3A_217 = arith.index_cast %scan3A_130 : i32 to index
          %get3A_218 = arith.constant 80 : index
          %get3A_219 = tpu.vector_load %arg14[%get3A_217, %get3A_218] {strides = array<i32>} : memref<40x128xf32, #tpu.memory_space<vmem>>, vector<1x16xf32>,
          %get3A_220 = vector.shape_cast %get3A_219 : vector<1x16xf32> to vector<16xf32>
          %add3A_221 = arith.addf %get3A_216, %get3A_220 : vector<16xf32>
          %max3A_222 = arith.constant 0.000000e+00 : f32
          %max3A_223 = vector.broadcast %max3A_222 : f32 to vector<16xf32>
          %max3A_224 = arith.maximumf %add3A_221, %max3A_223 : vector<16xf32>
          %swap3A_225 = arith.index_cast %scan3A_130 : i32 to index
          %swap3A_226 = arith.constant 80 : index
          %swap3A_227 = tpu.vector_load %arg17[%swap3A_225, %swap3A_226] {strides = array<i32>} : memref<40x128xf32, #tpu.memory_space<vmem>>, vector<1x16xf32>,
          %swap3A_228 = vector.shape_cast %swap3A_227 : vector<1x16xf32> to vector<16xf32>
          %swap3A_229 = vector.shape_cast %max3A_224 : vector<16xf32> to vector<1x16xf32>
          tpu.vector_store %arg17[%swap3A_225, %swap3A_226], %swap3A_229 {strides = array<i32>} : memref<40x128xf32, #tpu.memory_space<vmem>>, vector<1x16xf32>,
          %get3A_230 = arith.index_cast %scan3A_130 : i32 to index
          %get3A_231 = arith.constant 96 : index
          %get3A_232 = tpu.vector_load %arg17[%get3A_230, %get3A_231] {strides = array<i32>} : memref<40x128xf32, #tpu.memory_space<vmem>>, vector<1x16xf32>,
          %get3A_233 = vector.shape_cast %get3A_232 : vector<1x16xf32> to vector<16xf32>
          %get3A_234 = arith.index_cast %scan3A_130 : i32 to index
          %get3A_235 = arith.constant 96 : index
          %get3A_236 = tpu.vector_load %arg14[%get3A_234, %get3A_235] {strides = array<i32>} : memref<40x128xf32, #tpu.memory_space<vmem>>, vector<1x16xf32>,
          %get3A_237 = vector.shape_cast %get3A_236 : vector<1x16xf32> to vector<16xf32>
          %add3A_238 = arith.addf %get3A_233, %get3A_237 : vector<16xf32>
          %max3A_239 = arith.constant 0.000000e+00 : f32
          %max3A_240 = vector.broadcast %max3A_239 : f32 to vector<16xf32>
          %max3A_241 = arith.maximumf %add3A_238, %max3A_240 : vector<16xf32>
          %swap3A_242 = arith.index_cast %scan3A_130 : i32 to index
          %swap3A_243 = arith.constant 96 : index
          %swap3A_244 = tpu.vector_load %arg17[%swap3A_242, %swap3A_243] {strides = array<i32>} : memref<40x128xf32, #tpu.memory_space<vmem>>, vector<1x16xf32>,
          %swap3A_245 = vector.shape_cast %swap3A_244 : vector<1x16xf32> to vector<16xf32>
          %swap3A_246 = vector.shape_cast %max3A_241 : vector<16xf32> to vector<1x16xf32>
          tpu.vector_store %arg17[%swap3A_242, %swap3A_243], %swap3A_246 {strides = array<i32>} : memref<40x128xf32, #tpu.memory_space<vmem>>, vector<1x16xf32>,
          %get3A_247 = arith.index_cast %scan3A_130 : i32 to index
          %get3A_248 = arith.constant 112 : index
          %get3A_249 = tpu.vector_load %arg17[%get3A_247, %get3A_248] {strides = array<i32>} : memref<40x128xf32, #tpu.memory_space<vmem>>, vector<1x16xf32>,
          %get3A_250 = vector.shape_cast %get3A_249 : vector<1x16xf32> to vector<16xf32>
          %get3A_251 = arith.index_cast %scan3A_130 : i32 to index
          %get3A_252 = arith.constant 112 : index
          %get3A_253 = tpu.vector_load %arg14[%get3A_251, %get3A_252] {strides = array<i32>} : memref<40x128xf32, #tpu.memory_space<vmem>>, vector<1x16xf32>,
          %get3A_254 = vector.shape_cast %get3A_253 : vector<1x16xf32> to vector<16xf32>
          %add3A_255 = arith.addf %get3A_250, %get3A_254 : vector<16xf32>
          %max3A_256 = arith.constant 0.000000e+00 : f32
          %max3A_257 = vector.broadcast %max3A_256 : f32 to vector<16xf32>
          %max3A_258 = arith.maximumf %add3A_255, %max3A_257 : vector<16xf32>
          %swap3A_259 = arith.index_cast %scan3A_130 : i32 to index
          %swap3A_260 = arith.constant 112 : index
          %swap3A_261 = tpu.vector_load %arg17[%swap3A_259, %swap3A_260] {strides = array<i32>} : memref<40x128xf32, #tpu.memory_space<vmem>>, vector<1x16xf32>,
          %swap3A_262 = vector.shape_cast %swap3A_261 : vector<1x16xf32> to vector<16xf32>
          %swap3A_263 = vector.shape_cast %max3A_258 : vector<16xf32> to vector<1x16xf32>
          tpu.vector_store %arg17[%swap3A_259, %swap3A_260], %swap3A_263 {strides = array<i32>} : memref<40x128xf32, #tpu.memory_space<vmem>>, vector<1x16xf32>,
        }
        %scan3A_112 = arith.constant 40 : i32
        %dma_start3A_113 = arith.constant 0 : i32
        %dma_start3A_114 = arith.constant 0 : i32
        %dma_start3A_115 = tpu.memref_slice %arg29[%dma_start3A_113, %dma_start3A_114] : memref<10000x128xf32, #tpu.memory_space<vmem_shared>> -> memref<10000x128xf32, #tpu.memory_space<vmem_shared>>
        tpu.enqueue_indirect_dma source(%arg17 : memref<40x128xf32, #tpu.memory_space<vmem>>) target(%dma_start3A_115 : memref<10000x128xf32, #tpu.memory_space<vmem_shared>>) offsets(%arg11 : memref<40xi32, #tpu.memory_space<vmem>>) semaphore(%arg26 : memref<!tpu.dma_semaphore, #tpu.memory_space<semaphore_mem>>) {add = true}
        %add3A_116 = arith.constant 1 : i32
        %add3A_117 = arith.addi %add3A_78, %add3A_116 : i32
        %lt3A_118 = arith.constant 250 : i32
        %lt3A_119 = arith.cmpi slt, %add3A_117, %lt3A_118 : i32
        %convert_element_type3A_120 = arith.extui %lt3A_119 : i1 to i32
        %cond3A_121 = arith.constant 0 : i32
        %cond3A_122 = arith.cmpi ne, %convert_element_type3A_120, %cond3A_121 : i32
        scf.if %cond3A_122 {
          %dma_wait3A_130 = arith.constant 0 : i32
          %dma_wait3A_131 = tpu.memref_slice %arg4[%dma_wait3A_130] : memref<320000xi32, #tpu.memory_space<hbm>> -> memref<40xi32, #tpu.memory_space<hbm>>
          %dma_wait3A_132 = arith.constant 0 : i32
          %dma_wait3A_133 = tpu.memref_slice %arg4[%dma_wait3A_132] : memref<320000xi32, #tpu.memory_space<hbm>> -> memref<40xi32, #tpu.memory_space<hbm>>
          tpu.wait_dma2 semaphore(%arg21 : memref<!tpu.dma_semaphore, #tpu.memory_space<semaphore_mem>>) src(%dma_wait3A_133 : memref<40xi32, #tpu.memory_space<hbm>>) dst(%arg9 : memref<40xi32, #tpu.memory_space<vmem>>)
          %dma_wait3A_134 = arith.constant 0 : i32
          %dma_wait3A_135 = tpu.memref_slice %arg4[%dma_wait3A_134] : memref<320000xi32, #tpu.memory_space<hbm>> -> memref<40xi32, #tpu.memory_space<hbm>>
          %dma_wait3A_136 = arith.constant 0 : i32
          %dma_wait3A_137 = tpu.memref_slice %arg4[%dma_wait3A_136] : memref<320000xi32, #tpu.memory_space<hbm>> -> memref<40xi32, #tpu.memory_space<hbm>>
          tpu.wait_dma2 semaphore(%arg21 : memref<!tpu.dma_semaphore, #tpu.memory_space<semaphore_mem>>) src(%dma_wait3A_137 : memref<40xi32, #tpu.memory_space<hbm>>) dst(%arg12 : memref<40xi32, #tpu.memory_space<vmem>>)
          %dma_start3A_138 = arith.constant 0 : i32
          %dma_start3A_139 = arith.constant 0 : i32
          %dma_start3A_140 = tpu.memref_slice %arg2[%dma_start3A_138, %dma_start3A_139] : memref<10000x128xf32, #tpu.memory_space<hbm>> -> memref<10000x128xf32, #tpu.memory_space<hbm>>
          tpu.enqueue_indirect_dma source(%dma_start3A_140 : memref<10000x128xf32, #tpu.memory_space<hbm>>) target(%arg15 : memref<40x128xf32, #tpu.memory_space<vmem>>) offsets(%arg9 : memref<40xi32, #tpu.memory_space<vmem>>) semaphore(%arg24 : memref<!tpu.dma_semaphore, #tpu.memory_space<semaphore_mem>>)
        } else {
        }
        %add3A_123 = arith.constant 2 : i32
        %add3A_124 = arith.addi %add3A_78, %add3A_123 : i32
        %lt3A_125 = arith.constant 250 : i32
        %lt3A_126 = arith.cmpi slt, %add3A_124, %lt3A_125 : i32
        %convert_element_type3A_127 = arith.extui %lt3A_126 : i1 to i32
        %cond3A_128 = arith.constant 0 : i32
        %cond3A_129 = arith.cmpi ne, %convert_element_type3A_127, %cond3A_128 : i32
        scf.if %cond3A_129 {
          %ge3A = arith.constant 1 : i32
          %ge3A_130 = arith.cmpi sge, %add3A_78, %ge3A : i32
          %convert_element_type3A_131 = arith.extui %ge3A_130 : i1 to i32
          %cond3A_132 = arith.constant 0 : i32
          %cond3A_133 = arith.cmpi ne, %convert_element_type3A_131, %cond3A_132 : i32
          scf.if %cond3A_133 {
            %dma_wait3A_147 = arith.constant 0 : i32
            %dma_wait3A_148 = arith.constant 0 : i32
            %dma_wait3A_149 = tpu.memref_slice %arg29[%dma_wait3A_147, %dma_wait3A_148] : memref<10000x128xf32, #tpu.memory_space<vmem_shared>> -> memref<40x128xf32, #tpu.memory_space<vmem_shared>>
            %dma_wait3A_150 = arith.constant 0 : i32
            %dma_wait3A_151 = arith.constant 0 : i32
            %dma_wait3A_152 = tpu.memref_slice %arg29[%dma_wait3A_150, %dma_wait3A_151] : memref<10000x128xf32, #tpu.memory_space<vmem_shared>> -> memref<40x128xf32, #tpu.memory_space<vmem_shared>>
            tpu.wait_dma2 semaphore(%arg28 : memref<!tpu.dma_semaphore, #tpu.memory_space<semaphore_mem>>) src(%arg19 : memref<40x128xf32, #tpu.memory_space<vmem>>) dst(%dma_wait3A_152 : memref<40x128xf32, #tpu.memory_space<vmem_shared>>)
          } else {
          }
          %add3A_134 = arith.constant 2 : i32
          %add3A_135 = arith.addi %add3A_78, %add3A_134 : i32
          %mul3A_136 = arith.constant 40 : i32
          %mul3A_137 = arith.muli %add3A_135, %mul3A_136 : i32
          %add3A_138 = arith.addi %mul3A_2, %mul3A_137 : i32
          %dma_start3A_139 = tpu.memref_slice %arg4[%add3A_138] : memref<320000xi32, #tpu.memory_space<hbm>> -> memref<40xi32, #tpu.memory_space<hbm>>
          %dma_start3A_140 = tpu.memref_slice %arg4[%add3A_138] : memref<320000xi32, #tpu.memory_space<hbm>> -> memref<40xi32, #tpu.memory_space<hbm>>
          tpu.enqueue_dma source(%dma_start3A_140 : memref<40xi32, #tpu.memory_space<hbm>>) target(%arg10 : memref<40xi32, #tpu.memory_space<vmem>>) target_semaphore(%arg22 : memref<!tpu.dma_semaphore, #tpu.memory_space<semaphore_mem>>)
          %dma_start3A_141 = tpu.memref_slice %arg5[%add3A_138] : memref<320000xi32, #tpu.memory_space<hbm>> -> memref<40xi32, #tpu.memory_space<hbm>>
          %dma_start3A_142 = tpu.memref_slice %arg5[%add3A_138] : memref<320000xi32, #tpu.memory_space<hbm>> -> memref<40xi32, #tpu.memory_space<hbm>>
          tpu.enqueue_dma source(%dma_start3A_142 : memref<40xi32, #tpu.memory_space<hbm>>) target(%arg13 : memref<40xi32, #tpu.memory_space<vmem>>) target_semaphore(%arg22 : memref<!tpu.dma_semaphore, #tpu.memory_space<semaphore_mem>>)
          %dma_start3A_143 = arith.constant 0 : i32
          %dma_start3A_144 = tpu.memref_slice %arg3[%add3A_138, %dma_start3A_143] : memref<320000x128xf32, #tpu.memory_space<hbm>> -> memref<40x128xf32, #tpu.memory_space<hbm>>
          %dma_start3A_145 = arith.constant 0 : i32
          %dma_start3A_146 = tpu.memref_slice %arg3[%add3A_138, %dma_start3A_145] : memref<320000x128xf32, #tpu.memory_space<hbm>> -> memref<40x128xf32, #tpu.memory_space<hbm>>
          tpu.enqueue_dma source(%dma_start3A_146 : memref<40x128xf32, #tpu.memory_space<hbm>>) target(%arg19 : memref<40x128xf32, #tpu.memory_space<vmem>>) target_semaphore(%arg25 : memref<!tpu.dma_semaphore, #tpu.memory_space<semaphore_mem>>)
        } else {
        }
      } else {
      }
      %add3A_81 = arith.constant 1 : i32
      %add3A_82 = arith.addi %mul3A_76, %add3A_81 : i32
      %lt3A_83 = arith.constant 250 : i32
      %lt3A_84 = arith.cmpi slt, %add3A_82, %lt3A_83 : i32
      %convert_element_type3A_85 = arith.extui %lt3A_84 : i1 to i32
      %cond3A_86 = arith.constant 0 : i32
      %cond3A_87 = arith.cmpi ne, %convert_element_type3A_85, %cond3A_86 : i32
      scf.if %cond3A_87 {
        %dma_wait3A_95 = arith.constant 0 : i32
        %dma_wait3A_96 = arith.constant 0 : i32
        %dma_wait3A_97 = tpu.memref_slice %arg3[%dma_wait3A_95, %dma_wait3A_96] : memref<320000x128xf32, #tpu.memory_space<hbm>> -> memref<40x128xf32, #tpu.memory_space<hbm>>
        %dma_wait3A_98 = arith.constant 0 : i32
        %dma_wait3A_99 = arith.constant 0 : i32
        %dma_wait3A_100 = tpu.memref_slice %arg3[%dma_wait3A_98, %dma_wait3A_99] : memref<320000x128xf32, #tpu.memory_space<hbm>> -> memref<40x128xf32, #tpu.memory_space<hbm>>
        tpu.wait_dma2 semaphore(%arg24 : memref<!tpu.dma_semaphore, #tpu.memory_space<semaphore_mem>>) src(%dma_wait3A_100 : memref<40x128xf32, #tpu.memory_space<hbm>>) dst(%arg18 : memref<40x128xf32, #tpu.memory_space<vmem>>)
        %dma_wait3A_101 = arith.constant 0 : i32
        %dma_wait3A_102 = arith.constant 0 : i32
        %dma_wait3A_103 = tpu.memref_slice %arg3[%dma_wait3A_101, %dma_wait3A_102] : memref<320000x128xf32, #tpu.memory_space<hbm>> -> memref<40x128xf32, #tpu.memory_space<hbm>>
        %dma_wait3A_104 = arith.constant 0 : i32
        %dma_wait3A_105 = arith.constant 0 : i32
        %dma_wait3A_106 = tpu.memref_slice %arg3[%dma_wait3A_104, %dma_wait3A_105] : memref<320000x128xf32, #tpu.memory_space<hbm>> -> memref<40x128xf32, #tpu.memory_space<hbm>>
        tpu.wait_dma2 semaphore(%arg24 : memref<!tpu.dma_semaphore, #tpu.memory_space<semaphore_mem>>) src(%dma_wait3A_106 : memref<40x128xf32, #tpu.memory_space<hbm>>) dst(%arg15 : memref<40x128xf32, #tpu.memory_space<vmem>>)
        %scan3A_107 = arith.constant 0 : i32
        %scan3A_108 = arith.constant 0 : i32
        %scan3A_109 = arith.constant 40 : i32
        %scan3A_110 = arith.addi %scan3A_108, %scan3A_109 : i32
        %scan3A_111 = arith.constant 1 : i32
        scf.for %scan3A_130 = %scan3A_108 to %scan3A_110 step %scan3A_111  : i32 {
          %get3A = arith.index_cast %scan3A_130 : i32 to index
          %get3A_131 = arith.constant 0 : index
          %get3A_132 = tpu.vector_load %arg18[%get3A, %get3A_131] {strides = array<i32>} : memref<40x128xf32, #tpu.memory_space<vmem>>, vector<1x16xf32>,
          %get3A_133 = vector.shape_cast %get3A_132 : vector<1x16xf32> to vector<16xf32>
          %get3A_134 = arith.index_cast %scan3A_130 : i32 to index
          %get3A_135 = arith.constant 0 : index
          %get3A_136 = tpu.vector_load %arg15[%get3A_134, %get3A_135] {strides = array<i32>} : memref<40x128xf32, #tpu.memory_space<vmem>>, vector<1x16xf32>,
          %get3A_137 = vector.shape_cast %get3A_136 : vector<1x16xf32> to vector<16xf32>
          %add3A_138 = arith.addf %get3A_133, %get3A_137 : vector<16xf32>
          %max3A = arith.constant 0.000000e+00 : f32
          %max3A_139 = vector.broadcast %max3A : f32 to vector<16xf32>
          %max3A_140 = arith.maximumf %add3A_138, %max3A_139 : vector<16xf32>
          %swap3A = arith.index_cast %scan3A_130 : i32 to index
          %swap3A_141 = arith.constant 0 : index
          %swap3A_142 = tpu.vector_load %arg18[%swap3A, %swap3A_141] {strides = array<i32>} : memref<40x128xf32, #tpu.memory_space<vmem>>, vector<1x16xf32>,
          %swap3A_143 = vector.shape_cast %swap3A_142 : vector<1x16xf32> to vector<16xf32>
          %swap3A_144 = vector.shape_cast %max3A_140 : vector<16xf32> to vector<1x16xf32>
          tpu.vector_store %arg18[%swap3A, %swap3A_141], %swap3A_144 {strides = array<i32>} : memref<40x128xf32, #tpu.memory_space<vmem>>, vector<1x16xf32>,
          %get3A_145 = arith.index_cast %scan3A_130 : i32 to index
          %get3A_146 = arith.constant 16 : index
          %get3A_147 = tpu.vector_load %arg18[%get3A_145, %get3A_146] {strides = array<i32>} : memref<40x128xf32, #tpu.memory_space<vmem>>, vector<1x16xf32>,
          %get3A_148 = vector.shape_cast %get3A_147 : vector<1x16xf32> to vector<16xf32>
          %get3A_149 = arith.index_cast %scan3A_130 : i32 to index
          %get3A_150 = arith.constant 16 : index
          %get3A_151 = tpu.vector_load %arg15[%get3A_149, %get3A_150] {strides = array<i32>} : memref<40x128xf32, #tpu.memory_space<vmem>>, vector<1x16xf32>,
          %get3A_152 = vector.shape_cast %get3A_151 : vector<1x16xf32> to vector<16xf32>
          %add3A_153 = arith.addf %get3A_148, %get3A_152 : vector<16xf32>
          %max3A_154 = arith.constant 0.000000e+00 : f32
          %max3A_155 = vector.broadcast %max3A_154 : f32 to vector<16xf32>
          %max3A_156 = arith.maximumf %add3A_153, %max3A_155 : vector<16xf32>
          %swap3A_157 = arith.index_cast %scan3A_130 : i32 to index
          %swap3A_158 = arith.constant 16 : index
          %swap3A_159 = tpu.vector_load %arg18[%swap3A_157, %swap3A_158] {strides = array<i32>} : memref<40x128xf32, #tpu.memory_space<vmem>>, vector<1x16xf32>,
          %swap3A_160 = vector.shape_cast %swap3A_159 : vector<1x16xf32> to vector<16xf32>
          %swap3A_161 = vector.shape_cast %max3A_156 : vector<16xf32> to vector<1x16xf32>
          tpu.vector_store %arg18[%swap3A_157, %swap3A_158], %swap3A_161 {strides = array<i32>} : memref<40x128xf32, #tpu.memory_space<vmem>>, vector<1x16xf32>,
          %get3A_162 = arith.index_cast %scan3A_130 : i32 to index
          %get3A_163 = arith.constant 32 : index
          %get3A_164 = tpu.vector_load %arg18[%get3A_162, %get3A_163] {strides = array<i32>} : memref<40x128xf32, #tpu.memory_space<vmem>>, vector<1x16xf32>,
          %get3A_165 = vector.shape_cast %get3A_164 : vector<1x16xf32> to vector<16xf32>
          %get3A_166 = arith.index_cast %scan3A_130 : i32 to index
          %get3A_167 = arith.constant 32 : index
          %get3A_168 = tpu.vector_load %arg15[%get3A_166, %get3A_167] {strides = array<i32>} : memref<40x128xf32, #tpu.memory_space<vmem>>, vector<1x16xf32>,
          %get3A_169 = vector.shape_cast %get3A_168 : vector<1x16xf32> to vector<16xf32>
          %add3A_170 = arith.addf %get3A_165, %get3A_169 : vector<16xf32>
          %max3A_171 = arith.constant 0.000000e+00 : f32
          %max3A_172 = vector.broadcast %max3A_171 : f32 to vector<16xf32>
          %max3A_173 = arith.maximumf %add3A_170, %max3A_172 : vector<16xf32>
          %swap3A_174 = arith.index_cast %scan3A_130 : i32 to index
          %swap3A_175 = arith.constant 32 : index
          %swap3A_176 = tpu.vector_load %arg18[%swap3A_174, %swap3A_175] {strides = array<i32>} : memref<40x128xf32, #tpu.memory_space<vmem>>, vector<1x16xf32>,
          %swap3A_177 = vector.shape_cast %swap3A_176 : vector<1x16xf32> to vector<16xf32>
          %swap3A_178 = vector.shape_cast %max3A_173 : vector<16xf32> to vector<1x16xf32>
          tpu.vector_store %arg18[%swap3A_174, %swap3A_175], %swap3A_178 {strides = array<i32>} : memref<40x128xf32, #tpu.memory_space<vmem>>, vector<1x16xf32>,
          %get3A_179 = arith.index_cast %scan3A_130 : i32 to index
          %get3A_180 = arith.constant 48 : index
          %get3A_181 = tpu.vector_load %arg18[%get3A_179, %get3A_180] {strides = array<i32>} : memref<40x128xf32, #tpu.memory_space<vmem>>, vector<1x16xf32>,
          %get3A_182 = vector.shape_cast %get3A_181 : vector<1x16xf32> to vector<16xf32>
          %get3A_183 = arith.index_cast %scan3A_130 : i32 to index
          %get3A_184 = arith.constant 48 : index
          %get3A_185 = tpu.vector_load %arg15[%get3A_183, %get3A_184] {strides = array<i32>} : memref<40x128xf32, #tpu.memory_space<vmem>>, vector<1x16xf32>,
          %get3A_186 = vector.shape_cast %get3A_185 : vector<1x16xf32> to vector<16xf32>
          %add3A_187 = arith.addf %get3A_182, %get3A_186 : vector<16xf32>
          %max3A_188 = arith.constant 0.000000e+00 : f32
          %max3A_189 = vector.broadcast %max3A_188 : f32 to vector<16xf32>
          %max3A_190 = arith.maximumf %add3A_187, %max3A_189 : vector<16xf32>
          %swap3A_191 = arith.index_cast %scan3A_130 : i32 to index
          %swap3A_192 = arith.constant 48 : index
          %swap3A_193 = tpu.vector_load %arg18[%swap3A_191, %swap3A_192] {strides = array<i32>} : memref<40x128xf32, #tpu.memory_space<vmem>>, vector<1x16xf32>,
          %swap3A_194 = vector.shape_cast %swap3A_193 : vector<1x16xf32> to vector<16xf32>
          %swap3A_195 = vector.shape_cast %max3A_190 : vector<16xf32> to vector<1x16xf32>
          tpu.vector_store %arg18[%swap3A_191, %swap3A_192], %swap3A_195 {strides = array<i32>} : memref<40x128xf32, #tpu.memory_space<vmem>>, vector<1x16xf32>,
          %get3A_196 = arith.index_cast %scan3A_130 : i32 to index
          %get3A_197 = arith.constant 64 : index
          %get3A_198 = tpu.vector_load %arg18[%get3A_196, %get3A_197] {strides = array<i32>} : memref<40x128xf32, #tpu.memory_space<vmem>>, vector<1x16xf32>,
          %get3A_199 = vector.shape_cast %get3A_198 : vector<1x16xf32> to vector<16xf32>
          %get3A_200 = arith.index_cast %scan3A_130 : i32 to index
          %get3A_201 = arith.constant 64 : index
          %get3A_202 = tpu.vector_load %arg15[%get3A_200, %get3A_201] {strides = array<i32>} : memref<40x128xf32, #tpu.memory_space<vmem>>, vector<1x16xf32>,
          %get3A_203 = vector.shape_cast %get3A_202 : vector<1x16xf32> to vector<16xf32>
          %add3A_204 = arith.addf %get3A_199, %get3A_203 : vector<16xf32>
          %max3A_205 = arith.constant 0.000000e+00 : f32
          %max3A_206 = vector.broadcast %max3A_205 : f32 to vector<16xf32>
          %max3A_207 = arith.maximumf %add3A_204, %max3A_206 : vector<16xf32>
          %swap3A_208 = arith.index_cast %scan3A_130 : i32 to index
          %swap3A_209 = arith.constant 64 : index
          %swap3A_210 = tpu.vector_load %arg18[%swap3A_208, %swap3A_209] {strides = array<i32>} : memref<40x128xf32, #tpu.memory_space<vmem>>, vector<1x16xf32>,
          %swap3A_211 = vector.shape_cast %swap3A_210 : vector<1x16xf32> to vector<16xf32>
          %swap3A_212 = vector.shape_cast %max3A_207 : vector<16xf32> to vector<1x16xf32>
          tpu.vector_store %arg18[%swap3A_208, %swap3A_209], %swap3A_212 {strides = array<i32>} : memref<40x128xf32, #tpu.memory_space<vmem>>, vector<1x16xf32>,
          %get3A_213 = arith.index_cast %scan3A_130 : i32 to index
          %get3A_214 = arith.constant 80 : index
          %get3A_215 = tpu.vector_load %arg18[%get3A_213, %get3A_214] {strides = array<i32>} : memref<40x128xf32, #tpu.memory_space<vmem>>, vector<1x16xf32>,
          %get3A_216 = vector.shape_cast %get3A_215 : vector<1x16xf32> to vector<16xf32>
          %get3A_217 = arith.index_cast %scan3A_130 : i32 to index
          %get3A_218 = arith.constant 80 : index
          %get3A_219 = tpu.vector_load %arg15[%get3A_217, %get3A_218] {strides = array<i32>} : memref<40x128xf32, #tpu.memory_space<vmem>>, vector<1x16xf32>,
          %get3A_220 = vector.shape_cast %get3A_219 : vector<1x16xf32> to vector<16xf32>
          %add3A_221 = arith.addf %get3A_216, %get3A_220 : vector<16xf32>
          %max3A_222 = arith.constant 0.000000e+00 : f32
          %max3A_223 = vector.broadcast %max3A_222 : f32 to vector<16xf32>
          %max3A_224 = arith.maximumf %add3A_221, %max3A_223 : vector<16xf32>
          %swap3A_225 = arith.index_cast %scan3A_130 : i32 to index
          %swap3A_226 = arith.constant 80 : index
          %swap3A_227 = tpu.vector_load %arg18[%swap3A_225, %swap3A_226] {strides = array<i32>} : memref<40x128xf32, #tpu.memory_space<vmem>>, vector<1x16xf32>,
          %swap3A_228 = vector.shape_cast %swap3A_227 : vector<1x16xf32> to vector<16xf32>
          %swap3A_229 = vector.shape_cast %max3A_224 : vector<16xf32> to vector<1x16xf32>
          tpu.vector_store %arg18[%swap3A_225, %swap3A_226], %swap3A_229 {strides = array<i32>} : memref<40x128xf32, #tpu.memory_space<vmem>>, vector<1x16xf32>,
          %get3A_230 = arith.index_cast %scan3A_130 : i32 to index
          %get3A_231 = arith.constant 96 : index
          %get3A_232 = tpu.vector_load %arg18[%get3A_230, %get3A_231] {strides = array<i32>} : memref<40x128xf32, #tpu.memory_space<vmem>>, vector<1x16xf32>,
          %get3A_233 = vector.shape_cast %get3A_232 : vector<1x16xf32> to vector<16xf32>
          %get3A_234 = arith.index_cast %scan3A_130 : i32 to index
          %get3A_235 = arith.constant 96 : index
          %get3A_236 = tpu.vector_load %arg15[%get3A_234, %get3A_235] {strides = array<i32>} : memref<40x128xf32, #tpu.memory_space<vmem>>, vector<1x16xf32>,
          %get3A_237 = vector.shape_cast %get3A_236 : vector<1x16xf32> to vector<16xf32>
          %add3A_238 = arith.addf %get3A_233, %get3A_237 : vector<16xf32>
          %max3A_239 = arith.constant 0.000000e+00 : f32
          %max3A_240 = vector.broadcast %max3A_239 : f32 to vector<16xf32>
          %max3A_241 = arith.maximumf %add3A_238, %max3A_240 : vector<16xf32>
          %swap3A_242 = arith.index_cast %scan3A_130 : i32 to index
          %swap3A_243 = arith.constant 96 : index
          %swap3A_244 = tpu.vector_load %arg18[%swap3A_242, %swap3A_243] {strides = array<i32>} : memref<40x128xf32, #tpu.memory_space<vmem>>, vector<1x16xf32>,
          %swap3A_245 = vector.shape_cast %swap3A_244 : vector<1x16xf32> to vector<16xf32>
          %swap3A_246 = vector.shape_cast %max3A_241 : vector<16xf32> to vector<1x16xf32>
          tpu.vector_store %arg18[%swap3A_242, %swap3A_243], %swap3A_246 {strides = array<i32>} : memref<40x128xf32, #tpu.memory_space<vmem>>, vector<1x16xf32>,
          %get3A_247 = arith.index_cast %scan3A_130 : i32 to index
          %get3A_248 = arith.constant 112 : index
          %get3A_249 = tpu.vector_load %arg18[%get3A_247, %get3A_248] {strides = array<i32>} : memref<40x128xf32, #tpu.memory_space<vmem>>, vector<1x16xf32>,
          %get3A_250 = vector.shape_cast %get3A_249 : vector<1x16xf32> to vector<16xf32>
          %get3A_251 = arith.index_cast %scan3A_130 : i32 to index
          %get3A_252 = arith.constant 112 : index
          %get3A_253 = tpu.vector_load %arg15[%get3A_251, %get3A_252] {strides = array<i32>} : memref<40x128xf32, #tpu.memory_space<vmem>>, vector<1x16xf32>,
          %get3A_254 = vector.shape_cast %get3A_253 : vector<1x16xf32> to vector<16xf32>
          %add3A_255 = arith.addf %get3A_250, %get3A_254 : vector<16xf32>
          %max3A_256 = arith.constant 0.000000e+00 : f32
          %max3A_257 = vector.broadcast %max3A_256 : f32 to vector<16xf32>
          %max3A_258 = arith.maximumf %add3A_255, %max3A_257 : vector<16xf32>
          %swap3A_259 = arith.index_cast %scan3A_130 : i32 to index
          %swap3A_260 = arith.constant 112 : index
          %swap3A_261 = tpu.vector_load %arg18[%swap3A_259, %swap3A_260] {strides = array<i32>} : memref<40x128xf32, #tpu.memory_space<vmem>>, vector<1x16xf32>,
          %swap3A_262 = vector.shape_cast %swap3A_261 : vector<1x16xf32> to vector<16xf32>
          %swap3A_263 = vector.shape_cast %max3A_258 : vector<16xf32> to vector<1x16xf32>
          tpu.vector_store %arg18[%swap3A_259, %swap3A_260], %swap3A_263 {strides = array<i32>} : memref<40x128xf32, #tpu.memory_space<vmem>>, vector<1x16xf32>,
        }
        %scan3A_112 = arith.constant 40 : i32
        %dma_start3A_113 = arith.constant 0 : i32
        %dma_start3A_114 = arith.constant 0 : i32
        %dma_start3A_115 = tpu.memref_slice %arg29[%dma_start3A_113, %dma_start3A_114] : memref<10000x128xf32, #tpu.memory_space<vmem_shared>> -> memref<10000x128xf32, #tpu.memory_space<vmem_shared>>
        tpu.enqueue_indirect_dma source(%arg18 : memref<40x128xf32, #tpu.memory_space<vmem>>) target(%dma_start3A_115 : memref<10000x128xf32, #tpu.memory_space<vmem_shared>>) offsets(%arg12 : memref<40xi32, #tpu.memory_space<vmem>>) semaphore(%arg27 : memref<!tpu.dma_semaphore, #tpu.memory_space<semaphore_mem>>) {add = true}
        %add3A_116 = arith.constant 1 : i32
        %add3A_117 = arith.addi %add3A_82, %add3A_116 : i32
        %lt3A_118 = arith.constant 250 : i32
        %lt3A_119 = arith.cmpi slt, %add3A_117, %lt3A_118 : i32
        %convert_element_type3A_120 = arith.extui %lt3A_119 : i1 to i32
        %cond3A_121 = arith.constant 0 : i32
        %cond3A_122 = arith.cmpi ne, %convert_element_type3A_120, %cond3A_121 : i32
        scf.if %cond3A_122 {
          %dma_wait3A_130 = arith.constant 0 : i32
          %dma_wait3A_131 = tpu.memref_slice %arg4[%dma_wait3A_130] : memref<320000xi32, #tpu.memory_space<hbm>> -> memref<40xi32, #tpu.memory_space<hbm>>
          %dma_wait3A_132 = arith.constant 0 : i32
          %dma_wait3A_133 = tpu.memref_slice %arg4[%dma_wait3A_132] : memref<320000xi32, #tpu.memory_space<hbm>> -> memref<40xi32, #tpu.memory_space<hbm>>
          tpu.wait_dma2 semaphore(%arg22 : memref<!tpu.dma_semaphore, #tpu.memory_space<semaphore_mem>>) src(%dma_wait3A_133 : memref<40xi32, #tpu.memory_space<hbm>>) dst(%arg10 : memref<40xi32, #tpu.memory_space<vmem>>)
          %dma_wait3A_134 = arith.constant 0 : i32
          %dma_wait3A_135 = tpu.memref_slice %arg4[%dma_wait3A_134] : memref<320000xi32, #tpu.memory_space<hbm>> -> memref<40xi32, #tpu.memory_space<hbm>>
          %dma_wait3A_136 = arith.constant 0 : i32
          %dma_wait3A_137 = tpu.memref_slice %arg4[%dma_wait3A_136] : memref<320000xi32, #tpu.memory_space<hbm>> -> memref<40xi32, #tpu.memory_space<hbm>>
          tpu.wait_dma2 semaphore(%arg22 : memref<!tpu.dma_semaphore, #tpu.memory_space<semaphore_mem>>) src(%dma_wait3A_137 : memref<40xi32, #tpu.memory_space<hbm>>) dst(%arg13 : memref<40xi32, #tpu.memory_space<vmem>>)
          %dma_start3A_138 = arith.constant 0 : i32
          %dma_start3A_139 = arith.constant 0 : i32
          %dma_start3A_140 = tpu.memref_slice %arg2[%dma_start3A_138, %dma_start3A_139] : memref<10000x128xf32, #tpu.memory_space<hbm>> -> memref<10000x128xf32, #tpu.memory_space<hbm>>
          tpu.enqueue_indirect_dma source(%dma_start3A_140 : memref<10000x128xf32, #tpu.memory_space<hbm>>) target(%arg16 : memref<40x128xf32, #tpu.memory_space<vmem>>) offsets(%arg10 : memref<40xi32, #tpu.memory_space<vmem>>) semaphore(%arg25 : memref<!tpu.dma_semaphore, #tpu.memory_space<semaphore_mem>>)
        } else {
        }
        %add3A_123 = arith.constant 2 : i32
        %add3A_124 = arith.addi %add3A_82, %add3A_123 : i32
        %lt3A_125 = arith.constant 250 : i32
        %lt3A_126 = arith.cmpi slt, %add3A_124, %lt3A_125 : i32
        %convert_element_type3A_127 = arith.extui %lt3A_126 : i1 to i32
        %cond3A_128 = arith.constant 0 : i32
        %cond3A_129 = arith.cmpi ne, %convert_element_type3A_127, %cond3A_128 : i32
        scf.if %cond3A_129 {
          %ge3A = arith.constant 1 : i32
          %ge3A_130 = arith.cmpi sge, %add3A_82, %ge3A : i32
          %convert_element_type3A_131 = arith.extui %ge3A_130 : i1 to i32
          %cond3A_132 = arith.constant 0 : i32
          %cond3A_133 = arith.cmpi ne, %convert_element_type3A_131, %cond3A_132 : i32
          scf.if %cond3A_133 {
            %dma_wait3A_147 = arith.constant 0 : i32
            %dma_wait3A_148 = arith.constant 0 : i32
            %dma_wait3A_149 = tpu.memref_slice %arg29[%dma_wait3A_147, %dma_wait3A_148] : memref<10000x128xf32, #tpu.memory_space<vmem_shared>> -> memref<40x128xf32, #tpu.memory_space<vmem_shared>>
            %dma_wait3A_150 = arith.constant 0 : i32
            %dma_wait3A_151 = arith.constant 0 : i32
            %dma_wait3A_152 = tpu.memref_slice %arg29[%dma_wait3A_150, %dma_wait3A_151] : memref<10000x128xf32, #tpu.memory_space<vmem_shared>> -> memref<40x128xf32, #tpu.memory_space<vmem_shared>>
            tpu.wait_dma2 semaphore(%arg26 : memref<!tpu.dma_semaphore, #tpu.memory_space<semaphore_mem>>) src(%arg17 : memref<40x128xf32, #tpu.memory_space<vmem>>) dst(%dma_wait3A_152 : memref<40x128xf32, #tpu.memory_space<vmem_shared>>)
          } else {
          }
          %add3A_134 = arith.constant 2 : i32
          %add3A_135 = arith.addi %add3A_82, %add3A_134 : i32
          %mul3A_136 = arith.constant 40 : i32
          %mul3A_137 = arith.muli %add3A_135, %mul3A_136 : i32
          %add3A_138 = arith.addi %mul3A_2, %mul3A_137 : i32
          %dma_start3A_139 = tpu.memref_slice %arg4[%add3A_138] : memref<320000xi32, #tpu.memory_space<hbm>> -> memref<40xi32, #tpu.memory_space<hbm>>
          %dma_start3A_140 = tpu.memref_slice %arg4[%add3A_138] : memref<320000xi32, #tpu.memory_space<hbm>> -> memref<40xi32, #tpu.memory_space<hbm>>
          tpu.enqueue_dma source(%dma_start3A_140 : memref<40xi32, #tpu.memory_space<hbm>>) target(%arg8 : memref<40xi32, #tpu.memory_space<vmem>>) target_semaphore(%arg20 : memref<!tpu.dma_semaphore, #tpu.memory_space<semaphore_mem>>)
          %dma_start3A_141 = tpu.memref_slice %arg5[%add3A_138] : memref<320000xi32, #tpu.memory_space<hbm>> -> memref<40xi32, #tpu.memory_space<hbm>>
          %dma_start3A_142 = tpu.memref_slice %arg5[%add3A_138] : memref<320000xi32, #tpu.memory_space<hbm>> -> memref<40xi32, #tpu.memory_space<hbm>>
          tpu.enqueue_dma source(%dma_start3A_142 : memref<40xi32, #tpu.memory_space<hbm>>) target(%arg11 : memref<40xi32, #tpu.memory_space<vmem>>) target_semaphore(%arg20 : memref<!tpu.dma_semaphore, #tpu.memory_space<semaphore_mem>>)
          %dma_start3A_143 = arith.constant 0 : i32
          %dma_start3A_144 = tpu.memref_slice %arg3[%add3A_138, %dma_start3A_143] : memref<320000x128xf32, #tpu.memory_space<hbm>> -> memref<40x128xf32, #tpu.memory_space<hbm>>
          %dma_start3A_145 = arith.constant 0 : i32
          %dma_start3A_146 = tpu.memref_slice %arg3[%add3A_138, %dma_start3A_145] : memref<320000x128xf32, #tpu.memory_space<hbm>> -> memref<40x128xf32, #tpu.memory_space<hbm>>
          tpu.enqueue_dma source(%dma_start3A_146 : memref<40x128xf32, #tpu.memory_space<hbm>>) target(%arg17 : memref<40x128xf32, #tpu.memory_space<vmem>>) target_semaphore(%arg23 : memref<!tpu.dma_semaphore, #tpu.memory_space<semaphore_mem>>)
        } else {
        }
      } else {
      }
      %add3A_88 = arith.constant 2 : i32
      %add3A_89 = arith.addi %mul3A_76, %add3A_88 : i32
      %lt3A_90 = arith.constant 250 : i32
      %lt3A_91 = arith.cmpi slt, %add3A_89, %lt3A_90 : i32
      %convert_element_type3A_92 = arith.extui %lt3A_91 : i1 to i32
      %cond3A_93 = arith.constant 0 : i32
      %cond3A_94 = arith.cmpi ne, %convert_element_type3A_92, %cond3A_93 : i32
      scf.if %cond3A_94 {
        %dma_wait3A_95 = arith.constant 0 : i32
        %dma_wait3A_96 = arith.constant 0 : i32
        %dma_wait3A_97 = tpu.memref_slice %arg3[%dma_wait3A_95, %dma_wait3A_96] : memref<320000x128xf32, #tpu.memory_space<hbm>> -> memref<40x128xf32, #tpu.memory_space<hbm>>
        %dma_wait3A_98 = arith.constant 0 : i32
        %dma_wait3A_99 = arith.constant 0 : i32
        %dma_wait3A_100 = tpu.memref_slice %arg3[%dma_wait3A_98, %dma_wait3A_99] : memref<320000x128xf32, #tpu.memory_space<hbm>> -> memref<40x128xf32, #tpu.memory_space<hbm>>
        tpu.wait_dma2 semaphore(%arg25 : memref<!tpu.dma_semaphore, #tpu.memory_space<semaphore_mem>>) src(%dma_wait3A_100 : memref<40x128xf32, #tpu.memory_space<hbm>>) dst(%arg19 : memref<40x128xf32, #tpu.memory_space<vmem>>)
        %dma_wait3A_101 = arith.constant 0 : i32
        %dma_wait3A_102 = arith.constant 0 : i32
        %dma_wait3A_103 = tpu.memref_slice %arg3[%dma_wait3A_101, %dma_wait3A_102] : memref<320000x128xf32, #tpu.memory_space<hbm>> -> memref<40x128xf32, #tpu.memory_space<hbm>>
        %dma_wait3A_104 = arith.constant 0 : i32
        %dma_wait3A_105 = arith.constant 0 : i32
        %dma_wait3A_106 = tpu.memref_slice %arg3[%dma_wait3A_104, %dma_wait3A_105] : memref<320000x128xf32, #tpu.memory_space<hbm>> -> memref<40x128xf32, #tpu.memory_space<hbm>>
        tpu.wait_dma2 semaphore(%arg25 : memref<!tpu.dma_semaphore, #tpu.memory_space<semaphore_mem>>) src(%dma_wait3A_106 : memref<40x128xf32, #tpu.memory_space<hbm>>) dst(%arg16 : memref<40x128xf32, #tpu.memory_space<vmem>>)
        %scan3A_107 = arith.constant 0 : i32
        %scan3A_108 = arith.constant 0 : i32
        %scan3A_109 = arith.constant 40 : i32
        %scan3A_110 = arith.addi %scan3A_108, %scan3A_109 : i32
        %scan3A_111 = arith.constant 1 : i32
        scf.for %scan3A_130 = %scan3A_108 to %scan3A_110 step %scan3A_111  : i32 {
          %get3A = arith.index_cast %scan3A_130 : i32 to index
          %get3A_131 = arith.constant 0 : index
          %get3A_132 = tpu.vector_load %arg19[%get3A, %get3A_131] {strides = array<i32>} : memref<40x128xf32, #tpu.memory_space<vmem>>, vector<1x16xf32>,
          %get3A_133 = vector.shape_cast %get3A_132 : vector<1x16xf32> to vector<16xf32>
          %get3A_134 = arith.index_cast %scan3A_130 : i32 to index
          %get3A_135 = arith.constant 0 : index
          %get3A_136 = tpu.vector_load %arg16[%get3A_134, %get3A_135] {strides = array<i32>} : memref<40x128xf32, #tpu.memory_space<vmem>>, vector<1x16xf32>,
          %get3A_137 = vector.shape_cast %get3A_136 : vector<1x16xf32> to vector<16xf32>
          %add3A_138 = arith.addf %get3A_133, %get3A_137 : vector<16xf32>
          %max3A = arith.constant 0.000000e+00 : f32
          %max3A_139 = vector.broadcast %max3A : f32 to vector<16xf32>
          %max3A_140 = arith.maximumf %add3A_138, %max3A_139 : vector<16xf32>
          %swap3A = arith.index_cast %scan3A_130 : i32 to index
          %swap3A_141 = arith.constant 0 : index
          %swap3A_142 = tpu.vector_load %arg19[%swap3A, %swap3A_141] {strides = array<i32>} : memref<40x128xf32, #tpu.memory_space<vmem>>, vector<1x16xf32>,
          %swap3A_143 = vector.shape_cast %swap3A_142 : vector<1x16xf32> to vector<16xf32>
          %swap3A_144 = vector.shape_cast %max3A_140 : vector<16xf32> to vector<1x16xf32>
          tpu.vector_store %arg19[%swap3A, %swap3A_141], %swap3A_144 {strides = array<i32>} : memref<40x128xf32, #tpu.memory_space<vmem>>, vector<1x16xf32>,
          %get3A_145 = arith.index_cast %scan3A_130 : i32 to index
          %get3A_146 = arith.constant 16 : index
          %get3A_147 = tpu.vector_load %arg19[%get3A_145, %get3A_146] {strides = array<i32>} : memref<40x128xf32, #tpu.memory_space<vmem>>, vector<1x16xf32>,
          %get3A_148 = vector.shape_cast %get3A_147 : vector<1x16xf32> to vector<16xf32>
          %get3A_149 = arith.index_cast %scan3A_130 : i32 to index
          %get3A_150 = arith.constant 16 : index
          %get3A_151 = tpu.vector_load %arg16[%get3A_149, %get3A_150] {strides = array<i32>} : memref<40x128xf32, #tpu.memory_space<vmem>>, vector<1x16xf32>,
          %get3A_152 = vector.shape_cast %get3A_151 : vector<1x16xf32> to vector<16xf32>
          %add3A_153 = arith.addf %get3A_148, %get3A_152 : vector<16xf32>
          %max3A_154 = arith.constant 0.000000e+00 : f32
          %max3A_155 = vector.broadcast %max3A_154 : f32 to vector<16xf32>
          %max3A_156 = arith.maximumf %add3A_153, %max3A_155 : vector<16xf32>
          %swap3A_157 = arith.index_cast %scan3A_130 : i32 to index
          %swap3A_158 = arith.constant 16 : index
          %swap3A_159 = tpu.vector_load %arg19[%swap3A_157, %swap3A_158] {strides = array<i32>} : memref<40x128xf32, #tpu.memory_space<vmem>>, vector<1x16xf32>,
          %swap3A_160 = vector.shape_cast %swap3A_159 : vector<1x16xf32> to vector<16xf32>
          %swap3A_161 = vector.shape_cast %max3A_156 : vector<16xf32> to vector<1x16xf32>
          tpu.vector_store %arg19[%swap3A_157, %swap3A_158], %swap3A_161 {strides = array<i32>} : memref<40x128xf32, #tpu.memory_space<vmem>>, vector<1x16xf32>,
          %get3A_162 = arith.index_cast %scan3A_130 : i32 to index
          %get3A_163 = arith.constant 32 : index
          %get3A_164 = tpu.vector_load %arg19[%get3A_162, %get3A_163] {strides = array<i32>} : memref<40x128xf32, #tpu.memory_space<vmem>>, vector<1x16xf32>,
          %get3A_165 = vector.shape_cast %get3A_164 : vector<1x16xf32> to vector<16xf32>
          %get3A_166 = arith.index_cast %scan3A_130 : i32 to index
          %get3A_167 = arith.constant 32 : index
          %get3A_168 = tpu.vector_load %arg16[%get3A_166, %get3A_167] {strides = array<i32>} : memref<40x128xf32, #tpu.memory_space<vmem>>, vector<1x16xf32>,
          %get3A_169 = vector.shape_cast %get3A_168 : vector<1x16xf32> to vector<16xf32>
          %add3A_170 = arith.addf %get3A_165, %get3A_169 : vector<16xf32>
          %max3A_171 = arith.constant 0.000000e+00 : f32
          %max3A_172 = vector.broadcast %max3A_171 : f32 to vector<16xf32>
          %max3A_173 = arith.maximumf %add3A_170, %max3A_172 : vector<16xf32>
          %swap3A_174 = arith.index_cast %scan3A_130 : i32 to index
          %swap3A_175 = arith.constant 32 : index
          %swap3A_176 = tpu.vector_load %arg19[%swap3A_174, %swap3A_175] {strides = array<i32>} : memref<40x128xf32, #tpu.memory_space<vmem>>, vector<1x16xf32>,
          %swap3A_177 = vector.shape_cast %swap3A_176 : vector<1x16xf32> to vector<16xf32>
          %swap3A_178 = vector.shape_cast %max3A_173 : vector<16xf32> to vector<1x16xf32>
          tpu.vector_store %arg19[%swap3A_174, %swap3A_175], %swap3A_178 {strides = array<i32>} : memref<40x128xf32, #tpu.memory_space<vmem>>, vector<1x16xf32>,
          %get3A_179 = arith.index_cast %scan3A_130 : i32 to index
          %get3A_180 = arith.constant 48 : index
          %get3A_181 = tpu.vector_load %arg19[%get3A_179, %get3A_180] {strides = array<i32>} : memref<40x128xf32, #tpu.memory_space<vmem>>, vector<1x16xf32>,
          %get3A_182 = vector.shape_cast %get3A_181 : vector<1x16xf32> to vector<16xf32>
          %get3A_183 = arith.index_cast %scan3A_130 : i32 to index
          %get3A_184 = arith.constant 48 : index
          %get3A_185 = tpu.vector_load %arg16[%get3A_183, %get3A_184] {strides = array<i32>} : memref<40x128xf32, #tpu.memory_space<vmem>>, vector<1x16xf32>,
          %get3A_186 = vector.shape_cast %get3A_185 : vector<1x16xf32> to vector<16xf32>
          %add3A_187 = arith.addf %get3A_182, %get3A_186 : vector<16xf32>
          %max3A_188 = arith.constant 0.000000e+00 : f32
          %max3A_189 = vector.broadcast %max3A_188 : f32 to vector<16xf32>
          %max3A_190 = arith.maximumf %add3A_187, %max3A_189 : vector<16xf32>
          %swap3A_191 = arith.index_cast %scan3A_130 : i32 to index
          %swap3A_192 = arith.constant 48 : index
          %swap3A_193 = tpu.vector_load %arg19[%swap3A_191, %swap3A_192] {strides = array<i32>} : memref<40x128xf32, #tpu.memory_space<vmem>>, vector<1x16xf32>,
          %swap3A_194 = vector.shape_cast %swap3A_193 : vector<1x16xf32> to vector<16xf32>
          %swap3A_195 = vector.shape_cast %max3A_190 : vector<16xf32> to vector<1x16xf32>
          tpu.vector_store %arg19[%swap3A_191, %swap3A_192], %swap3A_195 {strides = array<i32>} : memref<40x128xf32, #tpu.memory_space<vmem>>, vector<1x16xf32>,
          %get3A_196 = arith.index_cast %scan3A_130 : i32 to index
          %get3A_197 = arith.constant 64 : index
          %get3A_198 = tpu.vector_load %arg19[%get3A_196, %get3A_197] {strides = array<i32>} : memref<40x128xf32, #tpu.memory_space<vmem>>, vector<1x16xf32>,
          %get3A_199 = vector.shape_cast %get3A_198 : vector<1x16xf32> to vector<16xf32>
          %get3A_200 = arith.index_cast %scan3A_130 : i32 to index
          %get3A_201 = arith.constant 64 : index
          %get3A_202 = tpu.vector_load %arg16[%get3A_200, %get3A_201] {strides = array<i32>} : memref<40x128xf32, #tpu.memory_space<vmem>>, vector<1x16xf32>,
          %get3A_203 = vector.shape_cast %get3A_202 : vector<1x16xf32> to vector<16xf32>
          %add3A_204 = arith.addf %get3A_199, %get3A_203 : vector<16xf32>
          %max3A_205 = arith.constant 0.000000e+00 : f32
          %max3A_206 = vector.broadcast %max3A_205 : f32 to vector<16xf32>
          %max3A_207 = arith.maximumf %add3A_204, %max3A_206 : vector<16xf32>
          %swap3A_208 = arith.index_cast %scan3A_130 : i32 to index
          %swap3A_209 = arith.constant 64 : index
          %swap3A_210 = tpu.vector_load %arg19[%swap3A_208, %swap3A_209] {strides = array<i32>} : memref<40x128xf32, #tpu.memory_space<vmem>>, vector<1x16xf32>,
          %swap3A_211 = vector.shape_cast %swap3A_210 : vector<1x16xf32> to vector<16xf32>
          %swap3A_212 = vector.shape_cast %max3A_207 : vector<16xf32> to vector<1x16xf32>
          tpu.vector_store %arg19[%swap3A_208, %swap3A_209], %swap3A_212 {strides = array<i32>} : memref<40x128xf32, #tpu.memory_space<vmem>>, vector<1x16xf32>,
          %get3A_213 = arith.index_cast %scan3A_130 : i32 to index
          %get3A_214 = arith.constant 80 : index
          %get3A_215 = tpu.vector_load %arg19[%get3A_213, %get3A_214] {strides = array<i32>} : memref<40x128xf32, #tpu.memory_space<vmem>>, vector<1x16xf32>,
          %get3A_216 = vector.shape_cast %get3A_215 : vector<1x16xf32> to vector<16xf32>
          %get3A_217 = arith.index_cast %scan3A_130 : i32 to index
          %get3A_218 = arith.constant 80 : index
          %get3A_219 = tpu.vector_load %arg16[%get3A_217, %get3A_218] {strides = array<i32>} : memref<40x128xf32, #tpu.memory_space<vmem>>, vector<1x16xf32>,
          %get3A_220 = vector.shape_cast %get3A_219 : vector<1x16xf32> to vector<16xf32>
          %add3A_221 = arith.addf %get3A_216, %get3A_220 : vector<16xf32>
          %max3A_222 = arith.constant 0.000000e+00 : f32
          %max3A_223 = vector.broadcast %max3A_222 : f32 to vector<16xf32>
          %max3A_224 = arith.maximumf %add3A_221, %max3A_223 : vector<16xf32>
          %swap3A_225 = arith.index_cast %scan3A_130 : i32 to index
          %swap3A_226 = arith.constant 80 : index
          %swap3A_227 = tpu.vector_load %arg19[%swap3A_225, %swap3A_226] {strides = array<i32>} : memref<40x128xf32, #tpu.memory_space<vmem>>, vector<1x16xf32>,
          %swap3A_228 = vector.shape_cast %swap3A_227 : vector<1x16xf32> to vector<16xf32>
          %swap3A_229 = vector.shape_cast %max3A_224 : vector<16xf32> to vector<1x16xf32>
          tpu.vector_store %arg19[%swap3A_225, %swap3A_226], %swap3A_229 {strides = array<i32>} : memref<40x128xf32, #tpu.memory_space<vmem>>, vector<1x16xf32>,
          %get3A_230 = arith.index_cast %scan3A_130 : i32 to index
          %get3A_231 = arith.constant 96 : index
          %get3A_232 = tpu.vector_load %arg19[%get3A_230, %get3A_231] {strides = array<i32>} : memref<40x128xf32, #tpu.memory_space<vmem>>, vector<1x16xf32>,
          %get3A_233 = vector.shape_cast %get3A_232 : vector<1x16xf32> to vector<16xf32>
          %get3A_234 = arith.index_cast %scan3A_130 : i32 to index
          %get3A_235 = arith.constant 96 : index
          %get3A_236 = tpu.vector_load %arg16[%get3A_234, %get3A_235] {strides = array<i32>} : memref<40x128xf32, #tpu.memory_space<vmem>>, vector<1x16xf32>,
          %get3A_237 = vector.shape_cast %get3A_236 : vector<1x16xf32> to vector<16xf32>
          %add3A_238 = arith.addf %get3A_233, %get3A_237 : vector<16xf32>
          %max3A_239 = arith.constant 0.000000e+00 : f32
          %max3A_240 = vector.broadcast %max3A_239 : f32 to vector<16xf32>
          %max3A_241 = arith.maximumf %add3A_238, %max3A_240 : vector<16xf32>
          %swap3A_242 = arith.index_cast %scan3A_130 : i32 to index
          %swap3A_243 = arith.constant 96 : index
          %swap3A_244 = tpu.vector_load %arg19[%swap3A_242, %swap3A_243] {strides = array<i32>} : memref<40x128xf32, #tpu.memory_space<vmem>>, vector<1x16xf32>,
          %swap3A_245 = vector.shape_cast %swap3A_244 : vector<1x16xf32> to vector<16xf32>
          %swap3A_246 = vector.shape_cast %max3A_241 : vector<16xf32> to vector<1x16xf32>
          tpu.vector_store %arg19[%swap3A_242, %swap3A_243], %swap3A_246 {strides = array<i32>} : memref<40x128xf32, #tpu.memory_space<vmem>>, vector<1x16xf32>,
          %get3A_247 = arith.index_cast %scan3A_130 : i32 to index
          %get3A_248 = arith.constant 112 : index
          %get3A_249 = tpu.vector_load %arg19[%get3A_247, %get3A_248] {strides = array<i32>} : memref<40x128xf32, #tpu.memory_space<vmem>>, vector<1x16xf32>,
          %get3A_250 = vector.shape_cast %get3A_249 : vector<1x16xf32> to vector<16xf32>
          %get3A_251 = arith.index_cast %scan3A_130 : i32 to index
          %get3A_252 = arith.constant 112 : index
          %get3A_253 = tpu.vector_load %arg16[%get3A_251, %get3A_252] {strides = array<i32>} : memref<40x128xf32, #tpu.memory_space<vmem>>, vector<1x16xf32>,
          %get3A_254 = vector.shape_cast %get3A_253 : vector<1x16xf32> to vector<16xf32>
          %add3A_255 = arith.addf %get3A_250, %get3A_254 : vector<16xf32>
          %max3A_256 = arith.constant 0.000000e+00 : f32
          %max3A_257 = vector.broadcast %max3A_256 : f32 to vector<16xf32>
          %max3A_258 = arith.maximumf %add3A_255, %max3A_257 : vector<16xf32>
          %swap3A_259 = arith.index_cast %scan3A_130 : i32 to index
          %swap3A_260 = arith.constant 112 : index
          %swap3A_261 = tpu.vector_load %arg19[%swap3A_259, %swap3A_260] {strides = array<i32>} : memref<40x128xf32, #tpu.memory_space<vmem>>, vector<1x16xf32>,
          %swap3A_262 = vector.shape_cast %swap3A_261 : vector<1x16xf32> to vector<16xf32>
          %swap3A_263 = vector.shape_cast %max3A_258 : vector<16xf32> to vector<1x16xf32>
          tpu.vector_store %arg19[%swap3A_259, %swap3A_260], %swap3A_263 {strides = array<i32>} : memref<40x128xf32, #tpu.memory_space<vmem>>, vector<1x16xf32>,
        }
        %scan3A_112 = arith.constant 40 : i32
        %dma_start3A_113 = arith.constant 0 : i32
        %dma_start3A_114 = arith.constant 0 : i32
        %dma_start3A_115 = tpu.memref_slice %arg29[%dma_start3A_113, %dma_start3A_114] : memref<10000x128xf32, #tpu.memory_space<vmem_shared>> -> memref<10000x128xf32, #tpu.memory_space<vmem_shared>>
        tpu.enqueue_indirect_dma source(%arg19 : memref<40x128xf32, #tpu.memory_space<vmem>>) target(%dma_start3A_115 : memref<10000x128xf32, #tpu.memory_space<vmem_shared>>) offsets(%arg13 : memref<40xi32, #tpu.memory_space<vmem>>) semaphore(%arg28 : memref<!tpu.dma_semaphore, #tpu.memory_space<semaphore_mem>>) {add = true}
        %add3A_116 = arith.constant 1 : i32
        %add3A_117 = arith.addi %add3A_89, %add3A_116 : i32
        %lt3A_118 = arith.constant 250 : i32
        %lt3A_119 = arith.cmpi slt, %add3A_117, %lt3A_118 : i32
        %convert_element_type3A_120 = arith.extui %lt3A_119 : i1 to i32
        %cond3A_121 = arith.constant 0 : i32
        %cond3A_122 = arith.cmpi ne, %convert_element_type3A_120, %cond3A_121 : i32
        scf.if %cond3A_122 {
          %dma_wait3A_130 = arith.constant 0 : i32
          %dma_wait3A_131 = tpu.memref_slice %arg4[%dma_wait3A_130] : memref<320000xi32, #tpu.memory_space<hbm>> -> memref<40xi32, #tpu.memory_space<hbm>>
          %dma_wait3A_132 = arith.constant 0 : i32
          %dma_wait3A_133 = tpu.memref_slice %arg4[%dma_wait3A_132] : memref<320000xi32, #tpu.memory_space<hbm>> -> memref<40xi32, #tpu.memory_space<hbm>>
          tpu.wait_dma2 semaphore(%arg20 : memref<!tpu.dma_semaphore, #tpu.memory_space<semaphore_mem>>) src(%dma_wait3A_133 : memref<40xi32, #tpu.memory_space<hbm>>) dst(%arg8 : memref<40xi32, #tpu.memory_space<vmem>>)
          %dma_wait3A_134 = arith.constant 0 : i32
          %dma_wait3A_135 = tpu.memref_slice %arg4[%dma_wait3A_134] : memref<320000xi32, #tpu.memory_space<hbm>> -> memref<40xi32, #tpu.memory_space<hbm>>
          %dma_wait3A_136 = arith.constant 0 : i32
          %dma_wait3A_137 = tpu.memref_slice %arg4[%dma_wait3A_136] : memref<320000xi32, #tpu.memory_space<hbm>> -> memref<40xi32, #tpu.memory_space<hbm>>
          tpu.wait_dma2 semaphore(%arg20 : memref<!tpu.dma_semaphore, #tpu.memory_space<semaphore_mem>>) src(%dma_wait3A_137 : memref<40xi32, #tpu.memory_space<hbm>>) dst(%arg11 : memref<40xi32, #tpu.memory_space<vmem>>)
          %dma_start3A_138 = arith.constant 0 : i32
          %dma_start3A_139 = arith.constant 0 : i32
          %dma_start3A_140 = tpu.memref_slice %arg2[%dma_start3A_138, %dma_start3A_139] : memref<10000x128xf32, #tpu.memory_space<hbm>> -> memref<10000x128xf32, #tpu.memory_space<hbm>>
          tpu.enqueue_indirect_dma source(%dma_start3A_140 : memref<10000x128xf32, #tpu.memory_space<hbm>>) target(%arg14 : memref<40x128xf32, #tpu.memory_space<vmem>>) offsets(%arg8 : memref<40xi32, #tpu.memory_space<vmem>>) semaphore(%arg23 : memref<!tpu.dma_semaphore, #tpu.memory_space<semaphore_mem>>)
        } else {
        }
        %add3A_123 = arith.constant 2 : i32
        %add3A_124 = arith.addi %add3A_89, %add3A_123 : i32
        %lt3A_125 = arith.constant 250 : i32
        %lt3A_126 = arith.cmpi slt, %add3A_124, %lt3A_125 : i32
        %convert_element_type3A_127 = arith.extui %lt3A_126 : i1 to i32
        %cond3A_128 = arith.constant 0 : i32
        %cond3A_129 = arith.cmpi ne, %convert_element_type3A_127, %cond3A_128 : i32
        scf.if %cond3A_129 {
          %ge3A = arith.constant 1 : i32
          %ge3A_130 = arith.cmpi sge, %add3A_89, %ge3A : i32
          %convert_element_type3A_131 = arith.extui %ge3A_130 : i1 to i32
          %cond3A_132 = arith.constant 0 : i32
          %cond3A_133 = arith.cmpi ne, %convert_element_type3A_131, %cond3A_132 : i32
          scf.if %cond3A_133 {
            %dma_wait3A_147 = arith.constant 0 : i32
            %dma_wait3A_148 = arith.constant 0 : i32
            %dma_wait3A_149 = tpu.memref_slice %arg29[%dma_wait3A_147, %dma_wait3A_148] : memref<10000x128xf32, #tpu.memory_space<vmem_shared>> -> memref<40x128xf32, #tpu.memory_space<vmem_shared>>
            %dma_wait3A_150 = arith.constant 0 : i32
            %dma_wait3A_151 = arith.constant 0 : i32
            %dma_wait3A_152 = tpu.memref_slice %arg29[%dma_wait3A_150, %dma_wait3A_151] : memref<10000x128xf32, #tpu.memory_space<vmem_shared>> -> memref<40x128xf32, #tpu.memory_space<vmem_shared>>
            tpu.wait_dma2 semaphore(%arg27 : memref<!tpu.dma_semaphore, #tpu.memory_space<semaphore_mem>>) src(%arg18 : memref<40x128xf32, #tpu.memory_space<vmem>>) dst(%dma_wait3A_152 : memref<40x128xf32, #tpu.memory_space<vmem_shared>>)
          } else {
          }
          %add3A_134 = arith.constant 2 : i32
          %add3A_135 = arith.addi %add3A_89, %add3A_134 : i32
          %mul3A_136 = arith.constant 40 : i32
          %mul3A_137 = arith.muli %add3A_135, %mul3A_136 : i32
          %add3A_138 = arith.addi %mul3A_2, %mul3A_137 : i32
          %dma_start3A_139 = tpu.memref_slice %arg4[%add3A_138] : memref<320000xi32, #tpu.memory_space<hbm>> -> memref<40xi32, #tpu.memory_space<hbm>>
          %dma_start3A_140 = tpu.memref_slice %arg4[%add3A_138] : memref<320000xi32, #tpu.memory_space<hbm>> -> memref<40xi32, #tpu.memory_space<hbm>>
          tpu.enqueue_dma source(%dma_start3A_140 : memref<40xi32, #tpu.memory_space<hbm>>) target(%arg9 : memref<40xi32, #tpu.memory_space<vmem>>) target_semaphore(%arg21 : memref<!tpu.dma_semaphore, #tpu.memory_space<semaphore_mem>>)
          %dma_start3A_141 = tpu.memref_slice %arg5[%add3A_138] : memref<320000xi32, #tpu.memory_space<hbm>> -> memref<40xi32, #tpu.memory_space<hbm>>
          %dma_start3A_142 = tpu.memref_slice %arg5[%add3A_138] : memref<320000xi32, #tpu.memory_space<hbm>> -> memref<40xi32, #tpu.memory_space<hbm>>
          tpu.enqueue_dma source(%dma_start3A_142 : memref<40xi32, #tpu.memory_space<hbm>>) target(%arg12 : memref<40xi32, #tpu.memory_space<vmem>>) target_semaphore(%arg21 : memref<!tpu.dma_semaphore, #tpu.memory_space<semaphore_mem>>)
          %dma_start3A_143 = arith.constant 0 : i32
          %dma_start3A_144 = tpu.memref_slice %arg3[%add3A_138, %dma_start3A_143] : memref<320000x128xf32, #tpu.memory_space<hbm>> -> memref<40x128xf32, #tpu.memory_space<hbm>>
          %dma_start3A_145 = arith.constant 0 : i32
          %dma_start3A_146 = tpu.memref_slice %arg3[%add3A_138, %dma_start3A_145] : memref<320000x128xf32, #tpu.memory_space<hbm>> -> memref<40x128xf32, #tpu.memory_space<hbm>>
          tpu.enqueue_dma source(%dma_start3A_146 : memref<40x128xf32, #tpu.memory_space<hbm>>) target(%arg18 : memref<40x128xf32, #tpu.memory_space<vmem>>) target_semaphore(%arg24 : memref<!tpu.dma_semaphore, #tpu.memory_space<semaphore_mem>>)
        } else {
        }
      } else {
      }
    }
    %scan3A_48 = arith.constant 84 : i32
    %dma_wait3A_49 = arith.constant 0 : i32
    %dma_wait3A_50 = arith.constant 0 : i32
    %dma_wait3A_51 = tpu.memref_slice %arg29[%dma_wait3A_49, %dma_wait3A_50] : memref<10000x128xf32, #tpu.memory_space<vmem_shared>> -> memref<40x128xf32, #tpu.memory_space<vmem_shared>>
    %dma_wait3A_52 = arith.constant 0 : i32
    %dma_wait3A_53 = arith.constant 0 : i32
    %dma_wait3A_54 = tpu.memref_slice %arg29[%dma_wait3A_52, %dma_wait3A_53] : memref<10000x128xf32, #tpu.memory_space<vmem_shared>> -> memref<40x128xf32, #tpu.memory_space<vmem_shared>>
    tpu.wait_dma2 semaphore(%arg26 : memref<!tpu.dma_semaphore, #tpu.memory_space<semaphore_mem>>) src(%arg17 : memref<40x128xf32, #tpu.memory_space<vmem>>) dst(%dma_wait3A_54 : memref<40x128xf32, #tpu.memory_space<vmem_shared>>)
    %dma_wait3A_55 = arith.constant 0 : i32
    %dma_wait3A_56 = arith.constant 0 : i32
    %dma_wait3A_57 = tpu.memref_slice %arg29[%dma_wait3A_55, %dma_wait3A_56] : memref<10000x128xf32, #tpu.memory_space<vmem_shared>> -> memref<40x128xf32, #tpu.memory_space<vmem_shared>>
    %dma_wait3A_58 = arith.constant 0 : i32
    %dma_wait3A_59 = arith.constant 0 : i32
    %dma_wait3A_60 = tpu.memref_slice %arg29[%dma_wait3A_58, %dma_wait3A_59] : memref<10000x128xf32, #tpu.memory_space<vmem_shared>> -> memref<40x128xf32, #tpu.memory_space<vmem_shared>>
    tpu.wait_dma2 semaphore(%arg27 : memref<!tpu.dma_semaphore, #tpu.memory_space<semaphore_mem>>) src(%arg18 : memref<40x128xf32, #tpu.memory_space<vmem>>) dst(%dma_wait3A_60 : memref<40x128xf32, #tpu.memory_space<vmem_shared>>)
    %dma_wait3A_61 = arith.constant 0 : i32
    %dma_wait3A_62 = arith.constant 0 : i32
    %dma_wait3A_63 = tpu.memref_slice %arg29[%dma_wait3A_61, %dma_wait3A_62] : memref<10000x128xf32, #tpu.memory_space<vmem_shared>> -> memref<40x128xf32, #tpu.memory_space<vmem_shared>>
    %dma_wait3A_64 = arith.constant 0 : i32
    %dma_wait3A_65 = arith.constant 0 : i32
    %dma_wait3A_66 = tpu.memref_slice %arg29[%dma_wait3A_64, %dma_wait3A_65] : memref<10000x128xf32, #tpu.memory_space<vmem_shared>> -> memref<40x128xf32, #tpu.memory_space<vmem_shared>>
    tpu.wait_dma2 semaphore(%arg28 : memref<!tpu.dma_semaphore, #tpu.memory_space<semaphore_mem>>) src(%arg19 : memref<40x128xf32, #tpu.memory_space<vmem>>) dst(%dma_wait3A_66 : memref<40x128xf32, #tpu.memory_space<vmem_shared>>)
    %barrier3A_67 = arith.constant 0 : index
    tpu.barrier barrier_id(%barrier3A_67)
    %scan3A_68 = arith.constant 0 : i32
    %scan3A_69 = arith.constant 0 : i32
    %scan3A_70 = arith.constant 16 : i32
    %scan3A_71 = arith.addi %scan3A_69, %scan3A_70 : i32
    %scan3A_72 = arith.constant 1 : i32
    scf.for %scan3A_74 = %scan3A_69 to %scan3A_71 step %scan3A_72  : i32 {
      %mul3A_75 = arith.constant 16 : i32
      %mul3A_76 = arith.muli %mul3A_75, %scan3A_74 : i32
      %add3A_77 = arith.addi %arg1, %mul3A_76 : i32
      %lt3A = arith.constant 250 : i32
      %lt3A_78 = arith.cmpi slt, %add3A_77, %lt3A : i32
      %convert_element_type3A = arith.extui %lt3A_78 : i1 to i32
      %cond3A = arith.constant 0 : i32
      %cond3A_79 = arith.cmpi ne, %convert_element_type3A, %cond3A : i32
      scf.if %cond3A_79 {
        %mul3A_80 = arith.constant 40 : i32
        %mul3A_81 = arith.muli %add3A_77, %mul3A_80 : i32
        %eq3A = arith.constant 0 : i32
        %eq3A_82 = arith.cmpi eq, %arg0, %eq3A : i32
        %convert_element_type3A_83 = arith.extui %eq3A_82 : i1 to i32
        %cond3A_84 = arith.constant 0 : i32
        %cond3A_85 = arith.cmpi ne, %convert_element_type3A_83, %cond3A_84 : i32
        scf.if %cond3A_85 {
          "tpu.region"() ({
            %run_scoped3A = tpu.sem_alloc : memref<!tpu.dma_semaphore, #tpu.memory_space<semaphore_mem>>
            %dma_start3A_91 = arith.constant 0 : i32
            %dma_start3A_92 = tpu.memref_slice %arg6[%mul3A_81, %dma_start3A_91] : memref<10000x128xf32, #tpu.memory_space<hbm>> -> memref<40x128xf32, #tpu.memory_space<hbm>>
            %dma_start3A_93 = arith.constant 0 : i32
            %dma_start3A_94 = tpu.memref_slice %arg29[%mul3A_81, %dma_start3A_93] : memref<10000x128xf32, #tpu.memory_space<vmem_shared>> -> memref<40x128xf32, #tpu.memory_space<vmem_shared>>
            tpu.enqueue_dma source(%dma_start3A_94 : memref<40x128xf32, #tpu.memory_space<vmem_shared>>) target(%dma_start3A_92 : memref<40x128xf32, #tpu.memory_space<hbm>>) target_semaphore(%run_scoped3A : memref<!tpu.dma_semaphore, #tpu.memory_space<semaphore_mem>>)
            %dma_wait3A_95 = arith.constant 0 : i32
            %dma_wait3A_96 = tpu.memref_slice %arg6[%mul3A_81, %dma_wait3A_95] : memref<10000x128xf32, #tpu.memory_space<hbm>> -> memref<40x128xf32, #tpu.memory_space<hbm>>
            %dma_wait3A_97 = arith.constant 0 : i32
            %dma_wait3A_98 = tpu.memref_slice %arg29[%mul3A_81, %dma_wait3A_97] : memref<10000x128xf32, #tpu.memory_space<vmem_shared>> -> memref<40x128xf32, #tpu.memory_space<vmem_shared>>
            tpu.wait_dma2 semaphore(%run_scoped3A : memref<!tpu.dma_semaphore, #tpu.memory_space<semaphore_mem>>) src(%dma_wait3A_98 : memref<40x128xf32, #tpu.memory_space<vmem_shared>>) dst(%dma_wait3A_96 : memref<40x128xf32, #tpu.memory_space<hbm>>)
            tpu.yield
          }) : () -> ()
        } else {
        }
        %eq3A_86 = arith.constant 1 : i32
        %eq3A_87 = arith.cmpi eq, %arg0, %eq3A_86 : i32
        %convert_element_type3A_88 = arith.extui %eq3A_87 : i1 to i32
        %cond3A_89 = arith.constant 0 : i32
        %cond3A_90 = arith.cmpi ne, %convert_element_type3A_88, %cond3A_89 : i32
        scf.if %cond3A_90 {
          "tpu.region"() ({
            %run_scoped3A = tpu.sem_alloc : memref<!tpu.dma_semaphore, #tpu.memory_space<semaphore_mem>>
            %dma_start3A_91 = arith.constant 0 : i32
            %dma_start3A_92 = tpu.memref_slice %arg7[%mul3A_81, %dma_start3A_91] : memref<10000x128xf32, #tpu.memory_space<hbm>> -> memref<40x128xf32, #tpu.memory_space<hbm>>
            %dma_start3A_93 = arith.constant 0 : i32
            %dma_start3A_94 = tpu.memref_slice %arg29[%mul3A_81, %dma_start3A_93] : memref<10000x128xf32, #tpu.memory_space<vmem_shared>> -> memref<40x128xf32, #tpu.memory_space<vmem_shared>>
            tpu.enqueue_dma source(%dma_start3A_94 : memref<40x128xf32, #tpu.memory_space<vmem_shared>>) target(%dma_start3A_92 : memref<40x128xf32, #tpu.memory_space<hbm>>) target_semaphore(%run_scoped3A : memref<!tpu.dma_semaphore, #tpu.memory_space<semaphore_mem>>)
            %dma_wait3A_95 = arith.constant 0 : i32
            %dma_wait3A_96 = tpu.memref_slice %arg7[%mul3A_81, %dma_wait3A_95] : memref<10000x128xf32, #tpu.memory_space<hbm>> -> memref<40x128xf32, #tpu.memory_space<hbm>>
            %dma_wait3A_97 = arith.constant 0 : i32
            %dma_wait3A_98 = tpu.memref_slice %arg29[%mul3A_81, %dma_wait3A_97] : memref<10000x128xf32, #tpu.memory_space<vmem_shared>> -> memref<40x128xf32, #tpu.memory_space<vmem_shared>>
            tpu.wait_dma2 semaphore(%run_scoped3A : memref<!tpu.dma_semaphore, #tpu.memory_space<semaphore_mem>>) src(%dma_wait3A_98 : memref<40x128xf32, #tpu.memory_space<vmem_shared>>) dst(%dma_wait3A_96 : memref<40x128xf32, #tpu.memory_space<hbm>>)
            tpu.yield
          }) : () -> ()
        } else {
        }
      } else {
      }
    }
    %scan3A_73 = arith.constant 16 : i32
    return
  }
}

module attributes {stable_mosaic.version = 14 : i64} {
  func.func @_pool_body(%arg0: i32, %arg1: memref<2000x128xf32, #tpu.memory_space<vmem>>, %arg2: memref<1x1x2000xi32, #tpu.memory_space<vmem>>, %arg3: memref<64x2xf32, #tpu.memory_space<vmem>>, %arg4: memref<128x64xf32, #tpu.memory_space<vmem>>, %arg5: memref<1x64xf32, #tpu.memory_space<vmem>>, %arg6: memref<64x128xf32, #tpu.memory_space<vmem>>, %arg7: memref<1x128xf32, #tpu.memory_space<vmem>>, %arg8: memref<128x128xf32, #tpu.memory_space<vmem>>, %arg9: memref<2x128xf32, #tpu.memory_space<vmem>>, %arg10: memref<1x128xf32, #tpu.memory_space<vmem>>, %arg11: memref<1x128xf32, #tpu.memory_space<vmem>>, %arg12: memref<1x1xf32, #tpu.memory_space<vmem>>, %arg13: memref<64x1xf32, #tpu.memory_space<vmem>>, %arg14: memref<64x128xf32, #tpu.memory_space<vmem>>, %arg15: memref<64x128xf32, #tpu.memory_space<vmem>>) attributes {dimension_semantics = [#tpu.dimension_semantics<arbitrary>], iteration_bounds = array<i64: 5>, scalar_prefetch = 0 : i64, scratch_operands = 0 : i64, tpu.core_type = #tpu.core_type<tc>, window_params = [{transform_indices = @transform_0, window_bounds = array<i64: 2000, 128>}, {transform_indices = @transform_1, window_bounds = array<i64: 1, 1, 2000>}, {pipeline_mode = #tpu.pipeline_mode<synchronous>, transform_indices = @transform_2, window_bounds = array<i64: 64, 2>}, {pipeline_mode = #tpu.pipeline_mode<synchronous>, transform_indices = @transform_3, window_bounds = array<i64: 128, 64>}, {pipeline_mode = #tpu.pipeline_mode<synchronous>, transform_indices = @transform_4, window_bounds = array<i64: 1, 64>}, {pipeline_mode = #tpu.pipeline_mode<synchronous>, transform_indices = @transform_5, window_bounds = array<i64: 64, 128>}, {pipeline_mode = #tpu.pipeline_mode<synchronous>, transform_indices = @transform_6, window_bounds = array<i64: 1, 128>}, {pipeline_mode = #tpu.pipeline_mode<synchronous>, transform_indices = @transform_7, window_bounds = array<i64: 128, 128>}, {pipeline_mode = #tpu.pipeline_mode<synchronous>, transform_indices = @transform_8, window_bounds = array<i64: 2, 128>}, {pipeline_mode = #tpu.pipeline_mode<synchronous>, transform_indices = @transform_9, window_bounds = array<i64: 1, 128>}, {pipeline_mode = #tpu.pipeline_mode<synchronous>, transform_indices = @transform_10, window_bounds = array<i64: 1, 128>}, {pipeline_mode = #tpu.pipeline_mode<synchronous>, transform_indices = @transform_11, window_bounds = array<i64: 1, 1>}, {pipeline_mode = #tpu.pipeline_mode<synchronous>, transform_indices = @transform_12, window_bounds = array<i64: 64, 1>}, {pipeline_mode = #tpu.pipeline_mode<synchronous>, transform_indices = @transform_13, window_bounds = array<i64: 64, 128>}, {pipeline_mode = #tpu.pipeline_mode<synchronous>, transform_indices = @transform_14, window_bounds = array<i64: 64, 128>}]} {
    %get3A = arith.constant 0 : index
    %get3A_0 = arith.constant 0 : index
    %get3A_1 = arith.constant 0 : index
    %get3A_2 = vector.load %arg2[%get3A, %get3A_0, %get3A_1] : memref<1x1x2000xi32, #tpu.memory_space<vmem>>, vector<1x1x2000xi32>
    %get3A_3 = vector.shape_cast %get3A_2 : vector<1x1x2000xi32> to vector<1x2000xi32>
    %iota3A = tpu.iota {dimensions = array<i32: 0>} : vector<64x2000xi32>
    %eq3A = vector.broadcast %get3A_3 : vector<1x2000xi32> to vector<64x2000xi32>
    %eq3A_4 = arith.cmpi eq, %eq3A, %iota3A : vector<64x2000xi32>
    %convert_element_type3A = arith.extui %eq3A_4 : vector<64x2000xi1> to vector<64x2000xi32>
    %convert_element_type3A_5 = arith.sitofp %convert_element_type3A : vector<64x2000xi32> to vector<64x2000xf32>
    %get3A_6 = arith.constant 0 : index
    %get3A_7 = arith.constant 0 : index
    %get3A_8 = vector.load %arg1[%get3A_6, %get3A_7] : memref<2000x128xf32, #tpu.memory_space<vmem>>, vector<2000x128xf32>
    %dot_general3A = arith.constant dense<0.000000e+00> : vector<64x128xf32>
    %dot_general3A_9 = tpu.matmul %convert_element_type3A_5, %get3A_8, %dot_general3A {dimension_numbers = #tpu.dot_dimension_numbers<[1], [0], [0], [1], [0, 0, 1, 1], [], []>, transpose_lhs_hint = false} : vector<64x2000xf32>, vector<2000x128xf32>, vector<64x128xf32> -> vector<64x128xf32>
    %eq3A_10 = arith.constant 0 : i32
    %eq3A_11 = arith.cmpi eq, %arg0, %eq3A_10 : i32
    %convert_element_type3A_12 = arith.extui %eq3A_11 : i1 to i32
    %cond3A = arith.constant 0 : i32
    %cond3A_13 = arith.cmpi ne, %convert_element_type3A_12, %cond3A : i32
    scf.if %cond3A_13 {
      %swap3A = arith.constant 0 : index
      %swap3A_23 = arith.constant 0 : index
      %swap3A_24 = vector.load %arg15[%swap3A, %swap3A_23] : memref<64x128xf32, #tpu.memory_space<vmem>>, vector<64x128xf32>
      tpu.vector_store %arg15[%swap3A, %swap3A_23], %dot_general3A_9 {strides = array<i32>} : memref<64x128xf32, #tpu.memory_space<vmem>>, vector<64x128xf32>,
    } else {
    }
    %gt3A = arith.constant 0 : i32
    %gt3A_14 = arith.cmpi sgt, %arg0, %gt3A : i32
    %convert_element_type3A_15 = arith.extui %gt3A_14 : i1 to i32
    %cond3A_16 = arith.constant 0 : i32
    %cond3A_17 = arith.cmpi ne, %convert_element_type3A_15, %cond3A_16 : i32
    scf.if %cond3A_17 {
      %get3A_23 = arith.constant 0 : index
      %get3A_24 = arith.constant 0 : index
      %get3A_25 = vector.load %arg15[%get3A_23, %get3A_24] : memref<64x128xf32, #tpu.memory_space<vmem>>, vector<64x128xf32>
      %add3A = arith.addf %get3A_25, %dot_general3A_9 : vector<64x128xf32>
      %swap3A = arith.constant 0 : index
      %swap3A_26 = arith.constant 0 : index
      %swap3A_27 = vector.load %arg15[%swap3A, %swap3A_26] : memref<64x128xf32, #tpu.memory_space<vmem>>, vector<64x128xf32>
      tpu.vector_store %arg15[%swap3A, %swap3A_26], %add3A {strides = array<i32>} : memref<64x128xf32, #tpu.memory_space<vmem>>, vector<64x128xf32>,
    } else {
    }
    %eq3A_18 = arith.constant 4 : i32
    %eq3A_19 = arith.cmpi eq, %arg0, %eq3A_18 : i32
    %convert_element_type3A_20 = arith.extui %eq3A_19 : i1 to i32
    %cond3A_21 = arith.constant 0 : i32
    %cond3A_22 = arith.cmpi ne, %convert_element_type3A_20, %cond3A_21 : i32
    scf.if %cond3A_22 {
      %get3A_23 = arith.constant 0 : index
      %get3A_24 = arith.constant 0 : index
      %get3A_25 = vector.load %arg15[%get3A_23, %get3A_24] : memref<64x128xf32, #tpu.memory_space<vmem>>, vector<64x128xf32>
      %get3A_26 = arith.constant 0 : index
      %get3A_27 = arith.constant 0 : index
      %get3A_28 = vector.load %arg4[%get3A_26, %get3A_27] : memref<128x64xf32, #tpu.memory_space<vmem>>, vector<128x64xf32>
      %dot_general3A_29 = arith.constant dense<0.000000e+00> : vector<64x64xf32>
      %dot_general3A_30 = tpu.matmul %get3A_25, %get3A_28, %dot_general3A_29 {dimension_numbers = #tpu.dot_dimension_numbers<[1], [0], [0], [1], [0, 0, 1, 1], [], []>, transpose_lhs_hint = false} : vector<64x128xf32>, vector<128x64xf32>, vector<64x64xf32> -> vector<64x64xf32>
      %get3A_31 = arith.constant 0 : index
      %get3A_32 = arith.constant 0 : index
      %get3A_33 = vector.load %arg5[%get3A_31, %get3A_32] : memref<1x64xf32, #tpu.memory_space<vmem>>, vector<1x64xf32>
      %add3A = vector.broadcast %get3A_33 : vector<1x64xf32> to vector<64x64xf32>
      %add3A_34 = arith.addf %dot_general3A_30, %add3A : vector<64x64xf32>
      %max3A = arith.constant 0.000000e+00 : f32
      %max3A_35 = vector.broadcast %max3A : f32 to vector<64x64xf32>
      %max3A_36 = arith.maximumf %add3A_34, %max3A_35 : vector<64x64xf32>
      %get3A_37 = arith.constant 0 : index
      %get3A_38 = arith.constant 0 : index
      %get3A_39 = vector.load %arg6[%get3A_37, %get3A_38] : memref<64x128xf32, #tpu.memory_space<vmem>>, vector<64x128xf32>
      %dot_general3A_40 = arith.constant dense<0.000000e+00> : vector<64x128xf32>
      %dot_general3A_41 = tpu.matmul %max3A_36, %get3A_39, %dot_general3A_40 {dimension_numbers = #tpu.dot_dimension_numbers<[1], [0], [0], [1], [0, 0, 1, 1], [], []>, transpose_lhs_hint = false} : vector<64x64xf32>, vector<64x128xf32>, vector<64x128xf32> -> vector<64x128xf32>
      %get3A_42 = arith.constant 0 : index
      %get3A_43 = arith.constant 0 : index
      %get3A_44 = vector.load %arg7[%get3A_42, %get3A_43] : memref<1x128xf32, #tpu.memory_space<vmem>>, vector<1x128xf32>
      %add3A_45 = vector.broadcast %get3A_44 : vector<1x128xf32> to vector<64x128xf32>
      %add3A_46 = arith.addf %dot_general3A_41, %add3A_45 : vector<64x128xf32>
      %logistic3A = arith.negf %add3A_46 : vector<64x128xf32>
      %logistic3A_47 = math.exp %logistic3A : vector<64x128xf32>
      %logistic3A_48 = arith.constant 1.000000e+00 : f32
      %logistic3A_49 = vector.broadcast %logistic3A_48 : f32 to vector<64x128xf32>
      %logistic3A_50 = arith.addf %logistic3A_49, %logistic3A_47 : vector<64x128xf32>
      %logistic3A_51 = arith.divf %logistic3A_49, %logistic3A_50 : vector<64x128xf32>
      %swap3A = arith.constant 0 : index
      %swap3A_52 = arith.constant 0 : index
      %swap3A_53 = vector.load %arg14[%swap3A, %swap3A_52] : memref<64x128xf32, #tpu.memory_space<vmem>>, vector<64x128xf32>
      tpu.vector_store %arg14[%swap3A, %swap3A_52], %logistic3A_51 {strides = array<i32>} : memref<64x128xf32, #tpu.memory_space<vmem>>, vector<64x128xf32>,
      %get3A_54 = arith.constant 0 : index
      %get3A_55 = arith.constant 0 : index
      %get3A_56 = vector.load %arg8[%get3A_54, %get3A_55] : memref<128x128xf32, #tpu.memory_space<vmem>>, vector<128x128xf32>
      %dot_general3A_57 = arith.constant dense<0.000000e+00> : vector<64x128xf32>
      %dot_general3A_58 = tpu.matmul %get3A_25, %get3A_56, %dot_general3A_57 {dimension_numbers = #tpu.dot_dimension_numbers<[1], [0], [0], [1], [0, 0, 1, 1], [], []>, transpose_lhs_hint = false} : vector<64x128xf32>, vector<128x128xf32>, vector<64x128xf32> -> vector<64x128xf32>
      %get3A_59 = arith.constant 0 : index
      %get3A_60 = arith.constant 0 : index
      %get3A_61 = vector.load %arg3[%get3A_59, %get3A_60] : memref<64x2xf32, #tpu.memory_space<vmem>>, vector<64x2xf32>
      %get3A_62 = arith.constant 0 : index
      %get3A_63 = arith.constant 0 : index
      %get3A_64 = vector.load %arg9[%get3A_62, %get3A_63] : memref<2x128xf32, #tpu.memory_space<vmem>>, vector<2x128xf32>
      %dot_general3A_65 = arith.constant dense<0.000000e+00> : vector<64x128xf32>
      %dot_general3A_66 = tpu.matmul %get3A_61, %get3A_64, %dot_general3A_65 {dimension_numbers = #tpu.dot_dimension_numbers<[1], [0], [0], [1], [0, 0, 1, 1], [], []>, transpose_lhs_hint = false} : vector<64x2xf32>, vector<2x128xf32>, vector<64x128xf32> -> vector<64x128xf32>
      %add3A_67 = arith.addf %dot_general3A_58, %dot_general3A_66 : vector<64x128xf32>
      %get3A_68 = arith.constant 0 : index
      %get3A_69 = arith.constant 0 : index
      %get3A_70 = vector.load %arg10[%get3A_68, %get3A_69] : memref<1x128xf32, #tpu.memory_space<vmem>>, vector<1x128xf32>
      %add3A_71 = vector.broadcast %get3A_70 : vector<1x128xf32> to vector<64x128xf32>
      %add3A_72 = arith.addf %add3A_67, %add3A_71 : vector<64x128xf32>
      %max3A_73 = arith.constant 0.000000e+00 : f32
      %max3A_74 = vector.broadcast %max3A_73 : f32 to vector<64x128xf32>
      %max3A_75 = arith.maximumf %add3A_72, %max3A_74 : vector<64x128xf32>
      %get3A_76 = arith.constant 0 : index
      %get3A_77 = arith.constant 0 : index
      %get3A_78 = vector.load %arg11[%get3A_76, %get3A_77] : memref<1x128xf32, #tpu.memory_space<vmem>>, vector<1x128xf32>
      %mul3A = vector.broadcast %get3A_78 : vector<1x128xf32> to vector<64x128xf32>
      %mul3A_79 = arith.mulf %max3A_75, %mul3A : vector<64x128xf32>
      %reduce_sum3A = arith.constant dense<0.000000e+00> : vector<64xf32>
      %reduce_sum3A_80 = vector.multi_reduction <add>, %mul3A_79, %reduce_sum3A [1] : vector<64x128xf32> to vector<64xf32>
      %broadcast_in_dim3A = vector.shape_cast %reduce_sum3A_80 : vector<64xf32> to vector<64x1xf32>
      %get3A_81 = arith.constant 0 : index
      %get3A_82 = arith.constant 0 : index
      %get3A_83 = vector.load %arg12[%get3A_81, %get3A_82] : memref<1x1xf32, #tpu.memory_space<vmem>>, vector<1x1xf32>
      %add3A_84 = vector.broadcast %get3A_83 : vector<1x1xf32> to vector<64x1xf32>
      %add3A_85 = arith.addf %broadcast_in_dim3A, %add3A_84 : vector<64x1xf32>
      %swap3A_86 = arith.constant 0 : index
      %swap3A_87 = arith.constant 0 : index
      %swap3A_88 = vector.load %arg13[%swap3A_86, %swap3A_87] : memref<64x1xf32, #tpu.memory_space<vmem>>, vector<64x1xf32>
      tpu.vector_store %arg13[%swap3A_86, %swap3A_87], %add3A_85 {strides = array<i32>} : memref<64x1xf32, #tpu.memory_space<vmem>>, vector<64x1xf32>,
    } else {
    }
    return
  }
  func.func @transform_0(%arg0: i32) -> (i32, i32) {
    %c0_i32 = arith.constant 0 : i32
    %c0_i32_0 = arith.constant 0 : i32
    return %arg0, %c0_i32 : i32, i32
  }
  func.func @transform_1(%arg0: i32) -> (i32, i32, i32) {
    %c0_i32 = arith.constant 0 : i32
    %c0_i32_0 = arith.constant 0 : i32
    %c0_i32_1 = arith.constant 0 : i32
    return %arg0, %c0_i32, %c0_i32_0 : i32, i32, i32
  }
  func.func @transform_2(%arg0: i32) -> (i32, i32) {
    %c0_i32 = arith.constant 0 : i32
    %c0_i32_0 = arith.constant 0 : i32
    %c0_i32_1 = arith.constant 0 : i32
    return %c0_i32, %c0_i32_0 : i32, i32
  }
  func.func @transform_3(%arg0: i32) -> (i32, i32) {
    %c0_i32 = arith.constant 0 : i32
    %c0_i32_0 = arith.constant 0 : i32
    %c0_i32_1 = arith.constant 0 : i32
    return %c0_i32, %c0_i32_0 : i32, i32
  }
  func.func @transform_4(%arg0: i32) -> (i32, i32) {
    %c0_i32 = arith.constant 0 : i32
    %c0_i32_0 = arith.constant 0 : i32
    %c0_i32_1 = arith.constant 0 : i32
    return %c0_i32, %c0_i32_0 : i32, i32
  }
  func.func @transform_5(%arg0: i32) -> (i32, i32) {
    %c0_i32 = arith.constant 0 : i32
    %c0_i32_0 = arith.constant 0 : i32
    %c0_i32_1 = arith.constant 0 : i32
    return %c0_i32, %c0_i32_0 : i32, i32
  }
  func.func @transform_6(%arg0: i32) -> (i32, i32) {
    %c0_i32 = arith.constant 0 : i32
    %c0_i32_0 = arith.constant 0 : i32
    %c0_i32_1 = arith.constant 0 : i32
    return %c0_i32, %c0_i32_0 : i32, i32
  }
  func.func @transform_7(%arg0: i32) -> (i32, i32) {
    %c0_i32 = arith.constant 0 : i32
    %c0_i32_0 = arith.constant 0 : i32
    %c0_i32_1 = arith.constant 0 : i32
    return %c0_i32, %c0_i32_0 : i32, i32
  }
  func.func @transform_8(%arg0: i32) -> (i32, i32) {
    %c0_i32 = arith.constant 0 : i32
    %c0_i32_0 = arith.constant 0 : i32
    %c0_i32_1 = arith.constant 0 : i32
    return %c0_i32, %c0_i32_0 : i32, i32
  }
  func.func @transform_9(%arg0: i32) -> (i32, i32) {
    %c0_i32 = arith.constant 0 : i32
    %c0_i32_0 = arith.constant 0 : i32
    %c0_i32_1 = arith.constant 0 : i32
    return %c0_i32, %c0_i32_0 : i32, i32
  }
  func.func @transform_10(%arg0: i32) -> (i32, i32) {
    %c0_i32 = arith.constant 0 : i32
    %c0_i32_0 = arith.constant 0 : i32
    %c0_i32_1 = arith.constant 0 : i32
    return %c0_i32, %c0_i32_0 : i32, i32
  }
  func.func @transform_11(%arg0: i32) -> (i32, i32) {
    %c0_i32 = arith.constant 0 : i32
    %c0_i32_0 = arith.constant 0 : i32
    %c0_i32_1 = arith.constant 0 : i32
    return %c0_i32, %c0_i32_0 : i32, i32
  }
  func.func @transform_12(%arg0: i32) -> (i32, i32) {
    %c0_i32 = arith.constant 0 : i32
    %c0_i32_0 = arith.constant 0 : i32
    %c0_i32_1 = arith.constant 0 : i32
    return %c0_i32, %c0_i32_0 : i32, i32
  }
  func.func @transform_13(%arg0: i32) -> (i32, i32) {
    %c0_i32 = arith.constant 0 : i32
    %c0_i32_0 = arith.constant 0 : i32
    %c0_i32_1 = arith.constant 0 : i32
    return %c0_i32, %c0_i32_0 : i32, i32
  }
  func.func @transform_14(%arg0: i32) -> (i32, i32) {
    %c0_i32 = arith.constant 0 : i32
    %c0_i32_0 = arith.constant 0 : i32
    %c0_i32_1 = arith.constant 0 : i32
    return %c0_i32, %c0_i32_0 : i32, i32
  }
}

module attributes {stable_mosaic.version = 14 : i64} {
  func.func @_edge_body(%arg0: i32, %arg1: memref<2000x16xf32, #tpu.memory_space<vmem>>, %arg2: memref<16x384xf32, #tpu.memory_space<vmem>>, %arg3: memref<1x384xf32, #tpu.memory_space<vmem>>, %arg4: memref<2000x128xf32, #tpu.memory_space<vmem>>, %arg5: memref<2000x128xf32, #tpu.memory_space<vmem>>, %arg6: memref<2000x128xf32, #tpu.memory_space<vmem>>) attributes {dimension_semantics = [#tpu.dimension_semantics<arbitrary>], iteration_bounds = array<i64: 160>, scalar_prefetch = 0 : i64, scratch_operands = 0 : i64, tpu.core_type = #tpu.core_type<tc>, window_params = [{transform_indices = @transform_0, window_bounds = array<i64: 2000, 16>}, {pipeline_mode = #tpu.pipeline_mode<synchronous>, transform_indices = @transform_1, window_bounds = array<i64: 16, 384>}, {pipeline_mode = #tpu.pipeline_mode<synchronous>, transform_indices = @transform_2, window_bounds = array<i64: 1, 384>}, {transform_indices = @transform_3, window_bounds = array<i64: 2000, 128>}, {transform_indices = @transform_4, window_bounds = array<i64: 2000, 128>}, {transform_indices = @transform_5, window_bounds = array<i64: 2000, 128>}]} {
    %get3A = arith.constant 0 : index
    %get3A_0 = arith.constant 0 : index
    %get3A_1 = vector.load %arg1[%get3A, %get3A_0] : memref<2000x16xf32, #tpu.memory_space<vmem>>, vector<2000x16xf32>
    %get3A_2 = arith.constant 0 : index
    %get3A_3 = arith.constant 0 : index
    %get3A_4 = vector.load %arg2[%get3A_2, %get3A_3] : memref<16x384xf32, #tpu.memory_space<vmem>>, vector<16x384xf32>
    %dot_general3A = arith.constant dense<0.000000e+00> : vector<2000x384xf32>
    %dot_general3A_5 = tpu.matmul %get3A_1, %get3A_4, %dot_general3A {dimension_numbers = #tpu.dot_dimension_numbers<[1], [0], [0], [1], [0, 0, 1, 1], [], []>, transpose_lhs_hint = false} : vector<2000x16xf32>, vector<16x384xf32>, vector<2000x384xf32> -> vector<2000x384xf32>
    %get3A_6 = arith.constant 0 : index
    %get3A_7 = arith.constant 0 : index
    %get3A_8 = vector.load %arg3[%get3A_6, %get3A_7] : memref<1x384xf32, #tpu.memory_space<vmem>>, vector<1x384xf32>
    %add3A = vector.broadcast %get3A_8 : vector<1x384xf32> to vector<2000x384xf32>
    %add3A_9 = arith.addf %dot_general3A_5, %add3A : vector<2000x384xf32>
    %slice3A = vector.extract_strided_slice %add3A_9 {offsets = [0, 0], sizes = [2000, 128], strides = [1, 1]} : vector<2000x384xf32> to vector<2000x128xf32>
    %swap3A = arith.constant 0 : index
    %swap3A_10 = arith.constant 0 : index
    %swap3A_11 = vector.load %arg4[%swap3A, %swap3A_10] : memref<2000x128xf32, #tpu.memory_space<vmem>>, vector<2000x128xf32>
    tpu.vector_store %arg4[%swap3A, %swap3A_10], %slice3A {strides = array<i32>} : memref<2000x128xf32, #tpu.memory_space<vmem>>, vector<2000x128xf32>,
    %slice3A_12 = vector.extract_strided_slice %add3A_9 {offsets = [0, 128], sizes = [2000, 128], strides = [1, 1]} : vector<2000x384xf32> to vector<2000x128xf32>
    %swap3A_13 = arith.constant 0 : index
    %swap3A_14 = arith.constant 0 : index
    %swap3A_15 = vector.load %arg5[%swap3A_13, %swap3A_14] : memref<2000x128xf32, #tpu.memory_space<vmem>>, vector<2000x128xf32>
    tpu.vector_store %arg5[%swap3A_13, %swap3A_14], %slice3A_12 {strides = array<i32>} : memref<2000x128xf32, #tpu.memory_space<vmem>>, vector<2000x128xf32>,
    %slice3A_16 = vector.extract_strided_slice %add3A_9 {offsets = [0, 256], sizes = [2000, 128], strides = [1, 1]} : vector<2000x384xf32> to vector<2000x128xf32>
    %swap3A_17 = arith.constant 0 : index
    %swap3A_18 = arith.constant 0 : index
    %swap3A_19 = vector.load %arg6[%swap3A_17, %swap3A_18] : memref<2000x128xf32, #tpu.memory_space<vmem>>, vector<2000x128xf32>
    tpu.vector_store %arg6[%swap3A_17, %swap3A_18], %slice3A_16 {strides = array<i32>} : memref<2000x128xf32, #tpu.memory_space<vmem>>, vector<2000x128xf32>,
    return
  }
  func.func @transform_0(%arg0: i32) -> (i32, i32) {
    %c0_i32 = arith.constant 0 : i32
    %c0_i32_0 = arith.constant 0 : i32
    return %arg0, %c0_i32 : i32, i32
  }
  func.func @transform_1(%arg0: i32) -> (i32, i32) {
    %c0_i32 = arith.constant 0 : i32
    %c0_i32_0 = arith.constant 0 : i32
    %c0_i32_1 = arith.constant 0 : i32
    return %c0_i32, %c0_i32_0 : i32, i32
  }
  func.func @transform_2(%arg0: i32) -> (i32, i32) {
    %c0_i32 = arith.constant 0 : i32
    %c0_i32_0 = arith.constant 0 : i32
    %c0_i32_1 = arith.constant 0 : i32
    return %c0_i32, %c0_i32_0 : i32, i32
  }
  func.func @transform_3(%arg0: i32) -> (i32, i32) {
    %c0_i32 = arith.constant 0 : i32
    %c0_i32_0 = arith.constant 0 : i32
    return %arg0, %c0_i32 : i32, i32
  }
  func.func @transform_4(%arg0: i32) -> (i32, i32) {
    %c0_i32 = arith.constant 0 : i32
    %c0_i32_0 = arith.constant 0 : i32
    return %arg0, %c0_i32 : i32, i32
  }
  func.func @transform_5(%arg0: i32) -> (i32, i32) {
    %c0_i32 = arith.constant 0 : i32
    %c0_i32_0 = arith.constant 0 : i32
    return %arg0, %c0_i32 : i32, i32
  }
}

module attributes {stable_mosaic.version = 14 : i64} {
  func.func @_mlp_body(%arg0: i32, %arg1: memref<2000x128xf32, #tpu.memory_space<vmem>>, %arg2: memref<2000x128xf32, #tpu.memory_space<vmem>>, %arg3: memref<2000x128xf32, #tpu.memory_space<vmem>>, %arg4: memref<128x128xf32, #tpu.memory_space<vmem>>, %arg5: memref<1x128xf32, #tpu.memory_space<vmem>>, %arg6: memref<128x128xf32, #tpu.memory_space<vmem>>, %arg7: memref<1x128xf32, #tpu.memory_space<vmem>>, %arg8: memref<1x128xf32, #tpu.memory_space<vmem>>, %arg9: memref<1x128xf32, #tpu.memory_space<vmem>>, %arg10: memref<1x128xf32, #tpu.memory_space<vmem>>, %arg11: memref<1x128xf32, #tpu.memory_space<vmem>>, %arg12: memref<2000x128xf32, #tpu.memory_space<vmem>>) attributes {dimension_semantics = [#tpu.dimension_semantics<arbitrary>], iteration_bounds = array<i64: 5>, scalar_prefetch = 0 : i64, scratch_operands = 0 : i64, tpu.core_type = #tpu.core_type<tc>, window_params = [{transform_indices = @transform_0, window_bounds = array<i64: 2000, 128>}, {transform_indices = @transform_1, window_bounds = array<i64: 2000, 128>}, {transform_indices = @transform_2, window_bounds = array<i64: 2000, 128>}, {pipeline_mode = #tpu.pipeline_mode<synchronous>, transform_indices = @transform_3, window_bounds = array<i64: 128, 128>}, {pipeline_mode = #tpu.pipeline_mode<synchronous>, transform_indices = @transform_4, window_bounds = array<i64: 1, 128>}, {pipeline_mode = #tpu.pipeline_mode<synchronous>, transform_indices = @transform_5, window_bounds = array<i64: 128, 128>}, {pipeline_mode = #tpu.pipeline_mode<synchronous>, transform_indices = @transform_6, window_bounds = array<i64: 1, 128>}, {pipeline_mode = #tpu.pipeline_mode<synchronous>, transform_indices = @transform_7, window_bounds = array<i64: 1, 128>}, {pipeline_mode = #tpu.pipeline_mode<synchronous>, transform_indices = @transform_8, window_bounds = array<i64: 1, 128>}, {pipeline_mode = #tpu.pipeline_mode<synchronous>, transform_indices = @transform_9, window_bounds = array<i64: 1, 128>}, {pipeline_mode = #tpu.pipeline_mode<synchronous>, transform_indices = @transform_10, window_bounds = array<i64: 1, 128>}, {transform_indices = @transform_11, window_bounds = array<i64: 2000, 128>}]} {
    %get3A = arith.constant 0 : index
    %get3A_0 = arith.constant 0 : index
    %get3A_1 = vector.load %arg1[%get3A, %get3A_0] : memref<2000x128xf32, #tpu.memory_space<vmem>>, vector<2000x128xf32>
    %get3A_2 = arith.constant 0 : index
    %get3A_3 = arith.constant 0 : index
    %get3A_4 = vector.load %arg2[%get3A_2, %get3A_3] : memref<2000x128xf32, #tpu.memory_space<vmem>>, vector<2000x128xf32>
    %add3A = arith.addf %get3A_1, %get3A_4 : vector<2000x128xf32>
    %get3A_5 = arith.constant 0 : index
    %get3A_6 = arith.constant 0 : index
    %get3A_7 = vector.load %arg3[%get3A_5, %get3A_6] : memref<2000x128xf32, #tpu.memory_space<vmem>>, vector<2000x128xf32>
    %add3A_8 = arith.addf %add3A, %get3A_7 : vector<2000x128xf32>
    %get3A_9 = arith.constant 0 : index
    %get3A_10 = arith.constant 0 : index
    %get3A_11 = vector.load %arg4[%get3A_9, %get3A_10] : memref<128x128xf32, #tpu.memory_space<vmem>>, vector<128x128xf32>
    %dot_general3A = arith.constant dense<0.000000e+00> : vector<2000x128xf32>
    %dot_general3A_12 = tpu.matmul %add3A_8, %get3A_11, %dot_general3A {dimension_numbers = #tpu.dot_dimension_numbers<[1], [0], [0], [1], [0, 0, 1, 1], [], []>, transpose_lhs_hint = false} : vector<2000x128xf32>, vector<128x128xf32>, vector<2000x128xf32> -> vector<2000x128xf32>
    %get3A_13 = arith.constant 0 : index
    %get3A_14 = arith.constant 0 : index
    %get3A_15 = vector.load %arg5[%get3A_13, %get3A_14] : memref<1x128xf32, #tpu.memory_space<vmem>>, vector<1x128xf32>
    %add3A_16 = vector.broadcast %get3A_15 : vector<1x128xf32> to vector<2000x128xf32>
    %add3A_17 = arith.addf %dot_general3A_12, %add3A_16 : vector<2000x128xf32>
    %max3A = arith.constant 0.000000e+00 : f32
    %max3A_18 = vector.broadcast %max3A : f32 to vector<2000x128xf32>
    %max3A_19 = arith.maximumf %add3A_17, %max3A_18 : vector<2000x128xf32>
    %get3A_20 = arith.constant 0 : index
    %get3A_21 = arith.constant 0 : index
    %get3A_22 = vector.load %arg6[%get3A_20, %get3A_21] : memref<128x128xf32, #tpu.memory_space<vmem>>, vector<128x128xf32>
    %dot_general3A_23 = arith.constant dense<0.000000e+00> : vector<2000x128xf32>
    %dot_general3A_24 = tpu.matmul %max3A_19, %get3A_22, %dot_general3A_23 {dimension_numbers = #tpu.dot_dimension_numbers<[1], [0], [0], [1], [0, 0, 1, 1], [], []>, transpose_lhs_hint = false} : vector<2000x128xf32>, vector<128x128xf32>, vector<2000x128xf32> -> vector<2000x128xf32>
    %get3A_25 = arith.constant 0 : index
    %get3A_26 = arith.constant 0 : index
    %get3A_27 = vector.load %arg7[%get3A_25, %get3A_26] : memref<1x128xf32, #tpu.memory_space<vmem>>, vector<1x128xf32>
    %add3A_28 = vector.broadcast %get3A_27 : vector<1x128xf32> to vector<2000x128xf32>
    %add3A_29 = arith.addf %dot_general3A_24, %add3A_28 : vector<2000x128xf32>
    %get3A_30 = arith.constant 0 : index
    %get3A_31 = arith.constant 0 : index
    %get3A_32 = vector.load %arg8[%get3A_30, %get3A_31] : memref<1x128xf32, #tpu.memory_space<vmem>>, vector<1x128xf32>
    %get3A_33 = arith.constant 0 : index
    %get3A_34 = arith.constant 0 : index
    %get3A_35 = vector.load %arg11[%get3A_33, %get3A_34] : memref<1x128xf32, #tpu.memory_space<vmem>>, vector<1x128xf32>
    %add3A_36 = arith.constant 9.99999974E-6 : f32
    %add3A_37 = vector.broadcast %add3A_36 : f32 to vector<1x128xf32>
    %add3A_38 = arith.addf %get3A_35, %add3A_37 : vector<1x128xf32>
    %rsqrt3A = math.rsqrt %add3A_38 : vector<1x128xf32>
    %mul3A = arith.mulf %get3A_32, %rsqrt3A : vector<1x128xf32>
    %get3A_39 = arith.constant 0 : index
    %get3A_40 = arith.constant 0 : index
    %get3A_41 = vector.load %arg10[%get3A_39, %get3A_40] : memref<1x128xf32, #tpu.memory_space<vmem>>, vector<1x128xf32>
    %sub3A = vector.broadcast %get3A_41 : vector<1x128xf32> to vector<2000x128xf32>
    %sub3A_42 = arith.subf %add3A_29, %sub3A : vector<2000x128xf32>
    %mul3A_43 = vector.broadcast %mul3A : vector<1x128xf32> to vector<2000x128xf32>
    %mul3A_44 = arith.mulf %sub3A_42, %mul3A_43 : vector<2000x128xf32>
    %get3A_45 = arith.constant 0 : index
    %get3A_46 = arith.constant 0 : index
    %get3A_47 = vector.load %arg9[%get3A_45, %get3A_46] : memref<1x128xf32, #tpu.memory_space<vmem>>, vector<1x128xf32>
    %add3A_48 = vector.broadcast %get3A_47 : vector<1x128xf32> to vector<2000x128xf32>
    %add3A_49 = arith.addf %mul3A_44, %add3A_48 : vector<2000x128xf32>
    %max3A_50 = arith.constant 0.000000e+00 : f32
    %max3A_51 = vector.broadcast %max3A_50 : f32 to vector<2000x128xf32>
    %max3A_52 = arith.maximumf %add3A_49, %max3A_51 : vector<2000x128xf32>
    %swap3A = arith.constant 0 : index
    %swap3A_53 = arith.constant 0 : index
    %swap3A_54 = vector.load %arg12[%swap3A, %swap3A_53] : memref<2000x128xf32, #tpu.memory_space<vmem>>, vector<2000x128xf32>
    tpu.vector_store %arg12[%swap3A, %swap3A_53], %max3A_52 {strides = array<i32>} : memref<2000x128xf32, #tpu.memory_space<vmem>>, vector<2000x128xf32>,
    return
  }
  func.func @transform_0(%arg0: i32) -> (i32, i32) {
    %c0_i32 = arith.constant 0 : i32
    %c0_i32_0 = arith.constant 0 : i32
    return %arg0, %c0_i32 : i32, i32
  }
  func.func @transform_1(%arg0: i32) -> (i32, i32) {
    %c0_i32 = arith.constant 0 : i32
    %c0_i32_0 = arith.constant 0 : i32
    return %arg0, %c0_i32 : i32, i32
  }
  func.func @transform_2(%arg0: i32) -> (i32, i32) {
    %c0_i32 = arith.constant 0 : i32
    %c0_i32_0 = arith.constant 0 : i32
    return %arg0, %c0_i32 : i32, i32
  }
  func.func @transform_3(%arg0: i32) -> (i32, i32) {
    %c0_i32 = arith.constant 0 : i32
    %c0_i32_0 = arith.constant 0 : i32
    %c0_i32_1 = arith.constant 0 : i32
    return %c0_i32, %c0_i32_0 : i32, i32
  }
  func.func @transform_4(%arg0: i32) -> (i32, i32) {
    %c0_i32 = arith.constant 0 : i32
    %c0_i32_0 = arith.constant 0 : i32
    %c0_i32_1 = arith.constant 0 : i32
    return %c0_i32, %c0_i32_0 : i32, i32
  }
  func.func @transform_5(%arg0: i32) -> (i32, i32) {
    %c0_i32 = arith.constant 0 : i32
    %c0_i32_0 = arith.constant 0 : i32
    %c0_i32_1 = arith.constant 0 : i32
    return %c0_i32, %c0_i32_0 : i32, i32
  }
  func.func @transform_6(%arg0: i32) -> (i32, i32) {
    %c0_i32 = arith.constant 0 : i32
    %c0_i32_0 = arith.constant 0 : i32
    %c0_i32_1 = arith.constant 0 : i32
    return %c0_i32, %c0_i32_0 : i32, i32
  }
  func.func @transform_7(%arg0: i32) -> (i32, i32) {
    %c0_i32 = arith.constant 0 : i32
    %c0_i32_0 = arith.constant 0 : i32
    %c0_i32_1 = arith.constant 0 : i32
    return %c0_i32, %c0_i32_0 : i32, i32
  }
  func.func @transform_8(%arg0: i32) -> (i32, i32) {
    %c0_i32 = arith.constant 0 : i32
    %c0_i32_0 = arith.constant 0 : i32
    %c0_i32_1 = arith.constant 0 : i32
    return %c0_i32, %c0_i32_0 : i32, i32
  }
  func.func @transform_9(%arg0: i32) -> (i32, i32) {
    %c0_i32 = arith.constant 0 : i32
    %c0_i32_0 = arith.constant 0 : i32
    %c0_i32_1 = arith.constant 0 : i32
    return %c0_i32, %c0_i32_0 : i32, i32
  }
  func.func @transform_10(%arg0: i32) -> (i32, i32) {
    %c0_i32 = arith.constant 0 : i32
    %c0_i32_0 = arith.constant 0 : i32
    %c0_i32_1 = arith.constant 0 : i32
    return %c0_i32, %c0_i32_0 : i32, i32
  }
  func.func @transform_11(%arg0: i32) -> (i32, i32) {
    %c0_i32 = arith.constant 0 : i32
    %c0_i32_0 = arith.constant 0 : i32
    return %arg0, %c0_i32 : i32, i32
  }
}

</mosaic_0001>

<sc_bundles>
// kernel: kernel.10.cloned.1.call-start
scs
__scs_entry_jumppad:
0x0: {  	(pc) =	sbr.rel $0x88, $3  }
0x1: {  	(tag) =	ssettag $0x0;
	lr =	simm.s32 $0x1  }
0x2: {  	[smem:$0x3F76] =	sst lr;
	_ =	strace $0xD0000000  }
0x3: {  	_ = 	snop  }
0x4: {  	_ = 	snop  }
0x5: {  	_ = 	snop  }
0x6: {  	_ = 	snop  }
0x7: {  	_ = 	snop  }
__scs_overlays_trampoline_lowered:
0x8: {  	[smem:$0x3F85] =	sst s0  }
0x9: {  	[smem:$0x3F86] =	sst s1  }
0xa: {  	[smem:$0x3F87] =	sst s2  }
0xb: {  	[smem:$0x3F88] =	sst s3  }
0xc: {  	[smem:$0x3F89] =	sst s4  }
0xd: {  	[smem:$0x3F8A] =	sst s5  }
0xe: {  	[smem:$0x3F8B] =	sst s6  }
0xf: {  	[smem:$0x3F8C] =	sst s7  }
0x10: {  	[smem:$0x3F8D] =	sst s8  }
0x11: {  	[smem:$0x3F8E] =	sst s9;
	s0 =	simm.s32 @!p0 $0x0  }
0x12: {  	s1 =	sld [smem:$0x3F74];
	s0 =	simm.s32 @p0 $0x1  }
0x13: {  	[smem:$0x3F8F] =	sst s0;
	s0 =	simm.s32 @!p1 $0x0  }
0x14: {  	s2 =	sld [smem:$0x3F73];
	s0 =	simm.s32 @p1 $0x1  }
0x15: {  	[smem:$0x3F90] =	sst s0;
	s0 =	simm.s32 @!p2 $0x0  }
0x16: {  	s3 =	sld [smem:$0x3FDB];
	s0 =	simm.s32 @p2 $0x1  }
0x17: {  	s4 =	simm.s32 $0x1BF5;
	[smem:$0x3F92] =	sst s0  }
0x18: {  	s0 =	sld [smem:$0x3F75];
	_ =	swait.ge [sflag:s4], $0x0  }
0x19: {  	s7 =	sld [smem:$0x3F76]  }
0x1a: {  	s8 =	sadd.s32 $0xFFFFE003, lr  }
0x1b: {  	s9 =	sadd.s32 $0xFFFFFEF7, lr;
	s5 =	simm.s32 $0xFFFFFFFF;
	p2 =	slt.u32 s8, $0xFFFFF086  }
0x1c: {  	p1 =	slt.u32 s9, $0xF7A;
	s5 =	simm.s32 @!p2 $0x0  }
0x1d: {  	s5 =	simm.s32 @p1 $0x1;
	p0 =	seq.s32 s7, s2  }
0x1e: {  	s7 =	smul.u32 @!p0 $0xF7A, s2;
	p2 =	seq.s32 @!p0 s5, $0x0  }
0x1f: {  	s9 =	smul.u32 $0xF7A, s1;
	s8 =	simm.s32 @!p0 $0x1BF5;
	p2 =	por !p2, p0  }
0x20: {  	[sflag:s8] =	ssyncset.s32 @!p0 $0xFFFFF086;
	s6 =	sadd.s32 @!p0 s3, s7;
	s7 =	simm.s32 @!p0 $0x108  }
0x21: {  	s3 =	sadd.s32 s3, s9;
	s6 =	sadd.s32 @!p0 $0x88, s6;
	s7 =	simm.s32 @p2 $0x1082  }
0x22: {  	[simem:s7], [sflag:s8] =	dma.local @!p0 [hbm:s6], $0xF7A  }
0x23: {  	s9 =	sor.u32 $0xD0000000, s2;
	s6 =	simm.s32 $0x108;
	_ =	swait.ge @!p0 [sflag:s8], $0x0  }
0x24: {  	s3 =	sadd.s32 $0x88, s3;
	s6 =	simm.s32 @!p1 $0x1082;
	[sflag:s4] =	ssyncset.s32 $0xFFFFF086  }
0x25: {  	[simem:s6], [sflag:s4] =	dma.local [hbm:s3], $0xF7A  }
0x26: {  	[smem:$0x3F76] =	sst s1;
	(tag) =	ssettag s2;
	_ =	strace s9  }
0x27: {  	s1 =	sld [smem:$0x3F86]  }
0x28: {  	s2 =	sld [smem:$0x3F87]  }
0x29: {  	s4 =	sld [smem:$0x3F89]  }
0x2a: {  	p0 =	seq.s32 s5, $0x0;
	s5 =	sld [smem:$0x3F8A]  }
0x2b: {  	s6 =	sld [smem:$0x3F8B]  }
0x2c: {  	s7 =	sld [smem:$0x3F8C]  }
0x2d: {  	s3 =	simm.s32 $0x108;
	s8 =	sld [smem:$0x3F8D]  }
0x2e: {  	s3 =	simm.s32 @!p0 $0x1082;
	s9 =	sld [smem:$0x3F8E]  }
0x2f: {  	lr =	sadd.s32 s0, s3;
	s0 =	sld [smem:$0x3F85]  }
0x30: {  	s3 =	sld [smem:$0x3F88]  }
0x31: {  	[smem:$0x3F91] =	sst s10  }
0x32: {  	s10 =	sld [smem:$0x3F8F];
	_ =	sdelay $0x3  }
0x33: {  	p0 =	seq.s32 s10, $0x1;
	s10 =	sld [smem:$0x3F91];
	_ =	sdelay $0x3  }
0x34: {  	[smem:$0x3F91] =	sst s10  }
0x35: {  	s10 =	sld [smem:$0x3F90];
	_ =	sdelay $0x3  }
0x36: {  	p1 =	seq.s32 s10, $0x1;
	s10 =	sld [smem:$0x3F91];
	_ =	sdelay $0x3  }
0x37: {  	[smem:$0x3F91] =	sst s10  }
0x38: {  	s10 =	sld [smem:$0x3F92]  }
0x39: {  	_ = 	snop;
	(pc) =	sbr.ind lr, $3  }
0x3a: {  	_ = 	snop  }
0x3b: {  	_ = 	snop  }
0x3c: {  	p2 =	seq.s32 s10, $0x1;
	s10 =	sld [smem:$0x3F91]  }
0x3d: {  	_ =	shalt  }
0x3e: {  	_ =	shalt  }
0x3f: {  	_ =	shalt  }
0x40: {  	_ =	shalt  }
0x41: {  	_ =	shalt  }
0x42: {  	_ =	shalt  }
0x43: {  	_ =	shalt  }
0x44: {  	_ =	shalt  }
0x45: {  	_ =	shalt  }
0x46: {  	_ =	shalt  }
0x47: {  	_ =	shalt  }
0x48: {  	_ =	shalt  }
0x49: {  	_ =	shalt  }
0x4a: {  	_ =	shalt  }
0x4b: {  	_ =	shalt  }
0x4c: {  	_ =	shalt  }
0x4d: {  	_ =	shalt  }
0x4e: {  	_ =	shalt  }
0x4f: {  	_ =	shalt  }
0x50: {  	_ =	shalt  }
0x51: {  	_ =	shalt  }
0x52: {  	_ =	shalt  }
0x53: {  	_ =	shalt  }
0x54: {  	_ =	shalt  }
0x55: {  	_ =	shalt  }
0x56: {  	_ =	shalt  }
0x57: {  	_ =	shalt  }
0x58: {  	_ =	shalt  }
0x59: {  	_ =	shalt  }
0x5a: {  	_ =	shalt  }
0x5b: {  	_ =	shalt  }
0x5c: {  	_ =	shalt  }
0x5d: {  	_ =	shalt  }
0x5e: {  	_ =	shalt  }
0x5f: {  	_ =	shalt  }
0x60: {  	_ =	shalt  }
0x61: {  	_ =	shalt  }
0x62: {  	_ =	shalt  }
0x63: {  	_ =	shalt  }
0x64: {  	_ =	shalt  }
0x65: {  	_ =	shalt  }
0x66: {  	_ =	shalt  }
0x67: {  	_ =	shalt  }
0x68: {  	_ =	shalt  }
0x69: {  	_ =	shalt  }
0x6a: {  	_ =	shalt  }
0x6b: {  	_ =	shalt  }
0x6c: {  	_ =	shalt  }
0x6d: {  	_ =	shalt  }
0x6e: {  	_ =	shalt  }
0x6f: {  	_ =	shalt  }
0x70: {  	_ =	shalt  }
0x71: {  	_ =	shalt  }
0x72: {  	_ =	shalt  }
0x73: {  	_ =	shalt  }
0x74: {  	_ =	shalt  }
0x75: {  	_ =	shalt  }
0x76: {  	_ =	shalt  }
0x77: {  	_ =	shalt  }
0x78: {  	_ =	shalt  }
0x79: {  	_ =	shalt  }
0x7a: {  	_ =	shalt  }
0x7b: {  	_ =	shalt  }
0x7c: {  	_ =	shalt  }
0x7d: {  	_ =	shalt  }
0x7e: {  	_ =	shalt  }
0x7f: {  	_ =	shalt  }
0x80: {  	_ =	shalt  }
0x81: {  	_ =	shalt  }
0x82: {  	_ =	shalt  }
0x83: {  	_ =	shalt  }
0x84: {  	_ =	shalt  }
0x85: {  	_ =	shalt  }
0x86: {  	_ =	shalt  }
0x87: {  	_ =	shalt  }
.Lfunc_end0:
.L_simem_size_0:
called_computation_lowered:
.L_overlay_start_0:
0x88: {  	s2 =	sld [smem:$0x3FD9]  }
0x89: {  	s3 =	sld [smem:$0x3FFE];
	_ =	sdelay $0x1  }
0x8a: {  	s1 =	srdreg.scid  }
0x8b: {  	s0 =	sand.u32 $0x1, s1  }
0x8c: {  	s17 =	sshll.u32 s0, $0xA;
	s2 =	sadd.s32 s3, s2  }
0x8d: {  	s2 =	sadd.s32 s2, s17  }
0x8e: {  	[smem:$0x3F9D] =	sst s2  }
0x8f: {  	_ = 	snop  }
0x90: {  	s2 =	sld [smem:$0x3FC9];
	(tm) =	ssettm $0x1  }
0x91: {  	s18 =	sld [smem:$0x3FFB];
	_ =	sdelay $0x3  }
0x92: {  	_ =	strace s18  }
0x93: {  	s3 =	sld [smem:$0x3FFC];
	_ =	sdelay $0x3  }
0x94: {  	_ =	strace s3  }
0x95: {  	s3 =	sld [smem:$0x3FFD];
	_ =	sdelay $0x3  }
0x96: {  	_ =	strace s3  }
0x97: {  	_ =	strace $0x8FFFFFFF  }
0x98: {  	s19 =	sld [smem:$0x3FDB];
	_ =	sdelay $0x1  }
0x99: {  	s4 =	simm.s32 $_scs_section_size  }
0x9a: {  	s5 =	simm.s32 $_size__tile_overlayer_lowered;
	s6 =	simm.s32 $_tile_overlayer_lowered  }
0x9b: {  	s22 =	simm.s32 $0x1BFF;
	s21 =	sshll.u32 s6, $0x1;
	s3 =	sadd.s32 s4, s19  }
0x9c: {  	s7 =	simm.s32 $0x0;
	s20 =	sshll.u32 s5, $0x1;
	s5 =	sadd.s32 s21, s3  }
0x9d: {  	[timem:s7], [sflag:s22] =	dma.local [hbm:s5], s20  }
0x9e: {  	_ =	swait.ge [sflag:s22], s20  }
0x9f: {  	s4 =	ssub.s32 $0x0, s20;
	[sflag:s22] =	ssyncset.done $0x0  }
0xa0: {  	[sflag:s22] =	ssyncadd.s32 s4;
	_ =	sdelay $0x1  }
0xa1: {  	s23 =	simm.s32 $0x1B8B  }
0xa2: {  	_ =	swait.ge [sflag:s23], $0x1  }
0xa3: {  	[sflag:s23] =	ssyncset.done $0x0  }
0xa4: {  	s25 =	simm.s32 $0x1B8E;
	s24 =	sld [smem:$0x3FFE];
	[sflag:s23] =	ssyncadd.s32 $0xFFFFFFFF  }
0xa5: {  	s26 =	simm.s32 $execute0_lowered;
	[smem:$0x3FD2] =	sst s25  }
0xa6: {  	s5 =	sshll.u32 s26, $0x1;
	_ =	strace $0x80000046;
	[dreg:$0x1] =	wrdreg $0xFFFFFFFF  }
0xa7: {  	s28 =	simm.s32 $_size_execute0_lowered;
	s3 =	sadd.s32 s3, s5;
	[dreg:$0x0] =	wrdreg $0x0  }
0xa8: {  	s5 =	sshll.u32 s28, $0x1;
	[dreg:$0x2] =	wrdreg s3  }
0xa9: {  	[dreg:$0x3] =	wrdreg s5  }
0xaa: {  	[dreg:$0x4] =	wrdreg $0xC0  }
0xab: {  	_ =	task [dreg:s7], $0x5FFFF  }
0xac: {  	[dreg:$0x1] =	wrdreg $0xFFFFFFFF  }
0xad: {  	[dreg:$0x0] =	wrdreg $0x60  }
0xae: {  	[dreg:$0x2] =	wrdreg s2  }
0xaf: {  	[dreg:$0x3] =	wrdreg s24  }
0xb0: {  	[dreg:$0x4] =	wrdreg $0x7B000  }
0xb1: {  	[dreg:$0x5] =	wrdreg $0x9  }
0xb2: {  	_ =	task.clear_ibuf [dreg:s7], $0x6FFFF;
	_ =	strace $0x90000046  }
0xb3: {  	s29 =	simm.s32 $0x9;
	_ =	strace $0x80000048  }
0xb4: {  	_ =	swait.ge [sflag:s29], $0x1  }
0xb5: {  	[sflag:s29] =	ssyncadd.s32 $0xFFFFFFFF  }
0xb6: {  	_ =	strace $0x90000048  }
0xb7: {  	_ =	sfence  }
0xb8: {  	s30 =	sld [smem:$0x0];
	_ =	sdelay $0x2  }
0xb9: {  	s31 =	sshll.u32 s1, $0xD;
	s1 =	sshrl.u32 s1, $0x2  }
0xba: {  	s3 =	sand.u32 $0x4000, s31;
	s1 =	sadd.s32 s1, s30  }
0xbb: {  	s0 =	sor.u32 s3, s0;
	s1 =	sshll.u32 s1, $0x11  }
0xbc: {  	s0 =	sor.u32 s1, s0  }
0xbd: {  	s0 =	sadd.s32 $0x8F2B, s0  }
0xbe: {  	[sflag:s0] =	ssyncadd.remote.s32 $0x1  }
0xbf: {  	_ =	sfence.sel $0xFFFF  }
0xc0: {  	[dreg:$0x0] =	wrdreg $0xFFFFFFFF;
	(pc) =	sbr.abs _section_cstart, $3  }
0xc1: {  	[dreg:$0x1] =	wrdreg $0xFFFFFFFF  }
0xc2: {  	_ =	task.clear_ibuf [dreg:s7], $0x2FFFF;
	_ =	strace $0x9FFFFFFF  }
0xc3: {  	(tm) =	ssettm $0x7FFFFFFF  }
tec
execute0_lowered:
.L_overlay_start_1:
0x0: {  	(tag) =	ssettag $0x1  }
0x1: {  	s1 =	rddreg [dreg:$0x0]  }
0x2: {  	s0 =	rddreg [dreg:$0x1]  }
0x3: {  	s2 =	rddreg [dreg:$0x2];
	s9 =	simm.s32 $0x0  }
0x4: {  	s4 =	srdreg.scid;
	s3 =	stileid.u32;
	s28 =	simm.s32 $0x1  }
0x5: {  	s29 =	simm.s32 $0x28;
	s31 =	simm.s32 $0x4;
	[smem:$0x7FF] =	sst s9  }
0x6: {  	s5 =	sadd.s32 $0x4FD000, s0;
	s4 =	sand.u32 $0x1, s4;
	s7 =	sshll.u32 s3, $0x1  }
0x7: {  	s6 =	sadd.s32 $0x4F3200, s0;
	s8 =	sadd.s32 $0x7400, s0;
	s24 =	smul.u32 $0x5000, s3  }
0x8: {  	s16 =	sadd.s32 $0x2E600, s0;
	s26 =	smul.u32 $0x280, s3;
	_ =	strace $0x80000047  }
0x9: {  	s10 =	ssub.s32 $0x2, s4;
	s11 =	sor.u32 s4, s7;
	s7 =	sadd.s32 $0x4E9400, s0  }
0xa: {  	p0 =	seq.s32 s4, $0x1;
	s12 =	sshrl.u32 s10, $0x1;
	s13 =	smul.u32 $0x2710, s11  }
0xb: {  	s11 =	smul.u32 $0x27100, s11;
	s25 =	sshrl.u32 s24, $0x2;
	[dreg:$0xd] =	wrdreg s26  }
0xc: {  	s15 =	ssub.s32 s10, s12;
	s12 =	simm.s32 $0x2;
	s18 =	sshrl.u32 s13, $0x3  }
0xd: {  	s19 =	sadd.s32 $0x28, s13;
	s11 =	sadd.s32 s5, s11;
	s30 =	sadd.s32 $0x50, s13  }
0xe: {  	s17 =	sadd.s32 $0x78, s13;
	s0 =	smax.u32 s15, $0x1;
	s15 =	simm.s32 $0x280  }
0xf: {  	s14 =	sadd.s32 s6, s18;
	s10 =	sadd.s32 s7, s18;
	[dreg:$0x6] =	wrdreg s11  }
0x10: {  	s20 =	sshrl.u32 s19, $0x3;
	s22 =	sshll.u32 s19, $0x4;
	[dreg:$0xb] =	wrdreg s0  }
0x11: {  	s18 =	sadd.s32 $0xA0, s13;
	s0 =	sadd.s32 s25, s2;
	[dreg:$0xa] =	wrdreg s30  }
0x12: {  	s19 =	simm.s32 $0x6700;
	s11 =	simm.s32 $0x3;
	[dreg:$0x4] =	wrdreg s14  }
0x13: {  	s13 =	simm.s32 $0x0;
	[dreg:$0x5] =	wrdreg s10;
	s21 =	sadd.s32 s6, s20  }
0x14: {  	s10 =	sadd.s32 s7, s20;
	s23 =	sadd.s32 s5, s22;
	[dreg:$0xc] =	wrdreg s0  }
0x15: {  	s22 =	simm.s32 $0x180;
	s0 =	simm.s32 $0x7;
	[dreg:$0x7] =	wrdreg s21  }
0x16: {  	s14 =	simm.s32 $0x100;
	s20 =	simm.s32 $0x6;
	[dreg:$0x8] =	wrdreg s10  }
0x17: {  	v0 =	vimm.f32 $0.0e+00;
	[dreg:$0x9] =	wrdreg s23;
	s23 =	simm.s32 $0x3F00;
	s10 =	simm.s32 $0x5  }
.LBB2_1:
0x18: {  	[dreg:$0xe] =	wrdreg s13;
	s4 =	simm.s32 $0x0;
	s13 =	simm.s32 $0x200  }
.LBB2_2:
0x19: {  	p1 =	sne.s32 s13, $0x4E00;
	[tilespmem:s4+$0x370] =	vst v0  }
0x1a: {  	[tilespmem:s4+$0x300] =	vst v0  }
0x1b: {  	[tilespmem:s4+$0x310] =	vst v0  }
.Ltmp0:
0x1c: {  	[tilespmem:s4+$0x320] =	vst v0;
	(pc) =	sbr.rel @p1 .LBB2_2-.Ltmp0, $4  }
0x1d: {  	[tilespmem:s4+$0x330] =	vst v0  }
0x1e: {  	[tilespmem:s4+$0x340] =	vst v0  }
0x1f: {  	[tilespmem:s4+$0x350] =	vst v0  }
0x20: {  	[tilespmem:s4+$0x360] =	vst v0;
	s4 =	sshra.s32 s13, $0x2;
	s13 =	sadd.s32 $0x200, s13  }
0x21: {  	[tilespmem:s4+$0x370] =	vst v0  }
0x22: {  	[tilespmem:s4+$0x300] =	vst v0  }
0x23: {  	[tilespmem:s4+$0x310] =	vst v0  }
0x24: {  	[tilespmem:s4+$0x320] =	vst v0  }
0x25: {  	[tilespmem:s4+$0x330] =	vst v0  }
0x26: {  	[tilespmem:s4+$0x340] =	vst v0;
	s13 =	sadd.s32 $0x0, s3  }
0x27: {  	[tilespmem:s4+$0x350] =	vst v0;
	p1 =	sgt.u32 s13, $0xF9  }
0x28: {  	[tilespmem:s4+$0x360] =	vst v0;
	s25 =	rddreg [dreg:$0xc];
	s4 =	simm.s32 @!p1 $0x300;
	s24 =	simm.s32 @!p1 $0xA  }
0x29: {  	[spmem:s25] =	stream.linear.scatter @!p1 [tilespmem:s4], [sflag:$0xA], $0x1400, $0x38;
	[tilespmem:$0x1B380] =	vst v63  }
0x2a: {  	s21 =	simm.s32 $0x20;
	_ =	swait.ge @!p1 [sflag:s24], $0x1400  }
0x2b: {  	s13 =	simm.s32 $0x10;
	s4 =	sadd.s32 $0x14000, s25;
	[sflag:s24] =	ssyncset.done @!p1 $0x0  }
.LBB2_4:
0x2c: {  	s25 =	sadd.s32 s13, s3;
	s13 =	smov.u32 s21;
	s21 =	sadd.s32 $0x10, s21  }
0x2d: {  	[sflag:s24] =	ssyncadd.s32 @!p1 $0xFFFFEC00;
	p2 =	sne.s32 s21, $0x100  }
.Ltmp1:
0x2e: {  	p1 =	sgt.u32 s25, $0xF9;
	(pc) =	sbr.rel @p2 .LBB2_4-.Ltmp1, $4  }
0x2f: {  	s25 =	simm.s32 @!p1 $0x300;
	s24 =	simm.s32 @!p1 $0xA  }
0x30: {  	[spmem:s4] =	stream.linear.scatter @!p1 [tilespmem:s25], [sflag:$0xA], $0x1400, $0x38;
	[tilespmem:$0x1B380] =	vst v63  }
0x31: {  	_ =	swait.ge @!p1 [sflag:s24], $0x1400  }
0x32: {  	s4 =	sadd.s32 $0x14000, s4;
	[sflag:s24] =	ssyncset.done @!p1 $0x0  }
0x33: {  	s13 =	sadd.s32 s13, s3  }
0x34: {  	p2 =	sgt.u32 s13, $0xF9  }
0x35: {  	[sflag:s24] =	ssyncadd.s32 @!p1 $0xFFFFEC00;
	s13 =	simm.s32 @!p2 $0x300;
	s21 =	simm.s32 @!p2 $0xA  }
0x36: {  	[spmem:s4] =	stream.linear.scatter @!p2 [tilespmem:s13], [sflag:$0xA], $0x1400, $0x38;
	[tilespmem:$0x1B380] =	vst v63  }
0x37: {  	_ =	swait.ge @!p2 [sflag:s21], $0x1400  }
0x38: {  	[sflag:s21] =	ssyncset.done @!p2 $0x0  }
0x39: {  	[sflag:s21] =	ssyncadd.s32 @!p2 $0xFFFFEC00  }
0x3a: {  	[bflag:$0x0] =	sbarrier.arrive $0xFFFF  }
0x3b: {  	s4 =	simm.s32 $0x0;
	s24 =	rddreg [dreg:$0x4]  }
0x3c: {  	[tilespmem:s4], [sflag:$0x1] =	stream.linear.gather [hbm4b:s24+s4], $0x28, $0x38;
	[tilespmem:$0x1B380] =	vst v63  }
0x3d: {  	s25 =	rddreg [dreg:$0x5]  }
0x3e: {  	[tilespmem:s22], [sflag:$0x1] =	stream.linear.gather [hbm4b:s25+s4], $0x28, $0x38;
	[tilespmem:$0x1B380] =	vst v63  }
0x3f: {  	s26 =	rddreg [dreg:$0x6]  }
0x40: {  	[tilespmem:s23], [sflag:$0x4] =	stream.linear.gather [hbm4b:s26+s4], $0x1400, $0x38;
	[tilespmem:$0x1B380] =	vst v63  }
0x41: {  	s21 =	rddreg [dreg:$0x7];
	s24 =	simm.s32 $0x80  }
0x42: {  	[tilespmem:s24], [sflag:$0x2] =	stream.linear.gather [hbm4b:s21+s4], $0x28, $0x38;
	[tilespmem:$0x1B380] =	vst v63  }
0x43: {  	s25 =	rddreg [dreg:$0x8];
	s26 =	simm.s32 $0x200  }
0x44: {  	[tilespmem:s26], [sflag:$0x2] =	stream.linear.gather [hbm4b:s25+s4], $0x28, $0x38;
	[tilespmem:$0x1B380] =	vst v63  }
0x45: {  	s24 =	rddreg [dreg:$0x9];
	s25 =	simm.s32 $0x5300  }
0x46: {  	[tilespmem:s25], [sflag:$0x5] =	stream.linear.gather [hbm4b:s24+s4], $0x1400, $0x38;
	[tilespmem:$0x1B380] =	vst v63  }
0x47: {  	_ =	swait.ge [sflag:s28], $0x28  }
0x48: {  	[sflag:s28] =	ssyncset.done $0x0  }
0x49: {  	[sflag:s28] =	ssyncadd.s32 $0xFFFFFFD8  }
0x4a: {  	_ =	swait.ge [sflag:s28], $0x28  }
0x4b: {  	[sflag:s28] =	ssyncset.done $0x0  }
0x4c: {  	s26 =	simm.s32 $0x300;
	[sflag:s28] =	ssyncadd.s32 $0xFFFFFFD8  }
0x4d: {  	[tilespmem:s26], [sflag:$0x4] =	stream.indirect.gather [hbm4b:s1+s29], $0x80, s4, s29, $0xb8;
	[tilespmem:$0x1B380] =	vst v63  }
.LBB2_6:
0x4e: {  	_ =	swait.ge [sflag:s31], $0x1400  }
0x4f: {  	[sflag:s31] =	ssyncset.done $0x0  }
0x50: {  	[sflag:s31] =	ssyncadd.s32 $0xFFFFEC00  }
0x51: {  	_ =	swait.ge [sflag:s31], $0x1400  }
0x52: {  	[sflag:s31] =	ssyncset.done $0x0  }
0x53: {  	s13 =	simm.s32 $0x0;
	[sflag:s31] =	ssyncadd.s32 $0xFFFFEC00  }
0x54: {  	v7 =	vld [tilespmem:s13+$0x300]  }
0x55: {  	v12 =	vld [tilespmem:s13+$0x310]  }
0x56: {  	v6 =	vld [tilespmem:s13+$0x320]  }
0x57: {  	v5 =	vld [tilespmem:s13+$0x330]  }
0x58: {  	v4 =	vld [tilespmem:s13+$0x340]  }
0x59: {  	v3 =	vld [tilespmem:s13+$0x350]  }
0x5a: {  	v2 =	vld [tilespmem:s13+$0x360]  }
0x5b: {  	v1 =	vld [tilespmem:s13+$0x370]  }
0x5c: {  	v13 =	vld [tilespmem:s13+$0x3F00]  }
0x5d: {  	v14 =	vld [tilespmem:s13+$0x3F10]  }
0x5e: {  	v11 =	vld [tilespmem:s13+$0x3F20]  }
0x5f: {  	v10 =	vld [tilespmem:s13+$0x3F30]  }
0x60: {  	v9 =	vld [tilespmem:s13+$0x3F40]  }
0x61: {  	v8 =	vld [tilespmem:s13+$0x3F50];
	v13 =	vadd.f32 v7, v13  }
0x62: {  	s21 =	simm.s32 $0x200;
	v12 =	vadd.f32 v12, v14;
	v7 =	vld [tilespmem:s13+$0x3F60]  }
.LBB2_7:
0x63: {  	s24 =	sshra.s32 s21, $0x2;
	p1 =	sne.s32 s21, $0x4E00;
	v13 =	vmax.f32 v13, $0.0e+00;
	v6 =	vadd.f32 v6, v11;
	v11 =	vld [tilespmem:s13+$0x3F70]  }
0x64: {  	v14 =	vld [tilespmem:s24+$0x300];
	[tilespmem:s13+$0x3F00] =	vst v13;
	v12 =	vmax.f32 v12, $0.0e+00;
	v5 =	vadd.f32 v5, v10  }
0x65: {  	v15 =	vld [tilespmem:s24+$0x310];
	[tilespmem:s13+$0x3F10] =	vst v12;
	v10 =	vmax.f32 v6, $0.0e+00;
	v4 =	vadd.f32 v4, v9  }
0x66: {  	v6 =	vld [tilespmem:s24+$0x320];
	[tilespmem:s13+$0x3F20] =	vst v10;
	v9 =	vmax.f32 v5, $0.0e+00;
	v3 =	vadd.f32 v3, v8  }
0x67: {  	v5 =	vld [tilespmem:s24+$0x330];
	[tilespmem:s13+$0x3F30] =	vst v9;
	v8 =	vmax.f32 v4, $0.0e+00;
	v2 =	vadd.f32 v2, v7  }
0x68: {  	v4 =	vld [tilespmem:s24+$0x340];
	[tilespmem:s13+$0x3F40] =	vst v8;
	v7 =	vmax.f32 v3, $0.0e+00;
	v1 =	vadd.f32 v1, v11  }
0x69: {  	v3 =	vld [tilespmem:s24+$0x350];
	[tilespmem:s13+$0x3F50] =	vst v7;
	v7 =	vmax.f32 v2, $0.0e+00  }
0x6a: {  	v2 =	vld [tilespmem:s24+$0x360];
	[tilespmem:s13+$0x3F60] =	vst v7;
	v7 =	vmax.f32 v1, $0.0e+00  }
0x6b: {  	v1 =	vld [tilespmem:s24+$0x370];
	[tilespmem:s13+$0x3F70] =	vst v7;
	s13 =	smov.u32 s24  }
0x6c: {  	v7 =	vld [tilespmem:s13+$0x3F00]  }
0x6d: {  	v12 =	vld [tilespmem:s13+$0x3F10]  }
.Ltmp2:
0x6e: {  	v11 =	vld [tilespmem:s13+$0x3F20];
	(pc) =	sbr.rel @p1 .LBB2_7-.Ltmp2, $4  }
0x6f: {  	v10 =	vld [tilespmem:s13+$0x3F30]  }
0x70: {  	v9 =	vld [tilespmem:s13+$0x3F40]  }
0x71: {  	v13 =	vadd.f32 v14, v7;
	v8 =	vld [tilespmem:s13+$0x3F50]  }
0x72: {  	s21 =	sadd.s32 $0x200, s21;
	v12 =	vadd.f32 v15, v12;
	v7 =	vld [tilespmem:s13+$0x3F60]  }
0x73: {  	v13 =	vmax.f32 v13, $0.0e+00;
	v6 =	vadd.f32 v6, v11;
	v63 =	vld [tilespmem:s13+$0x3F70]  }
0x74: {  	[tilespmem:s13+$0x3F00] =	vst v13;
	v12 =	vmax.f32 v12, $0.0e+00;
	v5 =	vadd.f32 v5, v10  }
0x75: {  	[tilespmem:s13+$0x3F10] =	vst v12;
	v6 =	vmax.f32 v6, $0.0e+00;
	v4 =	vadd.f32 v4, v9  }
0x76: {  	[tilespmem:s13+$0x3F20] =	vst v6;
	v5 =	vmax.f32 v5, $0.0e+00;
	v3 =	vadd.f32 v3, v8  }
0x77: {  	p1 =	seq.s32 s4, $0x53;
	[tilespmem:s13+$0x3F30] =	vst v5;
	v4 =	vmax.f32 v4, $0.0e+00;
	v2 =	vadd.f32 v2, v7  }
.Ltmp3:
0x78: {  	[tilespmem:s13+$0x3F40] =	vst v4;
	v3 =	vmax.f32 v3, $0.0e+00;
	v1 =	vadd.f32 v1, v63;
	(pc) =	sbr.rel @p1 .LBB2_14-.Ltmp3, $4  }
0x79: {  	[tilespmem:s13+$0x3F50] =	vst v3;
	v2 =	vmax.f32 v2, $0.0e+00  }
0x7a: {  	[tilespmem:s13+$0x3F60] =	vst v2;
	v1 =	vmax.f32 v1, $0.0e+00  }
0x7b: {  	[tilespmem:s13+$0x3F70] =	vst v1  }
0x7c: {  	[spmem:s2] =	stream.indirect.scatter.add.f32 [tilespmem:s23], [sflag:$0x7], $0x80, s22, s29, $0xb8;
	[tilespmem:$0x1B380] =	vst v63  }
0x7d: {  	_ =	swait.ge [sflag:s12], $0x28  }
0x7e: {  	[sflag:s12] =	ssyncset.done $0x0  }
0x7f: {  	[sflag:s12] =	ssyncadd.s32 $0xFFFFFFD8  }
0x80: {  	_ =	swait.ge [sflag:s12], $0x28  }
0x81: {  	[sflag:s12] =	ssyncset.done $0x0  }
0x82: {  	s13 =	simm.s32 $0x80;
	s21 =	simm.s32 $0x1700;
	[sflag:s12] =	ssyncadd.s32 $0xFFFFFFD8  }
0x83: {  	[tilespmem:s21], [sflag:$0x5] =	stream.indirect.gather [hbm4b:s1+s29], $0x80, s13, s29, $0xb8;
	[tilespmem:$0x1B380] =	vst v63  }
0x84: {  	p1 =	seq.s32 s4, $0x0;
	s13 =	smul.u32 $0x78, s4  }
0x85: {  	s21 =	simm.s32 @!p1 $0x9  }
0x86: {  	_ =	swait.ge @!p1 [sflag:s21], $0x1400;
	s24 =	sadd.s32 s13, s30  }
0x87: {  	[sflag:s21] =	ssyncset.done @!p1 $0x0;
	s25 =	sshrl.u32 s24, $0x3  }
0x88: {  	s26 =	simm.s32 $0x0;
	[sflag:s21] =	ssyncadd.s32 @!p1 $0xFFFFEC00;
	s21 =	sadd.s32 s6, s25  }
0x89: {  	[tilespmem:s14], [sflag:$0x3] =	stream.linear.gather [hbm4b:s21+s26], $0x28, $0x38;
	[tilespmem:$0x1B380] =	vst v63  }
0x8a: {  	s25 =	sadd.s32 s7, s25  }
0x8b: {  	[tilespmem:s15], [sflag:$0x3] =	stream.linear.gather [hbm4b:s25+s26], $0x28, $0x38;
	[tilespmem:$0x1B380] =	vst v63  }
0x8c: {  	s25 =	sshll.u32 s24, $0x4  }
0x8d: {  	s21 =	sadd.s32 s5, s25  }
0x8e: {  	[tilespmem:s19], [sflag:$0x6] =	stream.linear.gather [hbm4b:s21+s26], $0x1400, $0x38;
	[tilespmem:$0x1B380] =	vst v63  }
0x8f: {  	_ =	swait.ge [sflag:s10], $0x1400  }
0x90: {  	[sflag:s10] =	ssyncset.done $0x0  }
0x91: {  	[sflag:s10] =	ssyncadd.s32 $0xFFFFEC00  }
0x92: {  	_ =	swait.ge [sflag:s10], $0x1400  }
0x93: {  	[sflag:s10] =	ssyncset.done $0x0  }
0x94: {  	s21 =	simm.s32 $0x0;
	[sflag:s10] =	ssyncadd.s32 $0xFFFFEC00  }
0x95: {  	v7 =	vld [tilespmem:s21+$0x1700]  }
0x96: {  	v12 =	vld [tilespmem:s21+$0x1710]  }
0x97: {  	v6 =	vld [tilespmem:s21+$0x1720]  }
0x98: {  	v5 =	vld [tilespmem:s21+$0x1730]  }
0x99: {  	v4 =	vld [tilespmem:s21+$0x1740]  }
0x9a: {  	v3 =	vld [tilespmem:s21+$0x1750]  }
0x9b: {  	v2 =	vld [tilespmem:s21+$0x1760]  }
0x9c: {  	v1 =	vld [tilespmem:s21+$0x1770]  }
0x9d: {  	v13 =	vld [tilespmem:s21+$0x5300]  }
0x9e: {  	v14 =	vld [tilespmem:s21+$0x5310]  }
0x9f: {  	v11 =	vld [tilespmem:s21+$0x5320]  }
0xa0: {  	v10 =	vld [tilespmem:s21+$0x5330]  }
0xa1: {  	v9 =	vld [tilespmem:s21+$0x5340]  }
0xa2: {  	v8 =	vld [tilespmem:s21+$0x5350];
	v13 =	vadd.f32 v7, v13  }
0xa3: {  	s24 =	simm.s32 $0x200;
	v12 =	vadd.f32 v12, v14;
	v7 =	vld [tilespmem:s21+$0x5360]  }
.LBB2_10:
0xa4: {  	s25 =	sshra.s32 s24, $0x2;
	p1 =	sne.s32 s24, $0x4E00;
	v13 =	vmax.f32 v13, $0.0e+00;
	v6 =	vadd.f32 v6, v11;
	v11 =	vld [tilespmem:s21+$0x5370]  }
0xa5: {  	v14 =	vld [tilespmem:s25+$0x1700];
	[tilespmem:s21+$0x5300] =	vst v13;
	v12 =	vmax.f32 v12, $0.0e+00;
	v5 =	vadd.f32 v5, v10  }
0xa6: {  	v15 =	vld [tilespmem:s25+$0x1710];
	[tilespmem:s21+$0x5310] =	vst v12;
	v10 =	vmax.f32 v6, $0.0e+00;
	v4 =	vadd.f32 v4, v9  }
0xa7: {  	v6 =	vld [tilespmem:s25+$0x1720];
	[tilespmem:s21+$0x5320] =	vst v10;
	v9 =	vmax.f32 v5, $0.0e+00;
	v3 =	vadd.f32 v3, v8  }
0xa8: {  	v5 =	vld [tilespmem:s25+$0x1730];
	[tilespmem:s21+$0x5330] =	vst v9;
	v8 =	vmax.f32 v4, $0.0e+00;
	v2 =	vadd.f32 v2, v7  }
0xa9: {  	v4 =	vld [tilespmem:s25+$0x1740];
	[tilespmem:s21+$0x5340] =	vst v8;
	v7 =	vmax.f32 v3, $0.0e+00;
	v1 =	vadd.f32 v1, v11  }
0xaa: {  	v3 =	vld [tilespmem:s25+$0x1750];
	[tilespmem:s21+$0x5350] =	vst v7;
	v7 =	vmax.f32 v2, $0.0e+00  }
0xab: {  	v2 =	vld [tilespmem:s25+$0x1760];
	[tilespmem:s21+$0x5360] =	vst v7;
	v7 =	vmax.f32 v1, $0.0e+00  }
0xac: {  	v1 =	vld [tilespmem:s25+$0x1770];
	[tilespmem:s21+$0x5370] =	vst v7;
	s21 =	smov.u32 s25  }
0xad: {  	v7 =	vld [tilespmem:s21+$0x5300]  }
0xae: {  	v12 =	vld [tilespmem:s21+$0x5310]  }
.Ltmp4:
0xaf: {  	v11 =	vld [tilespmem:s21+$0x5320];
	(pc) =	sbr.rel @p1 .LBB2_10-.Ltmp4, $4  }
0xb0: {  	v10 =	vld [tilespmem:s21+$0x5330]  }
0xb1: {  	v9 =	vld [tilespmem:s21+$0x5340]  }
0xb2: {  	v13 =	vadd.f32 v14, v7;
	v8 =	vld [tilespmem:s21+$0x5350]  }
0xb3: {  	s24 =	sadd.s32 $0x200, s24;
	v12 =	vadd.f32 v15, v12;
	v7 =	vld [tilespmem:s21+$0x5360]  }
0xb4: {  	v13 =	vmax.f32 v13, $0.0e+00;
	v6 =	vadd.f32 v6, v11;
	v11 =	vld [tilespmem:s21+$0x5370]  }
0xb5: {  	[tilespmem:s21+$0x5300] =	vst v13;
	v12 =	vmax.f32 v12, $0.0e+00;
	v5 =	vadd.f32 v5, v10  }
0xb6: {  	[tilespmem:s21+$0x5310] =	vst v12;
	v6 =	vmax.f32 v6, $0.0e+00;
	v4 =	vadd.f32 v4, v9  }
0xb7: {  	[tilespmem:s21+$0x5320] =	vst v6;
	v5 =	vmax.f32 v5, $0.0e+00;
	v3 =	vadd.f32 v3, v8  }
0xb8: {  	[tilespmem:s21+$0x5330] =	vst v5;
	v4 =	vmax.f32 v4, $0.0e+00;
	v2 =	vadd.f32 v2, v7  }
0xb9: {  	[tilespmem:s21+$0x5340] =	vst v4;
	v3 =	vmax.f32 v3, $0.0e+00;
	v1 =	vadd.f32 v1, v11  }
0xba: {  	[tilespmem:s21+$0x5350] =	vst v3;
	v2 =	vmax.f32 v2, $0.0e+00  }
0xbb: {  	[tilespmem:s21+$0x5360] =	vst v2;
	v1 =	vmax.f32 v1, $0.0e+00  }
0xbc: {  	s25 =	simm.s32 $0x200;
	s24 =	simm.s32 $0x5300;
	[tilespmem:s21+$0x5370] =	vst v1  }
0xbd: {  	[spmem:s2] =	stream.indirect.scatter.add.f32 [tilespmem:s24], [sflag:$0x8], $0x80, s25, s29, $0xb8;
	[tilespmem:$0x1B380] =	vst v63  }
0xbe: {  	_ =	swait.ge [sflag:s11], $0x28  }
0xbf: {  	[sflag:s11] =	ssyncset.done $0x0  }
0xc0: {  	[sflag:s11] =	ssyncadd.s32 $0xFFFFFFD8  }
0xc1: {  	_ =	swait.ge [sflag:s11], $0x28  }
0xc2: {  	[sflag:s11] =	ssyncset.done $0x0  }
0xc3: {  	s26 =	simm.s32 $0x2B00;
	[sflag:s11] =	ssyncadd.s32 $0xFFFFFFD8  }
0xc4: {  	[tilespmem:s26], [sflag:$0x6] =	stream.indirect.gather [hbm4b:s1+s29], $0x80, s14, s29, $0xb8;
	[tilespmem:$0x1B380] =	vst v63  }
0xc5: {  	s21 =	sadd.s32 s13, s17;
	_ =	swait.ge [sflag:s0], $0x1400  }
0xc6: {  	s24 =	sshrl.u32 s21, $0x3;
	[sflag:s0] =	ssyncset.done $0x0  }
0xc7: {  	s25 =	sadd.s32 s6, s24;
	s26 =	simm.s32 $0x0;
	[sflag:s0] =	ssyncadd.s32 $0xFFFFEC00  }
0xc8: {  	[tilespmem:s26], [sflag:$0x1] =	stream.linear.gather [hbm4b:s25+s26], $0x28, $0x38;
	[tilespmem:$0x1B380] =	vst v63  }
0xc9: {  	s21 =	sshll.u32 s21, $0x4;
	s24 =	sadd.s32 s7, s24  }
0xca: {  	[tilespmem:s22], [sflag:$0x1] =	stream.linear.gather [hbm4b:s24+s26], $0x28, $0x38;
	[tilespmem:$0x1B380] =	vst v63  }
0xcb: {  	s21 =	sadd.s32 s5, s21  }
0xcc: {  	[tilespmem:s23], [sflag:$0x4] =	stream.linear.gather [hbm4b:s21+s26], $0x1400, $0x38;
	[tilespmem:$0x1B380] =	vst v63  }
0xcd: {  	_ =	swait.ge [sflag:s20], $0x1400  }
0xce: {  	[sflag:s20] =	ssyncset.done $0x0  }
0xcf: {  	[sflag:s20] =	ssyncadd.s32 $0xFFFFEC00  }
0xd0: {  	_ =	swait.ge [sflag:s20], $0x1400  }
0xd1: {  	[sflag:s20] =	ssyncset.done $0x0  }
0xd2: {  	s21 =	simm.s32 $0x0;
	[sflag:s20] =	ssyncadd.s32 $0xFFFFEC00  }
0xd3: {  	v7 =	vld [tilespmem:s21+$0x2B00]  }
0xd4: {  	v12 =	vld [tilespmem:s21+$0x2B10]  }
0xd5: {  	v6 =	vld [tilespmem:s21+$0x2B20]  }
0xd6: {  	v5 =	vld [tilespmem:s21+$0x2B30]  }
0xd7: {  	v4 =	vld [tilespmem:s21+$0x2B40]  }
0xd8: {  	v3 =	vld [tilespmem:s21+$0x2B50]  }
0xd9: {  	v2 =	vld [tilespmem:s21+$0x2B60]  }
0xda: {  	v1 =	vld [tilespmem:s21+$0x2B70]  }
0xdb: {  	v13 =	vld [tilespmem:s21+$0x6700]  }
0xdc: {  	v14 =	vld [tilespmem:s21+$0x6710]  }
0xdd: {  	v11 =	vld [tilespmem:s21+$0x6720]  }
0xde: {  	v10 =	vld [tilespmem:s21+$0x6730]  }
0xdf: {  	v9 =	vld [tilespmem:s21+$0x6740]  }
0xe0: {  	v8 =	vld [tilespmem:s21+$0x6750];
	v13 =	vadd.f32 v7, v13  }
0xe1: {  	s24 =	simm.s32 $0x200;
	v12 =	vadd.f32 v12, v14;
	v7 =	vld [tilespmem:s21+$0x6760]  }
.LBB2_12:
0xe2: {  	s25 =	sshra.s32 s24, $0x2;
	p1 =	sne.s32 s24, $0x4E00;
	v13 =	vmax.f32 v13, $0.0e+00;
	v6 =	vadd.f32 v6, v11;
	v11 =	vld [tilespmem:s21+$0x6770]  }
0xe3: {  	v14 =	vld [tilespmem:s25+$0x2B00];
	[tilespmem:s21+$0x6700] =	vst v13;
	v12 =	vmax.f32 v12, $0.0e+00;
	v5 =	vadd.f32 v5, v10  }
0xe4: {  	v15 =	vld [tilespmem:s25+$0x2B10];
	[tilespmem:s21+$0x6710] =	vst v12;
	v10 =	vmax.f32 v6, $0.0e+00;
	v4 =	vadd.f32 v4, v9  }
0xe5: {  	v6 =	vld [tilespmem:s25+$0x2B20];
	[tilespmem:s21+$0x6720] =	vst v10;
	v9 =	vmax.f32 v5, $0.0e+00;
	v3 =	vadd.f32 v3, v8  }
0xe6: {  	v5 =	vld [tilespmem:s25+$0x2B30];
	[tilespmem:s21+$0x6730] =	vst v9;
	v8 =	vmax.f32 v4, $0.0e+00;
	v2 =	vadd.f32 v2, v7  }
0xe7: {  	v4 =	vld [tilespmem:s25+$0x2B40];
	[tilespmem:s21+$0x6740] =	vst v8;
	v7 =	vmax.f32 v3, $0.0e+00;
	v1 =	vadd.f32 v1, v11  }
0xe8: {  	v3 =	vld [tilespmem:s25+$0x2B50];
	[tilespmem:s21+$0x6750] =	vst v7;
	v7 =	vmax.f32 v2, $0.0e+00  }
0xe9: {  	v2 =	vld [tilespmem:s25+$0x2B60];
	[tilespmem:s21+$0x6760] =	vst v7;
	v7 =	vmax.f32 v1, $0.0e+00  }
0xea: {  	v1 =	vld [tilespmem:s25+$0x2B70];
	[tilespmem:s21+$0x6770] =	vst v7;
	s21 =	smov.u32 s25  }
0xeb: {  	v7 =	vld [tilespmem:s21+$0x6700]  }
0xec: {  	v12 =	vld [tilespmem:s21+$0x6710]  }
.Ltmp5:
0xed: {  	v11 =	vld [tilespmem:s21+$0x6720];
	(pc) =	sbr.rel @p1 .LBB2_12-.Ltmp5, $4  }
0xee: {  	v10 =	vld [tilespmem:s21+$0x6730]  }
0xef: {  	v9 =	vld [tilespmem:s21+$0x6740]  }
0xf0: {  	v13 =	vadd.f32 v14, v7;
	v8 =	vld [tilespmem:s21+$0x6750]  }
0xf1: {  	s24 =	sadd.s32 $0x200, s24;
	v12 =	vadd.f32 v15, v12;
	v7 =	vld [tilespmem:s21+$0x6760]  }
0xf2: {  	v13 =	vmax.f32 v13, $0.0e+00;
	v6 =	vadd.f32 v6, v11;
	v63 =	vld [tilespmem:s21+$0x6770]  }
0xf3: {  	[tilespmem:s21+$0x6700] =	vst v13;
	v12 =	vmax.f32 v12, $0.0e+00;
	v5 =	vadd.f32 v5, v10  }
0xf4: {  	[tilespmem:s21+$0x6710] =	vst v12;
	v6 =	vmax.f32 v6, $0.0e+00;
	v4 =	vadd.f32 v4, v9  }
0xf5: {  	[tilespmem:s21+$0x6720] =	vst v6;
	v5 =	vmax.f32 v5, $0.0e+00;
	v3 =	vadd.f32 v3, v8  }
0xf6: {  	[tilespmem:s21+$0x6730] =	vst v5;
	v4 =	vmax.f32 v4, $0.0e+00;
	v2 =	vadd.f32 v2, v7  }
0xf7: {  	[tilespmem:s21+$0x6740] =	vst v4;
	v3 =	vmax.f32 v3, $0.0e+00;
	v1 =	vadd.f32 v1, v63  }
0xf8: {  	[tilespmem:s21+$0x6750] =	vst v3;
	v2 =	vmax.f32 v2, $0.0e+00  }
0xf9: {  	[tilespmem:s21+$0x6760] =	vst v2;
	v1 =	vmax.f32 v1, $0.0e+00  }
0xfa: {  	[tilespmem:s21+$0x6770] =	vst v1  }
0xfb: {  	[spmem:s2] =	stream.indirect.scatter.add.f32 [tilespmem:s19], [sflag:$0x9], $0x80, s15, s29, $0xb8;
	[tilespmem:$0x1B380] =	vst v63  }
0xfc: {  	_ =	swait.ge [sflag:s28], $0x28  }
0xfd: {  	[sflag:s28] =	ssyncset.done $0x0  }
0xfe: {  	[sflag:s28] =	ssyncadd.s32 $0xFFFFFFD8  }
0xff: {  	_ =	swait.ge [sflag:s28], $0x28  }
0x100: {  	p1 =	sgt.u32 s4, $0x51;
	[sflag:s28] =	ssyncset.done $0x0  }
0x101: {  	s26 =	simm.s32 $0x300;
	s21 =	simm.s32 @!p1 $0x8;
	[sflag:s28] =	ssyncadd.s32 $0xFFFFFFD8  }
0x102: {  	[tilespmem:s26], [sflag:$0x4] =	stream.indirect.gather [hbm4b:s1+s29], $0x80, s9, s29, $0xb8;
	[tilespmem:$0x1B380] =	vst v63  }
0x103: {  	_ =	swait.ge @!p1 [sflag:s21], $0x1400  }
0x104: {  	s13 =	sadd.s32 @!p1 s13, s18;
	[sflag:s21] =	ssyncset.done @!p1 $0x0  }
0x105: {  	[sflag:s21] =	ssyncadd.s32 @!p1 $0xFFFFEC00;
	s21 =	sshrl.u32 @!p1 s13, $0x3  }
0x106: {  	s25 =	simm.s32 @!p1 $0x0;
	s26 =	simm.s32 @!p1 $0x80;
	s24 =	sadd.s32 @!p1 s6, s21  }
0x107: {  	[tilespmem:s26], [sflag:$0x2] =	stream.linear.gather @!p1 [hbm4b:s24+s25], $0x28, $0x38;
	[tilespmem:$0x1B380] =	vst v63  }
0x108: {  	s13 =	sshll.u32 @!p1 s13, $0x4;
	s21 =	sadd.s32 @!p1 s7, s21;
	s24 =	simm.s32 @!p1 $0x200  }
0x109: {  	[tilespmem:s24], [sflag:$0x2] =	stream.linear.gather @!p1 [hbm4b:s21+s25], $0x28, $0x38;
	[tilespmem:$0x1B380] =	vst v63  }
0x10a: {  	s4 =	sadd.s32 $0x1, s4;
	s13 =	sadd.s32 @!p1 s5, s13;
	s21 =	simm.s32 @!p1 $0x5300  }
0x10b: {  	[tilespmem:s21], [sflag:$0x5] =	stream.linear.gather @!p1 [hbm4b:s13+s25], $0x1400, $0x38;
	[tilespmem:$0x1B380] =	vst v63  }
0x10c: {  	p1 =	sne.s32 s4, $0x54  }
.Ltmp6:
0x10d: {  	_ = 	snop;
	(pc) =	sbr.rel @p1 .LBB2_6-.Ltmp6, $1  }
0x10e: {  	_ =	sdelay $0x3  }
.LBB2_14:
0x10f: {  	_ =	swait.ge [sflag:s0], $0x1400  }
0x110: {  	[sflag:s0] =	ssyncset.done $0x0  }
0x111: {  	s4 =	simm.s32 $0x8;
	[sflag:s0] =	ssyncadd.s32 $0xFFFFEC00  }
0x112: {  	_ =	swait.ge [sflag:s4], $0x1400  }
0x113: {  	[sflag:s4] =	ssyncset.done $0x0  }
0x114: {  	s9 =	simm.s32 $0x9;
	[sflag:s4] =	ssyncadd.s32 $0xFFFFEC00  }
0x115: {  	_ =	swait.ge [sflag:s9], $0x1400  }
0x116: {  	s30 =	sadd.s32 $0x0, s3;
	[sflag:s9] =	ssyncset.done $0x0  }
0x117: {  	s21 =	smov.u32 s16;
	p1 =	sgt.u32 s30, $0xF9;
	[sflag:s9] =	ssyncadd.s32 $0xFFFFEC00  }
0x118: {  	p2 =	por !p0, p1;
	s4 =	simm.s32 @!p1 $0xA;
	[bflag:$0x0] =	sbarrier.arrive $0xFFFF  }
0x119: {  	s13 =	sshll.u32 @!p1 s3, $0x6;
	s4 =	simm.s32 @p2 $0xB;
	s9 =	rddreg [dreg:$0xc]  }
0x11a: {  	s21 =	smov.u32 @p2 s8;
	s13 =	sadd.s32 @!p1 s4, s13;
	s25 =	rddreg [dreg:$0xd]  }
0x11b: {  	s13 =	sadd.s32 @!p1 $0x1C00, s13;
	s24 =	sshrl.u32 @!p1 s9, $0x3;
	s21 =	sadd.s32 @!p1 s25, s21  }
0x11c: {  	[hbm:s21], [sflag:s13] =	dma.local @!p1 [spmem:s24], $0x280  }
0x11d: {  	s13 =	simm.s32 $0x10;
	s21 =	smov.u32 s9;
	s24 =	smov.u32 s25  }
.LBB2_15:
0x11e: {  	s25 =	sadd.s32 s13, s3  }
0x11f: {  	s26 =	smov.u32 s4;
	p2 =	por p1, p1;
	s21 =	sadd.s32 $0x14000, s21  }
0x120: {  	s24 =	sadd.s32 $0x2800, s24;
	s9 =	smov.u32 s16;
	p1 =	sgt.u32 s25, $0xF9  }
0x121: {  	s13 =	sadd.s32 $0x10, s13;
	s25 =	sshll.u32 @!p1 s3, $0x6;
	s30 =	sshrl.u32 @!p1 s21, $0x3  }
0x122: {  	s4 =	simm.s32 @!p1 $0xA;
	p3 =	por !p0, p1;
	_ =	swait.ge @!p2 [sflag:s26], $0x280  }
0x123: {  	s9 =	smov.u32 @p3 s8;
	s4 =	simm.s32 @p3 $0xB;
	[sflag:s26] =	ssyncset.done @!p2 $0x0  }
0x124: {  	[sflag:s26] =	ssyncadd.s32 @!p2 $0xFFFFFD80;
	p2 =	sne.s32 s13, $0x100  }
.Ltmp7:
0x125: {  	_ = 	snop;
	(pc) =	sbr.rel @p2 .LBB2_15-.Ltmp7, $4  }
0x126: {  	_ = 	snop  }
0x127: {  	s25 =	sadd.s32 @!p1 s4, s25  }
0x128: {  	s9 =	sadd.s32 @!p1 s24, s9;
	s25 =	sadd.s32 @!p1 $0x1C00, s25  }
0x129: {  	[hbm:s9], [sflag:s25] =	dma.local @!p1 [spmem:s30], $0x280  }
0x12a: {  	p1 =	por p1, p1  }
0x12b: {  	_ =	swait.ge @!p1 [sflag:s4], $0x280  }
0x12c: {  	s13 =	rddreg [dreg:$0xe]  }
0x12d: {  	s9 =	rddreg [dreg:$0xb];
	s13 =	sadd.s32 $0x1, s13  }
0x12e: {  	p2 =	sne.s32 s13, s9  }
.Ltmp8:
0x12f: {  	_ = 	snop;
	(pc) =	sbr.rel @p2 .LBB2_1-.Ltmp8, $3  }
0x130: {  	_ =	sdelay $0x1  }
0x131: {  	[sflag:s4] =	ssyncset.done @!p1 $0x0  }
0x132: {  	s30 =	rddreg [dreg:$0xa];
	[sflag:s4] =	ssyncadd.s32 @!p1 $0xFFFFFD80;
	s9 =	simm.s32 $0x0  }
0x133: {  	_ =	sfence.sel $0x180000  }
0x134: {  	[bflag:$0x0] =	sbarrier.arrive $0xFFFF  }
0x135: {  	_ =	strace $0x90000047  }
0x136: {  	[bflag:$0x2] =	sbarrier.arrive $0xFFFF  }
0x137: {  	p0 =	sne.s32 s3, $0x0;
	s0 =	rddreg [dreg:$0x3]  }
0x138: {  	s0 =	sadd.s32 @!p0 $0x100000, s0  }
0x139: {  	[sflag:s0] =	ssyncadd.tile.s32 @!p0 $0x1;
	_ =	shalt  }
.Lfunc_end2:
_tile_overlayer_lowered:
.L_overlay_start_2:
0x13a: {  	(tag) =	ssettag $0x2  }
0x13b: {  	s0 =	rddreg [dreg:$0x0];
	s2 =	stileid.u32  }
0x13c: {  	s1 =	rddreg [dreg:$0x1];
	p0 =	sne.s32 s2, $0x0  }
0x13d: {  	s3 =	rddreg [dreg:$0x2];
	[bflag:$0x3] =	sbarrier.arrive $0xFFFF;
	s2 =	simm.s32 @!p0 $0x1C0A  }
0x13e: {  	[timem:s3], [sflag:s2] =	dma.local @!p0 [hbm:s0], s1  }
0x13f: {  	s0 =	simm.s32 @!p0 $0xA  }
0x140: {  	_ =	swait.ge @!p0 [sflag:s0], s1  }
0x141: {  	s1 =	ssub.s32 @!p0 $0x0, s1;
	[sflag:s0] =	ssyncset.done @!p0 $0x0  }
0x142: {  	[sflag:s0] =	ssyncadd.s32 @!p0 s1  }
0x143: {  	[bflag:$0x3] =	sbarrier.arrive $0xFFFF  }
0x144: {  	_ =	shalt  }

// kernel: kernel.13.cloned.1.call-start
scs
__scs_entry_jumppad:
0x0: {  	(pc) =	sbr.rel $0x88, $3  }
0x1: {  	(tag) =	ssettag $0x0;
	lr =	simm.s32 $0x1  }
0x2: {  	[smem:$0x3F76] =	sst lr;
	_ =	strace $0xD0000000  }
0x3: {  	_ = 	snop  }
0x4: {  	_ = 	snop  }
0x5: {  	_ = 	snop  }
0x6: {  	_ = 	snop  }
0x7: {  	_ = 	snop  }
__scs_overlays_trampoline_lowered:
0x8: {  	[smem:$0x3F85] =	sst s0  }
0x9: {  	[smem:$0x3F86] =	sst s1  }
0xa: {  	[smem:$0x3F87] =	sst s2  }
0xb: {  	[smem:$0x3F88] =	sst s3  }
0xc: {  	[smem:$0x3F89] =	sst s4  }
0xd: {  	[smem:$0x3F8A] =	sst s5  }
0xe: {  	[smem:$0x3F8B] =	sst s6  }
0xf: {  	[smem:$0x3F8C] =	sst s7  }
0x10: {  	[smem:$0x3F8D] =	sst s8  }
0x11: {  	[smem:$0x3F8E] =	sst s9;
	s0 =	simm.s32 @!p0 $0x0  }
0x12: {  	s1 =	sld [smem:$0x3F74];
	s0 =	simm.s32 @p0 $0x1  }
0x13: {  	[smem:$0x3F8F] =	sst s0;
	s0 =	simm.s32 @!p1 $0x0  }
0x14: {  	s2 =	sld [smem:$0x3F73];
	s0 =	simm.s32 @p1 $0x1  }
0x15: {  	[smem:$0x3F90] =	sst s0;
	s0 =	simm.s32 @!p2 $0x0  }
0x16: {  	s3 =	sld [smem:$0x3FDB];
	s0 =	simm.s32 @p2 $0x1  }
0x17: {  	s4 =	simm.s32 $0x1BF5;
	[smem:$0x3F92] =	sst s0  }
0x18: {  	s0 =	sld [smem:$0x3F75];
	_ =	swait.ge [sflag:s4], $0x0  }
0x19: {  	s7 =	sld [smem:$0x3F76]  }
0x1a: {  	s8 =	sadd.s32 $0xFFFFE003, lr  }
0x1b: {  	s9 =	sadd.s32 $0xFFFFFEF7, lr;
	s5 =	simm.s32 $0xFFFFFFFF;
	p2 =	slt.u32 s8, $0xFFFFF086  }
0x1c: {  	p1 =	slt.u32 s9, $0xF7A;
	s5 =	simm.s32 @!p2 $0x0  }
0x1d: {  	s5 =	simm.s32 @p1 $0x1;
	p0 =	seq.s32 s7, s2  }
0x1e: {  	s7 =	smul.u32 @!p0 $0xF7A, s2;
	p2 =	seq.s32 @!p0 s5, $0x0  }
0x1f: {  	s9 =	smul.u32 $0xF7A, s1;
	s8 =	simm.s32 @!p0 $0x1BF5;
	p2 =	por !p2, p0  }
0x20: {  	[sflag:s8] =	ssyncset.s32 @!p0 $0xFFFFF086;
	s6 =	sadd.s32 @!p0 s3, s7;
	s7 =	simm.s32 @!p0 $0x108  }
0x21: {  	s3 =	sadd.s32 s3, s9;
	s6 =	sadd.s32 @!p0 $0x88, s6;
	s7 =	simm.s32 @p2 $0x1082  }
0x22: {  	[simem:s7], [sflag:s8] =	dma.local @!p0 [hbm:s6], $0xF7A  }
0x23: {  	s9 =	sor.u32 $0xD0000000, s2;
	s6 =	simm.s32 $0x108;
	_ =	swait.ge @!p0 [sflag:s8], $0x0  }
0x24: {  	s3 =	sadd.s32 $0x88, s3;
	s6 =	simm.s32 @!p1 $0x1082;
	[sflag:s4] =	ssyncset.s32 $0xFFFFF086  }
0x25: {  	[simem:s6], [sflag:s4] =	dma.local [hbm:s3], $0xF7A  }
0x26: {  	[smem:$0x3F76] =	sst s1;
	(tag) =	ssettag s2;
	_ =	strace s9  }
0x27: {  	s1 =	sld [smem:$0x3F86]  }
0x28: {  	s2 =	sld [smem:$0x3F87]  }
0x29: {  	s4 =	sld [smem:$0x3F89]  }
0x2a: {  	p0 =	seq.s32 s5, $0x0;
	s5 =	sld [smem:$0x3F8A]  }
0x2b: {  	s6 =	sld [smem:$0x3F8B]  }
0x2c: {  	s7 =	sld [smem:$0x3F8C]  }
0x2d: {  	s3 =	simm.s32 $0x108;
	s8 =	sld [smem:$0x3F8D]  }
0x2e: {  	s3 =	simm.s32 @!p0 $0x1082;
	s9 =	sld [smem:$0x3F8E]  }
0x2f: {  	lr =	sadd.s32 s0, s3;
	s0 =	sld [smem:$0x3F85]  }
0x30: {  	s3 =	sld [smem:$0x3F88]  }
0x31: {  	[smem:$0x3F91] =	sst s10  }
0x32: {  	s10 =	sld [smem:$0x3F8F];
	_ =	sdelay $0x3  }
0x33: {  	p0 =	seq.s32 s10, $0x1;
	s10 =	sld [smem:$0x3F91];
	_ =	sdelay $0x3  }
0x34: {  	[smem:$0x3F91] =	sst s10  }
0x35: {  	s10 =	sld [smem:$0x3F90];
	_ =	sdelay $0x3  }
0x36: {  	p1 =	seq.s32 s10, $0x1;
	s10 =	sld [smem:$0x3F91];
	_ =	sdelay $0x3  }
0x37: {  	[smem:$0x3F91] =	sst s10  }
0x38: {  	s10 =	sld [smem:$0x3F92]  }
0x39: {  	_ = 	snop;
	(pc) =	sbr.ind lr, $3  }
0x3a: {  	_ = 	snop  }
0x3b: {  	_ = 	snop  }
0x3c: {  	p2 =	seq.s32 s10, $0x1;
	s10 =	sld [smem:$0x3F91]  }
0x3d: {  	_ =	shalt  }
0x3e: {  	_ =	shalt  }
0x3f: {  	_ =	shalt  }
0x40: {  	_ =	shalt  }
0x41: {  	_ =	shalt  }
0x42: {  	_ =	shalt  }
0x43: {  	_ =	shalt  }
0x44: {  	_ =	shalt  }
0x45: {  	_ =	shalt  }
0x46: {  	_ =	shalt  }
0x47: {  	_ =	shalt  }
0x48: {  	_ =	shalt  }
0x49: {  	_ =	shalt  }
0x4a: {  	_ =	shalt  }
0x4b: {  	_ =	shalt  }
0x4c: {  	_ =	shalt  }
0x4d: {  	_ =	shalt  }
0x4e: {  	_ =	shalt  }
0x4f: {  	_ =	shalt  }
0x50: {  	_ =	shalt  }
0x51: {  	_ =	shalt  }
0x52: {  	_ =	shalt  }
0x53: {  	_ =	shalt  }
0x54: {  	_ =	shalt  }
0x55: {  	_ =	shalt  }
0x56: {  	_ =	shalt  }
0x57: {  	_ =	shalt  }
0x58: {  	_ =	shalt  }
0x59: {  	_ =	shalt  }
0x5a: {  	_ =	shalt  }
0x5b: {  	_ =	shalt  }
0x5c: {  	_ =	shalt  }
0x5d: {  	_ =	shalt  }
0x5e: {  	_ =	shalt  }
0x5f: {  	_ =	shalt  }
0x60: {  	_ =	shalt  }
0x61: {  	_ =	shalt  }
0x62: {  	_ =	shalt  }
0x63: {  	_ =	shalt  }
0x64: {  	_ =	shalt  }
0x65: {  	_ =	shalt  }
0x66: {  	_ =	shalt  }
0x67: {  	_ =	shalt  }
0x68: {  	_ =	shalt  }
0x69: {  	_ =	shalt  }
0x6a: {  	_ =	shalt  }
0x6b: {  	_ =	shalt  }
0x6c: {  	_ =	shalt  }
0x6d: {  	_ =	shalt  }
0x6e: {  	_ =	shalt  }
0x6f: {  	_ =	shalt  }
0x70: {  	_ =	shalt  }
0x71: {  	_ =	shalt  }
0x72: {  	_ =	shalt  }
0x73: {  	_ =	shalt  }
0x74: {  	_ =	shalt  }
0x75: {  	_ =	shalt  }
0x76: {  	_ =	shalt  }
0x77: {  	_ =	shalt  }
0x78: {  	_ =	shalt  }
0x79: {  	_ =	shalt  }
0x7a: {  	_ =	shalt  }
0x7b: {  	_ =	shalt  }
0x7c: {  	_ =	shalt  }
0x7d: {  	_ =	shalt  }
0x7e: {  	_ =	shalt  }
0x7f: {  	_ =	shalt  }
0x80: {  	_ =	shalt  }
0x81: {  	_ =	shalt  }
0x82: {  	_ =	shalt  }
0x83: {  	_ =	shalt  }
0x84: {  	_ =	shalt  }
0x85: {  	_ =	shalt  }
0x86: {  	_ =	shalt  }
0x87: {  	_ =	shalt  }
.Lfunc_end0:
.L_simem_size_0:
called_computation.1_lowered:
.L_overlay_start_0:
0x88: {  	s2 =	sld [smem:$0x3FD9]  }
0x89: {  	s3 =	sld [smem:$0x3FFE];
	_ =	sdelay $0x1  }
0x8a: {  	s1 =	srdreg.scid  }
0x8b: {  	s0 =	sand.u32 $0x1, s1  }
0x8c: {  	s16 =	sshll.u32 s0, $0xA;
	s2 =	sadd.s32 s3, s2  }
0x8d: {  	s2 =	sadd.s32 s2, s16  }
0x8e: {  	[smem:$0x3F9D] =	sst s2  }
0x8f: {  	_ = 	snop  }
0x90: {  	(tm) =	ssettm $0x1  }
0x91: {  	s17 =	sld [smem:$0x3FFB];
	_ =	sdelay $0x3  }
0x92: {  	_ =	strace s17  }
0x93: {  	s2 =	sld [smem:$0x3FFC];
	_ =	sdelay $0x3  }
0x94: {  	_ =	strace s2  }
0x95: {  	s2 =	sld [smem:$0x3FFD];
	_ =	sdelay $0x3  }
0x96: {  	_ =	strace s2  }
0x97: {  	_ =	strace $0x8FFFFFFF  }
0x98: {  	s18 =	sld [smem:$0x3FDB];
	_ =	sdelay $0x1  }
0x99: {  	s19 =	simm.s32 $_scs_section_size  }
0x9a: {  	s4 =	simm.s32 $_size__tile_overlayer_lowered;
	s5 =	simm.s32 $_tile_overlayer_lowered  }
0x9b: {  	s22 =	simm.s32 $0x1BFF;
	s21 =	sshll.u32 s5, $0x1;
	s2 =	sadd.s32 s19, s18  }
0x9c: {  	s6 =	simm.s32 $0x0;
	s20 =	sshll.u32 s4, $0x1;
	s4 =	sadd.s32 s21, s2  }
0x9d: {  	[timem:s6], [sflag:s22] =	dma.local [hbm:s4], s20  }
0x9e: {  	_ =	swait.ge [sflag:s22], s20  }
0x9f: {  	s3 =	ssub.s32 $0x0, s20;
	[sflag:s22] =	ssyncset.done $0x0  }
0xa0: {  	[sflag:s22] =	ssyncadd.s32 s3;
	_ =	sdelay $0x1  }
0xa1: {  	s23 =	simm.s32 $0x1B8B  }
0xa2: {  	_ =	swait.ge [sflag:s23], $0x1  }
0xa3: {  	[sflag:s23] =	ssyncset.done $0x0  }
0xa4: {  	s25 =	simm.s32 $0x1B8E;
	s24 =	sld [smem:$0x3FFE];
	[sflag:s23] =	ssyncadd.s32 $0xFFFFFFFF  }
0xa5: {  	s26 =	simm.s32 $execute0_lowered;
	[smem:$0x3FD2] =	sst s25  }
0xa6: {  	s4 =	sshll.u32 s26, $0x1;
	_ =	strace $0x80000049;
	[dreg:$0x1] =	wrdreg $0xFFFFFFFF  }
0xa7: {  	s28 =	simm.s32 $_size_execute0_lowered;
	s2 =	sadd.s32 s2, s4;
	[dreg:$0x0] =	wrdreg $0x0  }
0xa8: {  	s4 =	sshll.u32 s28, $0x1;
	[dreg:$0x2] =	wrdreg s2  }
0xa9: {  	[dreg:$0x3] =	wrdreg s4  }
0xaa: {  	[dreg:$0x4] =	wrdreg $0xC0  }
0xab: {  	_ =	task [dreg:s6], $0x5FFFF  }
0xac: {  	[dreg:$0x1] =	wrdreg $0xFFFFFFFF  }
0xad: {  	[dreg:$0x0] =	wrdreg $0x60  }
0xae: {  	[dreg:$0x2] =	wrdreg s24  }
0xaf: {  	[dreg:$0x3] =	wrdreg $0x7B000  }
0xb0: {  	[dreg:$0x4] =	wrdreg $0x9  }
0xb1: {  	_ =	task.clear_ibuf [dreg:s6], $0x5FFFF;
	_ =	strace $0x90000049  }
0xb2: {  	s29 =	simm.s32 $0x9;
	_ =	strace $0x8000004B  }
0xb3: {  	_ =	swait.ge [sflag:s29], $0x1  }
0xb4: {  	[sflag:s29] =	ssyncadd.s32 $0xFFFFFFFF  }
0xb5: {  	_ =	strace $0x9000004B  }
0xb6: {  	_ =	sfence  }
0xb7: {  	s30 =	sld [smem:$0x0];
	_ =	sdelay $0x2  }
0xb8: {  	s31 =	sshll.u32 s1, $0xD;
	s1 =	sshrl.u32 s1, $0x2  }
0xb9: {  	s3 =	sand.u32 $0x4000, s31;
	s1 =	sadd.s32 s1, s30  }
0xba: {  	s0 =	sor.u32 s3, s0;
	s1 =	sshll.u32 s1, $0x11  }
0xbb: {  	s0 =	sor.u32 s1, s0  }
0xbc: {  	s0 =	sadd.s32 $0x8F2B, s0  }
0xbd: {  	[sflag:s0] =	ssyncadd.remote.s32 $0x1  }
0xbe: {  	_ =	sfence.sel $0xFFFF  }
0xbf: {  	[dreg:$0x0] =	wrdreg $0xFFFFFFFF;
	(pc) =	sbr.abs _section_cstart, $3  }
0xc0: {  	[dreg:$0x1] =	wrdreg $0xFFFFFFFF  }
0xc1: {  	_ =	task.clear_ibuf [dreg:s6], $0x2FFFF;
	_ =	strace $0x9FFFFFFF  }
0xc2: {  	(tm) =	ssettm $0x7FFFFFFF  }
0xc3: {  	_ =	shalt  }
tec
execute0_lowered:
.L_overlay_start_1:
0x0: {  	(tag) =	ssettag $0x1  }
0x1: {  	s0 =	rddreg [dreg:$0x0]  }
0x2: {  	s1 =	rddreg [dreg:$0x1];
	s9 =	simm.s32 $0x0;
	s2 =	srdreg.scid  }
0x3: {  	s3 =	stileid.u32;
	s28 =	simm.s32 $0x1;
	s29 =	simm.s32 $0x28  }
0x4: {  	s31 =	simm.s32 $0x4;
	[smem:$0x7FF] =	sst s9;
	s4 =	sadd.s32 $0x7400, s0  }
0x5: {  	s5 =	sadd.s32 $0x9DF000, s0;
	s2 =	sand.u32 $0x1, s2;
	s7 =	sshll.u32 s3, $0x1  }
0x6: {  	s6 =	sadd.s32 $0x4F3200, s0;
	s8 =	sadd.s32 $0x2E600, s0;
	s24 =	smul.u32 $0x5000, s3  }
0x7: {  	s16 =	sadd.s32 $0x55800, s0;
	s26 =	smul.u32 $0x280, s3;
	_ =	strace $0x8000004A  }
0x8: {  	s10 =	ssub.s32 $0x2, s2;
	s11 =	sor.u32 s2, s7;
	s7 =	sadd.s32 $0x4E9400, s0  }
0x9: {  	p0 =	seq.s32 s2, $0x1;
	s12 =	sshrl.u32 s10, $0x1;
	s13 =	smul.u32 $0x2710, s11  }
0xa: {  	s11 =	smul.u32 $0x27100, s11;
	s25 =	sshrl.u32 s24, $0x2;
	[dreg:$0xc] =	wrdreg s26  }
0xb: {  	s15 =	ssub.s32 s10, s12;
	s12 =	simm.s32 $0x2;
	s18 =	sshrl.u32 s13, $0x3  }
0xc: {  	s19 =	sadd.s32 $0x28, s13;
	s11 =	sadd.s32 s5, s11;
	s30 =	sadd.s32 $0x50, s13  }
0xd: {  	s17 =	sadd.s32 $0x78, s13;
	s0 =	smax.u32 s15, $0x1;
	s15 =	simm.s32 $0x280  }
0xe: {  	s14 =	sadd.s32 s6, s18;
	s10 =	sadd.s32 s7, s18;
	[dreg:$0x5] =	wrdreg s11  }
0xf: {  	s20 =	sshrl.u32 s19, $0x3;
	s22 =	sshll.u32 s19, $0x4;
	[dreg:$0xa] =	wrdreg s0  }
0x10: {  	s18 =	sadd.s32 $0xA0, s13;
	s0 =	sadd.s32 s25, s1;
	[dreg:$0x9] =	wrdreg s30  }
0x11: {  	s19 =	simm.s32 $0x6700;
	s11 =	simm.s32 $0x3;
	[dreg:$0x3] =	wrdreg s14  }
0x12: {  	s13 =	simm.s32 $0x0;
	[dreg:$0x4] =	wrdreg s10;
	s21 =	sadd.s32 s6, s20  }
0x13: {  	s10 =	sadd.s32 s7, s20;
	s23 =	sadd.s32 s5, s22;
	[dreg:$0xb] =	wrdreg s0  }
0x14: {  	s22 =	simm.s32 $0x180;
	s0 =	simm.s32 $0x7;
	[dreg:$0x6] =	wrdreg s21  }
0x15: {  	s14 =	simm.s32 $0x100;
	s20 =	simm.s32 $0x6;
	[dreg:$0x7] =	wrdreg s10  }
0x16: {  	v0 =	vimm.f32 $0.0e+00;
	[dreg:$0x8] =	wrdreg s23;
	s23 =	simm.s32 $0x3F00;
	s10 =	simm.s32 $0x5  }
.LBB2_1:
0x17: {  	[dreg:$0xd] =	wrdreg s13;
	s2 =	simm.s32 $0x0;
	s13 =	simm.s32 $0x200  }
.LBB2_2:
0x18: {  	p1 =	sne.s32 s13, $0x4E00;
	[tilespmem:s2+$0x370] =	vst v0  }
0x19: {  	[tilespmem:s2+$0x300] =	vst v0  }
0x1a: {  	[tilespmem:s2+$0x310] =	vst v0  }
.Ltmp0:
0x1b: {  	[tilespmem:s2+$0x320] =	vst v0;
	(pc) =	sbr.rel @p1 .LBB2_2-.Ltmp0, $4  }
0x1c: {  	[tilespmem:s2+$0x330] =	vst v0  }
0x1d: {  	[tilespmem:s2+$0x340] =	vst v0  }
0x1e: {  	[tilespmem:s2+$0x350] =	vst v0  }
0x1f: {  	[tilespmem:s2+$0x360] =	vst v0;
	s2 =	sshra.s32 s13, $0x2;
	s13 =	sadd.s32 $0x200, s13  }
0x20: {  	[tilespmem:s2+$0x370] =	vst v0  }
0x21: {  	[tilespmem:s2+$0x300] =	vst v0  }
0x22: {  	[tilespmem:s2+$0x310] =	vst v0  }
0x23: {  	[tilespmem:s2+$0x320] =	vst v0  }
0x24: {  	[tilespmem:s2+$0x330] =	vst v0  }
0x25: {  	[tilespmem:s2+$0x340] =	vst v0;
	s13 =	sadd.s32 $0x0, s3  }
0x26: {  	[tilespmem:s2+$0x350] =	vst v0;
	p1 =	sgt.u32 s13, $0xF9  }
0x27: {  	[tilespmem:s2+$0x360] =	vst v0;
	s25 =	rddreg [dreg:$0xb];
	s2 =	simm.s32 @!p1 $0x300;
	s24 =	simm.s32 @!p1 $0xA  }
0x28: {  	[spmem:s25] =	stream.linear.scatter @!p1 [tilespmem:s2], [sflag:$0xA], $0x1400, $0x38;
	[tilespmem:$0x1B380] =	vst v63  }
0x29: {  	s21 =	simm.s32 $0x20;
	_ =	swait.ge @!p1 [sflag:s24], $0x1400  }
0x2a: {  	s13 =	simm.s32 $0x10;
	s2 =	sadd.s32 $0x14000, s25;
	[sflag:s24] =	ssyncset.done @!p1 $0x0  }
.LBB2_4:
0x2b: {  	s25 =	sadd.s32 s13, s3;
	s13 =	smov.u32 s21;
	s21 =	sadd.s32 $0x10, s21  }
0x2c: {  	[sflag:s24] =	ssyncadd.s32 @!p1 $0xFFFFEC00;
	p2 =	sne.s32 s21, $0x100  }
.Ltmp1:
0x2d: {  	p1 =	sgt.u32 s25, $0xF9;
	(pc) =	sbr.rel @p2 .LBB2_4-.Ltmp1, $4  }
0x2e: {  	s25 =	simm.s32 @!p1 $0x300;
	s24 =	simm.s32 @!p1 $0xA  }
0x2f: {  	[spmem:s2] =	stream.linear.scatter @!p1 [tilespmem:s25], [sflag:$0xA], $0x1400, $0x38;
	[tilespmem:$0x1B380] =	vst v63  }
0x30: {  	_ =	swait.ge @!p1 [sflag:s24], $0x1400  }
0x31: {  	s2 =	sadd.s32 $0x14000, s2;
	[sflag:s24] =	ssyncset.done @!p1 $0x0  }
0x32: {  	s13 =	sadd.s32 s13, s3  }
0x33: {  	p2 =	sgt.u32 s13, $0xF9  }
0x34: {  	[sflag:s24] =	ssyncadd.s32 @!p1 $0xFFFFEC00;
	s13 =	simm.s32 @!p2 $0x300;
	s21 =	simm.s32 @!p2 $0xA  }
0x35: {  	[spmem:s2] =	stream.linear.scatter @!p2 [tilespmem:s13], [sflag:$0xA], $0x1400, $0x38;
	[tilespmem:$0x1B380] =	vst v63  }
0x36: {  	_ =	swait.ge @!p2 [sflag:s21], $0x1400  }
0x37: {  	[sflag:s21] =	ssyncset.done @!p2 $0x0  }
0x38: {  	[sflag:s21] =	ssyncadd.s32 @!p2 $0xFFFFEC00  }
0x39: {  	[bflag:$0x0] =	sbarrier.arrive $0xFFFF  }
0x3a: {  	s2 =	simm.s32 $0x0;
	s24 =	rddreg [dreg:$0x3]  }
0x3b: {  	[tilespmem:s2], [sflag:$0x1] =	stream.linear.gather [hbm4b:s24+s2], $0x28, $0x38;
	[tilespmem:$0x1B380] =	vst v63  }
0x3c: {  	s25 =	rddreg [dreg:$0x4]  }
0x3d: {  	[tilespmem:s22], [sflag:$0x1] =	stream.linear.gather [hbm4b:s25+s2], $0x28, $0x38;
	[tilespmem:$0x1B380] =	vst v63  }
0x3e: {  	s26 =	rddreg [dreg:$0x5]  }
0x3f: {  	[tilespmem:s23], [sflag:$0x4] =	stream.linear.gather [hbm4b:s26+s2], $0x1400, $0x38;
	[tilespmem:$0x1B380] =	vst v63  }
0x40: {  	s21 =	rddreg [dreg:$0x6];
	s24 =	simm.s32 $0x80  }
0x41: {  	[tilespmem:s24], [sflag:$0x2] =	stream.linear.gather [hbm4b:s21+s2], $0x28, $0x38;
	[tilespmem:$0x1B380] =	vst v63  }
0x42: {  	s25 =	rddreg [dreg:$0x7];
	s26 =	simm.s32 $0x200  }
0x43: {  	[tilespmem:s26], [sflag:$0x2] =	stream.linear.gather [hbm4b:s25+s2], $0x28, $0x38;
	[tilespmem:$0x1B380] =	vst v63  }
0x44: {  	s24 =	rddreg [dreg:$0x8];
	s25 =	simm.s32 $0x5300  }
0x45: {  	[tilespmem:s25], [sflag:$0x5] =	stream.linear.gather [hbm4b:s24+s2], $0x1400, $0x38;
	[tilespmem:$0x1B380] =	vst v63  }
0x46: {  	_ =	swait.ge [sflag:s28], $0x28  }
0x47: {  	[sflag:s28] =	ssyncset.done $0x0  }
0x48: {  	[sflag:s28] =	ssyncadd.s32 $0xFFFFFFD8  }
0x49: {  	_ =	swait.ge [sflag:s28], $0x28  }
0x4a: {  	[sflag:s28] =	ssyncset.done $0x0  }
0x4b: {  	s26 =	simm.s32 $0x300;
	[sflag:s28] =	ssyncadd.s32 $0xFFFFFFD8  }
0x4c: {  	[tilespmem:s26], [sflag:$0x4] =	stream.indirect.gather [hbm4b:s4+s29], $0x80, s2, s29, $0xb8;
	[tilespmem:$0x1B380] =	vst v63  }
.LBB2_6:
0x4d: {  	_ =	swait.ge [sflag:s31], $0x1400  }
0x4e: {  	[sflag:s31] =	ssyncset.done $0x0  }
0x4f: {  	[sflag:s31] =	ssyncadd.s32 $0xFFFFEC00  }
0x50: {  	_ =	swait.ge [sflag:s31], $0x1400  }
0x51: {  	[sflag:s31] =	ssyncset.done $0x0  }
0x52: {  	s13 =	simm.s32 $0x0;
	[sflag:s31] =	ssyncadd.s32 $0xFFFFEC00  }
0x53: {  	v7 =	vld [tilespmem:s13+$0x300]  }
0x54: {  	v12 =	vld [tilespmem:s13+$0x310]  }
0x55: {  	v6 =	vld [tilespmem:s13+$0x320]  }
0x56: {  	v5 =	vld [tilespmem:s13+$0x330]  }
0x57: {  	v4 =	vld [tilespmem:s13+$0x340]  }
0x58: {  	v3 =	vld [tilespmem:s13+$0x350]  }
0x59: {  	v2 =	vld [tilespmem:s13+$0x360]  }
0x5a: {  	v1 =	vld [tilespmem:s13+$0x370]  }
0x5b: {  	v13 =	vld [tilespmem:s13+$0x3F00]  }
0x5c: {  	v14 =	vld [tilespmem:s13+$0x3F10]  }
0x5d: {  	v11 =	vld [tilespmem:s13+$0x3F20]  }
0x5e: {  	v10 =	vld [tilespmem:s13+$0x3F30]  }
0x5f: {  	v9 =	vld [tilespmem:s13+$0x3F40]  }
0x60: {  	v8 =	vld [tilespmem:s13+$0x3F50];
	v13 =	vadd.f32 v7, v13  }
0x61: {  	s21 =	simm.s32 $0x200;
	v12 =	vadd.f32 v12, v14;
	v7 =	vld [tilespmem:s13+$0x3F60]  }
.LBB2_7:
0x62: {  	s24 =	sshra.s32 s21, $0x2;
	p1 =	sne.s32 s21, $0x4E00;
	v13 =	vmax.f32 v13, $0.0e+00;
	v6 =	vadd.f32 v6, v11;
	v11 =	vld [tilespmem:s13+$0x3F70]  }
0x63: {  	v14 =	vld [tilespmem:s24+$0x300];
	[tilespmem:s13+$0x3F00] =	vst v13;
	v12 =	vmax.f32 v12, $0.0e+00;
	v5 =	vadd.f32 v5, v10  }
0x64: {  	v15 =	vld [tilespmem:s24+$0x310];
	[tilespmem:s13+$0x3F10] =	vst v12;
	v10 =	vmax.f32 v6, $0.0e+00;
	v4 =	vadd.f32 v4, v9  }
0x65: {  	v6 =	vld [tilespmem:s24+$0x320];
	[tilespmem:s13+$0x3F20] =	vst v10;
	v9 =	vmax.f32 v5, $0.0e+00;
	v3 =	vadd.f32 v3, v8  }
0x66: {  	v5 =	vld [tilespmem:s24+$0x330];
	[tilespmem:s13+$0x3F30] =	vst v9;
	v8 =	vmax.f32 v4, $0.0e+00;
	v2 =	vadd.f32 v2, v7  }
0x67: {  	v4 =	vld [tilespmem:s24+$0x340];
	[tilespmem:s13+$0x3F40] =	vst v8;
	v7 =	vmax.f32 v3, $0.0e+00;
	v1 =	vadd.f32 v1, v11  }
0x68: {  	v3 =	vld [tilespmem:s24+$0x350];
	[tilespmem:s13+$0x3F50] =	vst v7;
	v7 =	vmax.f32 v2, $0.0e+00  }
0x69: {  	v2 =	vld [tilespmem:s24+$0x360];
	[tilespmem:s13+$0x3F60] =	vst v7;
	v7 =	vmax.f32 v1, $0.0e+00  }
0x6a: {  	v1 =	vld [tilespmem:s24+$0x370];
	[tilespmem:s13+$0x3F70] =	vst v7;
	s13 =	smov.u32 s24  }
0x6b: {  	v7 =	vld [tilespmem:s13+$0x3F00]  }
0x6c: {  	v12 =	vld [tilespmem:s13+$0x3F10]  }
.Ltmp2:
0x6d: {  	v11 =	vld [tilespmem:s13+$0x3F20];
	(pc) =	sbr.rel @p1 .LBB2_7-.Ltmp2, $4  }
0x6e: {  	v10 =	vld [tilespmem:s13+$0x3F30]  }
0x6f: {  	v9 =	vld [tilespmem:s13+$0x3F40]  }
0x70: {  	v13 =	vadd.f32 v14, v7;
	v8 =	vld [tilespmem:s13+$0x3F50]  }
0x71: {  	s21 =	sadd.s32 $0x200, s21;
	v12 =	vadd.f32 v15, v12;
	v7 =	vld [tilespmem:s13+$0x3F60]  }
0x72: {  	v13 =	vmax.f32 v13, $0.0e+00;
	v6 =	vadd.f32 v6, v11;
	v63 =	vld [tilespmem:s13+$0x3F70]  }
0x73: {  	[tilespmem:s13+$0x3F00] =	vst v13;
	v12 =	vmax.f32 v12, $0.0e+00;
	v5 =	vadd.f32 v5, v10  }
0x74: {  	[tilespmem:s13+$0x3F10] =	vst v12;
	v6 =	vmax.f32 v6, $0.0e+00;
	v4 =	vadd.f32 v4, v9  }
0x75: {  	[tilespmem:s13+$0x3F20] =	vst v6;
	v5 =	vmax.f32 v5, $0.0e+00;
	v3 =	vadd.f32 v3, v8  }
0x76: {  	p1 =	seq.s32 s2, $0x53;
	[tilespmem:s13+$0x3F30] =	vst v5;
	v4 =	vmax.f32 v4, $0.0e+00;
	v2 =	vadd.f32 v2, v7  }
.Ltmp3:
0x77: {  	[tilespmem:s13+$0x3F40] =	vst v4;
	v3 =	vmax.f32 v3, $0.0e+00;
	v1 =	vadd.f32 v1, v63;
	(pc) =	sbr.rel @p1 .LBB2_14-.Ltmp3, $4  }
0x78: {  	[tilespmem:s13+$0x3F50] =	vst v3;
	v2 =	vmax.f32 v2, $0.0e+00  }
0x79: {  	[tilespmem:s13+$0x3F60] =	vst v2;
	v1 =	vmax.f32 v1, $0.0e+00  }
0x7a: {  	[tilespmem:s13+$0x3F70] =	vst v1  }
0x7b: {  	[spmem:s1] =	stream.indirect.scatter.add.f32 [tilespmem:s23], [sflag:$0x7], $0x80, s22, s29, $0xb8;
	[tilespmem:$0x1B380] =	vst v63  }
0x7c: {  	_ =	swait.ge [sflag:s12], $0x28  }
0x7d: {  	[sflag:s12] =	ssyncset.done $0x0  }
0x7e: {  	[sflag:s12] =	ssyncadd.s32 $0xFFFFFFD8  }
0x7f: {  	_ =	swait.ge [sflag:s12], $0x28  }
0x80: {  	[sflag:s12] =	ssyncset.done $0x0  }
0x81: {  	s13 =	simm.s32 $0x80;
	s21 =	simm.s32 $0x1700;
	[sflag:s12] =	ssyncadd.s32 $0xFFFFFFD8  }
0x82: {  	[tilespmem:s21], [sflag:$0x5] =	stream.indirect.gather [hbm4b:s4+s29], $0x80, s13, s29, $0xb8;
	[tilespmem:$0x1B380] =	vst v63  }
0x83: {  	p1 =	seq.s32 s2, $0x0;
	s13 =	smul.u32 $0x78, s2  }
0x84: {  	s21 =	simm.s32 @!p1 $0x9  }
0x85: {  	_ =	swait.ge @!p1 [sflag:s21], $0x1400;
	s24 =	sadd.s32 s13, s30  }
0x86: {  	[sflag:s21] =	ssyncset.done @!p1 $0x0;
	s25 =	sshrl.u32 s24, $0x3  }
0x87: {  	s26 =	simm.s32 $0x0;
	[sflag:s21] =	ssyncadd.s32 @!p1 $0xFFFFEC00;
	s21 =	sadd.s32 s6, s25  }
0x88: {  	[tilespmem:s14], [sflag:$0x3] =	stream.linear.gather [hbm4b:s21+s26], $0x28, $0x38;
	[tilespmem:$0x1B380] =	vst v63  }
0x89: {  	s25 =	sadd.s32 s7, s25  }
0x8a: {  	[tilespmem:s15], [sflag:$0x3] =	stream.linear.gather [hbm4b:s25+s26], $0x28, $0x38;
	[tilespmem:$0x1B380] =	vst v63  }
0x8b: {  	s25 =	sshll.u32 s24, $0x4  }
0x8c: {  	s21 =	sadd.s32 s5, s25  }
0x8d: {  	[tilespmem:s19], [sflag:$0x6] =	stream.linear.gather [hbm4b:s21+s26], $0x1400, $0x38;
	[tilespmem:$0x1B380] =	vst v63  }
0x8e: {  	_ =	swait.ge [sflag:s10], $0x1400  }
0x8f: {  	[sflag:s10] =	ssyncset.done $0x0  }
0x90: {  	[sflag:s10] =	ssyncadd.s32 $0xFFFFEC00  }
0x91: {  	_ =	swait.ge [sflag:s10], $0x1400  }
0x92: {  	[sflag:s10] =	ssyncset.done $0x0  }
0x93: {  	s21 =	simm.s32 $0x0;
	[sflag:s10] =	ssyncadd.s32 $0xFFFFEC00  }
0x94: {  	v7 =	vld [tilespmem:s21+$0x1700]  }
0x95: {  	v12 =	vld [tilespmem:s21+$0x1710]  }
0x96: {  	v6 =	vld [tilespmem:s21+$0x1720]  }
0x97: {  	v5 =	vld [tilespmem:s21+$0x1730]  }
0x98: {  	v4 =	vld [tilespmem:s21+$0x1740]  }
0x99: {  	v3 =	vld [tilespmem:s21+$0x1750]  }
0x9a: {  	v2 =	vld [tilespmem:s21+$0x1760]  }
0x9b: {  	v1 =	vld [tilespmem:s21+$0x1770]  }
0x9c: {  	v13 =	vld [tilespmem:s21+$0x5300]  }
0x9d: {  	v14 =	vld [tilespmem:s21+$0x5310]  }
0x9e: {  	v11 =	vld [tilespmem:s21+$0x5320]  }
0x9f: {  	v10 =	vld [tilespmem:s21+$0x5330]  }
0xa0: {  	v9 =	vld [tilespmem:s21+$0x5340]  }
0xa1: {  	v8 =	vld [tilespmem:s21+$0x5350];
	v13 =	vadd.f32 v7, v13  }
0xa2: {  	s24 =	simm.s32 $0x200;
	v12 =	vadd.f32 v12, v14;
	v7 =	vld [tilespmem:s21+$0x5360]  }
.LBB2_10:
0xa3: {  	s25 =	sshra.s32 s24, $0x2;
	p1 =	sne.s32 s24, $0x4E00;
	v13 =	vmax.f32 v13, $0.0e+00;
	v6 =	vadd.f32 v6, v11;
	v11 =	vld [tilespmem:s21+$0x5370]  }
0xa4: {  	v14 =	vld [tilespmem:s25+$0x1700];
	[tilespmem:s21+$0x5300] =	vst v13;
	v12 =	vmax.f32 v12, $0.0e+00;
	v5 =	vadd.f32 v5, v10  }
0xa5: {  	v15 =	vld [tilespmem:s25+$0x1710];
	[tilespmem:s21+$0x5310] =	vst v12;
	v10 =	vmax.f32 v6, $0.0e+00;
	v4 =	vadd.f32 v4, v9  }
0xa6: {  	v6 =	vld [tilespmem:s25+$0x1720];
	[tilespmem:s21+$0x5320] =	vst v10;
	v9 =	vmax.f32 v5, $0.0e+00;
	v3 =	vadd.f32 v3, v8  }
0xa7: {  	v5 =	vld [tilespmem:s25+$0x1730];
	[tilespmem:s21+$0x5330] =	vst v9;
	v8 =	vmax.f32 v4, $0.0e+00;
	v2 =	vadd.f32 v2, v7  }
0xa8: {  	v4 =	vld [tilespmem:s25+$0x1740];
	[tilespmem:s21+$0x5340] =	vst v8;
	v7 =	vmax.f32 v3, $0.0e+00;
	v1 =	vadd.f32 v1, v11  }
0xa9: {  	v3 =	vld [tilespmem:s25+$0x1750];
	[tilespmem:s21+$0x5350] =	vst v7;
	v7 =	vmax.f32 v2, $0.0e+00  }
0xaa: {  	v2 =	vld [tilespmem:s25+$0x1760];
	[tilespmem:s21+$0x5360] =	vst v7;
	v7 =	vmax.f32 v1, $0.0e+00  }
0xab: {  	v1 =	vld [tilespmem:s25+$0x1770];
	[tilespmem:s21+$0x5370] =	vst v7;
	s21 =	smov.u32 s25  }
0xac: {  	v7 =	vld [tilespmem:s21+$0x5300]  }
0xad: {  	v12 =	vld [tilespmem:s21+$0x5310]  }
.Ltmp4:
0xae: {  	v11 =	vld [tilespmem:s21+$0x5320];
	(pc) =	sbr.rel @p1 .LBB2_10-.Ltmp4, $4  }
0xaf: {  	v10 =	vld [tilespmem:s21+$0x5330]  }
0xb0: {  	v9 =	vld [tilespmem:s21+$0x5340]  }
0xb1: {  	v13 =	vadd.f32 v14, v7;
	v8 =	vld [tilespmem:s21+$0x5350]  }
0xb2: {  	s24 =	sadd.s32 $0x200, s24;
	v12 =	vadd.f32 v15, v12;
	v7 =	vld [tilespmem:s21+$0x5360]  }
0xb3: {  	v13 =	vmax.f32 v13, $0.0e+00;
	v6 =	vadd.f32 v6, v11;
	v11 =	vld [tilespmem:s21+$0x5370]  }
0xb4: {  	[tilespmem:s21+$0x5300] =	vst v13;
	v12 =	vmax.f32 v12, $0.0e+00;
	v5 =	vadd.f32 v5, v10  }
0xb5: {  	[tilespmem:s21+$0x5310] =	vst v12;
	v6 =	vmax.f32 v6, $0.0e+00;
	v4 =	vadd.f32 v4, v9  }
0xb6: {  	[tilespmem:s21+$0x5320] =	vst v6;
	v5 =	vmax.f32 v5, $0.0e+00;
	v3 =	vadd.f32 v3, v8  }
0xb7: {  	[tilespmem:s21+$0x5330] =	vst v5;
	v4 =	vmax.f32 v4, $0.0e+00;
	v2 =	vadd.f32 v2, v7  }
0xb8: {  	[tilespmem:s21+$0x5340] =	vst v4;
	v3 =	vmax.f32 v3, $0.0e+00;
	v1 =	vadd.f32 v1, v11  }
0xb9: {  	[tilespmem:s21+$0x5350] =	vst v3;
	v2 =	vmax.f32 v2, $0.0e+00  }
0xba: {  	[tilespmem:s21+$0x5360] =	vst v2;
	v1 =	vmax.f32 v1, $0.0e+00  }
0xbb: {  	s25 =	simm.s32 $0x200;
	s24 =	simm.s32 $0x5300;
	[tilespmem:s21+$0x5370] =	vst v1  }
0xbc: {  	[spmem:s1] =	stream.indirect.scatter.add.f32 [tilespmem:s24], [sflag:$0x8], $0x80, s25, s29, $0xb8;
	[tilespmem:$0x1B380] =	vst v63  }
0xbd: {  	_ =	swait.ge [sflag:s11], $0x28  }
0xbe: {  	[sflag:s11] =	ssyncset.done $0x0  }
0xbf: {  	[sflag:s11] =	ssyncadd.s32 $0xFFFFFFD8  }
0xc0: {  	_ =	swait.ge [sflag:s11], $0x28  }
0xc1: {  	[sflag:s11] =	ssyncset.done $0x0  }
0xc2: {  	s26 =	simm.s32 $0x2B00;
	[sflag:s11] =	ssyncadd.s32 $0xFFFFFFD8  }
0xc3: {  	[tilespmem:s26], [sflag:$0x6] =	stream.indirect.gather [hbm4b:s4+s29], $0x80, s14, s29, $0xb8;
	[tilespmem:$0x1B380] =	vst v63  }
0xc4: {  	s21 =	sadd.s32 s13, s17;
	_ =	swait.ge [sflag:s0], $0x1400  }
0xc5: {  	s24 =	sshrl.u32 s21, $0x3;
	[sflag:s0] =	ssyncset.done $0x0  }
0xc6: {  	s25 =	sadd.s32 s6, s24;
	s26 =	simm.s32 $0x0;
	[sflag:s0] =	ssyncadd.s32 $0xFFFFEC00  }
0xc7: {  	[tilespmem:s26], [sflag:$0x1] =	stream.linear.gather [hbm4b:s25+s26], $0x28, $0x38;
	[tilespmem:$0x1B380] =	vst v63  }
0xc8: {  	s21 =	sshll.u32 s21, $0x4;
	s24 =	sadd.s32 s7, s24  }
0xc9: {  	[tilespmem:s22], [sflag:$0x1] =	stream.linear.gather [hbm4b:s24+s26], $0x28, $0x38;
	[tilespmem:$0x1B380] =	vst v63  }
0xca: {  	s21 =	sadd.s32 s5, s21  }
0xcb: {  	[tilespmem:s23], [sflag:$0x4] =	stream.linear.gather [hbm4b:s21+s26], $0x1400, $0x38;
	[tilespmem:$0x1B380] =	vst v63  }
0xcc: {  	_ =	swait.ge [sflag:s20], $0x1400  }
0xcd: {  	[sflag:s20] =	ssyncset.done $0x0  }
0xce: {  	[sflag:s20] =	ssyncadd.s32 $0xFFFFEC00  }
0xcf: {  	_ =	swait.ge [sflag:s20], $0x1400  }
0xd0: {  	[sflag:s20] =	ssyncset.done $0x0  }
0xd1: {  	s21 =	simm.s32 $0x0;
	[sflag:s20] =	ssyncadd.s32 $0xFFFFEC00  }
0xd2: {  	v7 =	vld [tilespmem:s21+$0x2B00]  }
0xd3: {  	v12 =	vld [tilespmem:s21+$0x2B10]  }
0xd4: {  	v6 =	vld [tilespmem:s21+$0x2B20]  }
0xd5: {  	v5 =	vld [tilespmem:s21+$0x2B30]  }
0xd6: {  	v4 =	vld [tilespmem:s21+$0x2B40]  }
0xd7: {  	v3 =	vld [tilespmem:s21+$0x2B50]  }
0xd8: {  	v2 =	vld [tilespmem:s21+$0x2B60]  }
0xd9: {  	v1 =	vld [tilespmem:s21+$0x2B70]  }
0xda: {  	v13 =	vld [tilespmem:s21+$0x6700]  }
0xdb: {  	v14 =	vld [tilespmem:s21+$0x6710]  }
0xdc: {  	v11 =	vld [tilespmem:s21+$0x6720]  }
0xdd: {  	v10 =	vld [tilespmem:s21+$0x6730]  }
0xde: {  	v9 =	vld [tilespmem:s21+$0x6740]  }
0xdf: {  	v8 =	vld [tilespmem:s21+$0x6750];
	v13 =	vadd.f32 v7, v13  }
0xe0: {  	s24 =	simm.s32 $0x200;
	v12 =	vadd.f32 v12, v14;
	v7 =	vld [tilespmem:s21+$0x6760]  }
.LBB2_12:
0xe1: {  	s25 =	sshra.s32 s24, $0x2;
	p1 =	sne.s32 s24, $0x4E00;
	v13 =	vmax.f32 v13, $0.0e+00;
	v6 =	vadd.f32 v6, v11;
	v11 =	vld [tilespmem:s21+$0x6770]  }
0xe2: {  	v14 =	vld [tilespmem:s25+$0x2B00];
	[tilespmem:s21+$0x6700] =	vst v13;
	v12 =	vmax.f32 v12, $0.0e+00;
	v5 =	vadd.f32 v5, v10  }
0xe3: {  	v15 =	vld [tilespmem:s25+$0x2B10];
	[tilespmem:s21+$0x6710] =	vst v12;
	v10 =	vmax.f32 v6, $0.0e+00;
	v4 =	vadd.f32 v4, v9  }
0xe4: {  	v6 =	vld [tilespmem:s25+$0x2B20];
	[tilespmem:s21+$0x6720] =	vst v10;
	v9 =	vmax.f32 v5, $0.0e+00;
	v3 =	vadd.f32 v3, v8  }
0xe5: {  	v5 =	vld [tilespmem:s25+$0x2B30];
	[tilespmem:s21+$0x6730] =	vst v9;
	v8 =	vmax.f32 v4, $0.0e+00;
	v2 =	vadd.f32 v2, v7  }
0xe6: {  	v4 =	vld [tilespmem:s25+$0x2B40];
	[tilespmem:s21+$0x6740] =	vst v8;
	v7 =	vmax.f32 v3, $0.0e+00;
	v1 =	vadd.f32 v1, v11  }
0xe7: {  	v3 =	vld [tilespmem:s25+$0x2B50];
	[tilespmem:s21+$0x6750] =	vst v7;
	v7 =	vmax.f32 v2, $0.0e+00  }
0xe8: {  	v2 =	vld [tilespmem:s25+$0x2B60];
	[tilespmem:s21+$0x6760] =	vst v7;
	v7 =	vmax.f32 v1, $0.0e+00  }
0xe9: {  	v1 =	vld [tilespmem:s25+$0x2B70];
	[tilespmem:s21+$0x6770] =	vst v7;
	s21 =	smov.u32 s25  }
0xea: {  	v7 =	vld [tilespmem:s21+$0x6700]  }
0xeb: {  	v12 =	vld [tilespmem:s21+$0x6710]  }
.Ltmp5:
0xec: {  	v11 =	vld [tilespmem:s21+$0x6720];
	(pc) =	sbr.rel @p1 .LBB2_12-.Ltmp5, $4  }
0xed: {  	v10 =	vld [tilespmem:s21+$0x6730]  }
0xee: {  	v9 =	vld [tilespmem:s21+$0x6740]  }
0xef: {  	v13 =	vadd.f32 v14, v7;
	v8 =	vld [tilespmem:s21+$0x6750]  }
0xf0: {  	s24 =	sadd.s32 $0x200, s24;
	v12 =	vadd.f32 v15, v12;
	v7 =	vld [tilespmem:s21+$0x6760]  }
0xf1: {  	v13 =	vmax.f32 v13, $0.0e+00;
	v6 =	vadd.f32 v6, v11;
	v63 =	vld [tilespmem:s21+$0x6770]  }
0xf2: {  	[tilespmem:s21+$0x6700] =	vst v13;
	v12 =	vmax.f32 v12, $0.0e+00;
	v5 =	vadd.f32 v5, v10  }
0xf3: {  	[tilespmem:s21+$0x6710] =	vst v12;
	v6 =	vmax.f32 v6, $0.0e+00;
	v4 =	vadd.f32 v4, v9  }
0xf4: {  	[tilespmem:s21+$0x6720] =	vst v6;
	v5 =	vmax.f32 v5, $0.0e+00;
	v3 =	vadd.f32 v3, v8  }
0xf5: {  	[tilespmem:s21+$0x6730] =	vst v5;
	v4 =	vmax.f32 v4, $0.0e+00;
	v2 =	vadd.f32 v2, v7  }
0xf6: {  	[tilespmem:s21+$0x6740] =	vst v4;
	v3 =	vmax.f32 v3, $0.0e+00;
	v1 =	vadd.f32 v1, v63  }
0xf7: {  	[tilespmem:s21+$0x6750] =	vst v3;
	v2 =	vmax.f32 v2, $0.0e+00  }
0xf8: {  	[tilespmem:s21+$0x6760] =	vst v2;
	v1 =	vmax.f32 v1, $0.0e+00  }
0xf9: {  	[tilespmem:s21+$0x6770] =	vst v1  }
0xfa: {  	[spmem:s1] =	stream.indirect.scatter.add.f32 [tilespmem:s19], [sflag:$0x9], $0x80, s15, s29, $0xb8;
	[tilespmem:$0x1B380] =	vst v63  }
0xfb: {  	_ =	swait.ge [sflag:s28], $0x28  }
0xfc: {  	[sflag:s28] =	ssyncset.done $0x0  }
0xfd: {  	[sflag:s28] =	ssyncadd.s32 $0xFFFFFFD8  }
0xfe: {  	_ =	swait.ge [sflag:s28], $0x28  }
0xff: {  	p1 =	sgt.u32 s2, $0x51;
	[sflag:s28] =	ssyncset.done $0x0  }
0x100: {  	s26 =	simm.s32 $0x300;
	s21 =	simm.s32 @!p1 $0x8;
	[sflag:s28] =	ssyncadd.s32 $0xFFFFFFD8  }
0x101: {  	[tilespmem:s26], [sflag:$0x4] =	stream.indirect.gather [hbm4b:s4+s29], $0x80, s9, s29, $0xb8;
	[tilespmem:$0x1B380] =	vst v63  }
0x102: {  	_ =	swait.ge @!p1 [sflag:s21], $0x1400  }
0x103: {  	s13 =	sadd.s32 @!p1 s13, s18;
	[sflag:s21] =	ssyncset.done @!p1 $0x0  }
0x104: {  	[sflag:s21] =	ssyncadd.s32 @!p1 $0xFFFFEC00;
	s21 =	sshrl.u32 @!p1 s13, $0x3  }
0x105: {  	s25 =	simm.s32 @!p1 $0x0;
	s26 =	simm.s32 @!p1 $0x80;
	s24 =	sadd.s32 @!p1 s6, s21  }
0x106: {  	[tilespmem:s26], [sflag:$0x2] =	stream.linear.gather @!p1 [hbm4b:s24+s25], $0x28, $0x38;
	[tilespmem:$0x1B380] =	vst v63  }
0x107: {  	s13 =	sshll.u32 @!p1 s13, $0x4;
	s21 =	sadd.s32 @!p1 s7, s21;
	s24 =	simm.s32 @!p1 $0x200  }
0x108: {  	[tilespmem:s24], [sflag:$0x2] =	stream.linear.gather @!p1 [hbm4b:s21+s25], $0x28, $0x38;
	[tilespmem:$0x1B380] =	vst v63  }
0x109: {  	s2 =	sadd.s32 $0x1, s2;
	s13 =	sadd.s32 @!p1 s5, s13;
	s21 =	simm.s32 @!p1 $0x5300  }
0x10a: {  	[tilespmem:s21], [sflag:$0x5] =	stream.linear.gather @!p1 [hbm4b:s13+s25], $0x1400, $0x38;
	[tilespmem:$0x1B380] =	vst v63  }
0x10b: {  	p1 =	sne.s32 s2, $0x54  }
.Ltmp6:
0x10c: {  	_ = 	snop;
	(pc) =	sbr.rel @p1 .LBB2_6-.Ltmp6, $1  }
0x10d: {  	_ =	sdelay $0x3  }
.LBB2_14:
0x10e: {  	_ =	swait.ge [sflag:s0], $0x1400  }
0x10f: {  	[sflag:s0] =	ssyncset.done $0x0  }
0x110: {  	s2 =	simm.s32 $0x8;
	[sflag:s0] =	ssyncadd.s32 $0xFFFFEC00  }
0x111: {  	_ =	swait.ge [sflag:s2], $0x1400  }
0x112: {  	[sflag:s2] =	ssyncset.done $0x0  }
0x113: {  	s9 =	simm.s32 $0x9;
	[sflag:s2] =	ssyncadd.s32 $0xFFFFEC00  }
0x114: {  	_ =	swait.ge [sflag:s9], $0x1400  }
0x115: {  	s30 =	sadd.s32 $0x0, s3;
	[sflag:s9] =	ssyncset.done $0x0  }
0x116: {  	s21 =	smov.u32 s16;
	p1 =	sgt.u32 s30, $0xF9;
	[sflag:s9] =	ssyncadd.s32 $0xFFFFEC00  }
0x117: {  	p2 =	por !p0, p1;
	s2 =	simm.s32 @!p1 $0xA;
	[bflag:$0x0] =	sbarrier.arrive $0xFFFF  }
0x118: {  	s13 =	sshll.u32 @!p1 s3, $0x6;
	s2 =	simm.s32 @p2 $0xB;
	s9 =	rddreg [dreg:$0xb]  }
0x119: {  	s21 =	smov.u32 @p2 s8;
	s13 =	sadd.s32 @!p1 s2, s13;
	s25 =	rddreg [dreg:$0xc]  }
0x11a: {  	s13 =	sadd.s32 @!p1 $0x1C00, s13;
	s24 =	sshrl.u32 @!p1 s9, $0x3;
	s21 =	sadd.s32 @!p1 s25, s21  }
0x11b: {  	[hbm:s21], [sflag:s13] =	dma.local @!p1 [spmem:s24], $0x280  }
0x11c: {  	s13 =	simm.s32 $0x10;
	s21 =	smov.u32 s9;
	s24 =	smov.u32 s25  }
.LBB2_15:
0x11d: {  	s25 =	sadd.s32 s13, s3  }
0x11e: {  	s26 =	smov.u32 s2;
	p2 =	por p1, p1;
	s21 =	sadd.s32 $0x14000, s21  }
0x11f: {  	s24 =	sadd.s32 $0x2800, s24;
	s9 =	smov.u32 s16;
	p1 =	sgt.u32 s25, $0xF9  }
0x120: {  	s13 =	sadd.s32 $0x10, s13;
	s25 =	sshll.u32 @!p1 s3, $0x6;
	s30 =	sshrl.u32 @!p1 s21, $0x3  }
0x121: {  	s2 =	simm.s32 @!p1 $0xA;
	p3 =	por !p0, p1;
	_ =	swait.ge @!p2 [sflag:s26], $0x280  }
0x122: {  	s9 =	smov.u32 @p3 s8;
	s2 =	simm.s32 @p3 $0xB;
	[sflag:s26] =	ssyncset.done @!p2 $0x0  }
0x123: {  	[sflag:s26] =	ssyncadd.s32 @!p2 $0xFFFFFD80;
	p2 =	sne.s32 s13, $0x100  }
.Ltmp7:
0x124: {  	_ = 	snop;
	(pc) =	sbr.rel @p2 .LBB2_15-.Ltmp7, $4  }
0x125: {  	_ = 	snop  }
0x126: {  	s25 =	sadd.s32 @!p1 s2, s25  }
0x127: {  	s9 =	sadd.s32 @!p1 s24, s9;
	s25 =	sadd.s32 @!p1 $0x1C00, s25  }
0x128: {  	[hbm:s9], [sflag:s25] =	dma.local @!p1 [spmem:s30], $0x280  }
0x129: {  	p1 =	por p1, p1  }
0x12a: {  	_ =	swait.ge @!p1 [sflag:s2], $0x280  }
0x12b: {  	s13 =	rddreg [dreg:$0xd]  }
0x12c: {  	s9 =	rddreg [dreg:$0xa];
	s13 =	sadd.s32 $0x1, s13  }
0x12d: {  	p2 =	sne.s32 s13, s9  }
.Ltmp8:
0x12e: {  	_ = 	snop;
	(pc) =	sbr.rel @p2 .LBB2_1-.Ltmp8, $3  }
0x12f: {  	_ =	sdelay $0x1  }
0x130: {  	[sflag:s2] =	ssyncset.done @!p1 $0x0  }
0x131: {  	s30 =	rddreg [dreg:$0x9];
	[sflag:s2] =	ssyncadd.s32 @!p1 $0xFFFFFD80;
	s9 =	simm.s32 $0x0  }
0x132: {  	_ =	sfence.sel $0x180000  }
0x133: {  	[bflag:$0x0] =	sbarrier.arrive $0xFFFF  }
0x134: {  	_ =	strace $0x9000004A  }
0x135: {  	[bflag:$0x2] =	sbarrier.arrive $0xFFFF  }
0x136: {  	p0 =	sne.s32 s3, $0x0;
	s0 =	rddreg [dreg:$0x2]  }
0x137: {  	s0 =	sadd.s32 @!p0 $0x100000, s0  }
0x138: {  	[sflag:s0] =	ssyncadd.tile.s32 @!p0 $0x1;
	_ =	shalt  }
.Lfunc_end2:
_tile_overlayer_lowered:
.L_overlay_start_2:
0x139: {  	(tag) =	ssettag $0x2  }
0x13a: {  	s0 =	rddreg [dreg:$0x0];
	s2 =	stileid.u32  }
0x13b: {  	s1 =	rddreg [dreg:$0x1];
	p0 =	sne.s32 s2, $0x0  }
0x13c: {  	s3 =	rddreg [dreg:$0x2];
	[bflag:$0x3] =	sbarrier.arrive $0xFFFF;
	s2 =	simm.s32 @!p0 $0x1C0A  }
0x13d: {  	[timem:s3], [sflag:s2] =	dma.local @!p0 [hbm:s0], s1  }
0x13e: {  	s0 =	simm.s32 @!p0 $0xA  }
0x13f: {  	_ =	swait.ge @!p0 [sflag:s0], s1  }
0x140: {  	s1 =	ssub.s32 @!p0 $0x0, s1;
	[sflag:s0] =	ssyncset.done @!p0 $0x0  }
0x141: {  	[sflag:s0] =	ssyncadd.s32 @!p0 s1  }
0x142: {  	[bflag:$0x3] =	sbarrier.arrive $0xFFFF  }
0x143: {  	_ =	shalt  }

// kernel: kernel.16.cloned.1.call-start
scs
__scs_entry_jumppad:
0x0: {  	(pc) =	sbr.rel $0x88, $3  }
0x1: {  	(tag) =	ssettag $0x0;
	lr =	simm.s32 $0x1  }
0x2: {  	[smem:$0x3F76] =	sst lr;
	_ =	strace $0xD0000000  }
0x3: {  	_ = 	snop  }
0x4: {  	_ = 	snop  }
0x5: {  	_ = 	snop  }
0x6: {  	_ = 	snop  }
0x7: {  	_ = 	snop  }
__scs_overlays_trampoline_lowered:
0x8: {  	[smem:$0x3F85] =	sst s0  }
0x9: {  	[smem:$0x3F86] =	sst s1  }
0xa: {  	[smem:$0x3F87] =	sst s2  }
0xb: {  	[smem:$0x3F88] =	sst s3  }
0xc: {  	[smem:$0x3F89] =	sst s4  }
0xd: {  	[smem:$0x3F8A] =	sst s5  }
0xe: {  	[smem:$0x3F8B] =	sst s6  }
0xf: {  	[smem:$0x3F8C] =	sst s7  }
0x10: {  	[smem:$0x3F8D] =	sst s8  }
0x11: {  	[smem:$0x3F8E] =	sst s9;
	s0 =	simm.s32 @!p0 $0x0  }
0x12: {  	s1 =	sld [smem:$0x3F74];
	s0 =	simm.s32 @p0 $0x1  }
0x13: {  	[smem:$0x3F8F] =	sst s0;
	s0 =	simm.s32 @!p1 $0x0  }
0x14: {  	s2 =	sld [smem:$0x3F73];
	s0 =	simm.s32 @p1 $0x1  }
0x15: {  	[smem:$0x3F90] =	sst s0;
	s0 =	simm.s32 @!p2 $0x0  }
0x16: {  	s3 =	sld [smem:$0x3FDB];
	s0 =	simm.s32 @p2 $0x1  }
0x17: {  	s4 =	simm.s32 $0x1BF5;
	[smem:$0x3F92] =	sst s0  }
0x18: {  	s0 =	sld [smem:$0x3F75];
	_ =	swait.ge [sflag:s4], $0x0  }
0x19: {  	s7 =	sld [smem:$0x3F76]  }
0x1a: {  	s8 =	sadd.s32 $0xFFFFE003, lr  }
0x1b: {  	s9 =	sadd.s32 $0xFFFFFEF7, lr;
	s5 =	simm.s32 $0xFFFFFFFF;
	p2 =	slt.u32 s8, $0xFFFFF086  }
0x1c: {  	p1 =	slt.u32 s9, $0xF7A;
	s5 =	simm.s32 @!p2 $0x0  }
0x1d: {  	s5 =	simm.s32 @p1 $0x1;
	p0 =	seq.s32 s7, s2  }
0x1e: {  	s7 =	smul.u32 @!p0 $0xF7A, s2;
	p2 =	seq.s32 @!p0 s5, $0x0  }
0x1f: {  	s9 =	smul.u32 $0xF7A, s1;
	s8 =	simm.s32 @!p0 $0x1BF5;
	p2 =	por !p2, p0  }
0x20: {  	[sflag:s8] =	ssyncset.s32 @!p0 $0xFFFFF086;
	s6 =	sadd.s32 @!p0 s3, s7;
	s7 =	simm.s32 @!p0 $0x108  }
0x21: {  	s3 =	sadd.s32 s3, s9;
	s6 =	sadd.s32 @!p0 $0x88, s6;
	s7 =	simm.s32 @p2 $0x1082  }
0x22: {  	[simem:s7], [sflag:s8] =	dma.local @!p0 [hbm:s6], $0xF7A  }
0x23: {  	s9 =	sor.u32 $0xD0000000, s2;
	s6 =	simm.s32 $0x108;
	_ =	swait.ge @!p0 [sflag:s8], $0x0  }
0x24: {  	s3 =	sadd.s32 $0x88, s3;
	s6 =	simm.s32 @!p1 $0x1082;
	[sflag:s4] =	ssyncset.s32 $0xFFFFF086  }
0x25: {  	[simem:s6], [sflag:s4] =	dma.local [hbm:s3], $0xF7A  }
0x26: {  	[smem:$0x3F76] =	sst s1;
	(tag) =	ssettag s2;
	_ =	strace s9  }
0x27: {  	s1 =	sld [smem:$0x3F86]  }
0x28: {  	s2 =	sld [smem:$0x3F87]  }
0x29: {  	s4 =	sld [smem:$0x3F89]  }
0x2a: {  	p0 =	seq.s32 s5, $0x0;
	s5 =	sld [smem:$0x3F8A]  }
0x2b: {  	s6 =	sld [smem:$0x3F8B]  }
0x2c: {  	s7 =	sld [smem:$0x3F8C]  }
0x2d: {  	s3 =	simm.s32 $0x108;
	s8 =	sld [smem:$0x3F8D]  }
0x2e: {  	s3 =	simm.s32 @!p0 $0x1082;
	s9 =	sld [smem:$0x3F8E]  }
0x2f: {  	lr =	sadd.s32 s0, s3;
	s0 =	sld [smem:$0x3F85]  }
0x30: {  	s3 =	sld [smem:$0x3F88]  }
0x31: {  	[smem:$0x3F91] =	sst s10  }
0x32: {  	s10 =	sld [smem:$0x3F8F];
	_ =	sdelay $0x3  }
0x33: {  	p0 =	seq.s32 s10, $0x1;
	s10 =	sld [smem:$0x3F91];
	_ =	sdelay $0x3  }
0x34: {  	[smem:$0x3F91] =	sst s10  }
0x35: {  	s10 =	sld [smem:$0x3F90];
	_ =	sdelay $0x3  }
0x36: {  	p1 =	seq.s32 s10, $0x1;
	s10 =	sld [smem:$0x3F91];
	_ =	sdelay $0x3  }
0x37: {  	[smem:$0x3F91] =	sst s10  }
0x38: {  	s10 =	sld [smem:$0x3F92]  }
0x39: {  	_ = 	snop;
	(pc) =	sbr.ind lr, $3  }
0x3a: {  	_ = 	snop  }
0x3b: {  	_ = 	snop  }
0x3c: {  	p2 =	seq.s32 s10, $0x1;
	s10 =	sld [smem:$0x3F91]  }
0x3d: {  	_ =	shalt  }
0x3e: {  	_ =	shalt  }
0x3f: {  	_ =	shalt  }
0x40: {  	_ =	shalt  }
0x41: {  	_ =	shalt  }
0x42: {  	_ =	shalt  }
0x43: {  	_ =	shalt  }
0x44: {  	_ =	shalt  }
0x45: {  	_ =	shalt  }
0x46: {  	_ =	shalt  }
0x47: {  	_ =	shalt  }
0x48: {  	_ =	shalt  }
0x49: {  	_ =	shalt  }
0x4a: {  	_ =	shalt  }
0x4b: {  	_ =	shalt  }
0x4c: {  	_ =	shalt  }
0x4d: {  	_ =	shalt  }
0x4e: {  	_ =	shalt  }
0x4f: {  	_ =	shalt  }
0x50: {  	_ =	shalt  }
0x51: {  	_ =	shalt  }
0x52: {  	_ =	shalt  }
0x53: {  	_ =	shalt  }
0x54: {  	_ =	shalt  }
0x55: {  	_ =	shalt  }
0x56: {  	_ =	shalt  }
0x57: {  	_ =	shalt  }
0x58: {  	_ =	shalt  }
0x59: {  	_ =	shalt  }
0x5a: {  	_ =	shalt  }
0x5b: {  	_ =	shalt  }
0x5c: {  	_ =	shalt  }
0x5d: {  	_ =	shalt  }
0x5e: {  	_ =	shalt  }
0x5f: {  	_ =	shalt  }
0x60: {  	_ =	shalt  }
0x61: {  	_ =	shalt  }
0x62: {  	_ =	shalt  }
0x63: {  	_ =	shalt  }
0x64: {  	_ =	shalt  }
0x65: {  	_ =	shalt  }
0x66: {  	_ =	shalt  }
0x67: {  	_ =	shalt  }
0x68: {  	_ =	shalt  }
0x69: {  	_ =	shalt  }
0x6a: {  	_ =	shalt  }
0x6b: {  	_ =	shalt  }
0x6c: {  	_ =	shalt  }
0x6d: {  	_ =	shalt  }
0x6e: {  	_ =	shalt  }
0x6f: {  	_ =	shalt  }
0x70: {  	_ =	shalt  }
0x71: {  	_ =	shalt  }
0x72: {  	_ =	shalt  }
0x73: {  	_ =	shalt  }
0x74: {  	_ =	shalt  }
0x75: {  	_ =	shalt  }
0x76: {  	_ =	shalt  }
0x77: {  	_ =	shalt  }
0x78: {  	_ =	shalt  }
0x79: {  	_ =	shalt  }
0x7a: {  	_ =	shalt  }
0x7b: {  	_ =	shalt  }
0x7c: {  	_ =	shalt  }
0x7d: {  	_ =	shalt  }
0x7e: {  	_ =	shalt  }
0x7f: {  	_ =	shalt  }
0x80: {  	_ =	shalt  }
0x81: {  	_ =	shalt  }
0x82: {  	_ =	shalt  }
0x83: {  	_ =	shalt  }
0x84: {  	_ =	shalt  }
0x85: {  	_ =	shalt  }
0x86: {  	_ =	shalt  }
0x87: {  	_ =	shalt  }
.Lfunc_end0:
.L_simem_size_0:
called_computation.2_lowered:
.L_overlay_start_0:
0x88: {  	s2 =	sld [smem:$0x3FD9]  }
0x89: {  	s3 =	sld [smem:$0x3FFE];
	_ =	sdelay $0x1  }
0x8a: {  	s1 =	srdreg.scid  }
0x8b: {  	s0 =	sand.u32 $0x1, s1  }
0x8c: {  	s16 =	sshll.u32 s0, $0xA;
	s2 =	sadd.s32 s3, s2  }
0x8d: {  	s2 =	sadd.s32 s2, s16  }
0x8e: {  	[smem:$0x3F9D] =	sst s2  }
0x8f: {  	_ = 	snop  }
0x90: {  	(tm) =	ssettm $0x1  }
0x91: {  	s17 =	sld [smem:$0x3FFB];
	_ =	sdelay $0x3  }
0x92: {  	_ =	strace s17  }
0x93: {  	s2 =	sld [smem:$0x3FFC];
	_ =	sdelay $0x3  }
0x94: {  	_ =	strace s2  }
0x95: {  	s2 =	sld [smem:$0x3FFD];
	_ =	sdelay $0x3  }
0x96: {  	_ =	strace s2  }
0x97: {  	_ =	strace $0x8FFFFFFF  }
0x98: {  	s18 =	sld [smem:$0x3FDB];
	_ =	sdelay $0x1  }
0x99: {  	s19 =	simm.s32 $_scs_section_size  }
0x9a: {  	s4 =	simm.s32 $_size__tile_overlayer_lowered;
	s5 =	simm.s32 $_tile_overlayer_lowered  }
0x9b: {  	s22 =	simm.s32 $0x1BFF;
	s21 =	sshll.u32 s5, $0x1;
	s2 =	sadd.s32 s19, s18  }
0x9c: {  	s6 =	simm.s32 $0x0;
	s20 =	sshll.u32 s4, $0x1;
	s4 =	sadd.s32 s21, s2  }
0x9d: {  	[timem:s6], [sflag:s22] =	dma.local [hbm:s4], s20  }
0x9e: {  	_ =	swait.ge [sflag:s22], s20  }
0x9f: {  	s3 =	ssub.s32 $0x0, s20;
	[sflag:s22] =	ssyncset.done $0x0  }
0xa0: {  	[sflag:s22] =	ssyncadd.s32 s3;
	_ =	sdelay $0x1  }
0xa1: {  	s23 =	simm.s32 $0x1B8B  }
0xa2: {  	_ =	swait.ge [sflag:s23], $0x1  }
0xa3: {  	[sflag:s23] =	ssyncset.done $0x0  }
0xa4: {  	s25 =	simm.s32 $0x1B8E;
	s24 =	sld [smem:$0x3FFE];
	[sflag:s23] =	ssyncadd.s32 $0xFFFFFFFF  }
0xa5: {  	s26 =	simm.s32 $execute0_lowered;
	[smem:$0x3FD2] =	sst s25  }
0xa6: {  	s4 =	sshll.u32 s26, $0x1;
	_ =	strace $0x8000004C;
	[dreg:$0x1] =	wrdreg $0xFFFFFFFF  }
0xa7: {  	s28 =	simm.s32 $_size_execute0_lowered;
	s2 =	sadd.s32 s2, s4;
	[dreg:$0x0] =	wrdreg $0x0  }
0xa8: {  	s4 =	sshll.u32 s28, $0x1;
	[dreg:$0x2] =	wrdreg s2  }
0xa9: {  	[dreg:$0x3] =	wrdreg s4  }
0xaa: {  	[dreg:$0x4] =	wrdreg $0xC0  }
0xab: {  	_ =	task [dreg:s6], $0x5FFFF  }
0xac: {  	[dreg:$0x1] =	wrdreg $0xFFFFFFFF  }
0xad: {  	[dreg:$0x0] =	wrdreg $0x60  }
0xae: {  	[dreg:$0x2] =	wrdreg s24  }
0xaf: {  	[dreg:$0x3] =	wrdreg $0x7B000  }
0xb0: {  	[dreg:$0x4] =	wrdreg $0x9  }
0xb1: {  	_ =	task.clear_ibuf [dreg:s6], $0x5FFFF;
	_ =	strace $0x9000004C  }
0xb2: {  	s29 =	simm.s32 $0x9;
	_ =	strace $0x8000004E  }
0xb3: {  	_ =	swait.ge [sflag:s29], $0x1  }
0xb4: {  	[sflag:s29] =	ssyncadd.s32 $0xFFFFFFFF  }
0xb5: {  	_ =	strace $0x9000004E  }
0xb6: {  	_ =	sfence  }
0xb7: {  	s30 =	sld [smem:$0x0];
	_ =	sdelay $0x2  }
0xb8: {  	s31 =	sshll.u32 s1, $0xD;
	s1 =	sshrl.u32 s1, $0x2  }
0xb9: {  	s3 =	sand.u32 $0x4000, s31;
	s1 =	sadd.s32 s1, s30  }
0xba: {  	s0 =	sor.u32 s3, s0;
	s1 =	sshll.u32 s1, $0x11  }
0xbb: {  	s0 =	sor.u32 s1, s0  }
0xbc: {  	s0 =	sadd.s32 $0x8F2B, s0  }
0xbd: {  	[sflag:s0] =	ssyncadd.remote.s32 $0x1  }
0xbe: {  	_ =	sfence.sel $0xFFFF  }
0xbf: {  	[dreg:$0x0] =	wrdreg $0xFFFFFFFF;
	(pc) =	sbr.abs _section_cstart, $3  }
0xc0: {  	[dreg:$0x1] =	wrdreg $0xFFFFFFFF  }
0xc1: {  	_ =	task.clear_ibuf [dreg:s6], $0x2FFFF;
	_ =	strace $0x9FFFFFFF  }
0xc2: {  	(tm) =	ssettm $0x7FFFFFFF  }
0xc3: {  	_ =	shalt  }
tec
execute0_lowered:
.L_overlay_start_1:
0x0: {  	(tag) =	ssettag $0x1  }
0x1: {  	s0 =	rddreg [dreg:$0x0]  }
0x2: {  	s1 =	rddreg [dreg:$0x1];
	s9 =	simm.s32 $0x0;
	s2 =	srdreg.scid  }
0x3: {  	s3 =	stileid.u32;
	s28 =	simm.s32 $0x1;
	s29 =	simm.s32 $0x28  }
0x4: {  	s31 =	simm.s32 $0x4;
	[smem:$0x7FF] =	sst s9;
	s4 =	sadd.s32 $0x7400, s0  }
0x5: {  	s5 =	sadd.s32 $0xEC1000, s0;
	s2 =	sand.u32 $0x1, s2;
	s7 =	sshll.u32 s3, $0x1  }
0x6: {  	s6 =	sadd.s32 $0x4F3200, s0;
	s8 =	sadd.s32 $0x2E600, s0;
	s24 =	smul.u32 $0x5000, s3  }
0x7: {  	s16 =	sadd.s32 $0x55800, s0;
	s26 =	smul.u32 $0x280, s3;
	_ =	strace $0x8000004D  }
0x8: {  	s10 =	ssub.s32 $0x2, s2;
	s11 =	sor.u32 s2, s7;
	s7 =	sadd.s32 $0x4E9400, s0  }
0x9: {  	p0 =	seq.s32 s2, $0x1;
	s12 =	sshrl.u32 s10, $0x1;
	s13 =	smul.u32 $0x2710, s11  }
0xa: {  	s11 =	smul.u32 $0x27100, s11;
	s25 =	sshrl.u32 s24, $0x2;
	[dreg:$0xc] =	wrdreg s26  }
0xb: {  	s15 =	ssub.s32 s10, s12;
	s12 =	simm.s32 $0x2;
	s18 =	sshrl.u32 s13, $0x3  }
0xc: {  	s19 =	sadd.s32 $0x28, s13;
	s11 =	sadd.s32 s5, s11;
	s30 =	sadd.s32 $0x50, s13  }
0xd: {  	s17 =	sadd.s32 $0x78, s13;
	s0 =	smax.u32 s15, $0x1;
	s15 =	simm.s32 $0x280  }
0xe: {  	s14 =	sadd.s32 s6, s18;
	s10 =	sadd.s32 s7, s18;
	[dreg:$0x5] =	wrdreg s11  }
0xf: {  	s20 =	sshrl.u32 s19, $0x3;
	s22 =	sshll.u32 s19, $0x4;
	[dreg:$0xa] =	wrdreg s0  }
0x10: {  	s18 =	sadd.s32 $0xA0, s13;
	s0 =	sadd.s32 s25, s1;
	[dreg:$0x9] =	wrdreg s30  }
0x11: {  	s19 =	simm.s32 $0x6700;
	s11 =	simm.s32 $0x3;
	[dreg:$0x3] =	wrdreg s14  }
0x12: {  	s13 =	simm.s32 $0x0;
	[dreg:$0x4] =	wrdreg s10;
	s21 =	sadd.s32 s6, s20  }
0x13: {  	s10 =	sadd.s32 s7, s20;
	s23 =	sadd.s32 s5, s22;
	[dreg:$0xb] =	wrdreg s0  }
0x14: {  	s22 =	simm.s32 $0x180;
	s0 =	simm.s32 $0x7;
	[dreg:$0x6] =	wrdreg s21  }
0x15: {  	s14 =	simm.s32 $0x100;
	s20 =	simm.s32 $0x6;
	[dreg:$0x7] =	wrdreg s10  }
0x16: {  	v0 =	vimm.f32 $0.0e+00;
	[dreg:$0x8] =	wrdreg s23;
	s23 =	simm.s32 $0x3F00;
	s10 =	simm.s32 $0x5  }
.LBB2_1:
0x17: {  	[dreg:$0xd] =	wrdreg s13;
	s2 =	simm.s32 $0x0;
	s13 =	simm.s32 $0x200  }
.LBB2_2:
0x18: {  	p1 =	sne.s32 s13, $0x4E00;
	[tilespmem:s2+$0x370] =	vst v0  }
0x19: {  	[tilespmem:s2+$0x300] =	vst v0  }
0x1a: {  	[tilespmem:s2+$0x310] =	vst v0  }
.Ltmp0:
0x1b: {  	[tilespmem:s2+$0x320] =	vst v0;
	(pc) =	sbr.rel @p1 .LBB2_2-.Ltmp0, $4  }
0x1c: {  	[tilespmem:s2+$0x330] =	vst v0  }
0x1d: {  	[tilespmem:s2+$0x340] =	vst v0  }
0x1e: {  	[tilespmem:s2+$0x350] =	vst v0  }
0x1f: {  	[tilespmem:s2+$0x360] =	vst v0;
	s2 =	sshra.s32 s13, $0x2;
	s13 =	sadd.s32 $0x200, s13  }
0x20: {  	[tilespmem:s2+$0x370] =	vst v0  }
0x21: {  	[tilespmem:s2+$0x300] =	vst v0  }
0x22: {  	[tilespmem:s2+$0x310] =	vst v0  }
0x23: {  	[tilespmem:s2+$0x320] =	vst v0  }
0x24: {  	[tilespmem:s2+$0x330] =	vst v0  }
0x25: {  	[tilespmem:s2+$0x340] =	vst v0;
	s13 =	sadd.s32 $0x0, s3  }
0x26: {  	[tilespmem:s2+$0x350] =	vst v0;
	p1 =	sgt.u32 s13, $0xF9  }
0x27: {  	[tilespmem:s2+$0x360] =	vst v0;
	s25 =	rddreg [dreg:$0xb];
	s2 =	simm.s32 @!p1 $0x300;
	s24 =	simm.s32 @!p1 $0xA  }
0x28: {  	[spmem:s25] =	stream.linear.scatter @!p1 [tilespmem:s2], [sflag:$0xA], $0x1400, $0x38;
	[tilespmem:$0x1B380] =	vst v63  }
0x29: {  	s21 =	simm.s32 $0x20;
	_ =	swait.ge @!p1 [sflag:s24], $0x1400  }
0x2a: {  	s13 =	simm.s32 $0x10;
	s2 =	sadd.s32 $0x14000, s25;
	[sflag:s24] =	ssyncset.done @!p1 $0x0  }
.LBB2_4:
0x2b: {  	s25 =	sadd.s32 s13, s3;
	s13 =	smov.u32 s21;
	s21 =	sadd.s32 $0x10, s21  }
0x2c: {  	[sflag:s24] =	ssyncadd.s32 @!p1 $0xFFFFEC00;
	p2 =	sne.s32 s21, $0x100  }
.Ltmp1:
0x2d: {  	p1 =	sgt.u32 s25, $0xF9;
	(pc) =	sbr.rel @p2 .LBB2_4-.Ltmp1, $4  }
0x2e: {  	s25 =	simm.s32 @!p1 $0x300;
	s24 =	simm.s32 @!p1 $0xA  }
0x2f: {  	[spmem:s2] =	stream.linear.scatter @!p1 [tilespmem:s25], [sflag:$0xA], $0x1400, $0x38;
	[tilespmem:$0x1B380] =	vst v63  }
0x30: {  	_ =	swait.ge @!p1 [sflag:s24], $0x1400  }
0x31: {  	s2 =	sadd.s32 $0x14000, s2;
	[sflag:s24] =	ssyncset.done @!p1 $0x0  }
0x32: {  	s13 =	sadd.s32 s13, s3  }
0x33: {  	p2 =	sgt.u32 s13, $0xF9  }
0x34: {  	[sflag:s24] =	ssyncadd.s32 @!p1 $0xFFFFEC00;
	s13 =	simm.s32 @!p2 $0x300;
	s21 =	simm.s32 @!p2 $0xA  }
0x35: {  	[spmem:s2] =	stream.linear.scatter @!p2 [tilespmem:s13], [sflag:$0xA], $0x1400, $0x38;
	[tilespmem:$0x1B380] =	vst v63  }
0x36: {  	_ =	swait.ge @!p2 [sflag:s21], $0x1400  }
0x37: {  	[sflag:s21] =	ssyncset.done @!p2 $0x0  }
0x38: {  	[sflag:s21] =	ssyncadd.s32 @!p2 $0xFFFFEC00  }
0x39: {  	[bflag:$0x0] =	sbarrier.arrive $0xFFFF  }
0x3a: {  	s2 =	simm.s32 $0x0;
	s24 =	rddreg [dreg:$0x3]  }
0x3b: {  	[tilespmem:s2], [sflag:$0x1] =	stream.linear.gather [hbm4b:s24+s2], $0x28, $0x38;
	[tilespmem:$0x1B380] =	vst v63  }
0x3c: {  	s25 =	rddreg [dreg:$0x4]  }
0x3d: {  	[tilespmem:s22], [sflag:$0x1] =	stream.linear.gather [hbm4b:s25+s2], $0x28, $0x38;
	[tilespmem:$0x1B380] =	vst v63  }
0x3e: {  	s26 =	rddreg [dreg:$0x5]  }
0x3f: {  	[tilespmem:s23], [sflag:$0x4] =	stream.linear.gather [hbm4b:s26+s2], $0x1400, $0x38;
	[tilespmem:$0x1B380] =	vst v63  }
0x40: {  	s21 =	rddreg [dreg:$0x6];
	s24 =	simm.s32 $0x80  }
0x41: {  	[tilespmem:s24], [sflag:$0x2] =	stream.linear.gather [hbm4b:s21+s2], $0x28, $0x38;
	[tilespmem:$0x1B380] =	vst v63  }
0x42: {  	s25 =	rddreg [dreg:$0x7];
	s26 =	simm.s32 $0x200  }
0x43: {  	[tilespmem:s26], [sflag:$0x2] =	stream.linear.gather [hbm4b:s25+s2], $0x28, $0x38;
	[tilespmem:$0x1B380] =	vst v63  }
0x44: {  	s24 =	rddreg [dreg:$0x8];
	s25 =	simm.s32 $0x5300  }
0x45: {  	[tilespmem:s25], [sflag:$0x5] =	stream.linear.gather [hbm4b:s24+s2], $0x1400, $0x38;
	[tilespmem:$0x1B380] =	vst v63  }
0x46: {  	_ =	swait.ge [sflag:s28], $0x28  }
0x47: {  	[sflag:s28] =	ssyncset.done $0x0  }
0x48: {  	[sflag:s28] =	ssyncadd.s32 $0xFFFFFFD8  }
0x49: {  	_ =	swait.ge [sflag:s28], $0x28  }
0x4a: {  	[sflag:s28] =	ssyncset.done $0x0  }
0x4b: {  	s26 =	simm.s32 $0x300;
	[sflag:s28] =	ssyncadd.s32 $0xFFFFFFD8  }
0x4c: {  	[tilespmem:s26], [sflag:$0x4] =	stream.indirect.gather [hbm4b:s4+s29], $0x80, s2, s29, $0xb8;
	[tilespmem:$0x1B380] =	vst v63  }
.LBB2_6:
0x4d: {  	_ =	swait.ge [sflag:s31], $0x1400  }
0x4e: {  	[sflag:s31] =	ssyncset.done $0x0  }
0x4f: {  	[sflag:s31] =	ssyncadd.s32 $0xFFFFEC00  }
0x50: {  	_ =	swait.ge [sflag:s31], $0x1400  }
0x51: {  	[sflag:s31] =	ssyncset.done $0x0  }
0x52: {  	s13 =	simm.s32 $0x0;
	[sflag:s31] =	ssyncadd.s32 $0xFFFFEC00  }
0x53: {  	v7 =	vld [tilespmem:s13+$0x300]  }
0x54: {  	v12 =	vld [tilespmem:s13+$0x310]  }
0x55: {  	v6 =	vld [tilespmem:s13+$0x320]  }
0x56: {  	v5 =	vld [tilespmem:s13+$0x330]  }
0x57: {  	v4 =	vld [tilespmem:s13+$0x340]  }
0x58: {  	v3 =	vld [tilespmem:s13+$0x350]  }
0x59: {  	v2 =	vld [tilespmem:s13+$0x360]  }
0x5a: {  	v1 =	vld [tilespmem:s13+$0x370]  }
0x5b: {  	v13 =	vld [tilespmem:s13+$0x3F00]  }
0x5c: {  	v14 =	vld [tilespmem:s13+$0x3F10]  }
0x5d: {  	v11 =	vld [tilespmem:s13+$0x3F20]  }
0x5e: {  	v10 =	vld [tilespmem:s13+$0x3F30]  }
0x5f: {  	v9 =	vld [tilespmem:s13+$0x3F40]  }
0x60: {  	v8 =	vld [tilespmem:s13+$0x3F50];
	v13 =	vadd.f32 v7, v13  }
0x61: {  	s21 =	simm.s32 $0x200;
	v12 =	vadd.f32 v12, v14;
	v7 =	vld [tilespmem:s13+$0x3F60]  }
.LBB2_7:
0x62: {  	s24 =	sshra.s32 s21, $0x2;
	p1 =	sne.s32 s21, $0x4E00;
	v13 =	vmax.f32 v13, $0.0e+00;
	v6 =	vadd.f32 v6, v11;
	v11 =	vld [tilespmem:s13+$0x3F70]  }
0x63: {  	v14 =	vld [tilespmem:s24+$0x300];
	[tilespmem:s13+$0x3F00] =	vst v13;
	v12 =	vmax.f32 v12, $0.0e+00;
	v5 =	vadd.f32 v5, v10  }
0x64: {  	v15 =	vld [tilespmem:s24+$0x310];
	[tilespmem:s13+$0x3F10] =	vst v12;
	v10 =	vmax.f32 v6, $0.0e+00;
	v4 =	vadd.f32 v4, v9  }
0x65: {  	v6 =	vld [tilespmem:s24+$0x320];
	[tilespmem:s13+$0x3F20] =	vst v10;
	v9 =	vmax.f32 v5, $0.0e+00;
	v3 =	vadd.f32 v3, v8  }
0x66: {  	v5 =	vld [tilespmem:s24+$0x330];
	[tilespmem:s13+$0x3F30] =	vst v9;
	v8 =	vmax.f32 v4, $0.0e+00;
	v2 =	vadd.f32 v2, v7  }
0x67: {  	v4 =	vld [tilespmem:s24+$0x340];
	[tilespmem:s13+$0x3F40] =	vst v8;
	v7 =	vmax.f32 v3, $0.0e+00;
	v1 =	vadd.f32 v1, v11  }
0x68: {  	v3 =	vld [tilespmem:s24+$0x350];
	[tilespmem:s13+$0x3F50] =	vst v7;
	v7 =	vmax.f32 v2, $0.0e+00  }
0x69: {  	v2 =	vld [tilespmem:s24+$0x360];
	[tilespmem:s13+$0x3F60] =	vst v7;
	v7 =	vmax.f32 v1, $0.0e+00  }
0x6a: {  	v1 =	vld [tilespmem:s24+$0x370];
	[tilespmem:s13+$0x3F70] =	vst v7;
	s13 =	smov.u32 s24  }
0x6b: {  	v7 =	vld [tilespmem:s13+$0x3F00]  }
0x6c: {  	v12 =	vld [tilespmem:s13+$0x3F10]  }
.Ltmp2:
0x6d: {  	v11 =	vld [tilespmem:s13+$0x3F20];
	(pc) =	sbr.rel @p1 .LBB2_7-.Ltmp2, $4  }
0x6e: {  	v10 =	vld [tilespmem:s13+$0x3F30]  }
0x6f: {  	v9 =	vld [tilespmem:s13+$0x3F40]  }
0x70: {  	v13 =	vadd.f32 v14, v7;
	v8 =	vld [tilespmem:s13+$0x3F50]  }
0x71: {  	s21 =	sadd.s32 $0x200, s21;
	v12 =	vadd.f32 v15, v12;
	v7 =	vld [tilespmem:s13+$0x3F60]  }
0x72: {  	v13 =	vmax.f32 v13, $0.0e+00;
	v6 =	vadd.f32 v6, v11;
	v63 =	vld [tilespmem:s13+$0x3F70]  }
0x73: {  	[tilespmem:s13+$0x3F00] =	vst v13;
	v12 =	vmax.f32 v12, $0.0e+00;
	v5 =	vadd.f32 v5, v10  }
0x74: {  	[tilespmem:s13+$0x3F10] =	vst v12;
	v6 =	vmax.f32 v6, $0.0e+00;
	v4 =	vadd.f32 v4, v9  }
0x75: {  	[tilespmem:s13+$0x3F20] =	vst v6;
	v5 =	vmax.f32 v5, $0.0e+00;
	v3 =	vadd.f32 v3, v8  }
0x76: {  	p1 =	seq.s32 s2, $0x53;
	[tilespmem:s13+$0x3F30] =	vst v5;
	v4 =	vmax.f32 v4, $0.0e+00;
	v2 =	vadd.f32 v2, v7  }
.Ltmp3:
0x77: {  	[tilespmem:s13+$0x3F40] =	vst v4;
	v3 =	vmax.f32 v3, $0.0e+00;
	v1 =	vadd.f32 v1, v63;
	(pc) =	sbr.rel @p1 .LBB2_14-.Ltmp3, $4  }
0x78: {  	[tilespmem:s13+$0x3F50] =	vst v3;
	v2 =	vmax.f32 v2, $0.0e+00  }
0x79: {  	[tilespmem:s13+$0x3F60] =	vst v2;
	v1 =	vmax.f32 v1, $0.0e+00  }
0x7a: {  	[tilespmem:s13+$0x3F70] =	vst v1  }
0x7b: {  	[spmem:s1] =	stream.indirect.scatter.add.f32 [tilespmem:s23], [sflag:$0x7], $0x80, s22, s29, $0xb8;
	[tilespmem:$0x1B380] =	vst v63  }
0x7c: {  	_ =	swait.ge [sflag:s12], $0x28  }
0x7d: {  	[sflag:s12] =	ssyncset.done $0x0  }
0x7e: {  	[sflag:s12] =	ssyncadd.s32 $0xFFFFFFD8  }
0x7f: {  	_ =	swait.ge [sflag:s12], $0x28  }
0x80: {  	[sflag:s12] =	ssyncset.done $0x0  }
0x81: {  	s13 =	simm.s32 $0x80;
	s21 =	simm.s32 $0x1700;
	[sflag:s12] =	ssyncadd.s32 $0xFFFFFFD8  }
0x82: {  	[tilespmem:s21], [sflag:$0x5] =	stream.indirect.gather [hbm4b:s4+s29], $0x80, s13, s29, $0xb8;
	[tilespmem:$0x1B380] =	vst v63  }
0x83: {  	p1 =	seq.s32 s2, $0x0;
	s13 =	smul.u32 $0x78, s2  }
0x84: {  	s21 =	simm.s32 @!p1 $0x9  }
0x85: {  	_ =	swait.ge @!p1 [sflag:s21], $0x1400;
	s24 =	sadd.s32 s13, s30  }
0x86: {  	[sflag:s21] =	ssyncset.done @!p1 $0x0;
	s25 =	sshrl.u32 s24, $0x3  }
0x87: {  	s26 =	simm.s32 $0x0;
	[sflag:s21] =	ssyncadd.s32 @!p1 $0xFFFFEC00;
	s21 =	sadd.s32 s6, s25  }
0x88: {  	[tilespmem:s14], [sflag:$0x3] =	stream.linear.gather [hbm4b:s21+s26], $0x28, $0x38;
	[tilespmem:$0x1B380] =	vst v63  }
0x89: {  	s25 =	sadd.s32 s7, s25  }
0x8a: {  	[tilespmem:s15], [sflag:$0x3] =	stream.linear.gather [hbm4b:s25+s26], $0x28, $0x38;
	[tilespmem:$0x1B380] =	vst v63  }
0x8b: {  	s25 =	sshll.u32 s24, $0x4  }
0x8c: {  	s21 =	sadd.s32 s5, s25  }
0x8d: {  	[tilespmem:s19], [sflag:$0x6] =	stream.linear.gather [hbm4b:s21+s26], $0x1400, $0x38;
	[tilespmem:$0x1B380] =	vst v63  }
0x8e: {  	_ =	swait.ge [sflag:s10], $0x1400  }
0x8f: {  	[sflag:s10] =	ssyncset.done $0x0  }
0x90: {  	[sflag:s10] =	ssyncadd.s32 $0xFFFFEC00  }
0x91: {  	_ =	swait.ge [sflag:s10], $0x1400  }
0x92: {  	[sflag:s10] =	ssyncset.done $0x0  }
0x93: {  	s21 =	simm.s32 $0x0;
	[sflag:s10] =	ssyncadd.s32 $0xFFFFEC00  }
0x94: {  	v7 =	vld [tilespmem:s21+$0x1700]  }
0x95: {  	v12 =	vld [tilespmem:s21+$0x1710]  }
0x96: {  	v6 =	vld [tilespmem:s21+$0x1720]  }
0x97: {  	v5 =	vld [tilespmem:s21+$0x1730]  }
0x98: {  	v4 =	vld [tilespmem:s21+$0x1740]  }
0x99: {  	v3 =	vld [tilespmem:s21+$0x1750]  }
0x9a: {  	v2 =	vld [tilespmem:s21+$0x1760]  }
0x9b: {  	v1 =	vld [tilespmem:s21+$0x1770]  }
0x9c: {  	v13 =	vld [tilespmem:s21+$0x5300]  }
0x9d: {  	v14 =	vld [tilespmem:s21+$0x5310]  }
0x9e: {  	v11 =	vld [tilespmem:s21+$0x5320]  }
0x9f: {  	v10 =	vld [tilespmem:s21+$0x5330]  }
0xa0: {  	v9 =	vld [tilespmem:s21+$0x5340]  }
0xa1: {  	v8 =	vld [tilespmem:s21+$0x5350];
	v13 =	vadd.f32 v7, v13  }
0xa2: {  	s24 =	simm.s32 $0x200;
	v12 =	vadd.f32 v12, v14;
	v7 =	vld [tilespmem:s21+$0x5360]  }
.LBB2_10:
0xa3: {  	s25 =	sshra.s32 s24, $0x2;
	p1 =	sne.s32 s24, $0x4E00;
	v13 =	vmax.f32 v13, $0.0e+00;
	v6 =	vadd.f32 v6, v11;
	v11 =	vld [tilespmem:s21+$0x5370]  }
0xa4: {  	v14 =	vld [tilespmem:s25+$0x1700];
	[tilespmem:s21+$0x5300] =	vst v13;
	v12 =	vmax.f32 v12, $0.0e+00;
	v5 =	vadd.f32 v5, v10  }
0xa5: {  	v15 =	vld [tilespmem:s25+$0x1710];
	[tilespmem:s21+$0x5310] =	vst v12;
	v10 =	vmax.f32 v6, $0.0e+00;
	v4 =	vadd.f32 v4, v9  }
0xa6: {  	v6 =	vld [tilespmem:s25+$0x1720];
	[tilespmem:s21+$0x5320] =	vst v10;
	v9 =	vmax.f32 v5, $0.0e+00;
	v3 =	vadd.f32 v3, v8  }
0xa7: {  	v5 =	vld [tilespmem:s25+$0x1730];
	[tilespmem:s21+$0x5330] =	vst v9;
	v8 =	vmax.f32 v4, $0.0e+00;
	v2 =	vadd.f32 v2, v7  }
0xa8: {  	v4 =	vld [tilespmem:s25+$0x1740];
	[tilespmem:s21+$0x5340] =	vst v8;
	v7 =	vmax.f32 v3, $0.0e+00;
	v1 =	vadd.f32 v1, v11  }
0xa9: {  	v3 =	vld [tilespmem:s25+$0x1750];
	[tilespmem:s21+$0x5350] =	vst v7;
	v7 =	vmax.f32 v2, $0.0e+00  }
0xaa: {  	v2 =	vld [tilespmem:s25+$0x1760];
	[tilespmem:s21+$0x5360] =	vst v7;
	v7 =	vmax.f32 v1, $0.0e+00  }
0xab: {  	v1 =	vld [tilespmem:s25+$0x1770];
	[tilespmem:s21+$0x5370] =	vst v7;
	s21 =	smov.u32 s25  }
0xac: {  	v7 =	vld [tilespmem:s21+$0x5300]  }
0xad: {  	v12 =	vld [tilespmem:s21+$0x5310]  }
.Ltmp4:
0xae: {  	v11 =	vld [tilespmem:s21+$0x5320];
	(pc) =	sbr.rel @p1 .LBB2_10-.Ltmp4, $4  }
0xaf: {  	v10 =	vld [tilespmem:s21+$0x5330]  }
0xb0: {  	v9 =	vld [tilespmem:s21+$0x5340]  }
0xb1: {  	v13 =	vadd.f32 v14, v7;
	v8 =	vld [tilespmem:s21+$0x5350]  }
0xb2: {  	s24 =	sadd.s32 $0x200, s24;
	v12 =	vadd.f32 v15, v12;
	v7 =	vld [tilespmem:s21+$0x5360]  }
0xb3: {  	v13 =	vmax.f32 v13, $0.0e+00;
	v6 =	vadd.f32 v6, v11;
	v11 =	vld [tilespmem:s21+$0x5370]  }
0xb4: {  	[tilespmem:s21+$0x5300] =	vst v13;
	v12 =	vmax.f32 v12, $0.0e+00;
	v5 =	vadd.f32 v5, v10  }
0xb5: {  	[tilespmem:s21+$0x5310] =	vst v12;
	v6 =	vmax.f32 v6, $0.0e+00;
	v4 =	vadd.f32 v4, v9  }
0xb6: {  	[tilespmem:s21+$0x5320] =	vst v6;
	v5 =	vmax.f32 v5, $0.0e+00;
	v3 =	vadd.f32 v3, v8  }
0xb7: {  	[tilespmem:s21+$0x5330] =	vst v5;
	v4 =	vmax.f32 v4, $0.0e+00;
	v2 =	vadd.f32 v2, v7  }
0xb8: {  	[tilespmem:s21+$0x5340] =	vst v4;
	v3 =	vmax.f32 v3, $0.0e+00;
	v1 =	vadd.f32 v1, v11  }
0xb9: {  	[tilespmem:s21+$0x5350] =	vst v3;
	v2 =	vmax.f32 v2, $0.0e+00  }
0xba: {  	[tilespmem:s21+$0x5360] =	vst v2;
	v1 =	vmax.f32 v1, $0.0e+00  }
0xbb: {  	s25 =	simm.s32 $0x200;
	s24 =	simm.s32 $0x5300;
	[tilespmem:s21+$0x5370] =	vst v1  }
0xbc: {  	[spmem:s1] =	stream.indirect.scatter.add.f32 [tilespmem:s24], [sflag:$0x8], $0x80, s25, s29, $0xb8;
	[tilespmem:$0x1B380] =	vst v63  }
0xbd: {  	_ =	swait.ge [sflag:s11], $0x28  }
0xbe: {  	[sflag:s11] =	ssyncset.done $0x0  }
0xbf: {  	[sflag:s11] =	ssyncadd.s32 $0xFFFFFFD8  }
0xc0: {  	_ =	swait.ge [sflag:s11], $0x28  }
0xc1: {  	[sflag:s11] =	ssyncset.done $0x0  }
0xc2: {  	s26 =	simm.s32 $0x2B00;
	[sflag:s11] =	ssyncadd.s32 $0xFFFFFFD8  }
0xc3: {  	[tilespmem:s26], [sflag:$0x6] =	stream.indirect.gather [hbm4b:s4+s29], $0x80, s14, s29, $0xb8;
	[tilespmem:$0x1B380] =	vst v63  }
0xc4: {  	s21 =	sadd.s32 s13, s17;
	_ =	swait.ge [sflag:s0], $0x1400  }
0xc5: {  	s24 =	sshrl.u32 s21, $0x3;
	[sflag:s0] =	ssyncset.done $0x0  }
0xc6: {  	s25 =	sadd.s32 s6, s24;
	s26 =	simm.s32 $0x0;
	[sflag:s0] =	ssyncadd.s32 $0xFFFFEC00  }
0xc7: {  	[tilespmem:s26], [sflag:$0x1] =	stream.linear.gather [hbm4b:s25+s26], $0x28, $0x38;
	[tilespmem:$0x1B380] =	vst v63  }
0xc8: {  	s21 =	sshll.u32 s21, $0x4;
	s24 =	sadd.s32 s7, s24  }
0xc9: {  	[tilespmem:s22], [sflag:$0x1] =	stream.linear.gather [hbm4b:s24+s26], $0x28, $0x38;
	[tilespmem:$0x1B380] =	vst v63  }
0xca: {  	s21 =	sadd.s32 s5, s21  }
0xcb: {  	[tilespmem:s23], [sflag:$0x4] =	stream.linear.gather [hbm4b:s21+s26], $0x1400, $0x38;
	[tilespmem:$0x1B380] =	vst v63  }
0xcc: {  	_ =	swait.ge [sflag:s20], $0x1400  }
0xcd: {  	[sflag:s20] =	ssyncset.done $0x0  }
0xce: {  	[sflag:s20] =	ssyncadd.s32 $0xFFFFEC00  }
0xcf: {  	_ =	swait.ge [sflag:s20], $0x1400  }
0xd0: {  	[sflag:s20] =	ssyncset.done $0x0  }
0xd1: {  	s21 =	simm.s32 $0x0;
	[sflag:s20] =	ssyncadd.s32 $0xFFFFEC00  }
0xd2: {  	v7 =	vld [tilespmem:s21+$0x2B00]  }
0xd3: {  	v12 =	vld [tilespmem:s21+$0x2B10]  }
0xd4: {  	v6 =	vld [tilespmem:s21+$0x2B20]  }
0xd5: {  	v5 =	vld [tilespmem:s21+$0x2B30]  }
0xd6: {  	v4 =	vld [tilespmem:s21+$0x2B40]  }
0xd7: {  	v3 =	vld [tilespmem:s21+$0x2B50]  }
0xd8: {  	v2 =	vld [tilespmem:s21+$0x2B60]  }
0xd9: {  	v1 =	vld [tilespmem:s21+$0x2B70]  }
0xda: {  	v13 =	vld [tilespmem:s21+$0x6700]  }
0xdb: {  	v14 =	vld [tilespmem:s21+$0x6710]  }
0xdc: {  	v11 =	vld [tilespmem:s21+$0x6720]  }
0xdd: {  	v10 =	vld [tilespmem:s21+$0x6730]  }
0xde: {  	v9 =	vld [tilespmem:s21+$0x6740]  }
0xdf: {  	v8 =	vld [tilespmem:s21+$0x6750];
	v13 =	vadd.f32 v7, v13  }
0xe0: {  	s24 =	simm.s32 $0x200;
	v12 =	vadd.f32 v12, v14;
	v7 =	vld [tilespmem:s21+$0x6760]  }
.LBB2_12:
0xe1: {  	s25 =	sshra.s32 s24, $0x2;
	p1 =	sne.s32 s24, $0x4E00;
	v13 =	vmax.f32 v13, $0.0e+00;
	v6 =	vadd.f32 v6, v11;
	v11 =	vld [tilespmem:s21+$0x6770]  }
0xe2: {  	v14 =	vld [tilespmem:s25+$0x2B00];
	[tilespmem:s21+$0x6700] =	vst v13;
	v12 =	vmax.f32 v12, $0.0e+00;
	v5 =	vadd.f32 v5, v10  }
0xe3: {  	v15 =	vld [tilespmem:s25+$0x2B10];
	[tilespmem:s21+$0x6710] =	vst v12;
	v10 =	vmax.f32 v6, $0.0e+00;
	v4 =	vadd.f32 v4, v9  }
0xe4: {  	v6 =	vld [tilespmem:s25+$0x2B20];
	[tilespmem:s21+$0x6720] =	vst v10;
	v9 =	vmax.f32 v5, $0.0e+00;
	v3 =	vadd.f32 v3, v8  }
0xe5: {  	v5 =	vld [tilespmem:s25+$0x2B30];
	[tilespmem:s21+$0x6730] =	vst v9;
	v8 =	vmax.f32 v4, $0.0e+00;
	v2 =	vadd.f32 v2, v7  }
0xe6: {  	v4 =	vld [tilespmem:s25+$0x2B40];
	[tilespmem:s21+$0x6740] =	vst v8;
	v7 =	vmax.f32 v3, $0.0e+00;
	v1 =	vadd.f32 v1, v11  }
0xe7: {  	v3 =	vld [tilespmem:s25+$0x2B50];
	[tilespmem:s21+$0x6750] =	vst v7;
	v7 =	vmax.f32 v2, $0.0e+00  }
0xe8: {  	v2 =	vld [tilespmem:s25+$0x2B60];
	[tilespmem:s21+$0x6760] =	vst v7;
	v7 =	vmax.f32 v1, $0.0e+00  }
0xe9: {  	v1 =	vld [tilespmem:s25+$0x2B70];
	[tilespmem:s21+$0x6770] =	vst v7;
	s21 =	smov.u32 s25  }
0xea: {  	v7 =	vld [tilespmem:s21+$0x6700]  }
0xeb: {  	v12 =	vld [tilespmem:s21+$0x6710]  }
.Ltmp5:
0xec: {  	v11 =	vld [tilespmem:s21+$0x6720];
	(pc) =	sbr.rel @p1 .LBB2_12-.Ltmp5, $4  }
0xed: {  	v10 =	vld [tilespmem:s21+$0x6730]  }
0xee: {  	v9 =	vld [tilespmem:s21+$0x6740]  }
0xef: {  	v13 =	vadd.f32 v14, v7;
	v8 =	vld [tilespmem:s21+$0x6750]  }
0xf0: {  	s24 =	sadd.s32 $0x200, s24;
	v12 =	vadd.f32 v15, v12;
	v7 =	vld [tilespmem:s21+$0x6760]  }
0xf1: {  	v13 =	vmax.f32 v13, $0.0e+00;
	v6 =	vadd.f32 v6, v11;
	v63 =	vld [tilespmem:s21+$0x6770]  }
0xf2: {  	[tilespmem:s21+$0x6700] =	vst v13;
	v12 =	vmax.f32 v12, $0.0e+00;
	v5 =	vadd.f32 v5, v10  }
0xf3: {  	[tilespmem:s21+$0x6710] =	vst v12;
	v6 =	vmax.f32 v6, $0.0e+00;
	v4 =	vadd.f32 v4, v9  }
0xf4: {  	[tilespmem:s21+$0x6720] =	vst v6;
	v5 =	vmax.f32 v5, $0.0e+00;
	v3 =	vadd.f32 v3, v8  }
0xf5: {  	[tilespmem:s21+$0x6730] =	vst v5;
	v4 =	vmax.f32 v4, $0.0e+00;
	v2 =	vadd.f32 v2, v7  }
0xf6: {  	[tilespmem:s21+$0x6740] =	vst v4;
	v3 =	vmax.f32 v3, $0.0e+00;
	v1 =	vadd.f32 v1, v63  }
0xf7: {  	[tilespmem:s21+$0x6750] =	vst v3;
	v2 =	vmax.f32 v2, $0.0e+00  }
0xf8: {  	[tilespmem:s21+$0x6760] =	vst v2;
	v1 =	vmax.f32 v1, $0.0e+00  }
0xf9: {  	[tilespmem:s21+$0x6770] =	vst v1  }
0xfa: {  	[spmem:s1] =	stream.indirect.scatter.add.f32 [tilespmem:s19], [sflag:$0x9], $0x80, s15, s29, $0xb8;
	[tilespmem:$0x1B380] =	vst v63  }
0xfb: {  	_ =	swait.ge [sflag:s28], $0x28  }
0xfc: {  	[sflag:s28] =	ssyncset.done $0x0  }
0xfd: {  	[sflag:s28] =	ssyncadd.s32 $0xFFFFFFD8  }
0xfe: {  	_ =	swait.ge [sflag:s28], $0x28  }
0xff: {  	p1 =	sgt.u32 s2, $0x51;
	[sflag:s28] =	ssyncset.done $0x0  }
0x100: {  	s26 =	simm.s32 $0x300;
	s21 =	simm.s32 @!p1 $0x8;
	[sflag:s28] =	ssyncadd.s32 $0xFFFFFFD8  }
0x101: {  	[tilespmem:s26], [sflag:$0x4] =	stream.indirect.gather [hbm4b:s4+s29], $0x80, s9, s29, $0xb8;
	[tilespmem:$0x1B380] =	vst v63  }
0x102: {  	_ =	swait.ge @!p1 [sflag:s21], $0x1400  }
0x103: {  	s13 =	sadd.s32 @!p1 s13, s18;
	[sflag:s21] =	ssyncset.done @!p1 $0x0  }
0x104: {  	[sflag:s21] =	ssyncadd.s32 @!p1 $0xFFFFEC00;
	s21 =	sshrl.u32 @!p1 s13, $0x3  }
0x105: {  	s25 =	simm.s32 @!p1 $0x0;
	s26 =	simm.s32 @!p1 $0x80;
	s24 =	sadd.s32 @!p1 s6, s21  }
0x106: {  	[tilespmem:s26], [sflag:$0x2] =	stream.linear.gather @!p1 [hbm4b:s24+s25], $0x28, $0x38;
	[tilespmem:$0x1B380] =	vst v63  }
0x107: {  	s13 =	sshll.u32 @!p1 s13, $0x4;
	s21 =	sadd.s32 @!p1 s7, s21;
	s24 =	simm.s32 @!p1 $0x200  }
0x108: {  	[tilespmem:s24], [sflag:$0x2] =	stream.linear.gather @!p1 [hbm4b:s21+s25], $0x28, $0x38;
	[tilespmem:$0x1B380] =	vst v63  }
0x109: {  	s2 =	sadd.s32 $0x1, s2;
	s13 =	sadd.s32 @!p1 s5, s13;
	s21 =	simm.s32 @!p1 $0x5300  }
0x10a: {  	[tilespmem:s21], [sflag:$0x5] =	stream.linear.gather @!p1 [hbm4b:s13+s25], $0x1400, $0x38;
	[tilespmem:$0x1B380] =	vst v63  }
0x10b: {  	p1 =	sne.s32 s2, $0x54  }
.Ltmp6:
0x10c: {  	_ = 	snop;
	(pc) =	sbr.rel @p1 .LBB2_6-.Ltmp6, $1  }
0x10d: {  	_ =	sdelay $0x3  }
.LBB2_14:
0x10e: {  	_ =	swait.ge [sflag:s0], $0x1400  }
0x10f: {  	[sflag:s0] =	ssyncset.done $0x0  }
0x110: {  	s2 =	simm.s32 $0x8;
	[sflag:s0] =	ssyncadd.s32 $0xFFFFEC00  }
0x111: {  	_ =	swait.ge [sflag:s2], $0x1400  }
0x112: {  	[sflag:s2] =	ssyncset.done $0x0  }
0x113: {  	s9 =	simm.s32 $0x9;
	[sflag:s2] =	ssyncadd.s32 $0xFFFFEC00  }
0x114: {  	_ =	swait.ge [sflag:s9], $0x1400  }
0x115: {  	s30 =	sadd.s32 $0x0, s3;
	[sflag:s9] =	ssyncset.done $0x0  }
0x116: {  	s21 =	smov.u32 s16;
	p1 =	sgt.u32 s30, $0xF9;
	[sflag:s9] =	ssyncadd.s32 $0xFFFFEC00  }
0x117: {  	p2 =	por !p0, p1;
	s2 =	simm.s32 @!p1 $0xA;
	[bflag:$0x0] =	sbarrier.arrive $0xFFFF  }
0x118: {  	s13 =	sshll.u32 @!p1 s3, $0x6;
	s2 =	simm.s32 @p2 $0xB;
	s9 =	rddreg [dreg:$0xb]  }
0x119: {  	s21 =	smov.u32 @p2 s8;
	s13 =	sadd.s32 @!p1 s2, s13;
	s25 =	rddreg [dreg:$0xc]  }
0x11a: {  	s13 =	sadd.s32 @!p1 $0x1C00, s13;
	s24 =	sshrl.u32 @!p1 s9, $0x3;
	s21 =	sadd.s32 @!p1 s25, s21  }
0x11b: {  	[hbm:s21], [sflag:s13] =	dma.local @!p1 [spmem:s24], $0x280  }
0x11c: {  	s13 =	simm.s32 $0x10;
	s21 =	smov.u32 s9;
	s24 =	smov.u32 s25  }
.LBB2_15:
0x11d: {  	s25 =	sadd.s32 s13, s3  }
0x11e: {  	s26 =	smov.u32 s2;
	p2 =	por p1, p1;
	s21 =	sadd.s32 $0x14000, s21  }
0x11f: {  	s24 =	sadd.s32 $0x2800, s24;
	s9 =	smov.u32 s16;
	p1 =	sgt.u32 s25, $0xF9  }
0x120: {  	s13 =	sadd.s32 $0x10, s13;
	s25 =	sshll.u32 @!p1 s3, $0x6;
	s30 =	sshrl.u32 @!p1 s21, $0x3  }
0x121: {  	s2 =	simm.s32 @!p1 $0xA;
	p3 =	por !p0, p1;
	_ =	swait.ge @!p2 [sflag:s26], $0x280  }
0x122: {  	s9 =	smov.u32 @p3 s8;
	s2 =	simm.s32 @p3 $0xB;
	[sflag:s26] =	ssyncset.done @!p2 $0x0  }
0x123: {  	[sflag:s26] =	ssyncadd.s32 @!p2 $0xFFFFFD80;
	p2 =	sne.s32 s13, $0x100  }
.Ltmp7:
0x124: {  	_ = 	snop;
	(pc) =	sbr.rel @p2 .LBB2_15-.Ltmp7, $4  }
0x125: {  	_ = 	snop  }
0x126: {  	s25 =	sadd.s32 @!p1 s2, s25  }
0x127: {  	s9 =	sadd.s32 @!p1 s24, s9;
	s25 =	sadd.s32 @!p1 $0x1C00, s25  }
0x128: {  	[hbm:s9], [sflag:s25] =	dma.local @!p1 [spmem:s30], $0x280  }
0x129: {  	p1 =	por p1, p1  }
0x12a: {  	_ =	swait.ge @!p1 [sflag:s2], $0x280  }
0x12b: {  	s13 =	rddreg [dreg:$0xd]  }
0x12c: {  	s9 =	rddreg [dreg:$0xa];
	s13 =	sadd.s32 $0x1, s13  }
0x12d: {  	p2 =	sne.s32 s13, s9  }
.Ltmp8:
0x12e: {  	_ = 	snop;
	(pc) =	sbr.rel @p2 .LBB2_1-.Ltmp8, $3  }
0x12f: {  	_ =	sdelay $0x1  }
0x130: {  	[sflag:s2] =	ssyncset.done @!p1 $0x0  }
0x131: {  	s30 =	rddreg [dreg:$0x9];
	[sflag:s2] =	ssyncadd.s32 @!p1 $0xFFFFFD80;
	s9 =	simm.s32 $0x0  }
0x132: {  	_ =	sfence.sel $0x180000  }
0x133: {  	[bflag:$0x0] =	sbarrier.arrive $0xFFFF  }
0x134: {  	_ =	strace $0x9000004D  }
0x135: {  	[bflag:$0x2] =	sbarrier.arrive $0xFFFF  }
0x136: {  	p0 =	sne.s32 s3, $0x0;
	s0 =	rddreg [dreg:$0x2]  }
0x137: {  	s0 =	sadd.s32 @!p0 $0x100000, s0  }
0x138: {  	[sflag:s0] =	ssyncadd.tile.s32 @!p0 $0x1;
	_ =	shalt  }
.Lfunc_end2:
_tile_overlayer_lowered:
.L_overlay_start_2:
0x139: {  	(tag) =	ssettag $0x2  }
0x13a: {  	s0 =	rddreg [dreg:$0x0];
	s2 =	stileid.u32  }
0x13b: {  	s1 =	rddreg [dreg:$0x1];
	p0 =	sne.s32 s2, $0x0  }
0x13c: {  	s3 =	rddreg [dreg:$0x2];
	[bflag:$0x3] =	sbarrier.arrive $0xFFFF;
	s2 =	simm.s32 @!p0 $0x1C0A  }
0x13d: {  	[timem:s3], [sflag:s2] =	dma.local @!p0 [hbm:s0], s1  }
0x13e: {  	s0 =	simm.s32 @!p0 $0xA  }
0x13f: {  	_ =	swait.ge @!p0 [sflag:s0], s1  }
0x140: {  	s1 =	ssub.s32 @!p0 $0x0, s1;
	[sflag:s0] =	ssyncset.done @!p0 $0x0  }
0x141: {  	[sflag:s0] =	ssyncadd.s32 @!p0 s1  }
0x142: {  	[bflag:$0x3] =	sbarrier.arrive $0xFFFF  }
0x143: {  	_ =	shalt  }

</sc_bundles>
